<compile_context>
chip_gen: v7x
topology: tpu7x:2x2x1
jax: 0.10.2.dev20260603
libtpu: 0.0.44.dev20260713+nightly
codegen_flags: <defaults>
</compile_context>

<pallas_src>
import functools

import jax
import jax.numpy as jnp
from jax import lax
from jax.experimental import pallas as pl
from jax.experimental.pallas import tpu as pltpu
from jax.experimental.pallas import tpu_sc as plsc

B, L, V = 64, 4, 100000
R = B * L
CW = 4096
NC = (V + CW - 1) // CW
TAIL = V - (NC - 1) * CW
K = 2
NCI = NC - 1 - K

_KS0 = 0
_KS1 = 42
_KS2 = 0x1BD11BDA ^ _KS0 ^ _KS1

_NEG_INF = float("-inf")
_TINY = 1.1754943508222875e-38


def _rotl(x, r):
    return lax.shift_left(x, r) | lax.shift_right_logical(x, 32 - r)


def _threefry_bits(f):
    v0 = jnp.zeros_like(f) + jnp.int32(_KS0)
    v1 = f + jnp.int32(_KS1)

    def rounds(v0, v1, rots):
        for r in rots:
            v0 = v0 + v1
            v1 = _rotl(v1, r) ^ v0
        return v0, v1

    r0 = (13, 15, 26, 6)
    r1 = (17, 29, 16, 24)
    v0, v1 = rounds(v0, v1, r0)
    v0 += jnp.int32(_KS1); v1 += jnp.int32(_KS2 + 1)
    v0, v1 = rounds(v0, v1, r1)
    v0 += jnp.int32(_KS2); v1 += jnp.int32(_KS0 + 2)
    v0, v1 = rounds(v0, v1, r0)
    v0 += jnp.int32(_KS0); v1 += jnp.int32(_KS1 + 3)
    v0, v1 = rounds(v0, v1, r1)
    v0 += jnp.int32(_KS1); v1 += jnp.int32(_KS2 + 4)
    v0, v1 = rounds(v0, v1, r0)
    v0 += jnp.int32(_KS2); v1 += jnp.int32(_KS0 + 5)
    return v0 ^ v1


def _bits_to_y(bits, x):
    fb = lax.shift_right_logical(bits, 9) | jnp.int32(0x3F800000)
    u = lax.bitcast_convert_type(fb, jnp.float32) - jnp.float32(1.0)
    u = jnp.maximum(u, jnp.float32(_TINY))
    return -jnp.log(-jnp.log(u)) + x


def _gumbel_y(f, x):
    return _bits_to_y(_threefry_bits(f), x)



def _sc_bits_fn():
    mesh = plsc.VectorSubcoreMesh(core_axis_name="c", subcore_axis_name="s")
    info = plsc.get_sparse_core_info()
    ncore, nsub, ln = info.num_cores, info.num_subcores, info.num_lanes
    nw = ncore * nsub
    rpw = R // nw

    @functools.partial(
        pl.kernel,
        mesh=mesh,
        out_type=jax.ShapeDtypeStruct((K, R, CW), jnp.int32),
        scratch_types=[
            pltpu.VMEM((rpw, CW), jnp.int32),
            pltpu.SemaphoreType.DMA,
        ],
    )
    def sc_bits(out_hbm, buf, sem):
        wid = lax.axis_index("s") * ncore + lax.axis_index("c")
        base_row = wid * rpw
        lane = lax.iota(jnp.int32, ln)

        def chunk(k, carry):
            col0 = (NCI + k) * CW

            def body(j, c2):
                col = col0 + j * ln
                for i in range(rpw):
                    f = (base_row + i) * V + col + lane
                    buf[i, pl.ds(j * ln, ln)] = _threefry_bits(f)
                return c2

            lax.fori_loop(0, CW // ln, body, 0)
            pltpu.sync_copy(buf, out_hbm.at[k, pl.ds(base_row, rpw)])
            return carry

        lax.fori_loop(0, K, chunk, 0)

    return sc_bits



def _tc1(x_ref, ry_out, rc_out, ry_ref, rc_ref, fb_ref):
    pc = pl.program_id(0)

    @pl.when(pc == 0)
    def _first():
        row = lax.broadcasted_iota(jnp.int32, (R, CW), 0)
        lane = lax.broadcasted_iota(jnp.int32, (R, CW), 1)
        f0 = row * V + lane
        fb_ref[...] = f0
        ry_ref[...] = _gumbel_y(f0, x_ref[...])
        rc_ref[...] = jnp.zeros((R, CW), jnp.int32)

    @pl.when(pc > 0)
    def _main():
        y = _gumbel_y(fb_ref[...] + pc * CW, x_ref[...])
        ry = ry_ref[...]
        upd = y > ry
        ry_ref[...] = jnp.where(upd, y, ry)
        rc_ref[...] = jnp.where(upd, pc, rc_ref[...])

    @pl.when(pc == NCI - 1)
    def _flush():
        ry_out[...] = ry_ref[...]
        rc_out[...] = rc_ref[...]



def _tc2(x_ref, bits_ref, ry0_ref, rc0_ref, out_ref, ry_ref, rc_ref):
    pc = pl.program_id(0)

    @pl.when(pc == 0)
    def _first():
        y = _bits_to_y(bits_ref[0], x_ref[...])
        ry = ry0_ref[...]
        upd = y > ry
        ry_ref[...] = jnp.where(upd, y, ry)
        rc_ref[...] = jnp.where(upd, NCI, rc0_ref[...])

    @pl.when(jnp.logical_and(pc > 0, pc < K))
    def _mid():
        y = _bits_to_y(bits_ref[0], x_ref[...])
        ry = ry_ref[...]
        upd = y > ry
        ry_ref[...] = jnp.where(upd, y, ry)
        rc_ref[...] = jnp.where(upd, NCI + pc, rc_ref[...])

    @pl.when(pc == K)
    def _tail_and_finish():
        row = lax.broadcasted_iota(jnp.int32, (R, CW), 0)
        lane = lax.broadcasted_iota(jnp.int32, (R, CW), 1)
        f = row * V + (NC - 1) * CW + lane
        y = _gumbel_y(f, x_ref[...])
        y = jnp.where(lane < TAIL, y, _NEG_INF)
        ry = ry_ref[...]
        upd = y > ry
        ry = jnp.where(upd, y, ry)
        rc = jnp.where(upd, NC - 1, rc_ref[...])
        col = rc * CW + lane
        m = jnp.max(ry, axis=1, keepdims=True)
        idx = jnp.min(jnp.where(ry == m, col, jnp.int32(V)), axis=1)
        out_ref[...] = idx.reshape(1, 1, R)


def kernel(logits):
    x = logits.reshape(R, V)

    bits = _sc_bits_fn()()

    ry0, rc0 = pl.pallas_call(
        _tc1,
        grid=(NCI,),
        in_specs=[pl.BlockSpec((R, CW), lambda c: (0, c))],
        out_specs=[
            pl.BlockSpec((R, CW), lambda c: (0, 0)),
            pl.BlockSpec((R, CW), lambda c: (0, 0)),
        ],
        out_shape=[
            jax.ShapeDtypeStruct((R, CW), jnp.float32),
            jax.ShapeDtypeStruct((R, CW), jnp.int32),
        ],
        scratch_shapes=[
            pltpu.VMEM((R, CW), jnp.float32),
            pltpu.VMEM((R, CW), jnp.int32),
            pltpu.VMEM((R, CW), jnp.int32),
        ],
    )(x)

    out = pl.pallas_call(
        _tc2,
        grid=(K + 1,),
        in_specs=[
            pl.BlockSpec((R, CW), lambda c: (0, NCI + c)),
            pl.BlockSpec((1, R, CW), lambda c: (jnp.minimum(c, K - 1), 0, 0)),
            pl.BlockSpec((R, CW), lambda c: (0, 0)),
            pl.BlockSpec((R, CW), lambda c: (0, 0)),
        ],
        out_specs=pl.BlockSpec((1, 1, R), lambda c: (0, 0, 0)),
        out_shape=jax.ShapeDtypeStruct((1, 1, R), jnp.int32),
        scratch_shapes=[
            pltpu.VMEM((R, CW), jnp.float32),
            pltpu.VMEM((R, CW), jnp.int32),
        ],
    )(x, bits, ry0, rc0)

    return out.reshape(B, L)

# --- scband reference (transcript-rebuilt; emitter-appended) ---
"""Pipeline reference for scband-sampling-search-4612794876739 (READ-ONLY COPY).

The authoritative reference and input builder live on the scoring server;
editing this copy changes nothing except your own understanding.
"""

import jax, jax.numpy as jnp
import numpy as np


def setup_inputs(seed: int = 0) -> dict:
    key = jax.random.key(seed)
    logits = jax.random.normal(key, (64, 4, 100000), dtype=jnp.float32)
    return {"logits": logits}


def reference(logits):
    # Faithful translation of SamplingSearch.forward:
    #   probabilities = softmax(logits, dim=2)
    #   sample one token per (batch, length) row via multinomial
    probabilities = jax.nn.softmax(logits, axis=2)
    # torch.multinomial(prob, 1) per row == categorical sampling over log-probs
    sample_key = jax.random.key(42)
    samples = jax.random.categorical(sample_key, jnp.log(probabilities), axis=2)
    # torch stacks [B] tensors of shape (L, 1) then squeezes -> (B, L)
    return samples

if __name__ == "__main__":
    import jax
    _d = setup_inputs()
    print(jax.jit(kernel)(*tuple(_d.values())))

</pallas_src>

<mosaic_0001>
#map = affine_map<(d0, d1) -> (0, 0, 0)>
module attributes {stable_mosaic.version = 14 : i64} {
  func.func @sc_bits(%arg0: i32, %arg1: i32, %arg2: memref<2x256x4096xi32, #tpu.memory_space<hbm>>, %arg3: memref<8x4096xi32, #tpu.memory_space<vmem>>, %arg4: memref<!tpu.dma_semaphore, #tpu.memory_space<semaphore_mem>>) attributes {dimension_semantics = [#tpu.dimension_semantics<core_parallel>, #tpu.dimension_semantics<subcore_parallel>], iteration_bounds = array<i64: 2, 16>, scalar_prefetch = 0 : i64, scratch_operands = 2 : i64, tpu.core_type = #tpu.core_type<sc_vector_subcore>, window_params = [{transform_indices = #map}]} {
    %mul3A = arith.constant 2 : i32
    %mul3A_0 = arith.muli %arg1, %mul3A : i32
    %add3A = arith.addi %mul3A_0, %arg0 : i32
    %mul3A_1 = arith.constant 8 : i32
    %mul3A_2 = arith.muli %add3A, %mul3A_1 : i32
    %iota3A = tpu.iota {dimensions = array<i32: 0>} : vector<16xi32>
    %scan3A = arith.constant 0 : i32
    %scan3A_3 = arith.constant 0 : i32
    %scan3A_4 = arith.constant 2 : i32
    %scan3A_5 = arith.addi %scan3A_3, %scan3A_4 : i32
    %scan3A_6 = arith.constant 1 : i32
    scf.for %scan3A_8 = %scan3A_3 to %scan3A_5 step %scan3A_6  : i32 {
      %add3A_9 = arith.constant 22 : i32
      %add3A_10 = arith.addi %add3A_9, %scan3A_8 : i32
      %mul3A_11 = arith.constant 4096 : i32
      %mul3A_12 = arith.muli %add3A_10, %mul3A_11 : i32
      %scan3A_13 = arith.constant 0 : i32
      %scan3A_14 = arith.constant 0 : i32
      %scan3A_15 = arith.constant 256 : i32
      %scan3A_16 = arith.addi %scan3A_14, %scan3A_15 : i32
      %scan3A_17 = arith.constant 1 : i32
      scf.for %scan3A_19 = %scan3A_14 to %scan3A_16 step %scan3A_17  : i32 {
        %mul3A_20 = arith.constant 16 : i32
        %mul3A_21 = arith.muli %scan3A_19, %mul3A_20 : i32
        %add3A_22 = arith.addi %mul3A_12, %mul3A_21 : i32
        %add3A_23 = arith.constant 0 : i32
        %add3A_24 = arith.addi %mul3A_2, %add3A_23 : i32
        %mul3A_25 = arith.constant 100000 : i32
        %mul3A_26 = arith.muli %add3A_24, %mul3A_25 : i32
        %add3A_27 = arith.addi %mul3A_26, %add3A_22 : i32
        %add3A_28 = vector.broadcast %add3A_27 : i32 to vector<16xi32>
        %add3A_29 = arith.addi %add3A_28, %iota3A : vector<16xi32>
        %broadcast_in_dim3A = arith.constant 0 : i32
        %broadcast_in_dim3A_30 = vector.broadcast %broadcast_in_dim3A : i32 to vector<16xi32>
        %add3A_31 = arith.constant 0 : i32
        %add3A_32 = vector.broadcast %add3A_31 : i32 to vector<16xi32>
        %add3A_33 = arith.addi %broadcast_in_dim3A_30, %add3A_32 : vector<16xi32>
        %add3A_34 = arith.constant 42 : i32
        %add3A_35 = vector.broadcast %add3A_34 : i32 to vector<16xi32>
        %add3A_36 = arith.addi %add3A_29, %add3A_35 : vector<16xi32>
        %add3A_37 = arith.addi %add3A_33, %add3A_36 : vector<16xi32>
        %shift_left3A = arith.constant 13 : i32
        %shift_left3A_38 = vector.broadcast %shift_left3A : i32 to vector<16xi32>
        %shift_left3A_39 = arith.shli %add3A_36, %shift_left3A_38 : vector<16xi32>
        %shift_right_logical3A = arith.constant 19 : i32
        %shift_right_logical3A_40 = vector.broadcast %shift_right_logical3A : i32 to vector<16xi32>
        %shift_right_logical3A_41 = arith.shrui %add3A_36, %shift_right_logical3A_40 : vector<16xi32>
        %or3A = arith.ori %shift_left3A_39, %shift_right_logical3A_41 : vector<16xi32>
        %xor3A = arith.xori %or3A, %add3A_37 : vector<16xi32>
        %add3A_42 = arith.addi %add3A_37, %xor3A : vector<16xi32>
        %shift_left3A_43 = arith.constant 15 : i32
        %shift_left3A_44 = vector.broadcast %shift_left3A_43 : i32 to vector<16xi32>
        %shift_left3A_45 = arith.shli %xor3A, %shift_left3A_44 : vector<16xi32>
        %shift_right_logical3A_46 = arith.constant 17 : i32
        %shift_right_logical3A_47 = vector.broadcast %shift_right_logical3A_46 : i32 to vector<16xi32>
        %shift_right_logical3A_48 = arith.shrui %xor3A, %shift_right_logical3A_47 : vector<16xi32>
        %or3A_49 = arith.ori %shift_left3A_45, %shift_right_logical3A_48 : vector<16xi32>
        %xor3A_50 = arith.xori %or3A_49, %add3A_42 : vector<16xi32>
        %add3A_51 = arith.addi %add3A_42, %xor3A_50 : vector<16xi32>
        %shift_left3A_52 = arith.constant 26 : i32
        %shift_left3A_53 = vector.broadcast %shift_left3A_52 : i32 to vector<16xi32>
        %shift_left3A_54 = arith.shli %xor3A_50, %shift_left3A_53 : vector<16xi32>
        %shift_right_logical3A_55 = arith.constant 6 : i32
        %shift_right_logical3A_56 = vector.broadcast %shift_right_logical3A_55 : i32 to vector<16xi32>
        %shift_right_logical3A_57 = arith.shrui %xor3A_50, %shift_right_logical3A_56 : vector<16xi32>
        %or3A_58 = arith.ori %shift_left3A_54, %shift_right_logical3A_57 : vector<16xi32>
        %xor3A_59 = arith.xori %or3A_58, %add3A_51 : vector<16xi32>
        %add3A_60 = arith.addi %add3A_51, %xor3A_59 : vector<16xi32>
        %shift_left3A_61 = arith.constant 6 : i32
        %shift_left3A_62 = vector.broadcast %shift_left3A_61 : i32 to vector<16xi32>
        %shift_left3A_63 = arith.shli %xor3A_59, %shift_left3A_62 : vector<16xi32>
        %shift_right_logical3A_64 = arith.constant 26 : i32
        %shift_right_logical3A_65 = vector.broadcast %shift_right_logical3A_64 : i32 to vector<16xi32>
        %shift_right_logical3A_66 = arith.shrui %xor3A_59, %shift_right_logical3A_65 : vector<16xi32>
        %or3A_67 = arith.ori %shift_left3A_63, %shift_right_logical3A_66 : vector<16xi32>
        %xor3A_68 = arith.xori %or3A_67, %add3A_60 : vector<16xi32>
        %add3A_69 = arith.constant 42 : i32
        %add3A_70 = vector.broadcast %add3A_69 : i32 to vector<16xi32>
        %add3A_71 = arith.addi %add3A_60, %add3A_70 : vector<16xi32>
        %add3A_72 = arith.constant 466689009 : i32
        %add3A_73 = vector.broadcast %add3A_72 : i32 to vector<16xi32>
        %add3A_74 = arith.addi %xor3A_68, %add3A_73 : vector<16xi32>
        %add3A_75 = arith.addi %add3A_71, %add3A_74 : vector<16xi32>
        %shift_left3A_76 = arith.constant 17 : i32
        %shift_left3A_77 = vector.broadcast %shift_left3A_76 : i32 to vector<16xi32>
        %shift_left3A_78 = arith.shli %add3A_74, %shift_left3A_77 : vector<16xi32>
        %shift_right_logical3A_79 = arith.constant 15 : i32
        %shift_right_logical3A_80 = vector.broadcast %shift_right_logical3A_79 : i32 to vector<16xi32>
        %shift_right_logical3A_81 = arith.shrui %add3A_74, %shift_right_logical3A_80 : vector<16xi32>
        %or3A_82 = arith.ori %shift_left3A_78, %shift_right_logical3A_81 : vector<16xi32>
        %xor3A_83 = arith.xori %or3A_82, %add3A_75 : vector<16xi32>
        %add3A_84 = arith.addi %add3A_75, %xor3A_83 : vector<16xi32>
        %shift_left3A_85 = arith.constant 29 : i32
        %shift_left3A_86 = vector.broadcast %shift_left3A_85 : i32 to vector<16xi32>
        %shift_left3A_87 = arith.shli %xor3A_83, %shift_left3A_86 : vector<16xi32>
        %shift_right_logical3A_88 = arith.constant 3 : i32
        %shift_right_logical3A_89 = vector.broadcast %shift_right_logical3A_88 : i32 to vector<16xi32>
        %shift_right_logical3A_90 = arith.shrui %xor3A_83, %shift_right_logical3A_89 : vector<16xi32>
        %or3A_91 = arith.ori %shift_left3A_87, %shift_right_logical3A_90 : vector<16xi32>
        %xor3A_92 = arith.xori %or3A_91, %add3A_84 : vector<16xi32>
        %add3A_93 = arith.addi %add3A_84, %xor3A_92 : vector<16xi32>
        %shift_left3A_94 = arith.constant 16 : i32
        %shift_left3A_95 = vector.broadcast %shift_left3A_94 : i32 to vector<16xi32>
        %shift_left3A_96 = arith.shli %xor3A_92, %shift_left3A_95 : vector<16xi32>
        %shift_right_logical3A_97 = arith.constant 16 : i32
        %shift_right_logical3A_98 = vector.broadcast %shift_right_logical3A_97 : i32 to vector<16xi32>
        %shift_right_logical3A_99 = arith.shrui %xor3A_92, %shift_right_logical3A_98 : vector<16xi32>
        %or3A_100 = arith.ori %shift_left3A_96, %shift_right_logical3A_99 : vector<16xi32>
        %xor3A_101 = arith.xori %or3A_100, %add3A_93 : vector<16xi32>
        %add3A_102 = arith.addi %add3A_93, %xor3A_101 : vector<16xi32>
        %shift_left3A_103 = arith.constant 24 : i32
        %shift_left3A_104 = vector.broadcast %shift_left3A_103 : i32 to vector<16xi32>
        %shift_left3A_105 = arith.shli %xor3A_101, %shift_left3A_104 : vector<16xi32>
        %shift_right_logical3A_106 = arith.constant 8 : i32
        %shift_right_logical3A_107 = vector.broadcast %shift_right_logical3A_106 : i32 to vector<16xi32>
        %shift_right_logical3A_108 = arith.shrui %xor3A_101, %shift_right_logical3A_107 : vector<16xi32>
        %or3A_109 = arith.ori %shift_left3A_105, %shift_right_logical3A_108 : vector<16xi32>
        %xor3A_110 = arith.xori %or3A_109, %add3A_102 : vector<16xi32>
        %add3A_111 = arith.constant 466689008 : i32
        %add3A_112 = vector.broadcast %add3A_111 : i32 to vector<16xi32>
        %add3A_113 = arith.addi %add3A_102, %add3A_112 : vector<16xi32>
        %add3A_114 = arith.constant 2 : i32
        %add3A_115 = vector.broadcast %add3A_114 : i32 to vector<16xi32>
        %add3A_116 = arith.addi %xor3A_110, %add3A_115 : vector<16xi32>
        %add3A_117 = arith.addi %add3A_113, %add3A_116 : vector<16xi32>
        %shift_left3A_118 = arith.constant 13 : i32
        %shift_left3A_119 = vector.broadcast %shift_left3A_118 : i32 to vector<16xi32>
        %shift_left3A_120 = arith.shli %add3A_116, %shift_left3A_119 : vector<16xi32>
        %shift_right_logical3A_121 = arith.constant 19 : i32
        %shift_right_logical3A_122 = vector.broadcast %shift_right_logical3A_121 : i32 to vector<16xi32>
        %shift_right_logical3A_123 = arith.shrui %add3A_116, %shift_right_logical3A_122 : vector<16xi32>
        %or3A_124 = arith.ori %shift_left3A_120, %shift_right_logical3A_123 : vector<16xi32>
        %xor3A_125 = arith.xori %or3A_124, %add3A_117 : vector<16xi32>
        %add3A_126 = arith.addi %add3A_117, %xor3A_125 : vector<16xi32>
        %shift_left3A_127 = arith.constant 15 : i32
        %shift_left3A_128 = vector.broadcast %shift_left3A_127 : i32 to vector<16xi32>
        %shift_left3A_129 = arith.shli %xor3A_125, %shift_left3A_128 : vector<16xi32>
        %shift_right_logical3A_130 = arith.constant 17 : i32
        %shift_right_logical3A_131 = vector.broadcast %shift_right_logical3A_130 : i32 to vector<16xi32>
        %shift_right_logical3A_132 = arith.shrui %xor3A_125, %shift_right_logical3A_131 : vector<16xi32>
        %or3A_133 = arith.ori %shift_left3A_129, %shift_right_logical3A_132 : vector<16xi32>
        %xor3A_134 = arith.xori %or3A_133, %add3A_126 : vector<16xi32>
        %add3A_135 = arith.addi %add3A_126, %xor3A_134 : vector<16xi32>
        %shift_left3A_136 = arith.constant 26 : i32
        %shift_left3A_137 = vector.broadcast %shift_left3A_136 : i32 to vector<16xi32>
        %shift_left3A_138 = arith.shli %xor3A_134, %shift_left3A_137 : vector<16xi32>
        %shift_right_logical3A_139 = arith.constant 6 : i32
        %shift_right_logical3A_140 = vector.broadcast %shift_right_logical3A_139 : i32 to vector<16xi32>
        %shift_right_logical3A_141 = arith.shrui %xor3A_134, %shift_right_logical3A_140 : vector<16xi32>
        %or3A_142 = arith.ori %shift_left3A_138, %shift_right_logical3A_141 : vector<16xi32>
        %xor3A_143 = arith.xori %or3A_142, %add3A_135 : vector<16xi32>
        %add3A_144 = arith.addi %add3A_135, %xor3A_143 : vector<16xi32>
        %shift_left3A_145 = arith.constant 6 : i32
        %shift_left3A_146 = vector.broadcast %shift_left3A_145 : i32 to vector<16xi32>
        %shift_left3A_147 = arith.shli %xor3A_143, %shift_left3A_146 : vector<16xi32>
        %shift_right_logical3A_148 = arith.constant 26 : i32
        %shift_right_logical3A_149 = vector.broadcast %shift_right_logical3A_148 : i32 to vector<16xi32>
        %shift_right_logical3A_150 = arith.shrui %xor3A_143, %shift_right_logical3A_149 : vector<16xi32>
        %or3A_151 = arith.ori %shift_left3A_147, %shift_right_logical3A_150 : vector<16xi32>
        %xor3A_152 = arith.xori %or3A_151, %add3A_144 : vector<16xi32>
        %add3A_153 = arith.constant 0 : i32
        %add3A_154 = vector.broadcast %add3A_153 : i32 to vector<16xi32>
        %add3A_155 = arith.addi %add3A_144, %add3A_154 : vector<16xi32>
        %add3A_156 = arith.constant 45 : i32
        %add3A_157 = vector.broadcast %add3A_156 : i32 to vector<16xi32>
        %add3A_158 = arith.addi %xor3A_152, %add3A_157 : vector<16xi32>
        %add3A_159 = arith.addi %add3A_155, %add3A_158 : vector<16xi32>
        %shift_left3A_160 = arith.constant 17 : i32
        %shift_left3A_161 = vector.broadcast %shift_left3A_160 : i32 to vector<16xi32>
        %shift_left3A_162 = arith.shli %add3A_158, %shift_left3A_161 : vector<16xi32>
        %shift_right_logical3A_163 = arith.constant 15 : i32
        %shift_right_logical3A_164 = vector.broadcast %shift_right_logical3A_163 : i32 to vector<16xi32>
        %shift_right_logical3A_165 = arith.shrui %add3A_158, %shift_right_logical3A_164 : vector<16xi32>
        %or3A_166 = arith.ori %shift_left3A_162, %shift_right_logical3A_165 : vector<16xi32>
        %xor3A_167 = arith.xori %or3A_166, %add3A_159 : vector<16xi32>
        %add3A_168 = arith.addi %add3A_159, %xor3A_167 : vector<16xi32>
        %shift_left3A_169 = arith.constant 29 : i32
        %shift_left3A_170 = vector.broadcast %shift_left3A_169 : i32 to vector<16xi32>
        %shift_left3A_171 = arith.shli %xor3A_167, %shift_left3A_170 : vector<16xi32>
        %shift_right_logical3A_172 = arith.constant 3 : i32
        %shift_right_logical3A_173 = vector.broadcast %shift_right_logical3A_172 : i32 to vector<16xi32>
        %shift_right_logical3A_174 = arith.shrui %xor3A_167, %shift_right_logical3A_173 : vector<16xi32>
        %or3A_175 = arith.ori %shift_left3A_171, %shift_right_logical3A_174 : vector<16xi32>
        %xor3A_176 = arith.xori %or3A_175, %add3A_168 : vector<16xi32>
        %add3A_177 = arith.addi %add3A_168, %xor3A_176 : vector<16xi32>
        %shift_left3A_178 = arith.constant 16 : i32
        %shift_left3A_179 = vector.broadcast %shift_left3A_178 : i32 to vector<16xi32>
        %shift_left3A_180 = arith.shli %xor3A_176, %shift_left3A_179 : vector<16xi32>
        %shift_right_logical3A_181 = arith.constant 16 : i32
        %shift_right_logical3A_182 = vector.broadcast %shift_right_logical3A_181 : i32 to vector<16xi32>
        %shift_right_logical3A_183 = arith.shrui %xor3A_176, %shift_right_logical3A_182 : vector<16xi32>
        %or3A_184 = arith.ori %shift_left3A_180, %shift_right_logical3A_183 : vector<16xi32>
        %xor3A_185 = arith.xori %or3A_184, %add3A_177 : vector<16xi32>
        %add3A_186 = arith.addi %add3A_177, %xor3A_185 : vector<16xi32>
        %shift_left3A_187 = arith.constant 24 : i32
        %shift_left3A_188 = vector.broadcast %shift_left3A_187 : i32 to vector<16xi32>
        %shift_left3A_189 = arith.shli %xor3A_185, %shift_left3A_188 : vector<16xi32>
        %shift_right_logical3A_190 = arith.constant 8 : i32
        %shift_right_logical3A_191 = vector.broadcast %shift_right_logical3A_190 : i32 to vector<16xi32>
        %shift_right_logical3A_192 = arith.shrui %xor3A_185, %shift_right_logical3A_191 : vector<16xi32>
        %or3A_193 = arith.ori %shift_left3A_189, %shift_right_logical3A_192 : vector<16xi32>
        %xor3A_194 = arith.xori %or3A_193, %add3A_186 : vector<16xi32>
        %add3A_195 = arith.constant 42 : i32
        %add3A_196 = vector.broadcast %add3A_195 : i32 to vector<16xi32>
        %add3A_197 = arith.addi %add3A_186, %add3A_196 : vector<16xi32>
        %add3A_198 = arith.constant 466689012 : i32
        %add3A_199 = vector.broadcast %add3A_198 : i32 to vector<16xi32>
        %add3A_200 = arith.addi %xor3A_194, %add3A_199 : vector<16xi32>
        %add3A_201 = arith.addi %add3A_197, %add3A_200 : vector<16xi32>
        %shift_left3A_202 = arith.constant 13 : i32
        %shift_left3A_203 = vector.broadcast %shift_left3A_202 : i32 to vector<16xi32>
        %shift_left3A_204 = arith.shli %add3A_200, %shift_left3A_203 : vector<16xi32>
        %shift_right_logical3A_205 = arith.constant 19 : i32
        %shift_right_logical3A_206 = vector.broadcast %shift_right_logical3A_205 : i32 to vector<16xi32>
        %shift_right_logical3A_207 = arith.shrui %add3A_200, %shift_right_logical3A_206 : vector<16xi32>
        %or3A_208 = arith.ori %shift_left3A_204, %shift_right_logical3A_207 : vector<16xi32>
        %xor3A_209 = arith.xori %or3A_208, %add3A_201 : vector<16xi32>
        %add3A_210 = arith.addi %add3A_201, %xor3A_209 : vector<16xi32>
        %shift_left3A_211 = arith.constant 15 : i32
        %shift_left3A_212 = vector.broadcast %shift_left3A_211 : i32 to vector<16xi32>
        %shift_left3A_213 = arith.shli %xor3A_209, %shift_left3A_212 : vector<16xi32>
        %shift_right_logical3A_214 = arith.constant 17 : i32
        %shift_right_logical3A_215 = vector.broadcast %shift_right_logical3A_214 : i32 to vector<16xi32>
        %shift_right_logical3A_216 = arith.shrui %xor3A_209, %shift_right_logical3A_215 : vector<16xi32>
        %or3A_217 = arith.ori %shift_left3A_213, %shift_right_logical3A_216 : vector<16xi32>
        %xor3A_218 = arith.xori %or3A_217, %add3A_210 : vector<16xi32>
        %add3A_219 = arith.addi %add3A_210, %xor3A_218 : vector<16xi32>
        %shift_left3A_220 = arith.constant 26 : i32
        %shift_left3A_221 = vector.broadcast %shift_left3A_220 : i32 to vector<16xi32>
        %shift_left3A_222 = arith.shli %xor3A_218, %shift_left3A_221 : vector<16xi32>
        %shift_right_logical3A_223 = arith.constant 6 : i32
        %shift_right_logical3A_224 = vector.broadcast %shift_right_logical3A_223 : i32 to vector<16xi32>
        %shift_right_logical3A_225 = arith.shrui %xor3A_218, %shift_right_logical3A_224 : vector<16xi32>
        %or3A_226 = arith.ori %shift_left3A_222, %shift_right_logical3A_225 : vector<16xi32>
        %xor3A_227 = arith.xori %or3A_226, %add3A_219 : vector<16xi32>
        %add3A_228 = arith.addi %add3A_219, %xor3A_227 : vector<16xi32>
        %shift_left3A_229 = arith.constant 6 : i32
        %shift_left3A_230 = vector.broadcast %shift_left3A_229 : i32 to vector<16xi32>
        %shift_left3A_231 = arith.shli %xor3A_227, %shift_left3A_230 : vector<16xi32>
        %shift_right_logical3A_232 = arith.constant 26 : i32
        %shift_right_logical3A_233 = vector.broadcast %shift_right_logical3A_232 : i32 to vector<16xi32>
        %shift_right_logical3A_234 = arith.shrui %xor3A_227, %shift_right_logical3A_233 : vector<16xi32>
        %or3A_235 = arith.ori %shift_left3A_231, %shift_right_logical3A_234 : vector<16xi32>
        %xor3A_236 = arith.xori %or3A_235, %add3A_228 : vector<16xi32>
        %add3A_237 = arith.constant 466689008 : i32
        %add3A_238 = vector.broadcast %add3A_237 : i32 to vector<16xi32>
        %add3A_239 = arith.addi %add3A_228, %add3A_238 : vector<16xi32>
        %add3A_240 = arith.constant 5 : i32
        %add3A_241 = vector.broadcast %add3A_240 : i32 to vector<16xi32>
        %add3A_242 = arith.addi %xor3A_236, %add3A_241 : vector<16xi32>
        %xor3A_243 = arith.xori %add3A_239, %add3A_242 : vector<16xi32>
        %mul3A_244 = arith.constant 16 : i32
        %mul3A_245 = arith.muli %scan3A_19, %mul3A_244 : i32
        %swap3A = arith.constant 0 : i32
        %swap3A_246 = arith.index_cast %swap3A : i32 to index
        %swap3A_247 = arith.index_cast %mul3A_245 : i32 to index
        %swap3A_248 = tpu.vector_load %arg3[%swap3A_246, %swap3A_247] {strides = array<i32>} : memref<8x4096xi32, #tpu.memory_space<vmem>>, vector<1x16xi32>,
        %swap3A_249 = vector.shape_cast %swap3A_248 : vector<1x16xi32> to vector<16xi32>
        %swap3A_250 = vector.shape_cast %xor3A_243 : vector<16xi32> to vector<1x16xi32>
        tpu.vector_store %arg3[%swap3A_246, %swap3A_247], %swap3A_250 {strides = array<i32>} : memref<8x4096xi32, #tpu.memory_space<vmem>>, vector<1x16xi32>,
        %add3A_251 = arith.constant 1 : i32
        %add3A_252 = arith.addi %mul3A_2, %add3A_251 : i32
        %mul3A_253 = arith.constant 100000 : i32
        %mul3A_254 = arith.muli %add3A_252, %mul3A_253 : i32
        %add3A_255 = arith.addi %mul3A_254, %add3A_22 : i32
        %add3A_256 = vector.broadcast %add3A_255 : i32 to vector<16xi32>
        %add3A_257 = arith.addi %add3A_256, %iota3A : vector<16xi32>
        %broadcast_in_dim3A_258 = arith.constant 0 : i32
        %broadcast_in_dim3A_259 = vector.broadcast %broadcast_in_dim3A_258 : i32 to vector<16xi32>
        %add3A_260 = arith.constant 0 : i32
        %add3A_261 = vector.broadcast %add3A_260 : i32 to vector<16xi32>
        %add3A_262 = arith.addi %broadcast_in_dim3A_259, %add3A_261 : vector<16xi32>
        %add3A_263 = arith.constant 42 : i32
        %add3A_264 = vector.broadcast %add3A_263 : i32 to vector<16xi32>
        %add3A_265 = arith.addi %add3A_257, %add3A_264 : vector<16xi32>
        %add3A_266 = arith.addi %add3A_262, %add3A_265 : vector<16xi32>
        %shift_left3A_267 = arith.constant 13 : i32
        %shift_left3A_268 = vector.broadcast %shift_left3A_267 : i32 to vector<16xi32>
        %shift_left3A_269 = arith.shli %add3A_265, %shift_left3A_268 : vector<16xi32>
        %shift_right_logical3A_270 = arith.constant 19 : i32
        %shift_right_logical3A_271 = vector.broadcast %shift_right_logical3A_270 : i32 to vector<16xi32>
        %shift_right_logical3A_272 = arith.shrui %add3A_265, %shift_right_logical3A_271 : vector<16xi32>
        %or3A_273 = arith.ori %shift_left3A_269, %shift_right_logical3A_272 : vector<16xi32>
        %xor3A_274 = arith.xori %or3A_273, %add3A_266 : vector<16xi32>
        %add3A_275 = arith.addi %add3A_266, %xor3A_274 : vector<16xi32>
        %shift_left3A_276 = arith.constant 15 : i32
        %shift_left3A_277 = vector.broadcast %shift_left3A_276 : i32 to vector<16xi32>
        %shift_left3A_278 = arith.shli %xor3A_274, %shift_left3A_277 : vector<16xi32>
        %shift_right_logical3A_279 = arith.constant 17 : i32
        %shift_right_logical3A_280 = vector.broadcast %shift_right_logical3A_279 : i32 to vector<16xi32>
        %shift_right_logical3A_281 = arith.shrui %xor3A_274, %shift_right_logical3A_280 : vector<16xi32>
        %or3A_282 = arith.ori %shift_left3A_278, %shift_right_logical3A_281 : vector<16xi32>
        %xor3A_283 = arith.xori %or3A_282, %add3A_275 : vector<16xi32>
        %add3A_284 = arith.addi %add3A_275, %xor3A_283 : vector<16xi32>
        %shift_left3A_285 = arith.constant 26 : i32
        %shift_left3A_286 = vector.broadcast %shift_left3A_285 : i32 to vector<16xi32>
        %shift_left3A_287 = arith.shli %xor3A_283, %shift_left3A_286 : vector<16xi32>
        %shift_right_logical3A_288 = arith.constant 6 : i32
        %shift_right_logical3A_289 = vector.broadcast %shift_right_logical3A_288 : i32 to vector<16xi32>
        %shift_right_logical3A_290 = arith.shrui %xor3A_283, %shift_right_logical3A_289 : vector<16xi32>
        %or3A_291 = arith.ori %shift_left3A_287, %shift_right_logical3A_290 : vector<16xi32>
        %xor3A_292 = arith.xori %or3A_291, %add3A_284 : vector<16xi32>
        %add3A_293 = arith.addi %add3A_284, %xor3A_292 : vector<16xi32>
        %shift_left3A_294 = arith.constant 6 : i32
        %shift_left3A_295 = vector.broadcast %shift_left3A_294 : i32 to vector<16xi32>
        %shift_left3A_296 = arith.shli %xor3A_292, %shift_left3A_295 : vector<16xi32>
        %shift_right_logical3A_297 = arith.constant 26 : i32
        %shift_right_logical3A_298 = vector.broadcast %shift_right_logical3A_297 : i32 to vector<16xi32>
        %shift_right_logical3A_299 = arith.shrui %xor3A_292, %shift_right_logical3A_298 : vector<16xi32>
        %or3A_300 = arith.ori %shift_left3A_296, %shift_right_logical3A_299 : vector<16xi32>
        %xor3A_301 = arith.xori %or3A_300, %add3A_293 : vector<16xi32>
        %add3A_302 = arith.constant 42 : i32
        %add3A_303 = vector.broadcast %add3A_302 : i32 to vector<16xi32>
        %add3A_304 = arith.addi %add3A_293, %add3A_303 : vector<16xi32>
        %add3A_305 = arith.constant 466689009 : i32
        %add3A_306 = vector.broadcast %add3A_305 : i32 to vector<16xi32>
        %add3A_307 = arith.addi %xor3A_301, %add3A_306 : vector<16xi32>
        %add3A_308 = arith.addi %add3A_304, %add3A_307 : vector<16xi32>
        %shift_left3A_309 = arith.constant 17 : i32
        %shift_left3A_310 = vector.broadcast %shift_left3A_309 : i32 to vector<16xi32>
        %shift_left3A_311 = arith.shli %add3A_307, %shift_left3A_310 : vector<16xi32>
        %shift_right_logical3A_312 = arith.constant 15 : i32
        %shift_right_logical3A_313 = vector.broadcast %shift_right_logical3A_312 : i32 to vector<16xi32>
        %shift_right_logical3A_314 = arith.shrui %add3A_307, %shift_right_logical3A_313 : vector<16xi32>
        %or3A_315 = arith.ori %shift_left3A_311, %shift_right_logical3A_314 : vector<16xi32>
        %xor3A_316 = arith.xori %or3A_315, %add3A_308 : vector<16xi32>
        %add3A_317 = arith.addi %add3A_308, %xor3A_316 : vector<16xi32>
        %shift_left3A_318 = arith.constant 29 : i32
        %shift_left3A_319 = vector.broadcast %shift_left3A_318 : i32 to vector<16xi32>
        %shift_left3A_320 = arith.shli %xor3A_316, %shift_left3A_319 : vector<16xi32>
        %shift_right_logical3A_321 = arith.constant 3 : i32
        %shift_right_logical3A_322 = vector.broadcast %shift_right_logical3A_321 : i32 to vector<16xi32>
        %shift_right_logical3A_323 = arith.shrui %xor3A_316, %shift_right_logical3A_322 : vector<16xi32>
        %or3A_324 = arith.ori %shift_left3A_320, %shift_right_logical3A_323 : vector<16xi32>
        %xor3A_325 = arith.xori %or3A_324, %add3A_317 : vector<16xi32>
        %add3A_326 = arith.addi %add3A_317, %xor3A_325 : vector<16xi32>
        %shift_left3A_327 = arith.constant 16 : i32
        %shift_left3A_328 = vector.broadcast %shift_left3A_327 : i32 to vector<16xi32>
        %shift_left3A_329 = arith.shli %xor3A_325, %shift_left3A_328 : vector<16xi32>
        %shift_right_logical3A_330 = arith.constant 16 : i32
        %shift_right_logical3A_331 = vector.broadcast %shift_right_logical3A_330 : i32 to vector<16xi32>
        %shift_right_logical3A_332 = arith.shrui %xor3A_325, %shift_right_logical3A_331 : vector<16xi32>
        %or3A_333 = arith.ori %shift_left3A_329, %shift_right_logical3A_332 : vector<16xi32>
        %xor3A_334 = arith.xori %or3A_333, %add3A_326 : vector<16xi32>
        %add3A_335 = arith.addi %add3A_326, %xor3A_334 : vector<16xi32>
        %shift_left3A_336 = arith.constant 24 : i32
        %shift_left3A_337 = vector.broadcast %shift_left3A_336 : i32 to vector<16xi32>
        %shift_left3A_338 = arith.shli %xor3A_334, %shift_left3A_337 : vector<16xi32>
        %shift_right_logical3A_339 = arith.constant 8 : i32
        %shift_right_logical3A_340 = vector.broadcast %shift_right_logical3A_339 : i32 to vector<16xi32>
        %shift_right_logical3A_341 = arith.shrui %xor3A_334, %shift_right_logical3A_340 : vector<16xi32>
        %or3A_342 = arith.ori %shift_left3A_338, %shift_right_logical3A_341 : vector<16xi32>
        %xor3A_343 = arith.xori %or3A_342, %add3A_335 : vector<16xi32>
        %add3A_344 = arith.constant 466689008 : i32
        %add3A_345 = vector.broadcast %add3A_344 : i32 to vector<16xi32>
        %add3A_346 = arith.addi %add3A_335, %add3A_345 : vector<16xi32>
        %add3A_347 = arith.constant 2 : i32
        %add3A_348 = vector.broadcast %add3A_347 : i32 to vector<16xi32>
        %add3A_349 = arith.addi %xor3A_343, %add3A_348 : vector<16xi32>
        %add3A_350 = arith.addi %add3A_346, %add3A_349 : vector<16xi32>
        %shift_left3A_351 = arith.constant 13 : i32
        %shift_left3A_352 = vector.broadcast %shift_left3A_351 : i32 to vector<16xi32>
        %shift_left3A_353 = arith.shli %add3A_349, %shift_left3A_352 : vector<16xi32>
        %shift_right_logical3A_354 = arith.constant 19 : i32
        %shift_right_logical3A_355 = vector.broadcast %shift_right_logical3A_354 : i32 to vector<16xi32>
        %shift_right_logical3A_356 = arith.shrui %add3A_349, %shift_right_logical3A_355 : vector<16xi32>
        %or3A_357 = arith.ori %shift_left3A_353, %shift_right_logical3A_356 : vector<16xi32>
        %xor3A_358 = arith.xori %or3A_357, %add3A_350 : vector<16xi32>
        %add3A_359 = arith.addi %add3A_350, %xor3A_358 : vector<16xi32>
        %shift_left3A_360 = arith.constant 15 : i32
        %shift_left3A_361 = vector.broadcast %shift_left3A_360 : i32 to vector<16xi32>
        %shift_left3A_362 = arith.shli %xor3A_358, %shift_left3A_361 : vector<16xi32>
        %shift_right_logical3A_363 = arith.constant 17 : i32
        %shift_right_logical3A_364 = vector.broadcast %shift_right_logical3A_363 : i32 to vector<16xi32>
        %shift_right_logical3A_365 = arith.shrui %xor3A_358, %shift_right_logical3A_364 : vector<16xi32>
        %or3A_366 = arith.ori %shift_left3A_362, %shift_right_logical3A_365 : vector<16xi32>
        %xor3A_367 = arith.xori %or3A_366, %add3A_359 : vector<16xi32>
        %add3A_368 = arith.addi %add3A_359, %xor3A_367 : vector<16xi32>
        %shift_left3A_369 = arith.constant 26 : i32
        %shift_left3A_370 = vector.broadcast %shift_left3A_369 : i32 to vector<16xi32>
        %shift_left3A_371 = arith.shli %xor3A_367, %shift_left3A_370 : vector<16xi32>
        %shift_right_logical3A_372 = arith.constant 6 : i32
        %shift_right_logical3A_373 = vector.broadcast %shift_right_logical3A_372 : i32 to vector<16xi32>
        %shift_right_logical3A_374 = arith.shrui %xor3A_367, %shift_right_logical3A_373 : vector<16xi32>
        %or3A_375 = arith.ori %shift_left3A_371, %shift_right_logical3A_374 : vector<16xi32>
        %xor3A_376 = arith.xori %or3A_375, %add3A_368 : vector<16xi32>
        %add3A_377 = arith.addi %add3A_368, %xor3A_376 : vector<16xi32>
        %shift_left3A_378 = arith.constant 6 : i32
        %shift_left3A_379 = vector.broadcast %shift_left3A_378 : i32 to vector<16xi32>
        %shift_left3A_380 = arith.shli %xor3A_376, %shift_left3A_379 : vector<16xi32>
        %shift_right_logical3A_381 = arith.constant 26 : i32
        %shift_right_logical3A_382 = vector.broadcast %shift_right_logical3A_381 : i32 to vector<16xi32>
        %shift_right_logical3A_383 = arith.shrui %xor3A_376, %shift_right_logical3A_382 : vector<16xi32>
        %or3A_384 = arith.ori %shift_left3A_380, %shift_right_logical3A_383 : vector<16xi32>
        %xor3A_385 = arith.xori %or3A_384, %add3A_377 : vector<16xi32>
        %add3A_386 = arith.constant 0 : i32
        %add3A_387 = vector.broadcast %add3A_386 : i32 to vector<16xi32>
        %add3A_388 = arith.addi %add3A_377, %add3A_387 : vector<16xi32>
        %add3A_389 = arith.constant 45 : i32
        %add3A_390 = vector.broadcast %add3A_389 : i32 to vector<16xi32>
        %add3A_391 = arith.addi %xor3A_385, %add3A_390 : vector<16xi32>
        %add3A_392 = arith.addi %add3A_388, %add3A_391 : vector<16xi32>
        %shift_left3A_393 = arith.constant 17 : i32
        %shift_left3A_394 = vector.broadcast %shift_left3A_393 : i32 to vector<16xi32>
        %shift_left3A_395 = arith.shli %add3A_391, %shift_left3A_394 : vector<16xi32>
        %shift_right_logical3A_396 = arith.constant 15 : i32
        %shift_right_logical3A_397 = vector.broadcast %shift_right_logical3A_396 : i32 to vector<16xi32>
        %shift_right_logical3A_398 = arith.shrui %add3A_391, %shift_right_logical3A_397 : vector<16xi32>
        %or3A_399 = arith.ori %shift_left3A_395, %shift_right_logical3A_398 : vector<16xi32>
        %xor3A_400 = arith.xori %or3A_399, %add3A_392 : vector<16xi32>
        %add3A_401 = arith.addi %add3A_392, %xor3A_400 : vector<16xi32>
        %shift_left3A_402 = arith.constant 29 : i32
        %shift_left3A_403 = vector.broadcast %shift_left3A_402 : i32 to vector<16xi32>
        %shift_left3A_404 = arith.shli %xor3A_400, %shift_left3A_403 : vector<16xi32>
        %shift_right_logical3A_405 = arith.constant 3 : i32
        %shift_right_logical3A_406 = vector.broadcast %shift_right_logical3A_405 : i32 to vector<16xi32>
        %shift_right_logical3A_407 = arith.shrui %xor3A_400, %shift_right_logical3A_406 : vector<16xi32>
        %or3A_408 = arith.ori %shift_left3A_404, %shift_right_logical3A_407 : vector<16xi32>
        %xor3A_409 = arith.xori %or3A_408, %add3A_401 : vector<16xi32>
        %add3A_410 = arith.addi %add3A_401, %xor3A_409 : vector<16xi32>
        %shift_left3A_411 = arith.constant 16 : i32
        %shift_left3A_412 = vector.broadcast %shift_left3A_411 : i32 to vector<16xi32>
        %shift_left3A_413 = arith.shli %xor3A_409, %shift_left3A_412 : vector<16xi32>
        %shift_right_logical3A_414 = arith.constant 16 : i32
        %shift_right_logical3A_415 = vector.broadcast %shift_right_logical3A_414 : i32 to vector<16xi32>
        %shift_right_logical3A_416 = arith.shrui %xor3A_409, %shift_right_logical3A_415 : vector<16xi32>
        %or3A_417 = arith.ori %shift_left3A_413, %shift_right_logical3A_416 : vector<16xi32>
        %xor3A_418 = arith.xori %or3A_417, %add3A_410 : vector<16xi32>
        %add3A_419 = arith.addi %add3A_410, %xor3A_418 : vector<16xi32>
        %shift_left3A_420 = arith.constant 24 : i32
        %shift_left3A_421 = vector.broadcast %shift_left3A_420 : i32 to vector<16xi32>
        %shift_left3A_422 = arith.shli %xor3A_418, %shift_left3A_421 : vector<16xi32>
        %shift_right_logical3A_423 = arith.constant 8 : i32
        %shift_right_logical3A_424 = vector.broadcast %shift_right_logical3A_423 : i32 to vector<16xi32>
        %shift_right_logical3A_425 = arith.shrui %xor3A_418, %shift_right_logical3A_424 : vector<16xi32>
        %or3A_426 = arith.ori %shift_left3A_422, %shift_right_logical3A_425 : vector<16xi32>
        %xor3A_427 = arith.xori %or3A_426, %add3A_419 : vector<16xi32>
        %add3A_428 = arith.constant 42 : i32
        %add3A_429 = vector.broadcast %add3A_428 : i32 to vector<16xi32>
        %add3A_430 = arith.addi %add3A_419, %add3A_429 : vector<16xi32>
        %add3A_431 = arith.constant 466689012 : i32
        %add3A_432 = vector.broadcast %add3A_431 : i32 to vector<16xi32>
        %add3A_433 = arith.addi %xor3A_427, %add3A_432 : vector<16xi32>
        %add3A_434 = arith.addi %add3A_430, %add3A_433 : vector<16xi32>
        %shift_left3A_435 = arith.constant 13 : i32
        %shift_left3A_436 = vector.broadcast %shift_left3A_435 : i32 to vector<16xi32>
        %shift_left3A_437 = arith.shli %add3A_433, %shift_left3A_436 : vector<16xi32>
        %shift_right_logical3A_438 = arith.constant 19 : i32
        %shift_right_logical3A_439 = vector.broadcast %shift_right_logical3A_438 : i32 to vector<16xi32>
        %shift_right_logical3A_440 = arith.shrui %add3A_433, %shift_right_logical3A_439 : vector<16xi32>
        %or3A_441 = arith.ori %shift_left3A_437, %shift_right_logical3A_440 : vector<16xi32>
        %xor3A_442 = arith.xori %or3A_441, %add3A_434 : vector<16xi32>
        %add3A_443 = arith.addi %add3A_434, %xor3A_442 : vector<16xi32>
        %shift_left3A_444 = arith.constant 15 : i32
        %shift_left3A_445 = vector.broadcast %shift_left3A_444 : i32 to vector<16xi32>
        %shift_left3A_446 = arith.shli %xor3A_442, %shift_left3A_445 : vector<16xi32>
        %shift_right_logical3A_447 = arith.constant 17 : i32
        %shift_right_logical3A_448 = vector.broadcast %shift_right_logical3A_447 : i32 to vector<16xi32>
        %shift_right_logical3A_449 = arith.shrui %xor3A_442, %shift_right_logical3A_448 : vector<16xi32>
        %or3A_450 = arith.ori %shift_left3A_446, %shift_right_logical3A_449 : vector<16xi32>
        %xor3A_451 = arith.xori %or3A_450, %add3A_443 : vector<16xi32>
        %add3A_452 = arith.addi %add3A_443, %xor3A_451 : vector<16xi32>
        %shift_left3A_453 = arith.constant 26 : i32
        %shift_left3A_454 = vector.broadcast %shift_left3A_453 : i32 to vector<16xi32>
        %shift_left3A_455 = arith.shli %xor3A_451, %shift_left3A_454 : vector<16xi32>
        %shift_right_logical3A_456 = arith.constant 6 : i32
        %shift_right_logical3A_457 = vector.broadcast %shift_right_logical3A_456 : i32 to vector<16xi32>
        %shift_right_logical3A_458 = arith.shrui %xor3A_451, %shift_right_logical3A_457 : vector<16xi32>
        %or3A_459 = arith.ori %shift_left3A_455, %shift_right_logical3A_458 : vector<16xi32>
        %xor3A_460 = arith.xori %or3A_459, %add3A_452 : vector<16xi32>
        %add3A_461 = arith.addi %add3A_452, %xor3A_460 : vector<16xi32>
        %shift_left3A_462 = arith.constant 6 : i32
        %shift_left3A_463 = vector.broadcast %shift_left3A_462 : i32 to vector<16xi32>
        %shift_left3A_464 = arith.shli %xor3A_460, %shift_left3A_463 : vector<16xi32>
        %shift_right_logical3A_465 = arith.constant 26 : i32
        %shift_right_logical3A_466 = vector.broadcast %shift_right_logical3A_465 : i32 to vector<16xi32>
        %shift_right_logical3A_467 = arith.shrui %xor3A_460, %shift_right_logical3A_466 : vector<16xi32>
        %or3A_468 = arith.ori %shift_left3A_464, %shift_right_logical3A_467 : vector<16xi32>
        %xor3A_469 = arith.xori %or3A_468, %add3A_461 : vector<16xi32>
        %add3A_470 = arith.constant 466689008 : i32
        %add3A_471 = vector.broadcast %add3A_470 : i32 to vector<16xi32>
        %add3A_472 = arith.addi %add3A_461, %add3A_471 : vector<16xi32>
        %add3A_473 = arith.constant 5 : i32
        %add3A_474 = vector.broadcast %add3A_473 : i32 to vector<16xi32>
        %add3A_475 = arith.addi %xor3A_469, %add3A_474 : vector<16xi32>
        %xor3A_476 = arith.xori %add3A_472, %add3A_475 : vector<16xi32>
        %mul3A_477 = arith.constant 16 : i32
        %mul3A_478 = arith.muli %scan3A_19, %mul3A_477 : i32
        %swap3A_479 = arith.constant 1 : i32
        %swap3A_480 = arith.index_cast %swap3A_479 : i32 to index
        %swap3A_481 = arith.index_cast %mul3A_478 : i32 to index
        %swap3A_482 = tpu.vector_load %arg3[%swap3A_480, %swap3A_481] {strides = array<i32>} : memref<8x4096xi32, #tpu.memory_space<vmem>>, vector<1x16xi32>,
        %swap3A_483 = vector.shape_cast %swap3A_482 : vector<1x16xi32> to vector<16xi32>
        %swap3A_484 = vector.shape_cast %xor3A_476 : vector<16xi32> to vector<1x16xi32>
        tpu.vector_store %arg3[%swap3A_480, %swap3A_481], %swap3A_484 {strides = array<i32>} : memref<8x4096xi32, #tpu.memory_space<vmem>>, vector<1x16xi32>,
        %add3A_485 = arith.constant 2 : i32
        %add3A_486 = arith.addi %mul3A_2, %add3A_485 : i32
        %mul3A_487 = arith.constant 100000 : i32
        %mul3A_488 = arith.muli %add3A_486, %mul3A_487 : i32
        %add3A_489 = arith.addi %mul3A_488, %add3A_22 : i32
        %add3A_490 = vector.broadcast %add3A_489 : i32 to vector<16xi32>
        %add3A_491 = arith.addi %add3A_490, %iota3A : vector<16xi32>
        %broadcast_in_dim3A_492 = arith.constant 0 : i32
        %broadcast_in_dim3A_493 = vector.broadcast %broadcast_in_dim3A_492 : i32 to vector<16xi32>
        %add3A_494 = arith.constant 0 : i32
        %add3A_495 = vector.broadcast %add3A_494 : i32 to vector<16xi32>
        %add3A_496 = arith.addi %broadcast_in_dim3A_493, %add3A_495 : vector<16xi32>
        %add3A_497 = arith.constant 42 : i32
        %add3A_498 = vector.broadcast %add3A_497 : i32 to vector<16xi32>
        %add3A_499 = arith.addi %add3A_491, %add3A_498 : vector<16xi32>
        %add3A_500 = arith.addi %add3A_496, %add3A_499 : vector<16xi32>
        %shift_left3A_501 = arith.constant 13 : i32
        %shift_left3A_502 = vector.broadcast %shift_left3A_501 : i32 to vector<16xi32>
        %shift_left3A_503 = arith.shli %add3A_499, %shift_left3A_502 : vector<16xi32>
        %shift_right_logical3A_504 = arith.constant 19 : i32
        %shift_right_logical3A_505 = vector.broadcast %shift_right_logical3A_504 : i32 to vector<16xi32>
        %shift_right_logical3A_506 = arith.shrui %add3A_499, %shift_right_logical3A_505 : vector<16xi32>
        %or3A_507 = arith.ori %shift_left3A_503, %shift_right_logical3A_506 : vector<16xi32>
        %xor3A_508 = arith.xori %or3A_507, %add3A_500 : vector<16xi32>
        %add3A_509 = arith.addi %add3A_500, %xor3A_508 : vector<16xi32>
        %shift_left3A_510 = arith.constant 15 : i32
        %shift_left3A_511 = vector.broadcast %shift_left3A_510 : i32 to vector<16xi32>
        %shift_left3A_512 = arith.shli %xor3A_508, %shift_left3A_511 : vector<16xi32>
        %shift_right_logical3A_513 = arith.constant 17 : i32
        %shift_right_logical3A_514 = vector.broadcast %shift_right_logical3A_513 : i32 to vector<16xi32>
        %shift_right_logical3A_515 = arith.shrui %xor3A_508, %shift_right_logical3A_514 : vector<16xi32>
        %or3A_516 = arith.ori %shift_left3A_512, %shift_right_logical3A_515 : vector<16xi32>
        %xor3A_517 = arith.xori %or3A_516, %add3A_509 : vector<16xi32>
        %add3A_518 = arith.addi %add3A_509, %xor3A_517 : vector<16xi32>
        %shift_left3A_519 = arith.constant 26 : i32
        %shift_left3A_520 = vector.broadcast %shift_left3A_519 : i32 to vector<16xi32>
        %shift_left3A_521 = arith.shli %xor3A_517, %shift_left3A_520 : vector<16xi32>
        %shift_right_logical3A_522 = arith.constant 6 : i32
        %shift_right_logical3A_523 = vector.broadcast %shift_right_logical3A_522 : i32 to vector<16xi32>
        %shift_right_logical3A_524 = arith.shrui %xor3A_517, %shift_right_logical3A_523 : vector<16xi32>
        %or3A_525 = arith.ori %shift_left3A_521, %shift_right_logical3A_524 : vector<16xi32>
        %xor3A_526 = arith.xori %or3A_525, %add3A_518 : vector<16xi32>
        %add3A_527 = arith.addi %add3A_518, %xor3A_526 : vector<16xi32>
        %shift_left3A_528 = arith.constant 6 : i32
        %shift_left3A_529 = vector.broadcast %shift_left3A_528 : i32 to vector<16xi32>
        %shift_left3A_530 = arith.shli %xor3A_526, %shift_left3A_529 : vector<16xi32>
        %shift_right_logical3A_531 = arith.constant 26 : i32
        %shift_right_logical3A_532 = vector.broadcast %shift_right_logical3A_531 : i32 to vector<16xi32>
        %shift_right_logical3A_533 = arith.shrui %xor3A_526, %shift_right_logical3A_532 : vector<16xi32>
        %or3A_534 = arith.ori %shift_left3A_530, %shift_right_logical3A_533 : vector<16xi32>
        %xor3A_535 = arith.xori %or3A_534, %add3A_527 : vector<16xi32>
        %add3A_536 = arith.constant 42 : i32
        %add3A_537 = vector.broadcast %add3A_536 : i32 to vector<16xi32>
        %add3A_538 = arith.addi %add3A_527, %add3A_537 : vector<16xi32>
        %add3A_539 = arith.constant 466689009 : i32
        %add3A_540 = vector.broadcast %add3A_539 : i32 to vector<16xi32>
        %add3A_541 = arith.addi %xor3A_535, %add3A_540 : vector<16xi32>
        %add3A_542 = arith.addi %add3A_538, %add3A_541 : vector<16xi32>
        %shift_left3A_543 = arith.constant 17 : i32
        %shift_left3A_544 = vector.broadcast %shift_left3A_543 : i32 to vector<16xi32>
        %shift_left3A_545 = arith.shli %add3A_541, %shift_left3A_544 : vector<16xi32>
        %shift_right_logical3A_546 = arith.constant 15 : i32
        %shift_right_logical3A_547 = vector.broadcast %shift_right_logical3A_546 : i32 to vector<16xi32>
        %shift_right_logical3A_548 = arith.shrui %add3A_541, %shift_right_logical3A_547 : vector<16xi32>
        %or3A_549 = arith.ori %shift_left3A_545, %shift_right_logical3A_548 : vector<16xi32>
        %xor3A_550 = arith.xori %or3A_549, %add3A_542 : vector<16xi32>
        %add3A_551 = arith.addi %add3A_542, %xor3A_550 : vector<16xi32>
        %shift_left3A_552 = arith.constant 29 : i32
        %shift_left3A_553 = vector.broadcast %shift_left3A_552 : i32 to vector<16xi32>
        %shift_left3A_554 = arith.shli %xor3A_550, %shift_left3A_553 : vector<16xi32>
        %shift_right_logical3A_555 = arith.constant 3 : i32
        %shift_right_logical3A_556 = vector.broadcast %shift_right_logical3A_555 : i32 to vector<16xi32>
        %shift_right_logical3A_557 = arith.shrui %xor3A_550, %shift_right_logical3A_556 : vector<16xi32>
        %or3A_558 = arith.ori %shift_left3A_554, %shift_right_logical3A_557 : vector<16xi32>
        %xor3A_559 = arith.xori %or3A_558, %add3A_551 : vector<16xi32>
        %add3A_560 = arith.addi %add3A_551, %xor3A_559 : vector<16xi32>
        %shift_left3A_561 = arith.constant 16 : i32
        %shift_left3A_562 = vector.broadcast %shift_left3A_561 : i32 to vector<16xi32>
        %shift_left3A_563 = arith.shli %xor3A_559, %shift_left3A_562 : vector<16xi32>
        %shift_right_logical3A_564 = arith.constant 16 : i32
        %shift_right_logical3A_565 = vector.broadcast %shift_right_logical3A_564 : i32 to vector<16xi32>
        %shift_right_logical3A_566 = arith.shrui %xor3A_559, %shift_right_logical3A_565 : vector<16xi32>
        %or3A_567 = arith.ori %shift_left3A_563, %shift_right_logical3A_566 : vector<16xi32>
        %xor3A_568 = arith.xori %or3A_567, %add3A_560 : vector<16xi32>
        %add3A_569 = arith.addi %add3A_560, %xor3A_568 : vector<16xi32>
        %shift_left3A_570 = arith.constant 24 : i32
        %shift_left3A_571 = vector.broadcast %shift_left3A_570 : i32 to vector<16xi32>
        %shift_left3A_572 = arith.shli %xor3A_568, %shift_left3A_571 : vector<16xi32>
        %shift_right_logical3A_573 = arith.constant 8 : i32
        %shift_right_logical3A_574 = vector.broadcast %shift_right_logical3A_573 : i32 to vector<16xi32>
        %shift_right_logical3A_575 = arith.shrui %xor3A_568, %shift_right_logical3A_574 : vector<16xi32>
        %or3A_576 = arith.ori %shift_left3A_572, %shift_right_logical3A_575 : vector<16xi32>
        %xor3A_577 = arith.xori %or3A_576, %add3A_569 : vector<16xi32>
        %add3A_578 = arith.constant 466689008 : i32
        %add3A_579 = vector.broadcast %add3A_578 : i32 to vector<16xi32>
        %add3A_580 = arith.addi %add3A_569, %add3A_579 : vector<16xi32>
        %add3A_581 = arith.constant 2 : i32
        %add3A_582 = vector.broadcast %add3A_581 : i32 to vector<16xi32>
        %add3A_583 = arith.addi %xor3A_577, %add3A_582 : vector<16xi32>
        %add3A_584 = arith.addi %add3A_580, %add3A_583 : vector<16xi32>
        %shift_left3A_585 = arith.constant 13 : i32
        %shift_left3A_586 = vector.broadcast %shift_left3A_585 : i32 to vector<16xi32>
        %shift_left3A_587 = arith.shli %add3A_583, %shift_left3A_586 : vector<16xi32>
        %shift_right_logical3A_588 = arith.constant 19 : i32
        %shift_right_logical3A_589 = vector.broadcast %shift_right_logical3A_588 : i32 to vector<16xi32>
        %shift_right_logical3A_590 = arith.shrui %add3A_583, %shift_right_logical3A_589 : vector<16xi32>
        %or3A_591 = arith.ori %shift_left3A_587, %shift_right_logical3A_590 : vector<16xi32>
        %xor3A_592 = arith.xori %or3A_591, %add3A_584 : vector<16xi32>
        %add3A_593 = arith.addi %add3A_584, %xor3A_592 : vector<16xi32>
        %shift_left3A_594 = arith.constant 15 : i32
        %shift_left3A_595 = vector.broadcast %shift_left3A_594 : i32 to vector<16xi32>
        %shift_left3A_596 = arith.shli %xor3A_592, %shift_left3A_595 : vector<16xi32>
        %shift_right_logical3A_597 = arith.constant 17 : i32
        %shift_right_logical3A_598 = vector.broadcast %shift_right_logical3A_597 : i32 to vector<16xi32>
        %shift_right_logical3A_599 = arith.shrui %xor3A_592, %shift_right_logical3A_598 : vector<16xi32>
        %or3A_600 = arith.ori %shift_left3A_596, %shift_right_logical3A_599 : vector<16xi32>
        %xor3A_601 = arith.xori %or3A_600, %add3A_593 : vector<16xi32>
        %add3A_602 = arith.addi %add3A_593, %xor3A_601 : vector<16xi32>
        %shift_left3A_603 = arith.constant 26 : i32
        %shift_left3A_604 = vector.broadcast %shift_left3A_603 : i32 to vector<16xi32>
        %shift_left3A_605 = arith.shli %xor3A_601, %shift_left3A_604 : vector<16xi32>
        %shift_right_logical3A_606 = arith.constant 6 : i32
        %shift_right_logical3A_607 = vector.broadcast %shift_right_logical3A_606 : i32 to vector<16xi32>
        %shift_right_logical3A_608 = arith.shrui %xor3A_601, %shift_right_logical3A_607 : vector<16xi32>
        %or3A_609 = arith.ori %shift_left3A_605, %shift_right_logical3A_608 : vector<16xi32>
        %xor3A_610 = arith.xori %or3A_609, %add3A_602 : vector<16xi32>
        %add3A_611 = arith.addi %add3A_602, %xor3A_610 : vector<16xi32>
        %shift_left3A_612 = arith.constant 6 : i32
        %shift_left3A_613 = vector.broadcast %shift_left3A_612 : i32 to vector<16xi32>
        %shift_left3A_614 = arith.shli %xor3A_610, %shift_left3A_613 : vector<16xi32>
        %shift_right_logical3A_615 = arith.constant 26 : i32
        %shift_right_logical3A_616 = vector.broadcast %shift_right_logical3A_615 : i32 to vector<16xi32>
        %shift_right_logical3A_617 = arith.shrui %xor3A_610, %shift_right_logical3A_616 : vector<16xi32>
        %or3A_618 = arith.ori %shift_left3A_614, %shift_right_logical3A_617 : vector<16xi32>
        %xor3A_619 = arith.xori %or3A_618, %add3A_611 : vector<16xi32>
        %add3A_620 = arith.constant 0 : i32
        %add3A_621 = vector.broadcast %add3A_620 : i32 to vector<16xi32>
        %add3A_622 = arith.addi %add3A_611, %add3A_621 : vector<16xi32>
        %add3A_623 = arith.constant 45 : i32
        %add3A_624 = vector.broadcast %add3A_623 : i32 to vector<16xi32>
        %add3A_625 = arith.addi %xor3A_619, %add3A_624 : vector<16xi32>
        %add3A_626 = arith.addi %add3A_622, %add3A_625 : vector<16xi32>
        %shift_left3A_627 = arith.constant 17 : i32
        %shift_left3A_628 = vector.broadcast %shift_left3A_627 : i32 to vector<16xi32>
        %shift_left3A_629 = arith.shli %add3A_625, %shift_left3A_628 : vector<16xi32>
        %shift_right_logical3A_630 = arith.constant 15 : i32
        %shift_right_logical3A_631 = vector.broadcast %shift_right_logical3A_630 : i32 to vector<16xi32>
        %shift_right_logical3A_632 = arith.shrui %add3A_625, %shift_right_logical3A_631 : vector<16xi32>
        %or3A_633 = arith.ori %shift_left3A_629, %shift_right_logical3A_632 : vector<16xi32>
        %xor3A_634 = arith.xori %or3A_633, %add3A_626 : vector<16xi32>
        %add3A_635 = arith.addi %add3A_626, %xor3A_634 : vector<16xi32>
        %shift_left3A_636 = arith.constant 29 : i32
        %shift_left3A_637 = vector.broadcast %shift_left3A_636 : i32 to vector<16xi32>
        %shift_left3A_638 = arith.shli %xor3A_634, %shift_left3A_637 : vector<16xi32>
        %shift_right_logical3A_639 = arith.constant 3 : i32
        %shift_right_logical3A_640 = vector.broadcast %shift_right_logical3A_639 : i32 to vector<16xi32>
        %shift_right_logical3A_641 = arith.shrui %xor3A_634, %shift_right_logical3A_640 : vector<16xi32>
        %or3A_642 = arith.ori %shift_left3A_638, %shift_right_logical3A_641 : vector<16xi32>
        %xor3A_643 = arith.xori %or3A_642, %add3A_635 : vector<16xi32>
        %add3A_644 = arith.addi %add3A_635, %xor3A_643 : vector<16xi32>
        %shift_left3A_645 = arith.constant 16 : i32
        %shift_left3A_646 = vector.broadcast %shift_left3A_645 : i32 to vector<16xi32>
        %shift_left3A_647 = arith.shli %xor3A_643, %shift_left3A_646 : vector<16xi32>
        %shift_right_logical3A_648 = arith.constant 16 : i32
        %shift_right_logical3A_649 = vector.broadcast %shift_right_logical3A_648 : i32 to vector<16xi32>
        %shift_right_logical3A_650 = arith.shrui %xor3A_643, %shift_right_logical3A_649 : vector<16xi32>
        %or3A_651 = arith.ori %shift_left3A_647, %shift_right_logical3A_650 : vector<16xi32>
        %xor3A_652 = arith.xori %or3A_651, %add3A_644 : vector<16xi32>
        %add3A_653 = arith.addi %add3A_644, %xor3A_652 : vector<16xi32>
        %shift_left3A_654 = arith.constant 24 : i32
        %shift_left3A_655 = vector.broadcast %shift_left3A_654 : i32 to vector<16xi32>
        %shift_left3A_656 = arith.shli %xor3A_652, %shift_left3A_655 : vector<16xi32>
        %shift_right_logical3A_657 = arith.constant 8 : i32
        %shift_right_logical3A_658 = vector.broadcast %shift_right_logical3A_657 : i32 to vector<16xi32>
        %shift_right_logical3A_659 = arith.shrui %xor3A_652, %shift_right_logical3A_658 : vector<16xi32>
        %or3A_660 = arith.ori %shift_left3A_656, %shift_right_logical3A_659 : vector<16xi32>
        %xor3A_661 = arith.xori %or3A_660, %add3A_653 : vector<16xi32>
        %add3A_662 = arith.constant 42 : i32
        %add3A_663 = vector.broadcast %add3A_662 : i32 to vector<16xi32>
        %add3A_664 = arith.addi %add3A_653, %add3A_663 : vector<16xi32>
        %add3A_665 = arith.constant 466689012 : i32
        %add3A_666 = vector.broadcast %add3A_665 : i32 to vector<16xi32>
        %add3A_667 = arith.addi %xor3A_661, %add3A_666 : vector<16xi32>
        %add3A_668 = arith.addi %add3A_664, %add3A_667 : vector<16xi32>
        %shift_left3A_669 = arith.constant 13 : i32
        %shift_left3A_670 = vector.broadcast %shift_left3A_669 : i32 to vector<16xi32>
        %shift_left3A_671 = arith.shli %add3A_667, %shift_left3A_670 : vector<16xi32>
        %shift_right_logical3A_672 = arith.constant 19 : i32
        %shift_right_logical3A_673 = vector.broadcast %shift_right_logical3A_672 : i32 to vector<16xi32>
        %shift_right_logical3A_674 = arith.shrui %add3A_667, %shift_right_logical3A_673 : vector<16xi32>
        %or3A_675 = arith.ori %shift_left3A_671, %shift_right_logical3A_674 : vector<16xi32>
        %xor3A_676 = arith.xori %or3A_675, %add3A_668 : vector<16xi32>
        %add3A_677 = arith.addi %add3A_668, %xor3A_676 : vector<16xi32>
        %shift_left3A_678 = arith.constant 15 : i32
        %shift_left3A_679 = vector.broadcast %shift_left3A_678 : i32 to vector<16xi32>
        %shift_left3A_680 = arith.shli %xor3A_676, %shift_left3A_679 : vector<16xi32>
        %shift_right_logical3A_681 = arith.constant 17 : i32
        %shift_right_logical3A_682 = vector.broadcast %shift_right_logical3A_681 : i32 to vector<16xi32>
        %shift_right_logical3A_683 = arith.shrui %xor3A_676, %shift_right_logical3A_682 : vector<16xi32>
        %or3A_684 = arith.ori %shift_left3A_680, %shift_right_logical3A_683 : vector<16xi32>
        %xor3A_685 = arith.xori %or3A_684, %add3A_677 : vector<16xi32>
        %add3A_686 = arith.addi %add3A_677, %xor3A_685 : vector<16xi32>
        %shift_left3A_687 = arith.constant 26 : i32
        %shift_left3A_688 = vector.broadcast %shift_left3A_687 : i32 to vector<16xi32>
        %shift_left3A_689 = arith.shli %xor3A_685, %shift_left3A_688 : vector<16xi32>
        %shift_right_logical3A_690 = arith.constant 6 : i32
        %shift_right_logical3A_691 = vector.broadcast %shift_right_logical3A_690 : i32 to vector<16xi32>
        %shift_right_logical3A_692 = arith.shrui %xor3A_685, %shift_right_logical3A_691 : vector<16xi32>
        %or3A_693 = arith.ori %shift_left3A_689, %shift_right_logical3A_692 : vector<16xi32>
        %xor3A_694 = arith.xori %or3A_693, %add3A_686 : vector<16xi32>
        %add3A_695 = arith.addi %add3A_686, %xor3A_694 : vector<16xi32>
        %shift_left3A_696 = arith.constant 6 : i32
        %shift_left3A_697 = vector.broadcast %shift_left3A_696 : i32 to vector<16xi32>
        %shift_left3A_698 = arith.shli %xor3A_694, %shift_left3A_697 : vector<16xi32>
        %shift_right_logical3A_699 = arith.constant 26 : i32
        %shift_right_logical3A_700 = vector.broadcast %shift_right_logical3A_699 : i32 to vector<16xi32>
        %shift_right_logical3A_701 = arith.shrui %xor3A_694, %shift_right_logical3A_700 : vector<16xi32>
        %or3A_702 = arith.ori %shift_left3A_698, %shift_right_logical3A_701 : vector<16xi32>
        %xor3A_703 = arith.xori %or3A_702, %add3A_695 : vector<16xi32>
        %add3A_704 = arith.constant 466689008 : i32
        %add3A_705 = vector.broadcast %add3A_704 : i32 to vector<16xi32>
        %add3A_706 = arith.addi %add3A_695, %add3A_705 : vector<16xi32>
        %add3A_707 = arith.constant 5 : i32
        %add3A_708 = vector.broadcast %add3A_707 : i32 to vector<16xi32>
        %add3A_709 = arith.addi %xor3A_703, %add3A_708 : vector<16xi32>
        %xor3A_710 = arith.xori %add3A_706, %add3A_709 : vector<16xi32>
        %mul3A_711 = arith.constant 16 : i32
        %mul3A_712 = arith.muli %scan3A_19, %mul3A_711 : i32
        %swap3A_713 = arith.constant 2 : i32
        %swap3A_714 = arith.index_cast %swap3A_713 : i32 to index
        %swap3A_715 = arith.index_cast %mul3A_712 : i32 to index
        %swap3A_716 = tpu.vector_load %arg3[%swap3A_714, %swap3A_715] {strides = array<i32>} : memref<8x4096xi32, #tpu.memory_space<vmem>>, vector<1x16xi32>,
        %swap3A_717 = vector.shape_cast %swap3A_716 : vector<1x16xi32> to vector<16xi32>
        %swap3A_718 = vector.shape_cast %xor3A_710 : vector<16xi32> to vector<1x16xi32>
        tpu.vector_store %arg3[%swap3A_714, %swap3A_715], %swap3A_718 {strides = array<i32>} : memref<8x4096xi32, #tpu.memory_space<vmem>>, vector<1x16xi32>,
        %add3A_719 = arith.constant 3 : i32
        %add3A_720 = arith.addi %mul3A_2, %add3A_719 : i32
        %mul3A_721 = arith.constant 100000 : i32
        %mul3A_722 = arith.muli %add3A_720, %mul3A_721 : i32
        %add3A_723 = arith.addi %mul3A_722, %add3A_22 : i32
        %add3A_724 = vector.broadcast %add3A_723 : i32 to vector<16xi32>
        %add3A_725 = arith.addi %add3A_724, %iota3A : vector<16xi32>
        %broadcast_in_dim3A_726 = arith.constant 0 : i32
        %broadcast_in_dim3A_727 = vector.broadcast %broadcast_in_dim3A_726 : i32 to vector<16xi32>
        %add3A_728 = arith.constant 0 : i32
        %add3A_729 = vector.broadcast %add3A_728 : i32 to vector<16xi32>
        %add3A_730 = arith.addi %broadcast_in_dim3A_727, %add3A_729 : vector<16xi32>
        %add3A_731 = arith.constant 42 : i32
        %add3A_732 = vector.broadcast %add3A_731 : i32 to vector<16xi32>
        %add3A_733 = arith.addi %add3A_725, %add3A_732 : vector<16xi32>
        %add3A_734 = arith.addi %add3A_730, %add3A_733 : vector<16xi32>
        %shift_left3A_735 = arith.constant 13 : i32
        %shift_left3A_736 = vector.broadcast %shift_left3A_735 : i32 to vector<16xi32>
        %shift_left3A_737 = arith.shli %add3A_733, %shift_left3A_736 : vector<16xi32>
        %shift_right_logical3A_738 = arith.constant 19 : i32
        %shift_right_logical3A_739 = vector.broadcast %shift_right_logical3A_738 : i32 to vector<16xi32>
        %shift_right_logical3A_740 = arith.shrui %add3A_733, %shift_right_logical3A_739 : vector<16xi32>
        %or3A_741 = arith.ori %shift_left3A_737, %shift_right_logical3A_740 : vector<16xi32>
        %xor3A_742 = arith.xori %or3A_741, %add3A_734 : vector<16xi32>
        %add3A_743 = arith.addi %add3A_734, %xor3A_742 : vector<16xi32>
        %shift_left3A_744 = arith.constant 15 : i32
        %shift_left3A_745 = vector.broadcast %shift_left3A_744 : i32 to vector<16xi32>
        %shift_left3A_746 = arith.shli %xor3A_742, %shift_left3A_745 : vector<16xi32>
        %shift_right_logical3A_747 = arith.constant 17 : i32
        %shift_right_logical3A_748 = vector.broadcast %shift_right_logical3A_747 : i32 to vector<16xi32>
        %shift_right_logical3A_749 = arith.shrui %xor3A_742, %shift_right_logical3A_748 : vector<16xi32>
        %or3A_750 = arith.ori %shift_left3A_746, %shift_right_logical3A_749 : vector<16xi32>
        %xor3A_751 = arith.xori %or3A_750, %add3A_743 : vector<16xi32>
        %add3A_752 = arith.addi %add3A_743, %xor3A_751 : vector<16xi32>
        %shift_left3A_753 = arith.constant 26 : i32
        %shift_left3A_754 = vector.broadcast %shift_left3A_753 : i32 to vector<16xi32>
        %shift_left3A_755 = arith.shli %xor3A_751, %shift_left3A_754 : vector<16xi32>
        %shift_right_logical3A_756 = arith.constant 6 : i32
        %shift_right_logical3A_757 = vector.broadcast %shift_right_logical3A_756 : i32 to vector<16xi32>
        %shift_right_logical3A_758 = arith.shrui %xor3A_751, %shift_right_logical3A_757 : vector<16xi32>
        %or3A_759 = arith.ori %shift_left3A_755, %shift_right_logical3A_758 : vector<16xi32>
        %xor3A_760 = arith.xori %or3A_759, %add3A_752 : vector<16xi32>
        %add3A_761 = arith.addi %add3A_752, %xor3A_760 : vector<16xi32>
        %shift_left3A_762 = arith.constant 6 : i32
        %shift_left3A_763 = vector.broadcast %shift_left3A_762 : i32 to vector<16xi32>
        %shift_left3A_764 = arith.shli %xor3A_760, %shift_left3A_763 : vector<16xi32>
        %shift_right_logical3A_765 = arith.constant 26 : i32
        %shift_right_logical3A_766 = vector.broadcast %shift_right_logical3A_765 : i32 to vector<16xi32>
        %shift_right_logical3A_767 = arith.shrui %xor3A_760, %shift_right_logical3A_766 : vector<16xi32>
        %or3A_768 = arith.ori %shift_left3A_764, %shift_right_logical3A_767 : vector<16xi32>
        %xor3A_769 = arith.xori %or3A_768, %add3A_761 : vector<16xi32>
        %add3A_770 = arith.constant 42 : i32
        %add3A_771 = vector.broadcast %add3A_770 : i32 to vector<16xi32>
        %add3A_772 = arith.addi %add3A_761, %add3A_771 : vector<16xi32>
        %add3A_773 = arith.constant 466689009 : i32
        %add3A_774 = vector.broadcast %add3A_773 : i32 to vector<16xi32>
        %add3A_775 = arith.addi %xor3A_769, %add3A_774 : vector<16xi32>
        %add3A_776 = arith.addi %add3A_772, %add3A_775 : vector<16xi32>
        %shift_left3A_777 = arith.constant 17 : i32
        %shift_left3A_778 = vector.broadcast %shift_left3A_777 : i32 to vector<16xi32>
        %shift_left3A_779 = arith.shli %add3A_775, %shift_left3A_778 : vector<16xi32>
        %shift_right_logical3A_780 = arith.constant 15 : i32
        %shift_right_logical3A_781 = vector.broadcast %shift_right_logical3A_780 : i32 to vector<16xi32>
        %shift_right_logical3A_782 = arith.shrui %add3A_775, %shift_right_logical3A_781 : vector<16xi32>
        %or3A_783 = arith.ori %shift_left3A_779, %shift_right_logical3A_782 : vector<16xi32>
        %xor3A_784 = arith.xori %or3A_783, %add3A_776 : vector<16xi32>
        %add3A_785 = arith.addi %add3A_776, %xor3A_784 : vector<16xi32>
        %shift_left3A_786 = arith.constant 29 : i32
        %shift_left3A_787 = vector.broadcast %shift_left3A_786 : i32 to vector<16xi32>
        %shift_left3A_788 = arith.shli %xor3A_784, %shift_left3A_787 : vector<16xi32>
        %shift_right_logical3A_789 = arith.constant 3 : i32
        %shift_right_logical3A_790 = vector.broadcast %shift_right_logical3A_789 : i32 to vector<16xi32>
        %shift_right_logical3A_791 = arith.shrui %xor3A_784, %shift_right_logical3A_790 : vector<16xi32>
        %or3A_792 = arith.ori %shift_left3A_788, %shift_right_logical3A_791 : vector<16xi32>
        %xor3A_793 = arith.xori %or3A_792, %add3A_785 : vector<16xi32>
        %add3A_794 = arith.addi %add3A_785, %xor3A_793 : vector<16xi32>
        %shift_left3A_795 = arith.constant 16 : i32
        %shift_left3A_796 = vector.broadcast %shift_left3A_795 : i32 to vector<16xi32>
        %shift_left3A_797 = arith.shli %xor3A_793, %shift_left3A_796 : vector<16xi32>
        %shift_right_logical3A_798 = arith.constant 16 : i32
        %shift_right_logical3A_799 = vector.broadcast %shift_right_logical3A_798 : i32 to vector<16xi32>
        %shift_right_logical3A_800 = arith.shrui %xor3A_793, %shift_right_logical3A_799 : vector<16xi32>
        %or3A_801 = arith.ori %shift_left3A_797, %shift_right_logical3A_800 : vector<16xi32>
        %xor3A_802 = arith.xori %or3A_801, %add3A_794 : vector<16xi32>
        %add3A_803 = arith.addi %add3A_794, %xor3A_802 : vector<16xi32>
        %shift_left3A_804 = arith.constant 24 : i32
        %shift_left3A_805 = vector.broadcast %shift_left3A_804 : i32 to vector<16xi32>
        %shift_left3A_806 = arith.shli %xor3A_802, %shift_left3A_805 : vector<16xi32>
        %shift_right_logical3A_807 = arith.constant 8 : i32
        %shift_right_logical3A_808 = vector.broadcast %shift_right_logical3A_807 : i32 to vector<16xi32>
        %shift_right_logical3A_809 = arith.shrui %xor3A_802, %shift_right_logical3A_808 : vector<16xi32>
        %or3A_810 = arith.ori %shift_left3A_806, %shift_right_logical3A_809 : vector<16xi32>
        %xor3A_811 = arith.xori %or3A_810, %add3A_803 : vector<16xi32>
        %add3A_812 = arith.constant 466689008 : i32
        %add3A_813 = vector.broadcast %add3A_812 : i32 to vector<16xi32>
        %add3A_814 = arith.addi %add3A_803, %add3A_813 : vector<16xi32>
        %add3A_815 = arith.constant 2 : i32
        %add3A_816 = vector.broadcast %add3A_815 : i32 to vector<16xi32>
        %add3A_817 = arith.addi %xor3A_811, %add3A_816 : vector<16xi32>
        %add3A_818 = arith.addi %add3A_814, %add3A_817 : vector<16xi32>
        %shift_left3A_819 = arith.constant 13 : i32
        %shift_left3A_820 = vector.broadcast %shift_left3A_819 : i32 to vector<16xi32>
        %shift_left3A_821 = arith.shli %add3A_817, %shift_left3A_820 : vector<16xi32>
        %shift_right_logical3A_822 = arith.constant 19 : i32
        %shift_right_logical3A_823 = vector.broadcast %shift_right_logical3A_822 : i32 to vector<16xi32>
        %shift_right_logical3A_824 = arith.shrui %add3A_817, %shift_right_logical3A_823 : vector<16xi32>
        %or3A_825 = arith.ori %shift_left3A_821, %shift_right_logical3A_824 : vector<16xi32>
        %xor3A_826 = arith.xori %or3A_825, %add3A_818 : vector<16xi32>
        %add3A_827 = arith.addi %add3A_818, %xor3A_826 : vector<16xi32>
        %shift_left3A_828 = arith.constant 15 : i32
        %shift_left3A_829 = vector.broadcast %shift_left3A_828 : i32 to vector<16xi32>
        %shift_left3A_830 = arith.shli %xor3A_826, %shift_left3A_829 : vector<16xi32>
        %shift_right_logical3A_831 = arith.constant 17 : i32
        %shift_right_logical3A_832 = vector.broadcast %shift_right_logical3A_831 : i32 to vector<16xi32>
        %shift_right_logical3A_833 = arith.shrui %xor3A_826, %shift_right_logical3A_832 : vector<16xi32>
        %or3A_834 = arith.ori %shift_left3A_830, %shift_right_logical3A_833 : vector<16xi32>
        %xor3A_835 = arith.xori %or3A_834, %add3A_827 : vector<16xi32>
        %add3A_836 = arith.addi %add3A_827, %xor3A_835 : vector<16xi32>
        %shift_left3A_837 = arith.constant 26 : i32
        %shift_left3A_838 = vector.broadcast %shift_left3A_837 : i32 to vector<16xi32>
        %shift_left3A_839 = arith.shli %xor3A_835, %shift_left3A_838 : vector<16xi32>
        %shift_right_logical3A_840 = arith.constant 6 : i32
        %shift_right_logical3A_841 = vector.broadcast %shift_right_logical3A_840 : i32 to vector<16xi32>
        %shift_right_logical3A_842 = arith.shrui %xor3A_835, %shift_right_logical3A_841 : vector<16xi32>
        %or3A_843 = arith.ori %shift_left3A_839, %shift_right_logical3A_842 : vector<16xi32>
        %xor3A_844 = arith.xori %or3A_843, %add3A_836 : vector<16xi32>
        %add3A_845 = arith.addi %add3A_836, %xor3A_844 : vector<16xi32>
        %shift_left3A_846 = arith.constant 6 : i32
        %shift_left3A_847 = vector.broadcast %shift_left3A_846 : i32 to vector<16xi32>
        %shift_left3A_848 = arith.shli %xor3A_844, %shift_left3A_847 : vector<16xi32>
        %shift_right_logical3A_849 = arith.constant 26 : i32
        %shift_right_logical3A_850 = vector.broadcast %shift_right_logical3A_849 : i32 to vector<16xi32>
        %shift_right_logical3A_851 = arith.shrui %xor3A_844, %shift_right_logical3A_850 : vector<16xi32>
        %or3A_852 = arith.ori %shift_left3A_848, %shift_right_logical3A_851 : vector<16xi32>
        %xor3A_853 = arith.xori %or3A_852, %add3A_845 : vector<16xi32>
        %add3A_854 = arith.constant 0 : i32
        %add3A_855 = vector.broadcast %add3A_854 : i32 to vector<16xi32>
        %add3A_856 = arith.addi %add3A_845, %add3A_855 : vector<16xi32>
        %add3A_857 = arith.constant 45 : i32
        %add3A_858 = vector.broadcast %add3A_857 : i32 to vector<16xi32>
        %add3A_859 = arith.addi %xor3A_853, %add3A_858 : vector<16xi32>
        %add3A_860 = arith.addi %add3A_856, %add3A_859 : vector<16xi32>
        %shift_left3A_861 = arith.constant 17 : i32
        %shift_left3A_862 = vector.broadcast %shift_left3A_861 : i32 to vector<16xi32>
        %shift_left3A_863 = arith.shli %add3A_859, %shift_left3A_862 : vector<16xi32>
        %shift_right_logical3A_864 = arith.constant 15 : i32
        %shift_right_logical3A_865 = vector.broadcast %shift_right_logical3A_864 : i32 to vector<16xi32>
        %shift_right_logical3A_866 = arith.shrui %add3A_859, %shift_right_logical3A_865 : vector<16xi32>
        %or3A_867 = arith.ori %shift_left3A_863, %shift_right_logical3A_866 : vector<16xi32>
        %xor3A_868 = arith.xori %or3A_867, %add3A_860 : vector<16xi32>
        %add3A_869 = arith.addi %add3A_860, %xor3A_868 : vector<16xi32>
        %shift_left3A_870 = arith.constant 29 : i32
        %shift_left3A_871 = vector.broadcast %shift_left3A_870 : i32 to vector<16xi32>
        %shift_left3A_872 = arith.shli %xor3A_868, %shift_left3A_871 : vector<16xi32>
        %shift_right_logical3A_873 = arith.constant 3 : i32
        %shift_right_logical3A_874 = vector.broadcast %shift_right_logical3A_873 : i32 to vector<16xi32>
        %shift_right_logical3A_875 = arith.shrui %xor3A_868, %shift_right_logical3A_874 : vector<16xi32>
        %or3A_876 = arith.ori %shift_left3A_872, %shift_right_logical3A_875 : vector<16xi32>
        %xor3A_877 = arith.xori %or3A_876, %add3A_869 : vector<16xi32>
        %add3A_878 = arith.addi %add3A_869, %xor3A_877 : vector<16xi32>
        %shift_left3A_879 = arith.constant 16 : i32
        %shift_left3A_880 = vector.broadcast %shift_left3A_879 : i32 to vector<16xi32>
        %shift_left3A_881 = arith.shli %xor3A_877, %shift_left3A_880 : vector<16xi32>
        %shift_right_logical3A_882 = arith.constant 16 : i32
        %shift_right_logical3A_883 = vector.broadcast %shift_right_logical3A_882 : i32 to vector<16xi32>
        %shift_right_logical3A_884 = arith.shrui %xor3A_877, %shift_right_logical3A_883 : vector<16xi32>
        %or3A_885 = arith.ori %shift_left3A_881, %shift_right_logical3A_884 : vector<16xi32>
        %xor3A_886 = arith.xori %or3A_885, %add3A_878 : vector<16xi32>
        %add3A_887 = arith.addi %add3A_878, %xor3A_886 : vector<16xi32>
        %shift_left3A_888 = arith.constant 24 : i32
        %shift_left3A_889 = vector.broadcast %shift_left3A_888 : i32 to vector<16xi32>
        %shift_left3A_890 = arith.shli %xor3A_886, %shift_left3A_889 : vector<16xi32>
        %shift_right_logical3A_891 = arith.constant 8 : i32
        %shift_right_logical3A_892 = vector.broadcast %shift_right_logical3A_891 : i32 to vector<16xi32>
        %shift_right_logical3A_893 = arith.shrui %xor3A_886, %shift_right_logical3A_892 : vector<16xi32>
        %or3A_894 = arith.ori %shift_left3A_890, %shift_right_logical3A_893 : vector<16xi32>
        %xor3A_895 = arith.xori %or3A_894, %add3A_887 : vector<16xi32>
        %add3A_896 = arith.constant 42 : i32
        %add3A_897 = vector.broadcast %add3A_896 : i32 to vector<16xi32>
        %add3A_898 = arith.addi %add3A_887, %add3A_897 : vector<16xi32>
        %add3A_899 = arith.constant 466689012 : i32
        %add3A_900 = vector.broadcast %add3A_899 : i32 to vector<16xi32>
        %add3A_901 = arith.addi %xor3A_895, %add3A_900 : vector<16xi32>
        %add3A_902 = arith.addi %add3A_898, %add3A_901 : vector<16xi32>
        %shift_left3A_903 = arith.constant 13 : i32
        %shift_left3A_904 = vector.broadcast %shift_left3A_903 : i32 to vector<16xi32>
        %shift_left3A_905 = arith.shli %add3A_901, %shift_left3A_904 : vector<16xi32>
        %shift_right_logical3A_906 = arith.constant 19 : i32
        %shift_right_logical3A_907 = vector.broadcast %shift_right_logical3A_906 : i32 to vector<16xi32>
        %shift_right_logical3A_908 = arith.shrui %add3A_901, %shift_right_logical3A_907 : vector<16xi32>
        %or3A_909 = arith.ori %shift_left3A_905, %shift_right_logical3A_908 : vector<16xi32>
        %xor3A_910 = arith.xori %or3A_909, %add3A_902 : vector<16xi32>
        %add3A_911 = arith.addi %add3A_902, %xor3A_910 : vector<16xi32>
        %shift_left3A_912 = arith.constant 15 : i32
        %shift_left3A_913 = vector.broadcast %shift_left3A_912 : i32 to vector<16xi32>
        %shift_left3A_914 = arith.shli %xor3A_910, %shift_left3A_913 : vector<16xi32>
        %shift_right_logical3A_915 = arith.constant 17 : i32
        %shift_right_logical3A_916 = vector.broadcast %shift_right_logical3A_915 : i32 to vector<16xi32>
        %shift_right_logical3A_917 = arith.shrui %xor3A_910, %shift_right_logical3A_916 : vector<16xi32>
        %or3A_918 = arith.ori %shift_left3A_914, %shift_right_logical3A_917 : vector<16xi32>
        %xor3A_919 = arith.xori %or3A_918, %add3A_911 : vector<16xi32>
        %add3A_920 = arith.addi %add3A_911, %xor3A_919 : vector<16xi32>
        %shift_left3A_921 = arith.constant 26 : i32
        %shift_left3A_922 = vector.broadcast %shift_left3A_921 : i32 to vector<16xi32>
        %shift_left3A_923 = arith.shli %xor3A_919, %shift_left3A_922 : vector<16xi32>
        %shift_right_logical3A_924 = arith.constant 6 : i32
        %shift_right_logical3A_925 = vector.broadcast %shift_right_logical3A_924 : i32 to vector<16xi32>
        %shift_right_logical3A_926 = arith.shrui %xor3A_919, %shift_right_logical3A_925 : vector<16xi32>
        %or3A_927 = arith.ori %shift_left3A_923, %shift_right_logical3A_926 : vector<16xi32>
        %xor3A_928 = arith.xori %or3A_927, %add3A_920 : vector<16xi32>
        %add3A_929 = arith.addi %add3A_920, %xor3A_928 : vector<16xi32>
        %shift_left3A_930 = arith.constant 6 : i32
        %shift_left3A_931 = vector.broadcast %shift_left3A_930 : i32 to vector<16xi32>
        %shift_left3A_932 = arith.shli %xor3A_928, %shift_left3A_931 : vector<16xi32>
        %shift_right_logical3A_933 = arith.constant 26 : i32
        %shift_right_logical3A_934 = vector.broadcast %shift_right_logical3A_933 : i32 to vector<16xi32>
        %shift_right_logical3A_935 = arith.shrui %xor3A_928, %shift_right_logical3A_934 : vector<16xi32>
        %or3A_936 = arith.ori %shift_left3A_932, %shift_right_logical3A_935 : vector<16xi32>
        %xor3A_937 = arith.xori %or3A_936, %add3A_929 : vector<16xi32>
        %add3A_938 = arith.constant 466689008 : i32
        %add3A_939 = vector.broadcast %add3A_938 : i32 to vector<16xi32>
        %add3A_940 = arith.addi %add3A_929, %add3A_939 : vector<16xi32>
        %add3A_941 = arith.constant 5 : i32
        %add3A_942 = vector.broadcast %add3A_941 : i32 to vector<16xi32>
        %add3A_943 = arith.addi %xor3A_937, %add3A_942 : vector<16xi32>
        %xor3A_944 = arith.xori %add3A_940, %add3A_943 : vector<16xi32>
        %mul3A_945 = arith.constant 16 : i32
        %mul3A_946 = arith.muli %scan3A_19, %mul3A_945 : i32
        %swap3A_947 = arith.constant 3 : i32
        %swap3A_948 = arith.index_cast %swap3A_947 : i32 to index
        %swap3A_949 = arith.index_cast %mul3A_946 : i32 to index
        %swap3A_950 = tpu.vector_load %arg3[%swap3A_948, %swap3A_949] {strides = array<i32>} : memref<8x4096xi32, #tpu.memory_space<vmem>>, vector<1x16xi32>,
        %swap3A_951 = vector.shape_cast %swap3A_950 : vector<1x16xi32> to vector<16xi32>
        %swap3A_952 = vector.shape_cast %xor3A_944 : vector<16xi32> to vector<1x16xi32>
        tpu.vector_store %arg3[%swap3A_948, %swap3A_949], %swap3A_952 {strides = array<i32>} : memref<8x4096xi32, #tpu.memory_space<vmem>>, vector<1x16xi32>,
        %add3A_953 = arith.constant 4 : i32
        %add3A_954 = arith.addi %mul3A_2, %add3A_953 : i32
        %mul3A_955 = arith.constant 100000 : i32
        %mul3A_956 = arith.muli %add3A_954, %mul3A_955 : i32
        %add3A_957 = arith.addi %mul3A_956, %add3A_22 : i32
        %add3A_958 = vector.broadcast %add3A_957 : i32 to vector<16xi32>
        %add3A_959 = arith.addi %add3A_958, %iota3A : vector<16xi32>
        %broadcast_in_dim3A_960 = arith.constant 0 : i32
        %broadcast_in_dim3A_961 = vector.broadcast %broadcast_in_dim3A_960 : i32 to vector<16xi32>
        %add3A_962 = arith.constant 0 : i32
        %add3A_963 = vector.broadcast %add3A_962 : i32 to vector<16xi32>
        %add3A_964 = arith.addi %broadcast_in_dim3A_961, %add3A_963 : vector<16xi32>
        %add3A_965 = arith.constant 42 : i32
        %add3A_966 = vector.broadcast %add3A_965 : i32 to vector<16xi32>
        %add3A_967 = arith.addi %add3A_959, %add3A_966 : vector<16xi32>
        %add3A_968 = arith.addi %add3A_964, %add3A_967 : vector<16xi32>
        %shift_left3A_969 = arith.constant 13 : i32
        %shift_left3A_970 = vector.broadcast %shift_left3A_969 : i32 to vector<16xi32>
        %shift_left3A_971 = arith.shli %add3A_967, %shift_left3A_970 : vector<16xi32>
        %shift_right_logical3A_972 = arith.constant 19 : i32
        %shift_right_logical3A_973 = vector.broadcast %shift_right_logical3A_972 : i32 to vector<16xi32>
        %shift_right_logical3A_974 = arith.shrui %add3A_967, %shift_right_logical3A_973 : vector<16xi32>
        %or3A_975 = arith.ori %shift_left3A_971, %shift_right_logical3A_974 : vector<16xi32>
        %xor3A_976 = arith.xori %or3A_975, %add3A_968 : vector<16xi32>
        %add3A_977 = arith.addi %add3A_968, %xor3A_976 : vector<16xi32>
        %shift_left3A_978 = arith.constant 15 : i32
        %shift_left3A_979 = vector.broadcast %shift_left3A_978 : i32 to vector<16xi32>
        %shift_left3A_980 = arith.shli %xor3A_976, %shift_left3A_979 : vector<16xi32>
        %shift_right_logical3A_981 = arith.constant 17 : i32
        %shift_right_logical3A_982 = vector.broadcast %shift_right_logical3A_981 : i32 to vector<16xi32>
        %shift_right_logical3A_983 = arith.shrui %xor3A_976, %shift_right_logical3A_982 : vector<16xi32>
        %or3A_984 = arith.ori %shift_left3A_980, %shift_right_logical3A_983 : vector<16xi32>
        %xor3A_985 = arith.xori %or3A_984, %add3A_977 : vector<16xi32>
        %add3A_986 = arith.addi %add3A_977, %xor3A_985 : vector<16xi32>
        %shift_left3A_987 = arith.constant 26 : i32
        %shift_left3A_988 = vector.broadcast %shift_left3A_987 : i32 to vector<16xi32>
        %shift_left3A_989 = arith.shli %xor3A_985, %shift_left3A_988 : vector<16xi32>
        %shift_right_logical3A_990 = arith.constant 6 : i32
        %shift_right_logical3A_991 = vector.broadcast %shift_right_logical3A_990 : i32 to vector<16xi32>
        %shift_right_logical3A_992 = arith.shrui %xor3A_985, %shift_right_logical3A_991 : vector<16xi32>
        %or3A_993 = arith.ori %shift_left3A_989, %shift_right_logical3A_992 : vector<16xi32>
        %xor3A_994 = arith.xori %or3A_993, %add3A_986 : vector<16xi32>
        %add3A_995 = arith.addi %add3A_986, %xor3A_994 : vector<16xi32>
        %shift_left3A_996 = arith.constant 6 : i32
        %shift_left3A_997 = vector.broadcast %shift_left3A_996 : i32 to vector<16xi32>
        %shift_left3A_998 = arith.shli %xor3A_994, %shift_left3A_997 : vector<16xi32>
        %shift_right_logical3A_999 = arith.constant 26 : i32
        %shift_right_logical3A_1000 = vector.broadcast %shift_right_logical3A_999 : i32 to vector<16xi32>
        %shift_right_logical3A_1001 = arith.shrui %xor3A_994, %shift_right_logical3A_1000 : vector<16xi32>
        %or3A_1002 = arith.ori %shift_left3A_998, %shift_right_logical3A_1001 : vector<16xi32>
        %xor3A_1003 = arith.xori %or3A_1002, %add3A_995 : vector<16xi32>
        %add3A_1004 = arith.constant 42 : i32
        %add3A_1005 = vector.broadcast %add3A_1004 : i32 to vector<16xi32>
        %add3A_1006 = arith.addi %add3A_995, %add3A_1005 : vector<16xi32>
        %add3A_1007 = arith.constant 466689009 : i32
        %add3A_1008 = vector.broadcast %add3A_1007 : i32 to vector<16xi32>
        %add3A_1009 = arith.addi %xor3A_1003, %add3A_1008 : vector<16xi32>
        %add3A_1010 = arith.addi %add3A_1006, %add3A_1009 : vector<16xi32>
        %shift_left3A_1011 = arith.constant 17 : i32
        %shift_left3A_1012 = vector.broadcast %shift_left3A_1011 : i32 to vector<16xi32>
        %shift_left3A_1013 = arith.shli %add3A_1009, %shift_left3A_1012 : vector<16xi32>
        %shift_right_logical3A_1014 = arith.constant 15 : i32
        %shift_right_logical3A_1015 = vector.broadcast %shift_right_logical3A_1014 : i32 to vector<16xi32>
        %shift_right_logical3A_1016 = arith.shrui %add3A_1009, %shift_right_logical3A_1015 : vector<16xi32>
        %or3A_1017 = arith.ori %shift_left3A_1013, %shift_right_logical3A_1016 : vector<16xi32>
        %xor3A_1018 = arith.xori %or3A_1017, %add3A_1010 : vector<16xi32>
        %add3A_1019 = arith.addi %add3A_1010, %xor3A_1018 : vector<16xi32>
        %shift_left3A_1020 = arith.constant 29 : i32
        %shift_left3A_1021 = vector.broadcast %shift_left3A_1020 : i32 to vector<16xi32>
        %shift_left3A_1022 = arith.shli %xor3A_1018, %shift_left3A_1021 : vector<16xi32>
        %shift_right_logical3A_1023 = arith.constant 3 : i32
        %shift_right_logical3A_1024 = vector.broadcast %shift_right_logical3A_1023 : i32 to vector<16xi32>
        %shift_right_logical3A_1025 = arith.shrui %xor3A_1018, %shift_right_logical3A_1024 : vector<16xi32>
        %or3A_1026 = arith.ori %shift_left3A_1022, %shift_right_logical3A_1025 : vector<16xi32>
        %xor3A_1027 = arith.xori %or3A_1026, %add3A_1019 : vector<16xi32>
        %add3A_1028 = arith.addi %add3A_1019, %xor3A_1027 : vector<16xi32>
        %shift_left3A_1029 = arith.constant 16 : i32
        %shift_left3A_1030 = vector.broadcast %shift_left3A_1029 : i32 to vector<16xi32>
        %shift_left3A_1031 = arith.shli %xor3A_1027, %shift_left3A_1030 : vector<16xi32>
        %shift_right_logical3A_1032 = arith.constant 16 : i32
        %shift_right_logical3A_1033 = vector.broadcast %shift_right_logical3A_1032 : i32 to vector<16xi32>
        %shift_right_logical3A_1034 = arith.shrui %xor3A_1027, %shift_right_logical3A_1033 : vector<16xi32>
        %or3A_1035 = arith.ori %shift_left3A_1031, %shift_right_logical3A_1034 : vector<16xi32>
        %xor3A_1036 = arith.xori %or3A_1035, %add3A_1028 : vector<16xi32>
        %add3A_1037 = arith.addi %add3A_1028, %xor3A_1036 : vector<16xi32>
        %shift_left3A_1038 = arith.constant 24 : i32
        %shift_left3A_1039 = vector.broadcast %shift_left3A_1038 : i32 to vector<16xi32>
        %shift_left3A_1040 = arith.shli %xor3A_1036, %shift_left3A_1039 : vector<16xi32>
        %shift_right_logical3A_1041 = arith.constant 8 : i32
        %shift_right_logical3A_1042 = vector.broadcast %shift_right_logical3A_1041 : i32 to vector<16xi32>
        %shift_right_logical3A_1043 = arith.shrui %xor3A_1036, %shift_right_logical3A_1042 : vector<16xi32>
        %or3A_1044 = arith.ori %shift_left3A_1040, %shift_right_logical3A_1043 : vector<16xi32>
        %xor3A_1045 = arith.xori %or3A_1044, %add3A_1037 : vector<16xi32>
        %add3A_1046 = arith.constant 466689008 : i32
        %add3A_1047 = vector.broadcast %add3A_1046 : i32 to vector<16xi32>
        %add3A_1048 = arith.addi %add3A_1037, %add3A_1047 : vector<16xi32>
        %add3A_1049 = arith.constant 2 : i32
        %add3A_1050 = vector.broadcast %add3A_1049 : i32 to vector<16xi32>
        %add3A_1051 = arith.addi %xor3A_1045, %add3A_1050 : vector<16xi32>
        %add3A_1052 = arith.addi %add3A_1048, %add3A_1051 : vector<16xi32>
        %shift_left3A_1053 = arith.constant 13 : i32
        %shift_left3A_1054 = vector.broadcast %shift_left3A_1053 : i32 to vector<16xi32>
        %shift_left3A_1055 = arith.shli %add3A_1051, %shift_left3A_1054 : vector<16xi32>
        %shift_right_logical3A_1056 = arith.constant 19 : i32
        %shift_right_logical3A_1057 = vector.broadcast %shift_right_logical3A_1056 : i32 to vector<16xi32>
        %shift_right_logical3A_1058 = arith.shrui %add3A_1051, %shift_right_logical3A_1057 : vector<16xi32>
        %or3A_1059 = arith.ori %shift_left3A_1055, %shift_right_logical3A_1058 : vector<16xi32>
        %xor3A_1060 = arith.xori %or3A_1059, %add3A_1052 : vector<16xi32>
        %add3A_1061 = arith.addi %add3A_1052, %xor3A_1060 : vector<16xi32>
        %shift_left3A_1062 = arith.constant 15 : i32
        %shift_left3A_1063 = vector.broadcast %shift_left3A_1062 : i32 to vector<16xi32>
        %shift_left3A_1064 = arith.shli %xor3A_1060, %shift_left3A_1063 : vector<16xi32>
        %shift_right_logical3A_1065 = arith.constant 17 : i32
        %shift_right_logical3A_1066 = vector.broadcast %shift_right_logical3A_1065 : i32 to vector<16xi32>
        %shift_right_logical3A_1067 = arith.shrui %xor3A_1060, %shift_right_logical3A_1066 : vector<16xi32>
        %or3A_1068 = arith.ori %shift_left3A_1064, %shift_right_logical3A_1067 : vector<16xi32>
        %xor3A_1069 = arith.xori %or3A_1068, %add3A_1061 : vector<16xi32>
        %add3A_1070 = arith.addi %add3A_1061, %xor3A_1069 : vector<16xi32>
        %shift_left3A_1071 = arith.constant 26 : i32
        %shift_left3A_1072 = vector.broadcast %shift_left3A_1071 : i32 to vector<16xi32>
        %shift_left3A_1073 = arith.shli %xor3A_1069, %shift_left3A_1072 : vector<16xi32>
        %shift_right_logical3A_1074 = arith.constant 6 : i32
        %shift_right_logical3A_1075 = vector.broadcast %shift_right_logical3A_1074 : i32 to vector<16xi32>
        %shift_right_logical3A_1076 = arith.shrui %xor3A_1069, %shift_right_logical3A_1075 : vector<16xi32>
        %or3A_1077 = arith.ori %shift_left3A_1073, %shift_right_logical3A_1076 : vector<16xi32>
        %xor3A_1078 = arith.xori %or3A_1077, %add3A_1070 : vector<16xi32>
        %add3A_1079 = arith.addi %add3A_1070, %xor3A_1078 : vector<16xi32>
        %shift_left3A_1080 = arith.constant 6 : i32
        %shift_left3A_1081 = vector.broadcast %shift_left3A_1080 : i32 to vector<16xi32>
        %shift_left3A_1082 = arith.shli %xor3A_1078, %shift_left3A_1081 : vector<16xi32>
        %shift_right_logical3A_1083 = arith.constant 26 : i32
        %shift_right_logical3A_1084 = vector.broadcast %shift_right_logical3A_1083 : i32 to vector<16xi32>
        %shift_right_logical3A_1085 = arith.shrui %xor3A_1078, %shift_right_logical3A_1084 : vector<16xi32>
        %or3A_1086 = arith.ori %shift_left3A_1082, %shift_right_logical3A_1085 : vector<16xi32>
        %xor3A_1087 = arith.xori %or3A_1086, %add3A_1079 : vector<16xi32>
        %add3A_1088 = arith.constant 0 : i32
        %add3A_1089 = vector.broadcast %add3A_1088 : i32 to vector<16xi32>
        %add3A_1090 = arith.addi %add3A_1079, %add3A_1089 : vector<16xi32>
        %add3A_1091 = arith.constant 45 : i32
        %add3A_1092 = vector.broadcast %add3A_1091 : i32 to vector<16xi32>
        %add3A_1093 = arith.addi %xor3A_1087, %add3A_1092 : vector<16xi32>
        %add3A_1094 = arith.addi %add3A_1090, %add3A_1093 : vector<16xi32>
        %shift_left3A_1095 = arith.constant 17 : i32
        %shift_left3A_1096 = vector.broadcast %shift_left3A_1095 : i32 to vector<16xi32>
        %shift_left3A_1097 = arith.shli %add3A_1093, %shift_left3A_1096 : vector<16xi32>
        %shift_right_logical3A_1098 = arith.constant 15 : i32
        %shift_right_logical3A_1099 = vector.broadcast %shift_right_logical3A_1098 : i32 to vector<16xi32>
        %shift_right_logical3A_1100 = arith.shrui %add3A_1093, %shift_right_logical3A_1099 : vector<16xi32>
        %or3A_1101 = arith.ori %shift_left3A_1097, %shift_right_logical3A_1100 : vector<16xi32>
        %xor3A_1102 = arith.xori %or3A_1101, %add3A_1094 : vector<16xi32>
        %add3A_1103 = arith.addi %add3A_1094, %xor3A_1102 : vector<16xi32>
        %shift_left3A_1104 = arith.constant 29 : i32
        %shift_left3A_1105 = vector.broadcast %shift_left3A_1104 : i32 to vector<16xi32>
        %shift_left3A_1106 = arith.shli %xor3A_1102, %shift_left3A_1105 : vector<16xi32>
        %shift_right_logical3A_1107 = arith.constant 3 : i32
        %shift_right_logical3A_1108 = vector.broadcast %shift_right_logical3A_1107 : i32 to vector<16xi32>
        %shift_right_logical3A_1109 = arith.shrui %xor3A_1102, %shift_right_logical3A_1108 : vector<16xi32>
        %or3A_1110 = arith.ori %shift_left3A_1106, %shift_right_logical3A_1109 : vector<16xi32>
        %xor3A_1111 = arith.xori %or3A_1110, %add3A_1103 : vector<16xi32>
        %add3A_1112 = arith.addi %add3A_1103, %xor3A_1111 : vector<16xi32>
        %shift_left3A_1113 = arith.constant 16 : i32
        %shift_left3A_1114 = vector.broadcast %shift_left3A_1113 : i32 to vector<16xi32>
        %shift_left3A_1115 = arith.shli %xor3A_1111, %shift_left3A_1114 : vector<16xi32>
        %shift_right_logical3A_1116 = arith.constant 16 : i32
        %shift_right_logical3A_1117 = vector.broadcast %shift_right_logical3A_1116 : i32 to vector<16xi32>
        %shift_right_logical3A_1118 = arith.shrui %xor3A_1111, %shift_right_logical3A_1117 : vector<16xi32>
        %or3A_1119 = arith.ori %shift_left3A_1115, %shift_right_logical3A_1118 : vector<16xi32>
        %xor3A_1120 = arith.xori %or3A_1119, %add3A_1112 : vector<16xi32>
        %add3A_1121 = arith.addi %add3A_1112, %xor3A_1120 : vector<16xi32>
        %shift_left3A_1122 = arith.constant 24 : i32
        %shift_left3A_1123 = vector.broadcast %shift_left3A_1122 : i32 to vector<16xi32>
        %shift_left3A_1124 = arith.shli %xor3A_1120, %shift_left3A_1123 : vector<16xi32>
        %shift_right_logical3A_1125 = arith.constant 8 : i32
        %shift_right_logical3A_1126 = vector.broadcast %shift_right_logical3A_1125 : i32 to vector<16xi32>
        %shift_right_logical3A_1127 = arith.shrui %xor3A_1120, %shift_right_logical3A_1126 : vector<16xi32>
        %or3A_1128 = arith.ori %shift_left3A_1124, %shift_right_logical3A_1127 : vector<16xi32>
        %xor3A_1129 = arith.xori %or3A_1128, %add3A_1121 : vector<16xi32>
        %add3A_1130 = arith.constant 42 : i32
        %add3A_1131 = vector.broadcast %add3A_1130 : i32 to vector<16xi32>
        %add3A_1132 = arith.addi %add3A_1121, %add3A_1131 : vector<16xi32>
        %add3A_1133 = arith.constant 466689012 : i32
        %add3A_1134 = vector.broadcast %add3A_1133 : i32 to vector<16xi32>
        %add3A_1135 = arith.addi %xor3A_1129, %add3A_1134 : vector<16xi32>
        %add3A_1136 = arith.addi %add3A_1132, %add3A_1135 : vector<16xi32>
        %shift_left3A_1137 = arith.constant 13 : i32
        %shift_left3A_1138 = vector.broadcast %shift_left3A_1137 : i32 to vector<16xi32>
        %shift_left3A_1139 = arith.shli %add3A_1135, %shift_left3A_1138 : vector<16xi32>
        %shift_right_logical3A_1140 = arith.constant 19 : i32
        %shift_right_logical3A_1141 = vector.broadcast %shift_right_logical3A_1140 : i32 to vector<16xi32>
        %shift_right_logical3A_1142 = arith.shrui %add3A_1135, %shift_right_logical3A_1141 : vector<16xi32>
        %or3A_1143 = arith.ori %shift_left3A_1139, %shift_right_logical3A_1142 : vector<16xi32>
        %xor3A_1144 = arith.xori %or3A_1143, %add3A_1136 : vector<16xi32>
        %add3A_1145 = arith.addi %add3A_1136, %xor3A_1144 : vector<16xi32>
        %shift_left3A_1146 = arith.constant 15 : i32
        %shift_left3A_1147 = vector.broadcast %shift_left3A_1146 : i32 to vector<16xi32>
        %shift_left3A_1148 = arith.shli %xor3A_1144, %shift_left3A_1147 : vector<16xi32>
        %shift_right_logical3A_1149 = arith.constant 17 : i32
        %shift_right_logical3A_1150 = vector.broadcast %shift_right_logical3A_1149 : i32 to vector<16xi32>
        %shift_right_logical3A_1151 = arith.shrui %xor3A_1144, %shift_right_logical3A_1150 : vector<16xi32>
        %or3A_1152 = arith.ori %shift_left3A_1148, %shift_right_logical3A_1151 : vector<16xi32>
        %xor3A_1153 = arith.xori %or3A_1152, %add3A_1145 : vector<16xi32>
        %add3A_1154 = arith.addi %add3A_1145, %xor3A_1153 : vector<16xi32>
        %shift_left3A_1155 = arith.constant 26 : i32
        %shift_left3A_1156 = vector.broadcast %shift_left3A_1155 : i32 to vector<16xi32>
        %shift_left3A_1157 = arith.shli %xor3A_1153, %shift_left3A_1156 : vector<16xi32>
        %shift_right_logical3A_1158 = arith.constant 6 : i32
        %shift_right_logical3A_1159 = vector.broadcast %shift_right_logical3A_1158 : i32 to vector<16xi32>
        %shift_right_logical3A_1160 = arith.shrui %xor3A_1153, %shift_right_logical3A_1159 : vector<16xi32>
        %or3A_1161 = arith.ori %shift_left3A_1157, %shift_right_logical3A_1160 : vector<16xi32>
        %xor3A_1162 = arith.xori %or3A_1161, %add3A_1154 : vector<16xi32>
        %add3A_1163 = arith.addi %add3A_1154, %xor3A_1162 : vector<16xi32>
        %shift_left3A_1164 = arith.constant 6 : i32
        %shift_left3A_1165 = vector.broadcast %shift_left3A_1164 : i32 to vector<16xi32>
        %shift_left3A_1166 = arith.shli %xor3A_1162, %shift_left3A_1165 : vector<16xi32>
        %shift_right_logical3A_1167 = arith.constant 26 : i32
        %shift_right_logical3A_1168 = vector.broadcast %shift_right_logical3A_1167 : i32 to vector<16xi32>
        %shift_right_logical3A_1169 = arith.shrui %xor3A_1162, %shift_right_logical3A_1168 : vector<16xi32>
        %or3A_1170 = arith.ori %shift_left3A_1166, %shift_right_logical3A_1169 : vector<16xi32>
        %xor3A_1171 = arith.xori %or3A_1170, %add3A_1163 : vector<16xi32>
        %add3A_1172 = arith.constant 466689008 : i32
        %add3A_1173 = vector.broadcast %add3A_1172 : i32 to vector<16xi32>
        %add3A_1174 = arith.addi %add3A_1163, %add3A_1173 : vector<16xi32>
        %add3A_1175 = arith.constant 5 : i32
        %add3A_1176 = vector.broadcast %add3A_1175 : i32 to vector<16xi32>
        %add3A_1177 = arith.addi %xor3A_1171, %add3A_1176 : vector<16xi32>
        %xor3A_1178 = arith.xori %add3A_1174, %add3A_1177 : vector<16xi32>
        %mul3A_1179 = arith.constant 16 : i32
        %mul3A_1180 = arith.muli %scan3A_19, %mul3A_1179 : i32
        %swap3A_1181 = arith.constant 4 : i32
        %swap3A_1182 = arith.index_cast %swap3A_1181 : i32 to index
        %swap3A_1183 = arith.index_cast %mul3A_1180 : i32 to index
        %swap3A_1184 = tpu.vector_load %arg3[%swap3A_1182, %swap3A_1183] {strides = array<i32>} : memref<8x4096xi32, #tpu.memory_space<vmem>>, vector<1x16xi32>,
        %swap3A_1185 = vector.shape_cast %swap3A_1184 : vector<1x16xi32> to vector<16xi32>
        %swap3A_1186 = vector.shape_cast %xor3A_1178 : vector<16xi32> to vector<1x16xi32>
        tpu.vector_store %arg3[%swap3A_1182, %swap3A_1183], %swap3A_1186 {strides = array<i32>} : memref<8x4096xi32, #tpu.memory_space<vmem>>, vector<1x16xi32>,
        %add3A_1187 = arith.constant 5 : i32
        %add3A_1188 = arith.addi %mul3A_2, %add3A_1187 : i32
        %mul3A_1189 = arith.constant 100000 : i32
        %mul3A_1190 = arith.muli %add3A_1188, %mul3A_1189 : i32
        %add3A_1191 = arith.addi %mul3A_1190, %add3A_22 : i32
        %add3A_1192 = vector.broadcast %add3A_1191 : i32 to vector<16xi32>
        %add3A_1193 = arith.addi %add3A_1192, %iota3A : vector<16xi32>
        %broadcast_in_dim3A_1194 = arith.constant 0 : i32
        %broadcast_in_dim3A_1195 = vector.broadcast %broadcast_in_dim3A_1194 : i32 to vector<16xi32>
        %add3A_1196 = arith.constant 0 : i32
        %add3A_1197 = vector.broadcast %add3A_1196 : i32 to vector<16xi32>
        %add3A_1198 = arith.addi %broadcast_in_dim3A_1195, %add3A_1197 : vector<16xi32>
        %add3A_1199 = arith.constant 42 : i32
        %add3A_1200 = vector.broadcast %add3A_1199 : i32 to vector<16xi32>
        %add3A_1201 = arith.addi %add3A_1193, %add3A_1200 : vector<16xi32>
        %add3A_1202 = arith.addi %add3A_1198, %add3A_1201 : vector<16xi32>
        %shift_left3A_1203 = arith.constant 13 : i32
        %shift_left3A_1204 = vector.broadcast %shift_left3A_1203 : i32 to vector<16xi32>
        %shift_left3A_1205 = arith.shli %add3A_1201, %shift_left3A_1204 : vector<16xi32>
        %shift_right_logical3A_1206 = arith.constant 19 : i32
        %shift_right_logical3A_1207 = vector.broadcast %shift_right_logical3A_1206 : i32 to vector<16xi32>
        %shift_right_logical3A_1208 = arith.shrui %add3A_1201, %shift_right_logical3A_1207 : vector<16xi32>
        %or3A_1209 = arith.ori %shift_left3A_1205, %shift_right_logical3A_1208 : vector<16xi32>
        %xor3A_1210 = arith.xori %or3A_1209, %add3A_1202 : vector<16xi32>
        %add3A_1211 = arith.addi %add3A_1202, %xor3A_1210 : vector<16xi32>
        %shift_left3A_1212 = arith.constant 15 : i32
        %shift_left3A_1213 = vector.broadcast %shift_left3A_1212 : i32 to vector<16xi32>
        %shift_left3A_1214 = arith.shli %xor3A_1210, %shift_left3A_1213 : vector<16xi32>
        %shift_right_logical3A_1215 = arith.constant 17 : i32
        %shift_right_logical3A_1216 = vector.broadcast %shift_right_logical3A_1215 : i32 to vector<16xi32>
        %shift_right_logical3A_1217 = arith.shrui %xor3A_1210, %shift_right_logical3A_1216 : vector<16xi32>
        %or3A_1218 = arith.ori %shift_left3A_1214, %shift_right_logical3A_1217 : vector<16xi32>
        %xor3A_1219 = arith.xori %or3A_1218, %add3A_1211 : vector<16xi32>
        %add3A_1220 = arith.addi %add3A_1211, %xor3A_1219 : vector<16xi32>
        %shift_left3A_1221 = arith.constant 26 : i32
        %shift_left3A_1222 = vector.broadcast %shift_left3A_1221 : i32 to vector<16xi32>
        %shift_left3A_1223 = arith.shli %xor3A_1219, %shift_left3A_1222 : vector<16xi32>
        %shift_right_logical3A_1224 = arith.constant 6 : i32
        %shift_right_logical3A_1225 = vector.broadcast %shift_right_logical3A_1224 : i32 to vector<16xi32>
        %shift_right_logical3A_1226 = arith.shrui %xor3A_1219, %shift_right_logical3A_1225 : vector<16xi32>
        %or3A_1227 = arith.ori %shift_left3A_1223, %shift_right_logical3A_1226 : vector<16xi32>
        %xor3A_1228 = arith.xori %or3A_1227, %add3A_1220 : vector<16xi32>
        %add3A_1229 = arith.addi %add3A_1220, %xor3A_1228 : vector<16xi32>
        %shift_left3A_1230 = arith.constant 6 : i32
        %shift_left3A_1231 = vector.broadcast %shift_left3A_1230 : i32 to vector<16xi32>
        %shift_left3A_1232 = arith.shli %xor3A_1228, %shift_left3A_1231 : vector<16xi32>
        %shift_right_logical3A_1233 = arith.constant 26 : i32
        %shift_right_logical3A_1234 = vector.broadcast %shift_right_logical3A_1233 : i32 to vector<16xi32>
        %shift_right_logical3A_1235 = arith.shrui %xor3A_1228, %shift_right_logical3A_1234 : vector<16xi32>
        %or3A_1236 = arith.ori %shift_left3A_1232, %shift_right_logical3A_1235 : vector<16xi32>
        %xor3A_1237 = arith.xori %or3A_1236, %add3A_1229 : vector<16xi32>
        %add3A_1238 = arith.constant 42 : i32
        %add3A_1239 = vector.broadcast %add3A_1238 : i32 to vector<16xi32>
        %add3A_1240 = arith.addi %add3A_1229, %add3A_1239 : vector<16xi32>
        %add3A_1241 = arith.constant 466689009 : i32
        %add3A_1242 = vector.broadcast %add3A_1241 : i32 to vector<16xi32>
        %add3A_1243 = arith.addi %xor3A_1237, %add3A_1242 : vector<16xi32>
        %add3A_1244 = arith.addi %add3A_1240, %add3A_1243 : vector<16xi32>
        %shift_left3A_1245 = arith.constant 17 : i32
        %shift_left3A_1246 = vector.broadcast %shift_left3A_1245 : i32 to vector<16xi32>
        %shift_left3A_1247 = arith.shli %add3A_1243, %shift_left3A_1246 : vector<16xi32>
        %shift_right_logical3A_1248 = arith.constant 15 : i32
        %shift_right_logical3A_1249 = vector.broadcast %shift_right_logical3A_1248 : i32 to vector<16xi32>
        %shift_right_logical3A_1250 = arith.shrui %add3A_1243, %shift_right_logical3A_1249 : vector<16xi32>
        %or3A_1251 = arith.ori %shift_left3A_1247, %shift_right_logical3A_1250 : vector<16xi32>
        %xor3A_1252 = arith.xori %or3A_1251, %add3A_1244 : vector<16xi32>
        %add3A_1253 = arith.addi %add3A_1244, %xor3A_1252 : vector<16xi32>
        %shift_left3A_1254 = arith.constant 29 : i32
        %shift_left3A_1255 = vector.broadcast %shift_left3A_1254 : i32 to vector<16xi32>
        %shift_left3A_1256 = arith.shli %xor3A_1252, %shift_left3A_1255 : vector<16xi32>
        %shift_right_logical3A_1257 = arith.constant 3 : i32
        %shift_right_logical3A_1258 = vector.broadcast %shift_right_logical3A_1257 : i32 to vector<16xi32>
        %shift_right_logical3A_1259 = arith.shrui %xor3A_1252, %shift_right_logical3A_1258 : vector<16xi32>
        %or3A_1260 = arith.ori %shift_left3A_1256, %shift_right_logical3A_1259 : vector<16xi32>
        %xor3A_1261 = arith.xori %or3A_1260, %add3A_1253 : vector<16xi32>
        %add3A_1262 = arith.addi %add3A_1253, %xor3A_1261 : vector<16xi32>
        %shift_left3A_1263 = arith.constant 16 : i32
        %shift_left3A_1264 = vector.broadcast %shift_left3A_1263 : i32 to vector<16xi32>
        %shift_left3A_1265 = arith.shli %xor3A_1261, %shift_left3A_1264 : vector<16xi32>
        %shift_right_logical3A_1266 = arith.constant 16 : i32
        %shift_right_logical3A_1267 = vector.broadcast %shift_right_logical3A_1266 : i32 to vector<16xi32>
        %shift_right_logical3A_1268 = arith.shrui %xor3A_1261, %shift_right_logical3A_1267 : vector<16xi32>
        %or3A_1269 = arith.ori %shift_left3A_1265, %shift_right_logical3A_1268 : vector<16xi32>
        %xor3A_1270 = arith.xori %or3A_1269, %add3A_1262 : vector<16xi32>
        %add3A_1271 = arith.addi %add3A_1262, %xor3A_1270 : vector<16xi32>
        %shift_left3A_1272 = arith.constant 24 : i32
        %shift_left3A_1273 = vector.broadcast %shift_left3A_1272 : i32 to vector<16xi32>
        %shift_left3A_1274 = arith.shli %xor3A_1270, %shift_left3A_1273 : vector<16xi32>
        %shift_right_logical3A_1275 = arith.constant 8 : i32
        %shift_right_logical3A_1276 = vector.broadcast %shift_right_logical3A_1275 : i32 to vector<16xi32>
        %shift_right_logical3A_1277 = arith.shrui %xor3A_1270, %shift_right_logical3A_1276 : vector<16xi32>
        %or3A_1278 = arith.ori %shift_left3A_1274, %shift_right_logical3A_1277 : vector<16xi32>
        %xor3A_1279 = arith.xori %or3A_1278, %add3A_1271 : vector<16xi32>
        %add3A_1280 = arith.constant 466689008 : i32
        %add3A_1281 = vector.broadcast %add3A_1280 : i32 to vector<16xi32>
        %add3A_1282 = arith.addi %add3A_1271, %add3A_1281 : vector<16xi32>
        %add3A_1283 = arith.constant 2 : i32
        %add3A_1284 = vector.broadcast %add3A_1283 : i32 to vector<16xi32>
        %add3A_1285 = arith.addi %xor3A_1279, %add3A_1284 : vector<16xi32>
        %add3A_1286 = arith.addi %add3A_1282, %add3A_1285 : vector<16xi32>
        %shift_left3A_1287 = arith.constant 13 : i32
        %shift_left3A_1288 = vector.broadcast %shift_left3A_1287 : i32 to vector<16xi32>
        %shift_left3A_1289 = arith.shli %add3A_1285, %shift_left3A_1288 : vector<16xi32>
        %shift_right_logical3A_1290 = arith.constant 19 : i32
        %shift_right_logical3A_1291 = vector.broadcast %shift_right_logical3A_1290 : i32 to vector<16xi32>
        %shift_right_logical3A_1292 = arith.shrui %add3A_1285, %shift_right_logical3A_1291 : vector<16xi32>
        %or3A_1293 = arith.ori %shift_left3A_1289, %shift_right_logical3A_1292 : vector<16xi32>
        %xor3A_1294 = arith.xori %or3A_1293, %add3A_1286 : vector<16xi32>
        %add3A_1295 = arith.addi %add3A_1286, %xor3A_1294 : vector<16xi32>
        %shift_left3A_1296 = arith.constant 15 : i32
        %shift_left3A_1297 = vector.broadcast %shift_left3A_1296 : i32 to vector<16xi32>
        %shift_left3A_1298 = arith.shli %xor3A_1294, %shift_left3A_1297 : vector<16xi32>
        %shift_right_logical3A_1299 = arith.constant 17 : i32
        %shift_right_logical3A_1300 = vector.broadcast %shift_right_logical3A_1299 : i32 to vector<16xi32>
        %shift_right_logical3A_1301 = arith.shrui %xor3A_1294, %shift_right_logical3A_1300 : vector<16xi32>
        %or3A_1302 = arith.ori %shift_left3A_1298, %shift_right_logical3A_1301 : vector<16xi32>
        %xor3A_1303 = arith.xori %or3A_1302, %add3A_1295 : vector<16xi32>
        %add3A_1304 = arith.addi %add3A_1295, %xor3A_1303 : vector<16xi32>
        %shift_left3A_1305 = arith.constant 26 : i32
        %shift_left3A_1306 = vector.broadcast %shift_left3A_1305 : i32 to vector<16xi32>
        %shift_left3A_1307 = arith.shli %xor3A_1303, %shift_left3A_1306 : vector<16xi32>
        %shift_right_logical3A_1308 = arith.constant 6 : i32
        %shift_right_logical3A_1309 = vector.broadcast %shift_right_logical3A_1308 : i32 to vector<16xi32>
        %shift_right_logical3A_1310 = arith.shrui %xor3A_1303, %shift_right_logical3A_1309 : vector<16xi32>
        %or3A_1311 = arith.ori %shift_left3A_1307, %shift_right_logical3A_1310 : vector<16xi32>
        %xor3A_1312 = arith.xori %or3A_1311, %add3A_1304 : vector<16xi32>
        %add3A_1313 = arith.addi %add3A_1304, %xor3A_1312 : vector<16xi32>
        %shift_left3A_1314 = arith.constant 6 : i32
        %shift_left3A_1315 = vector.broadcast %shift_left3A_1314 : i32 to vector<16xi32>
        %shift_left3A_1316 = arith.shli %xor3A_1312, %shift_left3A_1315 : vector<16xi32>
        %shift_right_logical3A_1317 = arith.constant 26 : i32
        %shift_right_logical3A_1318 = vector.broadcast %shift_right_logical3A_1317 : i32 to vector<16xi32>
        %shift_right_logical3A_1319 = arith.shrui %xor3A_1312, %shift_right_logical3A_1318 : vector<16xi32>
        %or3A_1320 = arith.ori %shift_left3A_1316, %shift_right_logical3A_1319 : vector<16xi32>
        %xor3A_1321 = arith.xori %or3A_1320, %add3A_1313 : vector<16xi32>
        %add3A_1322 = arith.constant 0 : i32
        %add3A_1323 = vector.broadcast %add3A_1322 : i32 to vector<16xi32>
        %add3A_1324 = arith.addi %add3A_1313, %add3A_1323 : vector<16xi32>
        %add3A_1325 = arith.constant 45 : i32
        %add3A_1326 = vector.broadcast %add3A_1325 : i32 to vector<16xi32>
        %add3A_1327 = arith.addi %xor3A_1321, %add3A_1326 : vector<16xi32>
        %add3A_1328 = arith.addi %add3A_1324, %add3A_1327 : vector<16xi32>
        %shift_left3A_1329 = arith.constant 17 : i32
        %shift_left3A_1330 = vector.broadcast %shift_left3A_1329 : i32 to vector<16xi32>
        %shift_left3A_1331 = arith.shli %add3A_1327, %shift_left3A_1330 : vector<16xi32>
        %shift_right_logical3A_1332 = arith.constant 15 : i32
        %shift_right_logical3A_1333 = vector.broadcast %shift_right_logical3A_1332 : i32 to vector<16xi32>
        %shift_right_logical3A_1334 = arith.shrui %add3A_1327, %shift_right_logical3A_1333 : vector<16xi32>
        %or3A_1335 = arith.ori %shift_left3A_1331, %shift_right_logical3A_1334 : vector<16xi32>
        %xor3A_1336 = arith.xori %or3A_1335, %add3A_1328 : vector<16xi32>
        %add3A_1337 = arith.addi %add3A_1328, %xor3A_1336 : vector<16xi32>
        %shift_left3A_1338 = arith.constant 29 : i32
        %shift_left3A_1339 = vector.broadcast %shift_left3A_1338 : i32 to vector<16xi32>
        %shift_left3A_1340 = arith.shli %xor3A_1336, %shift_left3A_1339 : vector<16xi32>
        %shift_right_logical3A_1341 = arith.constant 3 : i32
        %shift_right_logical3A_1342 = vector.broadcast %shift_right_logical3A_1341 : i32 to vector<16xi32>
        %shift_right_logical3A_1343 = arith.shrui %xor3A_1336, %shift_right_logical3A_1342 : vector<16xi32>
        %or3A_1344 = arith.ori %shift_left3A_1340, %shift_right_logical3A_1343 : vector<16xi32>
        %xor3A_1345 = arith.xori %or3A_1344, %add3A_1337 : vector<16xi32>
        %add3A_1346 = arith.addi %add3A_1337, %xor3A_1345 : vector<16xi32>
        %shift_left3A_1347 = arith.constant 16 : i32
        %shift_left3A_1348 = vector.broadcast %shift_left3A_1347 : i32 to vector<16xi32>
        %shift_left3A_1349 = arith.shli %xor3A_1345, %shift_left3A_1348 : vector<16xi32>
        %shift_right_logical3A_1350 = arith.constant 16 : i32
        %shift_right_logical3A_1351 = vector.broadcast %shift_right_logical3A_1350 : i32 to vector<16xi32>
        %shift_right_logical3A_1352 = arith.shrui %xor3A_1345, %shift_right_logical3A_1351 : vector<16xi32>
        %or3A_1353 = arith.ori %shift_left3A_1349, %shift_right_logical3A_1352 : vector<16xi32>
        %xor3A_1354 = arith.xori %or3A_1353, %add3A_1346 : vector<16xi32>
        %add3A_1355 = arith.addi %add3A_1346, %xor3A_1354 : vector<16xi32>
        %shift_left3A_1356 = arith.constant 24 : i32
        %shift_left3A_1357 = vector.broadcast %shift_left3A_1356 : i32 to vector<16xi32>
        %shift_left3A_1358 = arith.shli %xor3A_1354, %shift_left3A_1357 : vector<16xi32>
        %shift_right_logical3A_1359 = arith.constant 8 : i32
        %shift_right_logical3A_1360 = vector.broadcast %shift_right_logical3A_1359 : i32 to vector<16xi32>
        %shift_right_logical3A_1361 = arith.shrui %xor3A_1354, %shift_right_logical3A_1360 : vector<16xi32>
        %or3A_1362 = arith.ori %shift_left3A_1358, %shift_right_logical3A_1361 : vector<16xi32>
        %xor3A_1363 = arith.xori %or3A_1362, %add3A_1355 : vector<16xi32>
        %add3A_1364 = arith.constant 42 : i32
        %add3A_1365 = vector.broadcast %add3A_1364 : i32 to vector<16xi32>
        %add3A_1366 = arith.addi %add3A_1355, %add3A_1365 : vector<16xi32>
        %add3A_1367 = arith.constant 466689012 : i32
        %add3A_1368 = vector.broadcast %add3A_1367 : i32 to vector<16xi32>
        %add3A_1369 = arith.addi %xor3A_1363, %add3A_1368 : vector<16xi32>
        %add3A_1370 = arith.addi %add3A_1366, %add3A_1369 : vector<16xi32>
        %shift_left3A_1371 = arith.constant 13 : i32
        %shift_left3A_1372 = vector.broadcast %shift_left3A_1371 : i32 to vector<16xi32>
        %shift_left3A_1373 = arith.shli %add3A_1369, %shift_left3A_1372 : vector<16xi32>
        %shift_right_logical3A_1374 = arith.constant 19 : i32
        %shift_right_logical3A_1375 = vector.broadcast %shift_right_logical3A_1374 : i32 to vector<16xi32>
        %shift_right_logical3A_1376 = arith.shrui %add3A_1369, %shift_right_logical3A_1375 : vector<16xi32>
        %or3A_1377 = arith.ori %shift_left3A_1373, %shift_right_logical3A_1376 : vector<16xi32>
        %xor3A_1378 = arith.xori %or3A_1377, %add3A_1370 : vector<16xi32>
        %add3A_1379 = arith.addi %add3A_1370, %xor3A_1378 : vector<16xi32>
        %shift_left3A_1380 = arith.constant 15 : i32
        %shift_left3A_1381 = vector.broadcast %shift_left3A_1380 : i32 to vector<16xi32>
        %shift_left3A_1382 = arith.shli %xor3A_1378, %shift_left3A_1381 : vector<16xi32>
        %shift_right_logical3A_1383 = arith.constant 17 : i32
        %shift_right_logical3A_1384 = vector.broadcast %shift_right_logical3A_1383 : i32 to vector<16xi32>
        %shift_right_logical3A_1385 = arith.shrui %xor3A_1378, %shift_right_logical3A_1384 : vector<16xi32>
        %or3A_1386 = arith.ori %shift_left3A_1382, %shift_right_logical3A_1385 : vector<16xi32>
        %xor3A_1387 = arith.xori %or3A_1386, %add3A_1379 : vector<16xi32>
        %add3A_1388 = arith.addi %add3A_1379, %xor3A_1387 : vector<16xi32>
        %shift_left3A_1389 = arith.constant 26 : i32
        %shift_left3A_1390 = vector.broadcast %shift_left3A_1389 : i32 to vector<16xi32>
        %shift_left3A_1391 = arith.shli %xor3A_1387, %shift_left3A_1390 : vector<16xi32>
        %shift_right_logical3A_1392 = arith.constant 6 : i32
        %shift_right_logical3A_1393 = vector.broadcast %shift_right_logical3A_1392 : i32 to vector<16xi32>
        %shift_right_logical3A_1394 = arith.shrui %xor3A_1387, %shift_right_logical3A_1393 : vector<16xi32>
        %or3A_1395 = arith.ori %shift_left3A_1391, %shift_right_logical3A_1394 : vector<16xi32>
        %xor3A_1396 = arith.xori %or3A_1395, %add3A_1388 : vector<16xi32>
        %add3A_1397 = arith.addi %add3A_1388, %xor3A_1396 : vector<16xi32>
        %shift_left3A_1398 = arith.constant 6 : i32
        %shift_left3A_1399 = vector.broadcast %shift_left3A_1398 : i32 to vector<16xi32>
        %shift_left3A_1400 = arith.shli %xor3A_1396, %shift_left3A_1399 : vector<16xi32>
        %shift_right_logical3A_1401 = arith.constant 26 : i32
        %shift_right_logical3A_1402 = vector.broadcast %shift_right_logical3A_1401 : i32 to vector<16xi32>
        %shift_right_logical3A_1403 = arith.shrui %xor3A_1396, %shift_right_logical3A_1402 : vector<16xi32>
        %or3A_1404 = arith.ori %shift_left3A_1400, %shift_right_logical3A_1403 : vector<16xi32>
        %xor3A_1405 = arith.xori %or3A_1404, %add3A_1397 : vector<16xi32>
        %add3A_1406 = arith.constant 466689008 : i32
        %add3A_1407 = vector.broadcast %add3A_1406 : i32 to vector<16xi32>
        %add3A_1408 = arith.addi %add3A_1397, %add3A_1407 : vector<16xi32>
        %add3A_1409 = arith.constant 5 : i32
        %add3A_1410 = vector.broadcast %add3A_1409 : i32 to vector<16xi32>
        %add3A_1411 = arith.addi %xor3A_1405, %add3A_1410 : vector<16xi32>
        %xor3A_1412 = arith.xori %add3A_1408, %add3A_1411 : vector<16xi32>
        %mul3A_1413 = arith.constant 16 : i32
        %mul3A_1414 = arith.muli %scan3A_19, %mul3A_1413 : i32
        %swap3A_1415 = arith.constant 5 : i32
        %swap3A_1416 = arith.index_cast %swap3A_1415 : i32 to index
        %swap3A_1417 = arith.index_cast %mul3A_1414 : i32 to index
        %swap3A_1418 = tpu.vector_load %arg3[%swap3A_1416, %swap3A_1417] {strides = array<i32>} : memref<8x4096xi32, #tpu.memory_space<vmem>>, vector<1x16xi32>,
        %swap3A_1419 = vector.shape_cast %swap3A_1418 : vector<1x16xi32> to vector<16xi32>
        %swap3A_1420 = vector.shape_cast %xor3A_1412 : vector<16xi32> to vector<1x16xi32>
        tpu.vector_store %arg3[%swap3A_1416, %swap3A_1417], %swap3A_1420 {strides = array<i32>} : memref<8x4096xi32, #tpu.memory_space<vmem>>, vector<1x16xi32>,
        %add3A_1421 = arith.constant 6 : i32
        %add3A_1422 = arith.addi %mul3A_2, %add3A_1421 : i32
        %mul3A_1423 = arith.constant 100000 : i32
        %mul3A_1424 = arith.muli %add3A_1422, %mul3A_1423 : i32
        %add3A_1425 = arith.addi %mul3A_1424, %add3A_22 : i32
        %add3A_1426 = vector.broadcast %add3A_1425 : i32 to vector<16xi32>
        %add3A_1427 = arith.addi %add3A_1426, %iota3A : vector<16xi32>
        %broadcast_in_dim3A_1428 = arith.constant 0 : i32
        %broadcast_in_dim3A_1429 = vector.broadcast %broadcast_in_dim3A_1428 : i32 to vector<16xi32>
        %add3A_1430 = arith.constant 0 : i32
        %add3A_1431 = vector.broadcast %add3A_1430 : i32 to vector<16xi32>
        %add3A_1432 = arith.addi %broadcast_in_dim3A_1429, %add3A_1431 : vector<16xi32>
        %add3A_1433 = arith.constant 42 : i32
        %add3A_1434 = vector.broadcast %add3A_1433 : i32 to vector<16xi32>
        %add3A_1435 = arith.addi %add3A_1427, %add3A_1434 : vector<16xi32>
        %add3A_1436 = arith.addi %add3A_1432, %add3A_1435 : vector<16xi32>
        %shift_left3A_1437 = arith.constant 13 : i32
        %shift_left3A_1438 = vector.broadcast %shift_left3A_1437 : i32 to vector<16xi32>
        %shift_left3A_1439 = arith.shli %add3A_1435, %shift_left3A_1438 : vector<16xi32>
        %shift_right_logical3A_1440 = arith.constant 19 : i32
        %shift_right_logical3A_1441 = vector.broadcast %shift_right_logical3A_1440 : i32 to vector<16xi32>
        %shift_right_logical3A_1442 = arith.shrui %add3A_1435, %shift_right_logical3A_1441 : vector<16xi32>
        %or3A_1443 = arith.ori %shift_left3A_1439, %shift_right_logical3A_1442 : vector<16xi32>
        %xor3A_1444 = arith.xori %or3A_1443, %add3A_1436 : vector<16xi32>
        %add3A_1445 = arith.addi %add3A_1436, %xor3A_1444 : vector<16xi32>
        %shift_left3A_1446 = arith.constant 15 : i32
        %shift_left3A_1447 = vector.broadcast %shift_left3A_1446 : i32 to vector<16xi32>
        %shift_left3A_1448 = arith.shli %xor3A_1444, %shift_left3A_1447 : vector<16xi32>
        %shift_right_logical3A_1449 = arith.constant 17 : i32
        %shift_right_logical3A_1450 = vector.broadcast %shift_right_logical3A_1449 : i32 to vector<16xi32>
        %shift_right_logical3A_1451 = arith.shrui %xor3A_1444, %shift_right_logical3A_1450 : vector<16xi32>
        %or3A_1452 = arith.ori %shift_left3A_1448, %shift_right_logical3A_1451 : vector<16xi32>
        %xor3A_1453 = arith.xori %or3A_1452, %add3A_1445 : vector<16xi32>
        %add3A_1454 = arith.addi %add3A_1445, %xor3A_1453 : vector<16xi32>
        %shift_left3A_1455 = arith.constant 26 : i32
        %shift_left3A_1456 = vector.broadcast %shift_left3A_1455 : i32 to vector<16xi32>
        %shift_left3A_1457 = arith.shli %xor3A_1453, %shift_left3A_1456 : vector<16xi32>
        %shift_right_logical3A_1458 = arith.constant 6 : i32
        %shift_right_logical3A_1459 = vector.broadcast %shift_right_logical3A_1458 : i32 to vector<16xi32>
        %shift_right_logical3A_1460 = arith.shrui %xor3A_1453, %shift_right_logical3A_1459 : vector<16xi32>
        %or3A_1461 = arith.ori %shift_left3A_1457, %shift_right_logical3A_1460 : vector<16xi32>
        %xor3A_1462 = arith.xori %or3A_1461, %add3A_1454 : vector<16xi32>
        %add3A_1463 = arith.addi %add3A_1454, %xor3A_1462 : vector<16xi32>
        %shift_left3A_1464 = arith.constant 6 : i32
        %shift_left3A_1465 = vector.broadcast %shift_left3A_1464 : i32 to vector<16xi32>
        %shift_left3A_1466 = arith.shli %xor3A_1462, %shift_left3A_1465 : vector<16xi32>
        %shift_right_logical3A_1467 = arith.constant 26 : i32
        %shift_right_logical3A_1468 = vector.broadcast %shift_right_logical3A_1467 : i32 to vector<16xi32>
        %shift_right_logical3A_1469 = arith.shrui %xor3A_1462, %shift_right_logical3A_1468 : vector<16xi32>
        %or3A_1470 = arith.ori %shift_left3A_1466, %shift_right_logical3A_1469 : vector<16xi32>
        %xor3A_1471 = arith.xori %or3A_1470, %add3A_1463 : vector<16xi32>
        %add3A_1472 = arith.constant 42 : i32
        %add3A_1473 = vector.broadcast %add3A_1472 : i32 to vector<16xi32>
        %add3A_1474 = arith.addi %add3A_1463, %add3A_1473 : vector<16xi32>
        %add3A_1475 = arith.constant 466689009 : i32
        %add3A_1476 = vector.broadcast %add3A_1475 : i32 to vector<16xi32>
        %add3A_1477 = arith.addi %xor3A_1471, %add3A_1476 : vector<16xi32>
        %add3A_1478 = arith.addi %add3A_1474, %add3A_1477 : vector<16xi32>
        %shift_left3A_1479 = arith.constant 17 : i32
        %shift_left3A_1480 = vector.broadcast %shift_left3A_1479 : i32 to vector<16xi32>
        %shift_left3A_1481 = arith.shli %add3A_1477, %shift_left3A_1480 : vector<16xi32>
        %shift_right_logical3A_1482 = arith.constant 15 : i32
        %shift_right_logical3A_1483 = vector.broadcast %shift_right_logical3A_1482 : i32 to vector<16xi32>
        %shift_right_logical3A_1484 = arith.shrui %add3A_1477, %shift_right_logical3A_1483 : vector<16xi32>
        %or3A_1485 = arith.ori %shift_left3A_1481, %shift_right_logical3A_1484 : vector<16xi32>
        %xor3A_1486 = arith.xori %or3A_1485, %add3A_1478 : vector<16xi32>
        %add3A_1487 = arith.addi %add3A_1478, %xor3A_1486 : vector<16xi32>
        %shift_left3A_1488 = arith.constant 29 : i32
        %shift_left3A_1489 = vector.broadcast %shift_left3A_1488 : i32 to vector<16xi32>
        %shift_left3A_1490 = arith.shli %xor3A_1486, %shift_left3A_1489 : vector<16xi32>
        %shift_right_logical3A_1491 = arith.constant 3 : i32
        %shift_right_logical3A_1492 = vector.broadcast %shift_right_logical3A_1491 : i32 to vector<16xi32>
        %shift_right_logical3A_1493 = arith.shrui %xor3A_1486, %shift_right_logical3A_1492 : vector<16xi32>
        %or3A_1494 = arith.ori %shift_left3A_1490, %shift_right_logical3A_1493 : vector<16xi32>
        %xor3A_1495 = arith.xori %or3A_1494, %add3A_1487 : vector<16xi32>
        %add3A_1496 = arith.addi %add3A_1487, %xor3A_1495 : vector<16xi32>
        %shift_left3A_1497 = arith.constant 16 : i32
        %shift_left3A_1498 = vector.broadcast %shift_left3A_1497 : i32 to vector<16xi32>
        %shift_left3A_1499 = arith.shli %xor3A_1495, %shift_left3A_1498 : vector<16xi32>
        %shift_right_logical3A_1500 = arith.constant 16 : i32
        %shift_right_logical3A_1501 = vector.broadcast %shift_right_logical3A_1500 : i32 to vector<16xi32>
        %shift_right_logical3A_1502 = arith.shrui %xor3A_1495, %shift_right_logical3A_1501 : vector<16xi32>
        %or3A_1503 = arith.ori %shift_left3A_1499, %shift_right_logical3A_1502 : vector<16xi32>
        %xor3A_1504 = arith.xori %or3A_1503, %add3A_1496 : vector<16xi32>
        %add3A_1505 = arith.addi %add3A_1496, %xor3A_1504 : vector<16xi32>
        %shift_left3A_1506 = arith.constant 24 : i32
        %shift_left3A_1507 = vector.broadcast %shift_left3A_1506 : i32 to vector<16xi32>
        %shift_left3A_1508 = arith.shli %xor3A_1504, %shift_left3A_1507 : vector<16xi32>
        %shift_right_logical3A_1509 = arith.constant 8 : i32
        %shift_right_logical3A_1510 = vector.broadcast %shift_right_logical3A_1509 : i32 to vector<16xi32>
        %shift_right_logical3A_1511 = arith.shrui %xor3A_1504, %shift_right_logical3A_1510 : vector<16xi32>
        %or3A_1512 = arith.ori %shift_left3A_1508, %shift_right_logical3A_1511 : vector<16xi32>
        %xor3A_1513 = arith.xori %or3A_1512, %add3A_1505 : vector<16xi32>
        %add3A_1514 = arith.constant 466689008 : i32
        %add3A_1515 = vector.broadcast %add3A_1514 : i32 to vector<16xi32>
        %add3A_1516 = arith.addi %add3A_1505, %add3A_1515 : vector<16xi32>
        %add3A_1517 = arith.constant 2 : i32
        %add3A_1518 = vector.broadcast %add3A_1517 : i32 to vector<16xi32>
        %add3A_1519 = arith.addi %xor3A_1513, %add3A_1518 : vector<16xi32>
        %add3A_1520 = arith.addi %add3A_1516, %add3A_1519 : vector<16xi32>
        %shift_left3A_1521 = arith.constant 13 : i32
        %shift_left3A_1522 = vector.broadcast %shift_left3A_1521 : i32 to vector<16xi32>
        %shift_left3A_1523 = arith.shli %add3A_1519, %shift_left3A_1522 : vector<16xi32>
        %shift_right_logical3A_1524 = arith.constant 19 : i32
        %shift_right_logical3A_1525 = vector.broadcast %shift_right_logical3A_1524 : i32 to vector<16xi32>
        %shift_right_logical3A_1526 = arith.shrui %add3A_1519, %shift_right_logical3A_1525 : vector<16xi32>
        %or3A_1527 = arith.ori %shift_left3A_1523, %shift_right_logical3A_1526 : vector<16xi32>
        %xor3A_1528 = arith.xori %or3A_1527, %add3A_1520 : vector<16xi32>
        %add3A_1529 = arith.addi %add3A_1520, %xor3A_1528 : vector<16xi32>
        %shift_left3A_1530 = arith.constant 15 : i32
        %shift_left3A_1531 = vector.broadcast %shift_left3A_1530 : i32 to vector<16xi32>
        %shift_left3A_1532 = arith.shli %xor3A_1528, %shift_left3A_1531 : vector<16xi32>
        %shift_right_logical3A_1533 = arith.constant 17 : i32
        %shift_right_logical3A_1534 = vector.broadcast %shift_right_logical3A_1533 : i32 to vector<16xi32>
        %shift_right_logical3A_1535 = arith.shrui %xor3A_1528, %shift_right_logical3A_1534 : vector<16xi32>
        %or3A_1536 = arith.ori %shift_left3A_1532, %shift_right_logical3A_1535 : vector<16xi32>
        %xor3A_1537 = arith.xori %or3A_1536, %add3A_1529 : vector<16xi32>
        %add3A_1538 = arith.addi %add3A_1529, %xor3A_1537 : vector<16xi32>
        %shift_left3A_1539 = arith.constant 26 : i32
        %shift_left3A_1540 = vector.broadcast %shift_left3A_1539 : i32 to vector<16xi32>
        %shift_left3A_1541 = arith.shli %xor3A_1537, %shift_left3A_1540 : vector<16xi32>
        %shift_right_logical3A_1542 = arith.constant 6 : i32
        %shift_right_logical3A_1543 = vector.broadcast %shift_right_logical3A_1542 : i32 to vector<16xi32>
        %shift_right_logical3A_1544 = arith.shrui %xor3A_1537, %shift_right_logical3A_1543 : vector<16xi32>
        %or3A_1545 = arith.ori %shift_left3A_1541, %shift_right_logical3A_1544 : vector<16xi32>
        %xor3A_1546 = arith.xori %or3A_1545, %add3A_1538 : vector<16xi32>
        %add3A_1547 = arith.addi %add3A_1538, %xor3A_1546 : vector<16xi32>
        %shift_left3A_1548 = arith.constant 6 : i32
        %shift_left3A_1549 = vector.broadcast %shift_left3A_1548 : i32 to vector<16xi32>
        %shift_left3A_1550 = arith.shli %xor3A_1546, %shift_left3A_1549 : vector<16xi32>
        %shift_right_logical3A_1551 = arith.constant 26 : i32
        %shift_right_logical3A_1552 = vector.broadcast %shift_right_logical3A_1551 : i32 to vector<16xi32>
        %shift_right_logical3A_1553 = arith.shrui %xor3A_1546, %shift_right_logical3A_1552 : vector<16xi32>
        %or3A_1554 = arith.ori %shift_left3A_1550, %shift_right_logical3A_1553 : vector<16xi32>
        %xor3A_1555 = arith.xori %or3A_1554, %add3A_1547 : vector<16xi32>
        %add3A_1556 = arith.constant 0 : i32
        %add3A_1557 = vector.broadcast %add3A_1556 : i32 to vector<16xi32>
        %add3A_1558 = arith.addi %add3A_1547, %add3A_1557 : vector<16xi32>
        %add3A_1559 = arith.constant 45 : i32
        %add3A_1560 = vector.broadcast %add3A_1559 : i32 to vector<16xi32>
        %add3A_1561 = arith.addi %xor3A_1555, %add3A_1560 : vector<16xi32>
        %add3A_1562 = arith.addi %add3A_1558, %add3A_1561 : vector<16xi32>
        %shift_left3A_1563 = arith.constant 17 : i32
        %shift_left3A_1564 = vector.broadcast %shift_left3A_1563 : i32 to vector<16xi32>
        %shift_left3A_1565 = arith.shli %add3A_1561, %shift_left3A_1564 : vector<16xi32>
        %shift_right_logical3A_1566 = arith.constant 15 : i32
        %shift_right_logical3A_1567 = vector.broadcast %shift_right_logical3A_1566 : i32 to vector<16xi32>
        %shift_right_logical3A_1568 = arith.shrui %add3A_1561, %shift_right_logical3A_1567 : vector<16xi32>
        %or3A_1569 = arith.ori %shift_left3A_1565, %shift_right_logical3A_1568 : vector<16xi32>
        %xor3A_1570 = arith.xori %or3A_1569, %add3A_1562 : vector<16xi32>
        %add3A_1571 = arith.addi %add3A_1562, %xor3A_1570 : vector<16xi32>
        %shift_left3A_1572 = arith.constant 29 : i32
        %shift_left3A_1573 = vector.broadcast %shift_left3A_1572 : i32 to vector<16xi32>
        %shift_left3A_1574 = arith.shli %xor3A_1570, %shift_left3A_1573 : vector<16xi32>
        %shift_right_logical3A_1575 = arith.constant 3 : i32
        %shift_right_logical3A_1576 = vector.broadcast %shift_right_logical3A_1575 : i32 to vector<16xi32>
        %shift_right_logical3A_1577 = arith.shrui %xor3A_1570, %shift_right_logical3A_1576 : vector<16xi32>
        %or3A_1578 = arith.ori %shift_left3A_1574, %shift_right_logical3A_1577 : vector<16xi32>
        %xor3A_1579 = arith.xori %or3A_1578, %add3A_1571 : vector<16xi32>
        %add3A_1580 = arith.addi %add3A_1571, %xor3A_1579 : vector<16xi32>
        %shift_left3A_1581 = arith.constant 16 : i32
        %shift_left3A_1582 = vector.broadcast %shift_left3A_1581 : i32 to vector<16xi32>
        %shift_left3A_1583 = arith.shli %xor3A_1579, %shift_left3A_1582 : vector<16xi32>
        %shift_right_logical3A_1584 = arith.constant 16 : i32
        %shift_right_logical3A_1585 = vector.broadcast %shift_right_logical3A_1584 : i32 to vector<16xi32>
        %shift_right_logical3A_1586 = arith.shrui %xor3A_1579, %shift_right_logical3A_1585 : vector<16xi32>
        %or3A_1587 = arith.ori %shift_left3A_1583, %shift_right_logical3A_1586 : vector<16xi32>
        %xor3A_1588 = arith.xori %or3A_1587, %add3A_1580 : vector<16xi32>
        %add3A_1589 = arith.addi %add3A_1580, %xor3A_1588 : vector<16xi32>
        %shift_left3A_1590 = arith.constant 24 : i32
        %shift_left3A_1591 = vector.broadcast %shift_left3A_1590 : i32 to vector<16xi32>
        %shift_left3A_1592 = arith.shli %xor3A_1588, %shift_left3A_1591 : vector<16xi32>
        %shift_right_logical3A_1593 = arith.constant 8 : i32
        %shift_right_logical3A_1594 = vector.broadcast %shift_right_logical3A_1593 : i32 to vector<16xi32>
        %shift_right_logical3A_1595 = arith.shrui %xor3A_1588, %shift_right_logical3A_1594 : vector<16xi32>
        %or3A_1596 = arith.ori %shift_left3A_1592, %shift_right_logical3A_1595 : vector<16xi32>
        %xor3A_1597 = arith.xori %or3A_1596, %add3A_1589 : vector<16xi32>
        %add3A_1598 = arith.constant 42 : i32
        %add3A_1599 = vector.broadcast %add3A_1598 : i32 to vector<16xi32>
        %add3A_1600 = arith.addi %add3A_1589, %add3A_1599 : vector<16xi32>
        %add3A_1601 = arith.constant 466689012 : i32
        %add3A_1602 = vector.broadcast %add3A_1601 : i32 to vector<16xi32>
        %add3A_1603 = arith.addi %xor3A_1597, %add3A_1602 : vector<16xi32>
        %add3A_1604 = arith.addi %add3A_1600, %add3A_1603 : vector<16xi32>
        %shift_left3A_1605 = arith.constant 13 : i32
        %shift_left3A_1606 = vector.broadcast %shift_left3A_1605 : i32 to vector<16xi32>
        %shift_left3A_1607 = arith.shli %add3A_1603, %shift_left3A_1606 : vector<16xi32>
        %shift_right_logical3A_1608 = arith.constant 19 : i32
        %shift_right_logical3A_1609 = vector.broadcast %shift_right_logical3A_1608 : i32 to vector<16xi32>
        %shift_right_logical3A_1610 = arith.shrui %add3A_1603, %shift_right_logical3A_1609 : vector<16xi32>
        %or3A_1611 = arith.ori %shift_left3A_1607, %shift_right_logical3A_1610 : vector<16xi32>
        %xor3A_1612 = arith.xori %or3A_1611, %add3A_1604 : vector<16xi32>
        %add3A_1613 = arith.addi %add3A_1604, %xor3A_1612 : vector<16xi32>
        %shift_left3A_1614 = arith.constant 15 : i32
        %shift_left3A_1615 = vector.broadcast %shift_left3A_1614 : i32 to vector<16xi32>
        %shift_left3A_1616 = arith.shli %xor3A_1612, %shift_left3A_1615 : vector<16xi32>
        %shift_right_logical3A_1617 = arith.constant 17 : i32
        %shift_right_logical3A_1618 = vector.broadcast %shift_right_logical3A_1617 : i32 to vector<16xi32>
        %shift_right_logical3A_1619 = arith.shrui %xor3A_1612, %shift_right_logical3A_1618 : vector<16xi32>
        %or3A_1620 = arith.ori %shift_left3A_1616, %shift_right_logical3A_1619 : vector<16xi32>
        %xor3A_1621 = arith.xori %or3A_1620, %add3A_1613 : vector<16xi32>
        %add3A_1622 = arith.addi %add3A_1613, %xor3A_1621 : vector<16xi32>
        %shift_left3A_1623 = arith.constant 26 : i32
        %shift_left3A_1624 = vector.broadcast %shift_left3A_1623 : i32 to vector<16xi32>
        %shift_left3A_1625 = arith.shli %xor3A_1621, %shift_left3A_1624 : vector<16xi32>
        %shift_right_logical3A_1626 = arith.constant 6 : i32
        %shift_right_logical3A_1627 = vector.broadcast %shift_right_logical3A_1626 : i32 to vector<16xi32>
        %shift_right_logical3A_1628 = arith.shrui %xor3A_1621, %shift_right_logical3A_1627 : vector<16xi32>
        %or3A_1629 = arith.ori %shift_left3A_1625, %shift_right_logical3A_1628 : vector<16xi32>
        %xor3A_1630 = arith.xori %or3A_1629, %add3A_1622 : vector<16xi32>
        %add3A_1631 = arith.addi %add3A_1622, %xor3A_1630 : vector<16xi32>
        %shift_left3A_1632 = arith.constant 6 : i32
        %shift_left3A_1633 = vector.broadcast %shift_left3A_1632 : i32 to vector<16xi32>
        %shift_left3A_1634 = arith.shli %xor3A_1630, %shift_left3A_1633 : vector<16xi32>
        %shift_right_logical3A_1635 = arith.constant 26 : i32
        %shift_right_logical3A_1636 = vector.broadcast %shift_right_logical3A_1635 : i32 to vector<16xi32>
        %shift_right_logical3A_1637 = arith.shrui %xor3A_1630, %shift_right_logical3A_1636 : vector<16xi32>
        %or3A_1638 = arith.ori %shift_left3A_1634, %shift_right_logical3A_1637 : vector<16xi32>
        %xor3A_1639 = arith.xori %or3A_1638, %add3A_1631 : vector<16xi32>
        %add3A_1640 = arith.constant 466689008 : i32
        %add3A_1641 = vector.broadcast %add3A_1640 : i32 to vector<16xi32>
        %add3A_1642 = arith.addi %add3A_1631, %add3A_1641 : vector<16xi32>
        %add3A_1643 = arith.constant 5 : i32
        %add3A_1644 = vector.broadcast %add3A_1643 : i32 to vector<16xi32>
        %add3A_1645 = arith.addi %xor3A_1639, %add3A_1644 : vector<16xi32>
        %xor3A_1646 = arith.xori %add3A_1642, %add3A_1645 : vector<16xi32>
        %mul3A_1647 = arith.constant 16 : i32
        %mul3A_1648 = arith.muli %scan3A_19, %mul3A_1647 : i32
        %swap3A_1649 = arith.constant 6 : i32
        %swap3A_1650 = arith.index_cast %swap3A_1649 : i32 to index
        %swap3A_1651 = arith.index_cast %mul3A_1648 : i32 to index
        %swap3A_1652 = tpu.vector_load %arg3[%swap3A_1650, %swap3A_1651] {strides = array<i32>} : memref<8x4096xi32, #tpu.memory_space<vmem>>, vector<1x16xi32>,
        %swap3A_1653 = vector.shape_cast %swap3A_1652 : vector<1x16xi32> to vector<16xi32>
        %swap3A_1654 = vector.shape_cast %xor3A_1646 : vector<16xi32> to vector<1x16xi32>
        tpu.vector_store %arg3[%swap3A_1650, %swap3A_1651], %swap3A_1654 {strides = array<i32>} : memref<8x4096xi32, #tpu.memory_space<vmem>>, vector<1x16xi32>,
        %add3A_1655 = arith.constant 7 : i32
        %add3A_1656 = arith.addi %mul3A_2, %add3A_1655 : i32
        %mul3A_1657 = arith.constant 100000 : i32
        %mul3A_1658 = arith.muli %add3A_1656, %mul3A_1657 : i32
        %add3A_1659 = arith.addi %mul3A_1658, %add3A_22 : i32
        %add3A_1660 = vector.broadcast %add3A_1659 : i32 to vector<16xi32>
        %add3A_1661 = arith.addi %add3A_1660, %iota3A : vector<16xi32>
        %broadcast_in_dim3A_1662 = arith.constant 0 : i32
        %broadcast_in_dim3A_1663 = vector.broadcast %broadcast_in_dim3A_1662 : i32 to vector<16xi32>
        %add3A_1664 = arith.constant 0 : i32
        %add3A_1665 = vector.broadcast %add3A_1664 : i32 to vector<16xi32>
        %add3A_1666 = arith.addi %broadcast_in_dim3A_1663, %add3A_1665 : vector<16xi32>
        %add3A_1667 = arith.constant 42 : i32
        %add3A_1668 = vector.broadcast %add3A_1667 : i32 to vector<16xi32>
        %add3A_1669 = arith.addi %add3A_1661, %add3A_1668 : vector<16xi32>
        %add3A_1670 = arith.addi %add3A_1666, %add3A_1669 : vector<16xi32>
        %shift_left3A_1671 = arith.constant 13 : i32
        %shift_left3A_1672 = vector.broadcast %shift_left3A_1671 : i32 to vector<16xi32>
        %shift_left3A_1673 = arith.shli %add3A_1669, %shift_left3A_1672 : vector<16xi32>
        %shift_right_logical3A_1674 = arith.constant 19 : i32
        %shift_right_logical3A_1675 = vector.broadcast %shift_right_logical3A_1674 : i32 to vector<16xi32>
        %shift_right_logical3A_1676 = arith.shrui %add3A_1669, %shift_right_logical3A_1675 : vector<16xi32>
        %or3A_1677 = arith.ori %shift_left3A_1673, %shift_right_logical3A_1676 : vector<16xi32>
        %xor3A_1678 = arith.xori %or3A_1677, %add3A_1670 : vector<16xi32>
        %add3A_1679 = arith.addi %add3A_1670, %xor3A_1678 : vector<16xi32>
        %shift_left3A_1680 = arith.constant 15 : i32
        %shift_left3A_1681 = vector.broadcast %shift_left3A_1680 : i32 to vector<16xi32>
        %shift_left3A_1682 = arith.shli %xor3A_1678, %shift_left3A_1681 : vector<16xi32>
        %shift_right_logical3A_1683 = arith.constant 17 : i32
        %shift_right_logical3A_1684 = vector.broadcast %shift_right_logical3A_1683 : i32 to vector<16xi32>
        %shift_right_logical3A_1685 = arith.shrui %xor3A_1678, %shift_right_logical3A_1684 : vector<16xi32>
        %or3A_1686 = arith.ori %shift_left3A_1682, %shift_right_logical3A_1685 : vector<16xi32>
        %xor3A_1687 = arith.xori %or3A_1686, %add3A_1679 : vector<16xi32>
        %add3A_1688 = arith.addi %add3A_1679, %xor3A_1687 : vector<16xi32>
        %shift_left3A_1689 = arith.constant 26 : i32
        %shift_left3A_1690 = vector.broadcast %shift_left3A_1689 : i32 to vector<16xi32>
        %shift_left3A_1691 = arith.shli %xor3A_1687, %shift_left3A_1690 : vector<16xi32>
        %shift_right_logical3A_1692 = arith.constant 6 : i32
        %shift_right_logical3A_1693 = vector.broadcast %shift_right_logical3A_1692 : i32 to vector<16xi32>
        %shift_right_logical3A_1694 = arith.shrui %xor3A_1687, %shift_right_logical3A_1693 : vector<16xi32>
        %or3A_1695 = arith.ori %shift_left3A_1691, %shift_right_logical3A_1694 : vector<16xi32>
        %xor3A_1696 = arith.xori %or3A_1695, %add3A_1688 : vector<16xi32>
        %add3A_1697 = arith.addi %add3A_1688, %xor3A_1696 : vector<16xi32>
        %shift_left3A_1698 = arith.constant 6 : i32
        %shift_left3A_1699 = vector.broadcast %shift_left3A_1698 : i32 to vector<16xi32>
        %shift_left3A_1700 = arith.shli %xor3A_1696, %shift_left3A_1699 : vector<16xi32>
        %shift_right_logical3A_1701 = arith.constant 26 : i32
        %shift_right_logical3A_1702 = vector.broadcast %shift_right_logical3A_1701 : i32 to vector<16xi32>
        %shift_right_logical3A_1703 = arith.shrui %xor3A_1696, %shift_right_logical3A_1702 : vector<16xi32>
        %or3A_1704 = arith.ori %shift_left3A_1700, %shift_right_logical3A_1703 : vector<16xi32>
        %xor3A_1705 = arith.xori %or3A_1704, %add3A_1697 : vector<16xi32>
        %add3A_1706 = arith.constant 42 : i32
        %add3A_1707 = vector.broadcast %add3A_1706 : i32 to vector<16xi32>
        %add3A_1708 = arith.addi %add3A_1697, %add3A_1707 : vector<16xi32>
        %add3A_1709 = arith.constant 466689009 : i32
        %add3A_1710 = vector.broadcast %add3A_1709 : i32 to vector<16xi32>
        %add3A_1711 = arith.addi %xor3A_1705, %add3A_1710 : vector<16xi32>
        %add3A_1712 = arith.addi %add3A_1708, %add3A_1711 : vector<16xi32>
        %shift_left3A_1713 = arith.constant 17 : i32
        %shift_left3A_1714 = vector.broadcast %shift_left3A_1713 : i32 to vector<16xi32>
        %shift_left3A_1715 = arith.shli %add3A_1711, %shift_left3A_1714 : vector<16xi32>
        %shift_right_logical3A_1716 = arith.constant 15 : i32
        %shift_right_logical3A_1717 = vector.broadcast %shift_right_logical3A_1716 : i32 to vector<16xi32>
        %shift_right_logical3A_1718 = arith.shrui %add3A_1711, %shift_right_logical3A_1717 : vector<16xi32>
        %or3A_1719 = arith.ori %shift_left3A_1715, %shift_right_logical3A_1718 : vector<16xi32>
        %xor3A_1720 = arith.xori %or3A_1719, %add3A_1712 : vector<16xi32>
        %add3A_1721 = arith.addi %add3A_1712, %xor3A_1720 : vector<16xi32>
        %shift_left3A_1722 = arith.constant 29 : i32
        %shift_left3A_1723 = vector.broadcast %shift_left3A_1722 : i32 to vector<16xi32>
        %shift_left3A_1724 = arith.shli %xor3A_1720, %shift_left3A_1723 : vector<16xi32>
        %shift_right_logical3A_1725 = arith.constant 3 : i32
        %shift_right_logical3A_1726 = vector.broadcast %shift_right_logical3A_1725 : i32 to vector<16xi32>
        %shift_right_logical3A_1727 = arith.shrui %xor3A_1720, %shift_right_logical3A_1726 : vector<16xi32>
        %or3A_1728 = arith.ori %shift_left3A_1724, %shift_right_logical3A_1727 : vector<16xi32>
        %xor3A_1729 = arith.xori %or3A_1728, %add3A_1721 : vector<16xi32>
        %add3A_1730 = arith.addi %add3A_1721, %xor3A_1729 : vector<16xi32>
        %shift_left3A_1731 = arith.constant 16 : i32
        %shift_left3A_1732 = vector.broadcast %shift_left3A_1731 : i32 to vector<16xi32>
        %shift_left3A_1733 = arith.shli %xor3A_1729, %shift_left3A_1732 : vector<16xi32>
        %shift_right_logical3A_1734 = arith.constant 16 : i32
        %shift_right_logical3A_1735 = vector.broadcast %shift_right_logical3A_1734 : i32 to vector<16xi32>
        %shift_right_logical3A_1736 = arith.shrui %xor3A_1729, %shift_right_logical3A_1735 : vector<16xi32>
        %or3A_1737 = arith.ori %shift_left3A_1733, %shift_right_logical3A_1736 : vector<16xi32>
        %xor3A_1738 = arith.xori %or3A_1737, %add3A_1730 : vector<16xi32>
        %add3A_1739 = arith.addi %add3A_1730, %xor3A_1738 : vector<16xi32>
        %shift_left3A_1740 = arith.constant 24 : i32
        %shift_left3A_1741 = vector.broadcast %shift_left3A_1740 : i32 to vector<16xi32>
        %shift_left3A_1742 = arith.shli %xor3A_1738, %shift_left3A_1741 : vector<16xi32>
        %shift_right_logical3A_1743 = arith.constant 8 : i32
        %shift_right_logical3A_1744 = vector.broadcast %shift_right_logical3A_1743 : i32 to vector<16xi32>
        %shift_right_logical3A_1745 = arith.shrui %xor3A_1738, %shift_right_logical3A_1744 : vector<16xi32>
        %or3A_1746 = arith.ori %shift_left3A_1742, %shift_right_logical3A_1745 : vector<16xi32>
        %xor3A_1747 = arith.xori %or3A_1746, %add3A_1739 : vector<16xi32>
        %add3A_1748 = arith.constant 466689008 : i32
        %add3A_1749 = vector.broadcast %add3A_1748 : i32 to vector<16xi32>
        %add3A_1750 = arith.addi %add3A_1739, %add3A_1749 : vector<16xi32>
        %add3A_1751 = arith.constant 2 : i32
        %add3A_1752 = vector.broadcast %add3A_1751 : i32 to vector<16xi32>
        %add3A_1753 = arith.addi %xor3A_1747, %add3A_1752 : vector<16xi32>
        %add3A_1754 = arith.addi %add3A_1750, %add3A_1753 : vector<16xi32>
        %shift_left3A_1755 = arith.constant 13 : i32
        %shift_left3A_1756 = vector.broadcast %shift_left3A_1755 : i32 to vector<16xi32>
        %shift_left3A_1757 = arith.shli %add3A_1753, %shift_left3A_1756 : vector<16xi32>
        %shift_right_logical3A_1758 = arith.constant 19 : i32
        %shift_right_logical3A_1759 = vector.broadcast %shift_right_logical3A_1758 : i32 to vector<16xi32>
        %shift_right_logical3A_1760 = arith.shrui %add3A_1753, %shift_right_logical3A_1759 : vector<16xi32>
        %or3A_1761 = arith.ori %shift_left3A_1757, %shift_right_logical3A_1760 : vector<16xi32>
        %xor3A_1762 = arith.xori %or3A_1761, %add3A_1754 : vector<16xi32>
        %add3A_1763 = arith.addi %add3A_1754, %xor3A_1762 : vector<16xi32>
        %shift_left3A_1764 = arith.constant 15 : i32
        %shift_left3A_1765 = vector.broadcast %shift_left3A_1764 : i32 to vector<16xi32>
        %shift_left3A_1766 = arith.shli %xor3A_1762, %shift_left3A_1765 : vector<16xi32>
        %shift_right_logical3A_1767 = arith.constant 17 : i32
        %shift_right_logical3A_1768 = vector.broadcast %shift_right_logical3A_1767 : i32 to vector<16xi32>
        %shift_right_logical3A_1769 = arith.shrui %xor3A_1762, %shift_right_logical3A_1768 : vector<16xi32>
        %or3A_1770 = arith.ori %shift_left3A_1766, %shift_right_logical3A_1769 : vector<16xi32>
        %xor3A_1771 = arith.xori %or3A_1770, %add3A_1763 : vector<16xi32>
        %add3A_1772 = arith.addi %add3A_1763, %xor3A_1771 : vector<16xi32>
        %shift_left3A_1773 = arith.constant 26 : i32
        %shift_left3A_1774 = vector.broadcast %shift_left3A_1773 : i32 to vector<16xi32>
        %shift_left3A_1775 = arith.shli %xor3A_1771, %shift_left3A_1774 : vector<16xi32>
        %shift_right_logical3A_1776 = arith.constant 6 : i32
        %shift_right_logical3A_1777 = vector.broadcast %shift_right_logical3A_1776 : i32 to vector<16xi32>
        %shift_right_logical3A_1778 = arith.shrui %xor3A_1771, %shift_right_logical3A_1777 : vector<16xi32>
        %or3A_1779 = arith.ori %shift_left3A_1775, %shift_right_logical3A_1778 : vector<16xi32>
        %xor3A_1780 = arith.xori %or3A_1779, %add3A_1772 : vector<16xi32>
        %add3A_1781 = arith.addi %add3A_1772, %xor3A_1780 : vector<16xi32>
        %shift_left3A_1782 = arith.constant 6 : i32
        %shift_left3A_1783 = vector.broadcast %shift_left3A_1782 : i32 to vector<16xi32>
        %shift_left3A_1784 = arith.shli %xor3A_1780, %shift_left3A_1783 : vector<16xi32>
        %shift_right_logical3A_1785 = arith.constant 26 : i32
        %shift_right_logical3A_1786 = vector.broadcast %shift_right_logical3A_1785 : i32 to vector<16xi32>
        %shift_right_logical3A_1787 = arith.shrui %xor3A_1780, %shift_right_logical3A_1786 : vector<16xi32>
        %or3A_1788 = arith.ori %shift_left3A_1784, %shift_right_logical3A_1787 : vector<16xi32>
        %xor3A_1789 = arith.xori %or3A_1788, %add3A_1781 : vector<16xi32>
        %add3A_1790 = arith.constant 0 : i32
        %add3A_1791 = vector.broadcast %add3A_1790 : i32 to vector<16xi32>
        %add3A_1792 = arith.addi %add3A_1781, %add3A_1791 : vector<16xi32>
        %add3A_1793 = arith.constant 45 : i32
        %add3A_1794 = vector.broadcast %add3A_1793 : i32 to vector<16xi32>
        %add3A_1795 = arith.addi %xor3A_1789, %add3A_1794 : vector<16xi32>
        %add3A_1796 = arith.addi %add3A_1792, %add3A_1795 : vector<16xi32>
        %shift_left3A_1797 = arith.constant 17 : i32
        %shift_left3A_1798 = vector.broadcast %shift_left3A_1797 : i32 to vector<16xi32>
        %shift_left3A_1799 = arith.shli %add3A_1795, %shift_left3A_1798 : vector<16xi32>
        %shift_right_logical3A_1800 = arith.constant 15 : i32
        %shift_right_logical3A_1801 = vector.broadcast %shift_right_logical3A_1800 : i32 to vector<16xi32>
        %shift_right_logical3A_1802 = arith.shrui %add3A_1795, %shift_right_logical3A_1801 : vector<16xi32>
        %or3A_1803 = arith.ori %shift_left3A_1799, %shift_right_logical3A_1802 : vector<16xi32>
        %xor3A_1804 = arith.xori %or3A_1803, %add3A_1796 : vector<16xi32>
        %add3A_1805 = arith.addi %add3A_1796, %xor3A_1804 : vector<16xi32>
        %shift_left3A_1806 = arith.constant 29 : i32
        %shift_left3A_1807 = vector.broadcast %shift_left3A_1806 : i32 to vector<16xi32>
        %shift_left3A_1808 = arith.shli %xor3A_1804, %shift_left3A_1807 : vector<16xi32>
        %shift_right_logical3A_1809 = arith.constant 3 : i32
        %shift_right_logical3A_1810 = vector.broadcast %shift_right_logical3A_1809 : i32 to vector<16xi32>
        %shift_right_logical3A_1811 = arith.shrui %xor3A_1804, %shift_right_logical3A_1810 : vector<16xi32>
        %or3A_1812 = arith.ori %shift_left3A_1808, %shift_right_logical3A_1811 : vector<16xi32>
        %xor3A_1813 = arith.xori %or3A_1812, %add3A_1805 : vector<16xi32>
        %add3A_1814 = arith.addi %add3A_1805, %xor3A_1813 : vector<16xi32>
        %shift_left3A_1815 = arith.constant 16 : i32
        %shift_left3A_1816 = vector.broadcast %shift_left3A_1815 : i32 to vector<16xi32>
        %shift_left3A_1817 = arith.shli %xor3A_1813, %shift_left3A_1816 : vector<16xi32>
        %shift_right_logical3A_1818 = arith.constant 16 : i32
        %shift_right_logical3A_1819 = vector.broadcast %shift_right_logical3A_1818 : i32 to vector<16xi32>
        %shift_right_logical3A_1820 = arith.shrui %xor3A_1813, %shift_right_logical3A_1819 : vector<16xi32>
        %or3A_1821 = arith.ori %shift_left3A_1817, %shift_right_logical3A_1820 : vector<16xi32>
        %xor3A_1822 = arith.xori %or3A_1821, %add3A_1814 : vector<16xi32>
        %add3A_1823 = arith.addi %add3A_1814, %xor3A_1822 : vector<16xi32>
        %shift_left3A_1824 = arith.constant 24 : i32
        %shift_left3A_1825 = vector.broadcast %shift_left3A_1824 : i32 to vector<16xi32>
        %shift_left3A_1826 = arith.shli %xor3A_1822, %shift_left3A_1825 : vector<16xi32>
        %shift_right_logical3A_1827 = arith.constant 8 : i32
        %shift_right_logical3A_1828 = vector.broadcast %shift_right_logical3A_1827 : i32 to vector<16xi32>
        %shift_right_logical3A_1829 = arith.shrui %xor3A_1822, %shift_right_logical3A_1828 : vector<16xi32>
        %or3A_1830 = arith.ori %shift_left3A_1826, %shift_right_logical3A_1829 : vector<16xi32>
        %xor3A_1831 = arith.xori %or3A_1830, %add3A_1823 : vector<16xi32>
        %add3A_1832 = arith.constant 42 : i32
        %add3A_1833 = vector.broadcast %add3A_1832 : i32 to vector<16xi32>
        %add3A_1834 = arith.addi %add3A_1823, %add3A_1833 : vector<16xi32>
        %add3A_1835 = arith.constant 466689012 : i32
        %add3A_1836 = vector.broadcast %add3A_1835 : i32 to vector<16xi32>
        %add3A_1837 = arith.addi %xor3A_1831, %add3A_1836 : vector<16xi32>
        %add3A_1838 = arith.addi %add3A_1834, %add3A_1837 : vector<16xi32>
        %shift_left3A_1839 = arith.constant 13 : i32
        %shift_left3A_1840 = vector.broadcast %shift_left3A_1839 : i32 to vector<16xi32>
        %shift_left3A_1841 = arith.shli %add3A_1837, %shift_left3A_1840 : vector<16xi32>
        %shift_right_logical3A_1842 = arith.constant 19 : i32
        %shift_right_logical3A_1843 = vector.broadcast %shift_right_logical3A_1842 : i32 to vector<16xi32>
        %shift_right_logical3A_1844 = arith.shrui %add3A_1837, %shift_right_logical3A_1843 : vector<16xi32>
        %or3A_1845 = arith.ori %shift_left3A_1841, %shift_right_logical3A_1844 : vector<16xi32>
        %xor3A_1846 = arith.xori %or3A_1845, %add3A_1838 : vector<16xi32>
        %add3A_1847 = arith.addi %add3A_1838, %xor3A_1846 : vector<16xi32>
        %shift_left3A_1848 = arith.constant 15 : i32
        %shift_left3A_1849 = vector.broadcast %shift_left3A_1848 : i32 to vector<16xi32>
        %shift_left3A_1850 = arith.shli %xor3A_1846, %shift_left3A_1849 : vector<16xi32>
        %shift_right_logical3A_1851 = arith.constant 17 : i32
        %shift_right_logical3A_1852 = vector.broadcast %shift_right_logical3A_1851 : i32 to vector<16xi32>
        %shift_right_logical3A_1853 = arith.shrui %xor3A_1846, %shift_right_logical3A_1852 : vector<16xi32>
        %or3A_1854 = arith.ori %shift_left3A_1850, %shift_right_logical3A_1853 : vector<16xi32>
        %xor3A_1855 = arith.xori %or3A_1854, %add3A_1847 : vector<16xi32>
        %add3A_1856 = arith.addi %add3A_1847, %xor3A_1855 : vector<16xi32>
        %shift_left3A_1857 = arith.constant 26 : i32
        %shift_left3A_1858 = vector.broadcast %shift_left3A_1857 : i32 to vector<16xi32>
        %shift_left3A_1859 = arith.shli %xor3A_1855, %shift_left3A_1858 : vector<16xi32>
        %shift_right_logical3A_1860 = arith.constant 6 : i32
        %shift_right_logical3A_1861 = vector.broadcast %shift_right_logical3A_1860 : i32 to vector<16xi32>
        %shift_right_logical3A_1862 = arith.shrui %xor3A_1855, %shift_right_logical3A_1861 : vector<16xi32>
        %or3A_1863 = arith.ori %shift_left3A_1859, %shift_right_logical3A_1862 : vector<16xi32>
        %xor3A_1864 = arith.xori %or3A_1863, %add3A_1856 : vector<16xi32>
        %add3A_1865 = arith.addi %add3A_1856, %xor3A_1864 : vector<16xi32>
        %shift_left3A_1866 = arith.constant 6 : i32
        %shift_left3A_1867 = vector.broadcast %shift_left3A_1866 : i32 to vector<16xi32>
        %shift_left3A_1868 = arith.shli %xor3A_1864, %shift_left3A_1867 : vector<16xi32>
        %shift_right_logical3A_1869 = arith.constant 26 : i32
        %shift_right_logical3A_1870 = vector.broadcast %shift_right_logical3A_1869 : i32 to vector<16xi32>
        %shift_right_logical3A_1871 = arith.shrui %xor3A_1864, %shift_right_logical3A_1870 : vector<16xi32>
        %or3A_1872 = arith.ori %shift_left3A_1868, %shift_right_logical3A_1871 : vector<16xi32>
        %xor3A_1873 = arith.xori %or3A_1872, %add3A_1865 : vector<16xi32>
        %add3A_1874 = arith.constant 466689008 : i32
        %add3A_1875 = vector.broadcast %add3A_1874 : i32 to vector<16xi32>
        %add3A_1876 = arith.addi %add3A_1865, %add3A_1875 : vector<16xi32>
        %add3A_1877 = arith.constant 5 : i32
        %add3A_1878 = vector.broadcast %add3A_1877 : i32 to vector<16xi32>
        %add3A_1879 = arith.addi %xor3A_1873, %add3A_1878 : vector<16xi32>
        %xor3A_1880 = arith.xori %add3A_1876, %add3A_1879 : vector<16xi32>
        %mul3A_1881 = arith.constant 16 : i32
        %mul3A_1882 = arith.muli %scan3A_19, %mul3A_1881 : i32
        %swap3A_1883 = arith.constant 7 : i32
        %swap3A_1884 = arith.index_cast %swap3A_1883 : i32 to index
        %swap3A_1885 = arith.index_cast %mul3A_1882 : i32 to index
        %swap3A_1886 = tpu.vector_load %arg3[%swap3A_1884, %swap3A_1885] {strides = array<i32>} : memref<8x4096xi32, #tpu.memory_space<vmem>>, vector<1x16xi32>,
        %swap3A_1887 = vector.shape_cast %swap3A_1886 : vector<1x16xi32> to vector<16xi32>
        %swap3A_1888 = vector.shape_cast %xor3A_1880 : vector<16xi32> to vector<1x16xi32>
        tpu.vector_store %arg3[%swap3A_1884, %swap3A_1885], %swap3A_1888 {strides = array<i32>} : memref<8x4096xi32, #tpu.memory_space<vmem>>, vector<1x16xi32>,
      }
      %scan3A_18 = arith.constant 256 : i32
      "tpu.region"() ({
        %run_scoped3A = tpu.sem_alloc : memref<!tpu.dma_semaphore, #tpu.memory_space<semaphore_mem>>
        %dma_start3A = arith.constant 0 : i32
        %dma_start3A_19 = tpu.memref_slice %arg2[%scan3A_8, %mul3A_2, %dma_start3A] : memref<2x256x4096xi32, #tpu.memory_space<hbm>> -> memref<1x8x4096xi32, #tpu.memory_space<hbm>>
        %dma_start3A_20 = tpu.memref_squeeze %dma_start3A_19 : memref<1x8x4096xi32, #tpu.memory_space<hbm>> -> memref<8x4096xi32, #tpu.memory_space<hbm>>
        %dma_start3A_21 = arith.constant 0 : i32
        %dma_start3A_22 = tpu.memref_slice %arg2[%scan3A_8, %mul3A_2, %dma_start3A_21] : memref<2x256x4096xi32, #tpu.memory_space<hbm>> -> memref<1x8x4096xi32, #tpu.memory_space<hbm>>
        %dma_start3A_23 = tpu.memref_squeeze %dma_start3A_22 : memref<1x8x4096xi32, #tpu.memory_space<hbm>> -> memref<8x4096xi32, #tpu.memory_space<hbm>>
        tpu.enqueue_dma source(%arg3 : memref<8x4096xi32, #tpu.memory_space<vmem>>) target(%dma_start3A_23 : memref<8x4096xi32, #tpu.memory_space<hbm>>) target_semaphore(%run_scoped3A : memref<!tpu.dma_semaphore, #tpu.memory_space<semaphore_mem>>)
        %dma_wait3A = arith.constant 0 : i32
        %dma_wait3A_24 = tpu.memref_slice %arg2[%scan3A_8, %mul3A_2, %dma_wait3A] : memref<2x256x4096xi32, #tpu.memory_space<hbm>> -> memref<1x8x4096xi32, #tpu.memory_space<hbm>>
        %dma_wait3A_25 = tpu.memref_squeeze %dma_wait3A_24 : memref<1x8x4096xi32, #tpu.memory_space<hbm>> -> memref<8x4096xi32, #tpu.memory_space<hbm>>
        %dma_wait3A_26 = arith.constant 0 : i32
        %dma_wait3A_27 = tpu.memref_slice %arg2[%scan3A_8, %mul3A_2, %dma_wait3A_26] : memref<2x256x4096xi32, #tpu.memory_space<hbm>> -> memref<1x8x4096xi32, #tpu.memory_space<hbm>>
        %dma_wait3A_28 = tpu.memref_squeeze %dma_wait3A_27 : memref<1x8x4096xi32, #tpu.memory_space<hbm>> -> memref<8x4096xi32, #tpu.memory_space<hbm>>
        tpu.wait_dma2 semaphore(%run_scoped3A : memref<!tpu.dma_semaphore, #tpu.memory_space<semaphore_mem>>) src(%arg3 : memref<8x4096xi32, #tpu.memory_space<vmem>>) dst(%dma_wait3A_28 : memref<8x4096xi32, #tpu.memory_space<hbm>>)
        tpu.yield
      }) : () -> ()
    }
    %scan3A_7 = arith.constant 2 : i32
    return
  }
}

module attributes {stable_mosaic.version = 14 : i64} {
  func.func @_tc2(%arg0: i32, %arg1: memref<256x4096xf32, #tpu.memory_space<vmem>>, %arg2: memref<1x256x4096xi32, #tpu.memory_space<vmem>>, %arg3: memref<256x4096xf32, #tpu.memory_space<vmem>>, %arg4: memref<256x4096xi32, #tpu.memory_space<vmem>>, %arg5: memref<1x1x256xi32, #tpu.memory_space<vmem>>, %arg6: memref<256x4096xf32, #tpu.memory_space<vmem>>, %arg7: memref<256x4096xi32, #tpu.memory_space<vmem>>) attributes {dimension_semantics = [#tpu.dimension_semantics<arbitrary>], iteration_bounds = array<i64: 3>, scalar_prefetch = 0 : i64, scratch_operands = 2 : i64, tpu.core_type = #tpu.core_type<tc>, window_params = [{transform_indices = @transform_0, window_bounds = array<i64: 256, 4096>}, {transform_indices = @transform_1, window_bounds = array<i64: 1, 256, 4096>}, {pipeline_mode = #tpu.pipeline_mode<synchronous>, transform_indices = @transform_2, window_bounds = array<i64: 256, 4096>}, {pipeline_mode = #tpu.pipeline_mode<synchronous>, transform_indices = @transform_3, window_bounds = array<i64: 256, 4096>}, {pipeline_mode = #tpu.pipeline_mode<synchronous>, transform_indices = @transform_4, window_bounds = array<i64: 1, 1, 256>}]} {
    %eq3A = arith.constant 0 : i32
    %eq3A_0 = arith.cmpi eq, %arg0, %eq3A : i32
    %convert_element_type3A = arith.extui %eq3A_0 : i1 to i32
    %cond3A = arith.constant 0 : i32
    %cond3A_1 = arith.cmpi ne, %convert_element_type3A, %cond3A : i32
    scf.if %cond3A_1 {
      %get3A = arith.constant 0 : index
      %get3A_12 = arith.constant 0 : index
      %get3A_13 = arith.constant 0 : index
      %get3A_14 = vector.load %arg2[%get3A, %get3A_12, %get3A_13] : memref<1x256x4096xi32, #tpu.memory_space<vmem>>, vector<1x256x4096xi32>
      %get3A_15 = vector.shape_cast %get3A_14 : vector<1x256x4096xi32> to vector<256x4096xi32>
      %get3A_16 = arith.constant 0 : index
      %get3A_17 = arith.constant 0 : index
      %get3A_18 = vector.load %arg1[%get3A_16, %get3A_17] : memref<256x4096xf32, #tpu.memory_space<vmem>>, vector<256x4096xf32>
      %shift_right_logical3A = arith.constant 9 : i32
      %shift_right_logical3A_19 = vector.broadcast %shift_right_logical3A : i32 to vector<256x4096xi32>
      %shift_right_logical3A_20 = arith.shrui %get3A_15, %shift_right_logical3A_19 : vector<256x4096xi32>
      %or3A = arith.constant 1065353216 : i32
      %or3A_21 = vector.broadcast %or3A : i32 to vector<256x4096xi32>
      %or3A_22 = arith.ori %shift_right_logical3A_20, %or3A_21 : vector<256x4096xi32>
      %bitcast_convert_type3A = tpu.bitcast %or3A_22 : vector<256x4096xi32> -> vector<256x4096xf32>
      %sub3A = arith.constant 1.000000e+00 : f32
      %sub3A_23 = vector.broadcast %sub3A : f32 to vector<256x4096xf32>
      %sub3A_24 = arith.subf %bitcast_convert_type3A, %sub3A_23 : vector<256x4096xf32>
      %max3A = arith.constant 1.17549435E-38 : f32
      %max3A_25 = vector.broadcast %max3A : f32 to vector<256x4096xf32>
      %max3A_26 = arith.maximumf %sub3A_24, %max3A_25 : vector<256x4096xf32>
      %log3A = math.log %max3A_26 : vector<256x4096xf32>
      %neg3A = arith.constant 0.000000e+00 : f32
      %neg3A_27 = vector.broadcast %neg3A : f32 to vector<256x4096xf32>
      %neg3A_28 = arith.subf %neg3A_27, %log3A : vector<256x4096xf32>
      %log3A_29 = math.log %neg3A_28 : vector<256x4096xf32>
      %neg3A_30 = arith.constant 0.000000e+00 : f32
      %neg3A_31 = vector.broadcast %neg3A_30 : f32 to vector<256x4096xf32>
      %neg3A_32 = arith.subf %neg3A_31, %log3A_29 : vector<256x4096xf32>
      %add3A = arith.addf %neg3A_32, %get3A_18 : vector<256x4096xf32>
      %get3A_33 = arith.constant 0 : index
      %get3A_34 = arith.constant 0 : index
      %get3A_35 = vector.load %arg3[%get3A_33, %get3A_34] : memref<256x4096xf32, #tpu.memory_space<vmem>>, vector<256x4096xf32>
      %gt3A_36 = arith.cmpf ogt, %add3A, %get3A_35 : vector<256x4096xf32>
      %select_n3A = arith.select %gt3A_36, %add3A, %get3A_35 : vector<256x4096xi1>, vector<256x4096xf32>
      %swap3A = arith.constant 0 : index
      %swap3A_37 = arith.constant 0 : index
      %swap3A_38 = vector.load %arg6[%swap3A, %swap3A_37] : memref<256x4096xf32, #tpu.memory_space<vmem>>, vector<256x4096xf32>
      tpu.vector_store %arg6[%swap3A, %swap3A_37], %select_n3A {strides = array<i32>} : memref<256x4096xf32, #tpu.memory_space<vmem>>, vector<256x4096xf32>,
      %get3A_39 = arith.constant 0 : index
      %get3A_40 = arith.constant 0 : index
      %get3A_41 = vector.load %arg4[%get3A_39, %get3A_40] : memref<256x4096xi32, #tpu.memory_space<vmem>>, vector<256x4096xi32>
      %jit3A = arith.constant 22 : i32
      %broadcast_in_dim3A = vector.broadcast %jit3A : i32 to vector<256x4096xi32>
      %select_n3A_42 = arith.select %gt3A_36, %broadcast_in_dim3A, %get3A_41 : vector<256x4096xi1>, vector<256x4096xi32>
      %swap3A_43 = arith.constant 0 : index
      %swap3A_44 = arith.constant 0 : index
      %swap3A_45 = vector.load %arg7[%swap3A_43, %swap3A_44] : memref<256x4096xi32, #tpu.memory_space<vmem>>, vector<256x4096xi32>
      tpu.vector_store %arg7[%swap3A_43, %swap3A_44], %select_n3A_42 {strides = array<i32>} : memref<256x4096xi32, #tpu.memory_space<vmem>>, vector<256x4096xi32>,
    } else {
    }
    %gt3A = arith.constant 0 : i32
    %gt3A_2 = arith.cmpi sgt, %arg0, %gt3A : i32
    %lt3A = arith.constant 2 : i32
    %lt3A_3 = arith.cmpi slt, %arg0, %lt3A : i32
    %and3A = arith.andi %gt3A_2, %lt3A_3 : i1
    %convert_element_type3A_4 = arith.extui %and3A : i1 to i32
    %cond3A_5 = arith.constant 0 : i32
    %cond3A_6 = arith.cmpi ne, %convert_element_type3A_4, %cond3A_5 : i32
    scf.if %cond3A_6 {
      %get3A = arith.constant 0 : index
      %get3A_12 = arith.constant 0 : index
      %get3A_13 = arith.constant 0 : index
      %get3A_14 = vector.load %arg2[%get3A, %get3A_12, %get3A_13] : memref<1x256x4096xi32, #tpu.memory_space<vmem>>, vector<1x256x4096xi32>
      %get3A_15 = vector.shape_cast %get3A_14 : vector<1x256x4096xi32> to vector<256x4096xi32>
      %get3A_16 = arith.constant 0 : index
      %get3A_17 = arith.constant 0 : index
      %get3A_18 = vector.load %arg1[%get3A_16, %get3A_17] : memref<256x4096xf32, #tpu.memory_space<vmem>>, vector<256x4096xf32>
      %shift_right_logical3A = arith.constant 9 : i32
      %shift_right_logical3A_19 = vector.broadcast %shift_right_logical3A : i32 to vector<256x4096xi32>
      %shift_right_logical3A_20 = arith.shrui %get3A_15, %shift_right_logical3A_19 : vector<256x4096xi32>
      %or3A = arith.constant 1065353216 : i32
      %or3A_21 = vector.broadcast %or3A : i32 to vector<256x4096xi32>
      %or3A_22 = arith.ori %shift_right_logical3A_20, %or3A_21 : vector<256x4096xi32>
      %bitcast_convert_type3A = tpu.bitcast %or3A_22 : vector<256x4096xi32> -> vector<256x4096xf32>
      %sub3A = arith.constant 1.000000e+00 : f32
      %sub3A_23 = vector.broadcast %sub3A : f32 to vector<256x4096xf32>
      %sub3A_24 = arith.subf %bitcast_convert_type3A, %sub3A_23 : vector<256x4096xf32>
      %max3A = arith.constant 1.17549435E-38 : f32
      %max3A_25 = vector.broadcast %max3A : f32 to vector<256x4096xf32>
      %max3A_26 = arith.maximumf %sub3A_24, %max3A_25 : vector<256x4096xf32>
      %log3A = math.log %max3A_26 : vector<256x4096xf32>
      %neg3A = arith.constant 0.000000e+00 : f32
      %neg3A_27 = vector.broadcast %neg3A : f32 to vector<256x4096xf32>
      %neg3A_28 = arith.subf %neg3A_27, %log3A : vector<256x4096xf32>
      %log3A_29 = math.log %neg3A_28 : vector<256x4096xf32>
      %neg3A_30 = arith.constant 0.000000e+00 : f32
      %neg3A_31 = vector.broadcast %neg3A_30 : f32 to vector<256x4096xf32>
      %neg3A_32 = arith.subf %neg3A_31, %log3A_29 : vector<256x4096xf32>
      %add3A = arith.addf %neg3A_32, %get3A_18 : vector<256x4096xf32>
      %get3A_33 = arith.constant 0 : index
      %get3A_34 = arith.constant 0 : index
      %get3A_35 = vector.load %arg6[%get3A_33, %get3A_34] : memref<256x4096xf32, #tpu.memory_space<vmem>>, vector<256x4096xf32>
      %gt3A_36 = arith.cmpf ogt, %add3A, %get3A_35 : vector<256x4096xf32>
      %select_n3A = arith.select %gt3A_36, %add3A, %get3A_35 : vector<256x4096xi1>, vector<256x4096xf32>
      %swap3A = arith.constant 0 : index
      %swap3A_37 = arith.constant 0 : index
      %swap3A_38 = vector.load %arg6[%swap3A, %swap3A_37] : memref<256x4096xf32, #tpu.memory_space<vmem>>, vector<256x4096xf32>
      tpu.vector_store %arg6[%swap3A, %swap3A_37], %select_n3A {strides = array<i32>} : memref<256x4096xf32, #tpu.memory_space<vmem>>, vector<256x4096xf32>,
      %add3A_39 = arith.constant 22 : i32
      %add3A_40 = arith.addi %add3A_39, %arg0 : i32
      %get3A_41 = arith.constant 0 : index
      %get3A_42 = arith.constant 0 : index
      %get3A_43 = vector.load %arg7[%get3A_41, %get3A_42] : memref<256x4096xi32, #tpu.memory_space<vmem>>, vector<256x4096xi32>
      %broadcast_in_dim3A = vector.broadcast %add3A_40 : i32 to vector<256x4096xi32>
      %select_n3A_44 = arith.select %gt3A_36, %broadcast_in_dim3A, %get3A_43 : vector<256x4096xi1>, vector<256x4096xi32>
      %swap3A_45 = arith.constant 0 : index
      %swap3A_46 = arith.constant 0 : index
      %swap3A_47 = vector.load %arg7[%swap3A_45, %swap3A_46] : memref<256x4096xi32, #tpu.memory_space<vmem>>, vector<256x4096xi32>
      tpu.vector_store %arg7[%swap3A_45, %swap3A_46], %select_n3A_44 {strides = array<i32>} : memref<256x4096xi32, #tpu.memory_space<vmem>>, vector<256x4096xi32>,
    } else {
    }
    %eq3A_7 = arith.constant 2 : i32
    %eq3A_8 = arith.cmpi eq, %arg0, %eq3A_7 : i32
    %convert_element_type3A_9 = arith.extui %eq3A_8 : i1 to i32
    %cond3A_10 = arith.constant 0 : i32
    %cond3A_11 = arith.cmpi ne, %convert_element_type3A_9, %cond3A_10 : i32
    scf.if %cond3A_11 {
      %iota3A = tpu.iota {dimensions = array<i32: 0>} : vector<256x4096xi32>
      %iota3A_12 = tpu.iota {dimensions = array<i32: 1>} : vector<256x4096xi32>
      %mul3A = arith.constant 100000 : i32
      %mul3A_13 = vector.broadcast %mul3A : i32 to vector<256x4096xi32>
      %mul3A_14 = arith.muli %iota3A, %mul3A_13 : vector<256x4096xi32>
      %add3A = arith.constant 98304 : i32
      %add3A_15 = vector.broadcast %add3A : i32 to vector<256x4096xi32>
      %add3A_16 = arith.addi %mul3A_14, %add3A_15 : vector<256x4096xi32>
      %add3A_17 = arith.addi %add3A_16, %iota3A_12 : vector<256x4096xi32>
      %get3A = arith.constant 0 : index
      %get3A_18 = arith.constant 0 : index
      %get3A_19 = vector.load %arg1[%get3A, %get3A_18] : memref<256x4096xf32, #tpu.memory_space<vmem>>, vector<256x4096xf32>
      %broadcast_in_dim3A = arith.constant 0 : i32
      %broadcast_in_dim3A_20 = vector.broadcast %broadcast_in_dim3A : i32 to vector<256x4096xi32>
      %add3A_21 = arith.constant 0 : i32
      %add3A_22 = vector.broadcast %add3A_21 : i32 to vector<256x4096xi32>
      %add3A_23 = arith.addi %broadcast_in_dim3A_20, %add3A_22 : vector<256x4096xi32>
      %add3A_24 = arith.constant 42 : i32
      %add3A_25 = vector.broadcast %add3A_24 : i32 to vector<256x4096xi32>
      %add3A_26 = arith.addi %add3A_17, %add3A_25 : vector<256x4096xi32>
      %add3A_27 = arith.addi %add3A_23, %add3A_26 : vector<256x4096xi32>
      %shift_left3A = arith.constant 13 : i32
      %shift_left3A_28 = vector.broadcast %shift_left3A : i32 to vector<256x4096xi32>
      %shift_left3A_29 = arith.shli %add3A_26, %shift_left3A_28 : vector<256x4096xi32>
      %shift_right_logical3A = arith.constant 19 : i32
      %shift_right_logical3A_30 = vector.broadcast %shift_right_logical3A : i32 to vector<256x4096xi32>
      %shift_right_logical3A_31 = arith.shrui %add3A_26, %shift_right_logical3A_30 : vector<256x4096xi32>
      %or3A = arith.ori %shift_left3A_29, %shift_right_logical3A_31 : vector<256x4096xi32>
      %xor3A = arith.xori %or3A, %add3A_27 : vector<256x4096xi32>
      %add3A_32 = arith.addi %add3A_27, %xor3A : vector<256x4096xi32>
      %shift_left3A_33 = arith.constant 15 : i32
      %shift_left3A_34 = vector.broadcast %shift_left3A_33 : i32 to vector<256x4096xi32>
      %shift_left3A_35 = arith.shli %xor3A, %shift_left3A_34 : vector<256x4096xi32>
      %shift_right_logical3A_36 = arith.constant 17 : i32
      %shift_right_logical3A_37 = vector.broadcast %shift_right_logical3A_36 : i32 to vector<256x4096xi32>
      %shift_right_logical3A_38 = arith.shrui %xor3A, %shift_right_logical3A_37 : vector<256x4096xi32>
      %or3A_39 = arith.ori %shift_left3A_35, %shift_right_logical3A_38 : vector<256x4096xi32>
      %xor3A_40 = arith.xori %or3A_39, %add3A_32 : vector<256x4096xi32>
      %add3A_41 = arith.addi %add3A_32, %xor3A_40 : vector<256x4096xi32>
      %shift_left3A_42 = arith.constant 26 : i32
      %shift_left3A_43 = vector.broadcast %shift_left3A_42 : i32 to vector<256x4096xi32>
      %shift_left3A_44 = arith.shli %xor3A_40, %shift_left3A_43 : vector<256x4096xi32>
      %shift_right_logical3A_45 = arith.constant 6 : i32
      %shift_right_logical3A_46 = vector.broadcast %shift_right_logical3A_45 : i32 to vector<256x4096xi32>
      %shift_right_logical3A_47 = arith.shrui %xor3A_40, %shift_right_logical3A_46 : vector<256x4096xi32>
      %or3A_48 = arith.ori %shift_left3A_44, %shift_right_logical3A_47 : vector<256x4096xi32>
      %xor3A_49 = arith.xori %or3A_48, %add3A_41 : vector<256x4096xi32>
      %add3A_50 = arith.addi %add3A_41, %xor3A_49 : vector<256x4096xi32>
      %shift_left3A_51 = arith.constant 6 : i32
      %shift_left3A_52 = vector.broadcast %shift_left3A_51 : i32 to vector<256x4096xi32>
      %shift_left3A_53 = arith.shli %xor3A_49, %shift_left3A_52 : vector<256x4096xi32>
      %shift_right_logical3A_54 = arith.constant 26 : i32
      %shift_right_logical3A_55 = vector.broadcast %shift_right_logical3A_54 : i32 to vector<256x4096xi32>
      %shift_right_logical3A_56 = arith.shrui %xor3A_49, %shift_right_logical3A_55 : vector<256x4096xi32>
      %or3A_57 = arith.ori %shift_left3A_53, %shift_right_logical3A_56 : vector<256x4096xi32>
      %xor3A_58 = arith.xori %or3A_57, %add3A_50 : vector<256x4096xi32>
      %add3A_59 = arith.constant 42 : i32
      %add3A_60 = vector.broadcast %add3A_59 : i32 to vector<256x4096xi32>
      %add3A_61 = arith.addi %add3A_50, %add3A_60 : vector<256x4096xi32>
      %add3A_62 = arith.constant 466689009 : i32
      %add3A_63 = vector.broadcast %add3A_62 : i32 to vector<256x4096xi32>
      %add3A_64 = arith.addi %xor3A_58, %add3A_63 : vector<256x4096xi32>
      %add3A_65 = arith.addi %add3A_61, %add3A_64 : vector<256x4096xi32>
      %shift_left3A_66 = arith.constant 17 : i32
      %shift_left3A_67 = vector.broadcast %shift_left3A_66 : i32 to vector<256x4096xi32>
      %shift_left3A_68 = arith.shli %add3A_64, %shift_left3A_67 : vector<256x4096xi32>
      %shift_right_logical3A_69 = arith.constant 15 : i32
      %shift_right_logical3A_70 = vector.broadcast %shift_right_logical3A_69 : i32 to vector<256x4096xi32>
      %shift_right_logical3A_71 = arith.shrui %add3A_64, %shift_right_logical3A_70 : vector<256x4096xi32>
      %or3A_72 = arith.ori %shift_left3A_68, %shift_right_logical3A_71 : vector<256x4096xi32>
      %xor3A_73 = arith.xori %or3A_72, %add3A_65 : vector<256x4096xi32>
      %add3A_74 = arith.addi %add3A_65, %xor3A_73 : vector<256x4096xi32>
      %shift_left3A_75 = arith.constant 29 : i32
      %shift_left3A_76 = vector.broadcast %shift_left3A_75 : i32 to vector<256x4096xi32>
      %shift_left3A_77 = arith.shli %xor3A_73, %shift_left3A_76 : vector<256x4096xi32>
      %shift_right_logical3A_78 = arith.constant 3 : i32
      %shift_right_logical3A_79 = vector.broadcast %shift_right_logical3A_78 : i32 to vector<256x4096xi32>
      %shift_right_logical3A_80 = arith.shrui %xor3A_73, %shift_right_logical3A_79 : vector<256x4096xi32>
      %or3A_81 = arith.ori %shift_left3A_77, %shift_right_logical3A_80 : vector<256x4096xi32>
      %xor3A_82 = arith.xori %or3A_81, %add3A_74 : vector<256x4096xi32>
      %add3A_83 = arith.addi %add3A_74, %xor3A_82 : vector<256x4096xi32>
      %shift_left3A_84 = arith.constant 16 : i32
      %shift_left3A_85 = vector.broadcast %shift_left3A_84 : i32 to vector<256x4096xi32>
      %shift_left3A_86 = arith.shli %xor3A_82, %shift_left3A_85 : vector<256x4096xi32>
      %shift_right_logical3A_87 = arith.constant 16 : i32
      %shift_right_logical3A_88 = vector.broadcast %shift_right_logical3A_87 : i32 to vector<256x4096xi32>
      %shift_right_logical3A_89 = arith.shrui %xor3A_82, %shift_right_logical3A_88 : vector<256x4096xi32>
      %or3A_90 = arith.ori %shift_left3A_86, %shift_right_logical3A_89 : vector<256x4096xi32>
      %xor3A_91 = arith.xori %or3A_90, %add3A_83 : vector<256x4096xi32>
      %add3A_92 = arith.addi %add3A_83, %xor3A_91 : vector<256x4096xi32>
      %shift_left3A_93 = arith.constant 24 : i32
      %shift_left3A_94 = vector.broadcast %shift_left3A_93 : i32 to vector<256x4096xi32>
      %shift_left3A_95 = arith.shli %xor3A_91, %shift_left3A_94 : vector<256x4096xi32>
      %shift_right_logical3A_96 = arith.constant 8 : i32
      %shift_right_logical3A_97 = vector.broadcast %shift_right_logical3A_96 : i32 to vector<256x4096xi32>
      %shift_right_logical3A_98 = arith.shrui %xor3A_91, %shift_right_logical3A_97 : vector<256x4096xi32>
      %or3A_99 = arith.ori %shift_left3A_95, %shift_right_logical3A_98 : vector<256x4096xi32>
      %xor3A_100 = arith.xori %or3A_99, %add3A_92 : vector<256x4096xi32>
      %add3A_101 = arith.constant 466689008 : i32
      %add3A_102 = vector.broadcast %add3A_101 : i32 to vector<256x4096xi32>
      %add3A_103 = arith.addi %add3A_92, %add3A_102 : vector<256x4096xi32>
      %add3A_104 = arith.constant 2 : i32
      %add3A_105 = vector.broadcast %add3A_104 : i32 to vector<256x4096xi32>
      %add3A_106 = arith.addi %xor3A_100, %add3A_105 : vector<256x4096xi32>
      %add3A_107 = arith.addi %add3A_103, %add3A_106 : vector<256x4096xi32>
      %shift_left3A_108 = arith.constant 13 : i32
      %shift_left3A_109 = vector.broadcast %shift_left3A_108 : i32 to vector<256x4096xi32>
      %shift_left3A_110 = arith.shli %add3A_106, %shift_left3A_109 : vector<256x4096xi32>
      %shift_right_logical3A_111 = arith.constant 19 : i32
      %shift_right_logical3A_112 = vector.broadcast %shift_right_logical3A_111 : i32 to vector<256x4096xi32>
      %shift_right_logical3A_113 = arith.shrui %add3A_106, %shift_right_logical3A_112 : vector<256x4096xi32>
      %or3A_114 = arith.ori %shift_left3A_110, %shift_right_logical3A_113 : vector<256x4096xi32>
      %xor3A_115 = arith.xori %or3A_114, %add3A_107 : vector<256x4096xi32>
      %add3A_116 = arith.addi %add3A_107, %xor3A_115 : vector<256x4096xi32>
      %shift_left3A_117 = arith.constant 15 : i32
      %shift_left3A_118 = vector.broadcast %shift_left3A_117 : i32 to vector<256x4096xi32>
      %shift_left3A_119 = arith.shli %xor3A_115, %shift_left3A_118 : vector<256x4096xi32>
      %shift_right_logical3A_120 = arith.constant 17 : i32
      %shift_right_logical3A_121 = vector.broadcast %shift_right_logical3A_120 : i32 to vector<256x4096xi32>
      %shift_right_logical3A_122 = arith.shrui %xor3A_115, %shift_right_logical3A_121 : vector<256x4096xi32>
      %or3A_123 = arith.ori %shift_left3A_119, %shift_right_logical3A_122 : vector<256x4096xi32>
      %xor3A_124 = arith.xori %or3A_123, %add3A_116 : vector<256x4096xi32>
      %add3A_125 = arith.addi %add3A_116, %xor3A_124 : vector<256x4096xi32>
      %shift_left3A_126 = arith.constant 26 : i32
      %shift_left3A_127 = vector.broadcast %shift_left3A_126 : i32 to vector<256x4096xi32>
      %shift_left3A_128 = arith.shli %xor3A_124, %shift_left3A_127 : vector<256x4096xi32>
      %shift_right_logical3A_129 = arith.constant 6 : i32
      %shift_right_logical3A_130 = vector.broadcast %shift_right_logical3A_129 : i32 to vector<256x4096xi32>
      %shift_right_logical3A_131 = arith.shrui %xor3A_124, %shift_right_logical3A_130 : vector<256x4096xi32>
      %or3A_132 = arith.ori %shift_left3A_128, %shift_right_logical3A_131 : vector<256x4096xi32>
      %xor3A_133 = arith.xori %or3A_132, %add3A_125 : vector<256x4096xi32>
      %add3A_134 = arith.addi %add3A_125, %xor3A_133 : vector<256x4096xi32>
      %shift_left3A_135 = arith.constant 6 : i32
      %shift_left3A_136 = vector.broadcast %shift_left3A_135 : i32 to vector<256x4096xi32>
      %shift_left3A_137 = arith.shli %xor3A_133, %shift_left3A_136 : vector<256x4096xi32>
      %shift_right_logical3A_138 = arith.constant 26 : i32
      %shift_right_logical3A_139 = vector.broadcast %shift_right_logical3A_138 : i32 to vector<256x4096xi32>
      %shift_right_logical3A_140 = arith.shrui %xor3A_133, %shift_right_logical3A_139 : vector<256x4096xi32>
      %or3A_141 = arith.ori %shift_left3A_137, %shift_right_logical3A_140 : vector<256x4096xi32>
      %xor3A_142 = arith.xori %or3A_141, %add3A_134 : vector<256x4096xi32>
      %add3A_143 = arith.constant 0 : i32
      %add3A_144 = vector.broadcast %add3A_143 : i32 to vector<256x4096xi32>
      %add3A_145 = arith.addi %add3A_134, %add3A_144 : vector<256x4096xi32>
      %add3A_146 = arith.constant 45 : i32
      %add3A_147 = vector.broadcast %add3A_146 : i32 to vector<256x4096xi32>
      %add3A_148 = arith.addi %xor3A_142, %add3A_147 : vector<256x4096xi32>
      %add3A_149 = arith.addi %add3A_145, %add3A_148 : vector<256x4096xi32>
      %shift_left3A_150 = arith.constant 17 : i32
      %shift_left3A_151 = vector.broadcast %shift_left3A_150 : i32 to vector<256x4096xi32>
      %shift_left3A_152 = arith.shli %add3A_148, %shift_left3A_151 : vector<256x4096xi32>
      %shift_right_logical3A_153 = arith.constant 15 : i32
      %shift_right_logical3A_154 = vector.broadcast %shift_right_logical3A_153 : i32 to vector<256x4096xi32>
      %shift_right_logical3A_155 = arith.shrui %add3A_148, %shift_right_logical3A_154 : vector<256x4096xi32>
      %or3A_156 = arith.ori %shift_left3A_152, %shift_right_logical3A_155 : vector<256x4096xi32>
      %xor3A_157 = arith.xori %or3A_156, %add3A_149 : vector<256x4096xi32>
      %add3A_158 = arith.addi %add3A_149, %xor3A_157 : vector<256x4096xi32>
      %shift_left3A_159 = arith.constant 29 : i32
      %shift_left3A_160 = vector.broadcast %shift_left3A_159 : i32 to vector<256x4096xi32>
      %shift_left3A_161 = arith.shli %xor3A_157, %shift_left3A_160 : vector<256x4096xi32>
      %shift_right_logical3A_162 = arith.constant 3 : i32
      %shift_right_logical3A_163 = vector.broadcast %shift_right_logical3A_162 : i32 to vector<256x4096xi32>
      %shift_right_logical3A_164 = arith.shrui %xor3A_157, %shift_right_logical3A_163 : vector<256x4096xi32>
      %or3A_165 = arith.ori %shift_left3A_161, %shift_right_logical3A_164 : vector<256x4096xi32>
      %xor3A_166 = arith.xori %or3A_165, %add3A_158 : vector<256x4096xi32>
      %add3A_167 = arith.addi %add3A_158, %xor3A_166 : vector<256x4096xi32>
      %shift_left3A_168 = arith.constant 16 : i32
      %shift_left3A_169 = vector.broadcast %shift_left3A_168 : i32 to vector<256x4096xi32>
      %shift_left3A_170 = arith.shli %xor3A_166, %shift_left3A_169 : vector<256x4096xi32>
      %shift_right_logical3A_171 = arith.constant 16 : i32
      %shift_right_logical3A_172 = vector.broadcast %shift_right_logical3A_171 : i32 to vector<256x4096xi32>
      %shift_right_logical3A_173 = arith.shrui %xor3A_166, %shift_right_logical3A_172 : vector<256x4096xi32>
      %or3A_174 = arith.ori %shift_left3A_170, %shift_right_logical3A_173 : vector<256x4096xi32>
      %xor3A_175 = arith.xori %or3A_174, %add3A_167 : vector<256x4096xi32>
      %add3A_176 = arith.addi %add3A_167, %xor3A_175 : vector<256x4096xi32>
      %shift_left3A_177 = arith.constant 24 : i32
      %shift_left3A_178 = vector.broadcast %shift_left3A_177 : i32 to vector<256x4096xi32>
      %shift_left3A_179 = arith.shli %xor3A_175, %shift_left3A_178 : vector<256x4096xi32>
      %shift_right_logical3A_180 = arith.constant 8 : i32
      %shift_right_logical3A_181 = vector.broadcast %shift_right_logical3A_180 : i32 to vector<256x4096xi32>
      %shift_right_logical3A_182 = arith.shrui %xor3A_175, %shift_right_logical3A_181 : vector<256x4096xi32>
      %or3A_183 = arith.ori %shift_left3A_179, %shift_right_logical3A_182 : vector<256x4096xi32>
      %xor3A_184 = arith.xori %or3A_183, %add3A_176 : vector<256x4096xi32>
      %add3A_185 = arith.constant 42 : i32
      %add3A_186 = vector.broadcast %add3A_185 : i32 to vector<256x4096xi32>
      %add3A_187 = arith.addi %add3A_176, %add3A_186 : vector<256x4096xi32>
      %add3A_188 = arith.constant 466689012 : i32
      %add3A_189 = vector.broadcast %add3A_188 : i32 to vector<256x4096xi32>
      %add3A_190 = arith.addi %xor3A_184, %add3A_189 : vector<256x4096xi32>
      %add3A_191 = arith.addi %add3A_187, %add3A_190 : vector<256x4096xi32>
      %shift_left3A_192 = arith.constant 13 : i32
      %shift_left3A_193 = vector.broadcast %shift_left3A_192 : i32 to vector<256x4096xi32>
      %shift_left3A_194 = arith.shli %add3A_190, %shift_left3A_193 : vector<256x4096xi32>
      %shift_right_logical3A_195 = arith.constant 19 : i32
      %shift_right_logical3A_196 = vector.broadcast %shift_right_logical3A_195 : i32 to vector<256x4096xi32>
      %shift_right_logical3A_197 = arith.shrui %add3A_190, %shift_right_logical3A_196 : vector<256x4096xi32>
      %or3A_198 = arith.ori %shift_left3A_194, %shift_right_logical3A_197 : vector<256x4096xi32>
      %xor3A_199 = arith.xori %or3A_198, %add3A_191 : vector<256x4096xi32>
      %add3A_200 = arith.addi %add3A_191, %xor3A_199 : vector<256x4096xi32>
      %shift_left3A_201 = arith.constant 15 : i32
      %shift_left3A_202 = vector.broadcast %shift_left3A_201 : i32 to vector<256x4096xi32>
      %shift_left3A_203 = arith.shli %xor3A_199, %shift_left3A_202 : vector<256x4096xi32>
      %shift_right_logical3A_204 = arith.constant 17 : i32
      %shift_right_logical3A_205 = vector.broadcast %shift_right_logical3A_204 : i32 to vector<256x4096xi32>
      %shift_right_logical3A_206 = arith.shrui %xor3A_199, %shift_right_logical3A_205 : vector<256x4096xi32>
      %or3A_207 = arith.ori %shift_left3A_203, %shift_right_logical3A_206 : vector<256x4096xi32>
      %xor3A_208 = arith.xori %or3A_207, %add3A_200 : vector<256x4096xi32>
      %add3A_209 = arith.addi %add3A_200, %xor3A_208 : vector<256x4096xi32>
      %shift_left3A_210 = arith.constant 26 : i32
      %shift_left3A_211 = vector.broadcast %shift_left3A_210 : i32 to vector<256x4096xi32>
      %shift_left3A_212 = arith.shli %xor3A_208, %shift_left3A_211 : vector<256x4096xi32>
      %shift_right_logical3A_213 = arith.constant 6 : i32
      %shift_right_logical3A_214 = vector.broadcast %shift_right_logical3A_213 : i32 to vector<256x4096xi32>
      %shift_right_logical3A_215 = arith.shrui %xor3A_208, %shift_right_logical3A_214 : vector<256x4096xi32>
      %or3A_216 = arith.ori %shift_left3A_212, %shift_right_logical3A_215 : vector<256x4096xi32>
      %xor3A_217 = arith.xori %or3A_216, %add3A_209 : vector<256x4096xi32>
      %add3A_218 = arith.addi %add3A_209, %xor3A_217 : vector<256x4096xi32>
      %shift_left3A_219 = arith.constant 6 : i32
      %shift_left3A_220 = vector.broadcast %shift_left3A_219 : i32 to vector<256x4096xi32>
      %shift_left3A_221 = arith.shli %xor3A_217, %shift_left3A_220 : vector<256x4096xi32>
      %shift_right_logical3A_222 = arith.constant 26 : i32
      %shift_right_logical3A_223 = vector.broadcast %shift_right_logical3A_222 : i32 to vector<256x4096xi32>
      %shift_right_logical3A_224 = arith.shrui %xor3A_217, %shift_right_logical3A_223 : vector<256x4096xi32>
      %or3A_225 = arith.ori %shift_left3A_221, %shift_right_logical3A_224 : vector<256x4096xi32>
      %xor3A_226 = arith.xori %or3A_225, %add3A_218 : vector<256x4096xi32>
      %add3A_227 = arith.constant 466689008 : i32
      %add3A_228 = vector.broadcast %add3A_227 : i32 to vector<256x4096xi32>
      %add3A_229 = arith.addi %add3A_218, %add3A_228 : vector<256x4096xi32>
      %add3A_230 = arith.constant 5 : i32
      %add3A_231 = vector.broadcast %add3A_230 : i32 to vector<256x4096xi32>
      %add3A_232 = arith.addi %xor3A_226, %add3A_231 : vector<256x4096xi32>
      %xor3A_233 = arith.xori %add3A_229, %add3A_232 : vector<256x4096xi32>
      %shift_right_logical3A_234 = arith.constant 9 : i32
      %shift_right_logical3A_235 = vector.broadcast %shift_right_logical3A_234 : i32 to vector<256x4096xi32>
      %shift_right_logical3A_236 = arith.shrui %xor3A_233, %shift_right_logical3A_235 : vector<256x4096xi32>
      %or3A_237 = arith.constant 1065353216 : i32
      %or3A_238 = vector.broadcast %or3A_237 : i32 to vector<256x4096xi32>
      %or3A_239 = arith.ori %shift_right_logical3A_236, %or3A_238 : vector<256x4096xi32>
      %bitcast_convert_type3A = tpu.bitcast %or3A_239 : vector<256x4096xi32> -> vector<256x4096xf32>
      %sub3A = arith.constant 1.000000e+00 : f32
      %sub3A_240 = vector.broadcast %sub3A : f32 to vector<256x4096xf32>
      %sub3A_241 = arith.subf %bitcast_convert_type3A, %sub3A_240 : vector<256x4096xf32>
      %max3A = arith.constant 1.17549435E-38 : f32
      %max3A_242 = vector.broadcast %max3A : f32 to vector<256x4096xf32>
      %max3A_243 = arith.maximumf %sub3A_241, %max3A_242 : vector<256x4096xf32>
      %log3A = math.log %max3A_243 : vector<256x4096xf32>
      %neg3A = arith.constant 0.000000e+00 : f32
      %neg3A_244 = vector.broadcast %neg3A : f32 to vector<256x4096xf32>
      %neg3A_245 = arith.subf %neg3A_244, %log3A : vector<256x4096xf32>
      %log3A_246 = math.log %neg3A_245 : vector<256x4096xf32>
      %neg3A_247 = arith.constant 0.000000e+00 : f32
      %neg3A_248 = vector.broadcast %neg3A_247 : f32 to vector<256x4096xf32>
      %neg3A_249 = arith.subf %neg3A_248, %log3A_246 : vector<256x4096xf32>
      %add3A_250 = arith.addf %neg3A_249, %get3A_19 : vector<256x4096xf32>
      %lt3A_251 = arith.constant 1696 : i32
      %lt3A_252 = vector.broadcast %lt3A_251 : i32 to vector<256x4096xi32>
      %lt3A_253 = arith.cmpi slt, %iota3A_12, %lt3A_252 : vector<256x4096xi32>
      %jit3A = arith.constant 0xFF800000 : f32
      %broadcast_in_dim3A_254 = vector.broadcast %jit3A : f32 to vector<256x4096xf32>
      %select_n3A = arith.select %lt3A_253, %add3A_250, %broadcast_in_dim3A_254 : vector<256x4096xi1>, vector<256x4096xf32>
      %get3A_255 = arith.constant 0 : index
      %get3A_256 = arith.constant 0 : index
      %get3A_257 = vector.load %arg6[%get3A_255, %get3A_256] : memref<256x4096xf32, #tpu.memory_space<vmem>>, vector<256x4096xf32>
      %gt3A_258 = arith.cmpf ogt, %select_n3A, %get3A_257 : vector<256x4096xf32>
      %select_n3A_259 = arith.select %gt3A_258, %select_n3A, %get3A_257 : vector<256x4096xi1>, vector<256x4096xf32>
      %get3A_260 = arith.constant 0 : index
      %get3A_261 = arith.constant 0 : index
      %get3A_262 = vector.load %arg7[%get3A_260, %get3A_261] : memref<256x4096xi32, #tpu.memory_space<vmem>>, vector<256x4096xi32>
      %jit3A_263 = arith.constant 24 : i32
      %broadcast_in_dim3A_264 = vector.broadcast %jit3A_263 : i32 to vector<256x4096xi32>
      %select_n3A_265 = arith.select %gt3A_258, %broadcast_in_dim3A_264, %get3A_262 : vector<256x4096xi1>, vector<256x4096xi32>
      %mul3A_266 = arith.constant 4096 : i32
      %mul3A_267 = vector.broadcast %mul3A_266 : i32 to vector<256x4096xi32>
      %mul3A_268 = arith.muli %select_n3A_265, %mul3A_267 : vector<256x4096xi32>
      %add3A_269 = arith.addi %mul3A_268, %iota3A_12 : vector<256x4096xi32>
      %reduce_max3A = arith.constant dense<0xFF800000> : vector<256xf32>
      %reduce_max3A_270 = vector.multi_reduction <maximumf>, %select_n3A_259, %reduce_max3A [1] : vector<256x4096xf32> to vector<256xf32>
      %broadcast_in_dim3A_271 = vector.shape_cast %reduce_max3A_270 : vector<256xf32> to vector<256x1xf32>
      %eq3A_272 = vector.broadcast %broadcast_in_dim3A_271 : vector<256x1xf32> to vector<256x4096xf32>
      %eq3A_273 = arith.cmpf oeq, %select_n3A_259, %eq3A_272 : vector<256x4096xf32>
      %jit3A_274 = arith.constant 100000 : i32
      %broadcast_in_dim3A_275 = vector.broadcast %jit3A_274 : i32 to vector<256x4096xi32>
      %select_n3A_276 = arith.select %eq3A_273, %add3A_269, %broadcast_in_dim3A_275 : vector<256x4096xi1>, vector<256x4096xi32>
      %reduce_min3A = arith.constant dense<2147483647> : vector<256xi32>
      %reduce_min3A_277 = vector.multi_reduction <minsi>, %select_n3A_276, %reduce_min3A [1] : vector<256x4096xi32> to vector<256xi32>
      %reshape3A = vector.shape_cast %reduce_min3A_277 : vector<256xi32> to vector<1x1x256xi32>
      %swap3A = arith.constant 0 : index
      %swap3A_278 = arith.constant 0 : index
      %swap3A_279 = arith.constant 0 : index
      %swap3A_280 = vector.load %arg5[%swap3A, %swap3A_278, %swap3A_279] : memref<1x1x256xi32, #tpu.memory_space<vmem>>, vector<1x1x256xi32>
      tpu.vector_store %arg5[%swap3A, %swap3A_278, %swap3A_279], %reshape3A {strides = array<i32>} : memref<1x1x256xi32, #tpu.memory_space<vmem>>, vector<1x1x256xi32>,
    } else {
    }
    return
  }
  func.func @transform_0(%arg0: i32) -> (i32, i32) {
    %add3A = arith.constant 22 : i32
    %add3A_0 = arith.addi %add3A, %arg0 : i32
    %c0_i32 = arith.constant 0 : i32
    %c0_i32_1 = arith.constant 0 : i32
    return %c0_i32, %add3A_0 : i32, i32
  }
  func.func @transform_1(%arg0: i32) -> (i32, i32, i32) {
    %min3A = arith.constant 1 : i32
    %min3A_0 = arith.minsi %arg0, %min3A : i32
    %c0_i32 = arith.constant 0 : i32
    %c0_i32_1 = arith.constant 0 : i32
    %c0_i32_2 = arith.constant 0 : i32
    return %min3A_0, %c0_i32, %c0_i32_1 : i32, i32, i32
  }
  func.func @transform_2(%arg0: i32) -> (i32, i32) {
    %c0_i32 = arith.constant 0 : i32
    %c0_i32_0 = arith.constant 0 : i32
    %c0_i32_1 = arith.constant 0 : i32
    return %c0_i32, %c0_i32_0 : i32, i32
  }
  func.func @transform_3(%arg0: i32) -> (i32, i32) {
    %c0_i32 = arith.constant 0 : i32
    %c0_i32_0 = arith.constant 0 : i32
    %c0_i32_1 = arith.constant 0 : i32
    return %c0_i32, %c0_i32_0 : i32, i32
  }
  func.func @transform_4(%arg0: i32) -> (i32, i32, i32) {
    %c0_i32 = arith.constant 0 : i32
    %c0_i32_0 = arith.constant 0 : i32
    %c0_i32_1 = arith.constant 0 : i32
    %c0_i32_2 = arith.constant 0 : i32
    return %c0_i32, %c0_i32_0, %c0_i32_1 : i32, i32, i32
  }
}

module attributes {stable_mosaic.version = 14 : i64} {
  func.func @_tc1(%arg0: i32, %arg1: memref<256x4096xf32, #tpu.memory_space<vmem>>, %arg2: memref<256x4096xf32, #tpu.memory_space<vmem>>, %arg3: memref<256x4096xi32, #tpu.memory_space<vmem>>, %arg4: memref<256x4096xf32, #tpu.memory_space<vmem>>, %arg5: memref<256x4096xi32, #tpu.memory_space<vmem>>, %arg6: memref<256x4096xi32, #tpu.memory_space<vmem>>) attributes {dimension_semantics = [#tpu.dimension_semantics<arbitrary>], iteration_bounds = array<i64: 22>, scalar_prefetch = 0 : i64, scratch_operands = 3 : i64, tpu.core_type = #tpu.core_type<tc>, window_params = [{transform_indices = @transform_0, window_bounds = array<i64: 256, 4096>}, {pipeline_mode = #tpu.pipeline_mode<synchronous>, transform_indices = @transform_1, window_bounds = array<i64: 256, 4096>}, {pipeline_mode = #tpu.pipeline_mode<synchronous>, transform_indices = @transform_2, window_bounds = array<i64: 256, 4096>}]} {
    %eq3A = arith.constant 0 : i32
    %eq3A_0 = arith.cmpi eq, %arg0, %eq3A : i32
    %convert_element_type3A = arith.extui %eq3A_0 : i1 to i32
    %cond3A = arith.constant 0 : i32
    %cond3A_1 = arith.cmpi ne, %convert_element_type3A, %cond3A : i32
    scf.if %cond3A_1 {
      %iota3A = tpu.iota {dimensions = array<i32: 0>} : vector<256x4096xi32>
      %iota3A_11 = tpu.iota {dimensions = array<i32: 1>} : vector<256x4096xi32>
      %mul3A = arith.constant 100000 : i32
      %mul3A_12 = vector.broadcast %mul3A : i32 to vector<256x4096xi32>
      %mul3A_13 = arith.muli %iota3A, %mul3A_12 : vector<256x4096xi32>
      %add3A = arith.addi %mul3A_13, %iota3A_11 : vector<256x4096xi32>
      %swap3A = arith.constant 0 : index
      %swap3A_14 = arith.constant 0 : index
      %swap3A_15 = vector.load %arg6[%swap3A, %swap3A_14] : memref<256x4096xi32, #tpu.memory_space<vmem>>, vector<256x4096xi32>
      tpu.vector_store %arg6[%swap3A, %swap3A_14], %add3A {strides = array<i32>} : memref<256x4096xi32, #tpu.memory_space<vmem>>, vector<256x4096xi32>,
      %get3A = arith.constant 0 : index
      %get3A_16 = arith.constant 0 : index
      %get3A_17 = vector.load %arg1[%get3A, %get3A_16] : memref<256x4096xf32, #tpu.memory_space<vmem>>, vector<256x4096xf32>
      %broadcast_in_dim3A = arith.constant 0 : i32
      %broadcast_in_dim3A_18 = vector.broadcast %broadcast_in_dim3A : i32 to vector<256x4096xi32>
      %add3A_19 = arith.constant 0 : i32
      %add3A_20 = vector.broadcast %add3A_19 : i32 to vector<256x4096xi32>
      %add3A_21 = arith.addi %broadcast_in_dim3A_18, %add3A_20 : vector<256x4096xi32>
      %add3A_22 = arith.constant 42 : i32
      %add3A_23 = vector.broadcast %add3A_22 : i32 to vector<256x4096xi32>
      %add3A_24 = arith.addi %add3A, %add3A_23 : vector<256x4096xi32>
      %add3A_25 = arith.addi %add3A_21, %add3A_24 : vector<256x4096xi32>
      %shift_left3A = arith.constant 13 : i32
      %shift_left3A_26 = vector.broadcast %shift_left3A : i32 to vector<256x4096xi32>
      %shift_left3A_27 = arith.shli %add3A_24, %shift_left3A_26 : vector<256x4096xi32>
      %shift_right_logical3A = arith.constant 19 : i32
      %shift_right_logical3A_28 = vector.broadcast %shift_right_logical3A : i32 to vector<256x4096xi32>
      %shift_right_logical3A_29 = arith.shrui %add3A_24, %shift_right_logical3A_28 : vector<256x4096xi32>
      %or3A = arith.ori %shift_left3A_27, %shift_right_logical3A_29 : vector<256x4096xi32>
      %xor3A = arith.xori %or3A, %add3A_25 : vector<256x4096xi32>
      %add3A_30 = arith.addi %add3A_25, %xor3A : vector<256x4096xi32>
      %shift_left3A_31 = arith.constant 15 : i32
      %shift_left3A_32 = vector.broadcast %shift_left3A_31 : i32 to vector<256x4096xi32>
      %shift_left3A_33 = arith.shli %xor3A, %shift_left3A_32 : vector<256x4096xi32>
      %shift_right_logical3A_34 = arith.constant 17 : i32
      %shift_right_logical3A_35 = vector.broadcast %shift_right_logical3A_34 : i32 to vector<256x4096xi32>
      %shift_right_logical3A_36 = arith.shrui %xor3A, %shift_right_logical3A_35 : vector<256x4096xi32>
      %or3A_37 = arith.ori %shift_left3A_33, %shift_right_logical3A_36 : vector<256x4096xi32>
      %xor3A_38 = arith.xori %or3A_37, %add3A_30 : vector<256x4096xi32>
      %add3A_39 = arith.addi %add3A_30, %xor3A_38 : vector<256x4096xi32>
      %shift_left3A_40 = arith.constant 26 : i32
      %shift_left3A_41 = vector.broadcast %shift_left3A_40 : i32 to vector<256x4096xi32>
      %shift_left3A_42 = arith.shli %xor3A_38, %shift_left3A_41 : vector<256x4096xi32>
      %shift_right_logical3A_43 = arith.constant 6 : i32
      %shift_right_logical3A_44 = vector.broadcast %shift_right_logical3A_43 : i32 to vector<256x4096xi32>
      %shift_right_logical3A_45 = arith.shrui %xor3A_38, %shift_right_logical3A_44 : vector<256x4096xi32>
      %or3A_46 = arith.ori %shift_left3A_42, %shift_right_logical3A_45 : vector<256x4096xi32>
      %xor3A_47 = arith.xori %or3A_46, %add3A_39 : vector<256x4096xi32>
      %add3A_48 = arith.addi %add3A_39, %xor3A_47 : vector<256x4096xi32>
      %shift_left3A_49 = arith.constant 6 : i32
      %shift_left3A_50 = vector.broadcast %shift_left3A_49 : i32 to vector<256x4096xi32>
      %shift_left3A_51 = arith.shli %xor3A_47, %shift_left3A_50 : vector<256x4096xi32>
      %shift_right_logical3A_52 = arith.constant 26 : i32
      %shift_right_logical3A_53 = vector.broadcast %shift_right_logical3A_52 : i32 to vector<256x4096xi32>
      %shift_right_logical3A_54 = arith.shrui %xor3A_47, %shift_right_logical3A_53 : vector<256x4096xi32>
      %or3A_55 = arith.ori %shift_left3A_51, %shift_right_logical3A_54 : vector<256x4096xi32>
      %xor3A_56 = arith.xori %or3A_55, %add3A_48 : vector<256x4096xi32>
      %add3A_57 = arith.constant 42 : i32
      %add3A_58 = vector.broadcast %add3A_57 : i32 to vector<256x4096xi32>
      %add3A_59 = arith.addi %add3A_48, %add3A_58 : vector<256x4096xi32>
      %add3A_60 = arith.constant 466689009 : i32
      %add3A_61 = vector.broadcast %add3A_60 : i32 to vector<256x4096xi32>
      %add3A_62 = arith.addi %xor3A_56, %add3A_61 : vector<256x4096xi32>
      %add3A_63 = arith.addi %add3A_59, %add3A_62 : vector<256x4096xi32>
      %shift_left3A_64 = arith.constant 17 : i32
      %shift_left3A_65 = vector.broadcast %shift_left3A_64 : i32 to vector<256x4096xi32>
      %shift_left3A_66 = arith.shli %add3A_62, %shift_left3A_65 : vector<256x4096xi32>
      %shift_right_logical3A_67 = arith.constant 15 : i32
      %shift_right_logical3A_68 = vector.broadcast %shift_right_logical3A_67 : i32 to vector<256x4096xi32>
      %shift_right_logical3A_69 = arith.shrui %add3A_62, %shift_right_logical3A_68 : vector<256x4096xi32>
      %or3A_70 = arith.ori %shift_left3A_66, %shift_right_logical3A_69 : vector<256x4096xi32>
      %xor3A_71 = arith.xori %or3A_70, %add3A_63 : vector<256x4096xi32>
      %add3A_72 = arith.addi %add3A_63, %xor3A_71 : vector<256x4096xi32>
      %shift_left3A_73 = arith.constant 29 : i32
      %shift_left3A_74 = vector.broadcast %shift_left3A_73 : i32 to vector<256x4096xi32>
      %shift_left3A_75 = arith.shli %xor3A_71, %shift_left3A_74 : vector<256x4096xi32>
      %shift_right_logical3A_76 = arith.constant 3 : i32
      %shift_right_logical3A_77 = vector.broadcast %shift_right_logical3A_76 : i32 to vector<256x4096xi32>
      %shift_right_logical3A_78 = arith.shrui %xor3A_71, %shift_right_logical3A_77 : vector<256x4096xi32>
      %or3A_79 = arith.ori %shift_left3A_75, %shift_right_logical3A_78 : vector<256x4096xi32>
      %xor3A_80 = arith.xori %or3A_79, %add3A_72 : vector<256x4096xi32>
      %add3A_81 = arith.addi %add3A_72, %xor3A_80 : vector<256x4096xi32>
      %shift_left3A_82 = arith.constant 16 : i32
      %shift_left3A_83 = vector.broadcast %shift_left3A_82 : i32 to vector<256x4096xi32>
      %shift_left3A_84 = arith.shli %xor3A_80, %shift_left3A_83 : vector<256x4096xi32>
      %shift_right_logical3A_85 = arith.constant 16 : i32
      %shift_right_logical3A_86 = vector.broadcast %shift_right_logical3A_85 : i32 to vector<256x4096xi32>
      %shift_right_logical3A_87 = arith.shrui %xor3A_80, %shift_right_logical3A_86 : vector<256x4096xi32>
      %or3A_88 = arith.ori %shift_left3A_84, %shift_right_logical3A_87 : vector<256x4096xi32>
      %xor3A_89 = arith.xori %or3A_88, %add3A_81 : vector<256x4096xi32>
      %add3A_90 = arith.addi %add3A_81, %xor3A_89 : vector<256x4096xi32>
      %shift_left3A_91 = arith.constant 24 : i32
      %shift_left3A_92 = vector.broadcast %shift_left3A_91 : i32 to vector<256x4096xi32>
      %shift_left3A_93 = arith.shli %xor3A_89, %shift_left3A_92 : vector<256x4096xi32>
      %shift_right_logical3A_94 = arith.constant 8 : i32
      %shift_right_logical3A_95 = vector.broadcast %shift_right_logical3A_94 : i32 to vector<256x4096xi32>
      %shift_right_logical3A_96 = arith.shrui %xor3A_89, %shift_right_logical3A_95 : vector<256x4096xi32>
      %or3A_97 = arith.ori %shift_left3A_93, %shift_right_logical3A_96 : vector<256x4096xi32>
      %xor3A_98 = arith.xori %or3A_97, %add3A_90 : vector<256x4096xi32>
      %add3A_99 = arith.constant 466689008 : i32
      %add3A_100 = vector.broadcast %add3A_99 : i32 to vector<256x4096xi32>
      %add3A_101 = arith.addi %add3A_90, %add3A_100 : vector<256x4096xi32>
      %add3A_102 = arith.constant 2 : i32
      %add3A_103 = vector.broadcast %add3A_102 : i32 to vector<256x4096xi32>
      %add3A_104 = arith.addi %xor3A_98, %add3A_103 : vector<256x4096xi32>
      %add3A_105 = arith.addi %add3A_101, %add3A_104 : vector<256x4096xi32>
      %shift_left3A_106 = arith.constant 13 : i32
      %shift_left3A_107 = vector.broadcast %shift_left3A_106 : i32 to vector<256x4096xi32>
      %shift_left3A_108 = arith.shli %add3A_104, %shift_left3A_107 : vector<256x4096xi32>
      %shift_right_logical3A_109 = arith.constant 19 : i32
      %shift_right_logical3A_110 = vector.broadcast %shift_right_logical3A_109 : i32 to vector<256x4096xi32>
      %shift_right_logical3A_111 = arith.shrui %add3A_104, %shift_right_logical3A_110 : vector<256x4096xi32>
      %or3A_112 = arith.ori %shift_left3A_108, %shift_right_logical3A_111 : vector<256x4096xi32>
      %xor3A_113 = arith.xori %or3A_112, %add3A_105 : vector<256x4096xi32>
      %add3A_114 = arith.addi %add3A_105, %xor3A_113 : vector<256x4096xi32>
      %shift_left3A_115 = arith.constant 15 : i32
      %shift_left3A_116 = vector.broadcast %shift_left3A_115 : i32 to vector<256x4096xi32>
      %shift_left3A_117 = arith.shli %xor3A_113, %shift_left3A_116 : vector<256x4096xi32>
      %shift_right_logical3A_118 = arith.constant 17 : i32
      %shift_right_logical3A_119 = vector.broadcast %shift_right_logical3A_118 : i32 to vector<256x4096xi32>
      %shift_right_logical3A_120 = arith.shrui %xor3A_113, %shift_right_logical3A_119 : vector<256x4096xi32>
      %or3A_121 = arith.ori %shift_left3A_117, %shift_right_logical3A_120 : vector<256x4096xi32>
      %xor3A_122 = arith.xori %or3A_121, %add3A_114 : vector<256x4096xi32>
      %add3A_123 = arith.addi %add3A_114, %xor3A_122 : vector<256x4096xi32>
      %shift_left3A_124 = arith.constant 26 : i32
      %shift_left3A_125 = vector.broadcast %shift_left3A_124 : i32 to vector<256x4096xi32>
      %shift_left3A_126 = arith.shli %xor3A_122, %shift_left3A_125 : vector<256x4096xi32>
      %shift_right_logical3A_127 = arith.constant 6 : i32
      %shift_right_logical3A_128 = vector.broadcast %shift_right_logical3A_127 : i32 to vector<256x4096xi32>
      %shift_right_logical3A_129 = arith.shrui %xor3A_122, %shift_right_logical3A_128 : vector<256x4096xi32>
      %or3A_130 = arith.ori %shift_left3A_126, %shift_right_logical3A_129 : vector<256x4096xi32>
      %xor3A_131 = arith.xori %or3A_130, %add3A_123 : vector<256x4096xi32>
      %add3A_132 = arith.addi %add3A_123, %xor3A_131 : vector<256x4096xi32>
      %shift_left3A_133 = arith.constant 6 : i32
      %shift_left3A_134 = vector.broadcast %shift_left3A_133 : i32 to vector<256x4096xi32>
      %shift_left3A_135 = arith.shli %xor3A_131, %shift_left3A_134 : vector<256x4096xi32>
      %shift_right_logical3A_136 = arith.constant 26 : i32
      %shift_right_logical3A_137 = vector.broadcast %shift_right_logical3A_136 : i32 to vector<256x4096xi32>
      %shift_right_logical3A_138 = arith.shrui %xor3A_131, %shift_right_logical3A_137 : vector<256x4096xi32>
      %or3A_139 = arith.ori %shift_left3A_135, %shift_right_logical3A_138 : vector<256x4096xi32>
      %xor3A_140 = arith.xori %or3A_139, %add3A_132 : vector<256x4096xi32>
      %add3A_141 = arith.constant 0 : i32
      %add3A_142 = vector.broadcast %add3A_141 : i32 to vector<256x4096xi32>
      %add3A_143 = arith.addi %add3A_132, %add3A_142 : vector<256x4096xi32>
      %add3A_144 = arith.constant 45 : i32
      %add3A_145 = vector.broadcast %add3A_144 : i32 to vector<256x4096xi32>
      %add3A_146 = arith.addi %xor3A_140, %add3A_145 : vector<256x4096xi32>
      %add3A_147 = arith.addi %add3A_143, %add3A_146 : vector<256x4096xi32>
      %shift_left3A_148 = arith.constant 17 : i32
      %shift_left3A_149 = vector.broadcast %shift_left3A_148 : i32 to vector<256x4096xi32>
      %shift_left3A_150 = arith.shli %add3A_146, %shift_left3A_149 : vector<256x4096xi32>
      %shift_right_logical3A_151 = arith.constant 15 : i32
      %shift_right_logical3A_152 = vector.broadcast %shift_right_logical3A_151 : i32 to vector<256x4096xi32>
      %shift_right_logical3A_153 = arith.shrui %add3A_146, %shift_right_logical3A_152 : vector<256x4096xi32>
      %or3A_154 = arith.ori %shift_left3A_150, %shift_right_logical3A_153 : vector<256x4096xi32>
      %xor3A_155 = arith.xori %or3A_154, %add3A_147 : vector<256x4096xi32>
      %add3A_156 = arith.addi %add3A_147, %xor3A_155 : vector<256x4096xi32>
      %shift_left3A_157 = arith.constant 29 : i32
      %shift_left3A_158 = vector.broadcast %shift_left3A_157 : i32 to vector<256x4096xi32>
      %shift_left3A_159 = arith.shli %xor3A_155, %shift_left3A_158 : vector<256x4096xi32>
      %shift_right_logical3A_160 = arith.constant 3 : i32
      %shift_right_logical3A_161 = vector.broadcast %shift_right_logical3A_160 : i32 to vector<256x4096xi32>
      %shift_right_logical3A_162 = arith.shrui %xor3A_155, %shift_right_logical3A_161 : vector<256x4096xi32>
      %or3A_163 = arith.ori %shift_left3A_159, %shift_right_logical3A_162 : vector<256x4096xi32>
      %xor3A_164 = arith.xori %or3A_163, %add3A_156 : vector<256x4096xi32>
      %add3A_165 = arith.addi %add3A_156, %xor3A_164 : vector<256x4096xi32>
      %shift_left3A_166 = arith.constant 16 : i32
      %shift_left3A_167 = vector.broadcast %shift_left3A_166 : i32 to vector<256x4096xi32>
      %shift_left3A_168 = arith.shli %xor3A_164, %shift_left3A_167 : vector<256x4096xi32>
      %shift_right_logical3A_169 = arith.constant 16 : i32
      %shift_right_logical3A_170 = vector.broadcast %shift_right_logical3A_169 : i32 to vector<256x4096xi32>
      %shift_right_logical3A_171 = arith.shrui %xor3A_164, %shift_right_logical3A_170 : vector<256x4096xi32>
      %or3A_172 = arith.ori %shift_left3A_168, %shift_right_logical3A_171 : vector<256x4096xi32>
      %xor3A_173 = arith.xori %or3A_172, %add3A_165 : vector<256x4096xi32>
      %add3A_174 = arith.addi %add3A_165, %xor3A_173 : vector<256x4096xi32>
      %shift_left3A_175 = arith.constant 24 : i32
      %shift_left3A_176 = vector.broadcast %shift_left3A_175 : i32 to vector<256x4096xi32>
      %shift_left3A_177 = arith.shli %xor3A_173, %shift_left3A_176 : vector<256x4096xi32>
      %shift_right_logical3A_178 = arith.constant 8 : i32
      %shift_right_logical3A_179 = vector.broadcast %shift_right_logical3A_178 : i32 to vector<256x4096xi32>
      %shift_right_logical3A_180 = arith.shrui %xor3A_173, %shift_right_logical3A_179 : vector<256x4096xi32>
      %or3A_181 = arith.ori %shift_left3A_177, %shift_right_logical3A_180 : vector<256x4096xi32>
      %xor3A_182 = arith.xori %or3A_181, %add3A_174 : vector<256x4096xi32>
      %add3A_183 = arith.constant 42 : i32
      %add3A_184 = vector.broadcast %add3A_183 : i32 to vector<256x4096xi32>
      %add3A_185 = arith.addi %add3A_174, %add3A_184 : vector<256x4096xi32>
      %add3A_186 = arith.constant 466689012 : i32
      %add3A_187 = vector.broadcast %add3A_186 : i32 to vector<256x4096xi32>
      %add3A_188 = arith.addi %xor3A_182, %add3A_187 : vector<256x4096xi32>
      %add3A_189 = arith.addi %add3A_185, %add3A_188 : vector<256x4096xi32>
      %shift_left3A_190 = arith.constant 13 : i32
      %shift_left3A_191 = vector.broadcast %shift_left3A_190 : i32 to vector<256x4096xi32>
      %shift_left3A_192 = arith.shli %add3A_188, %shift_left3A_191 : vector<256x4096xi32>
      %shift_right_logical3A_193 = arith.constant 19 : i32
      %shift_right_logical3A_194 = vector.broadcast %shift_right_logical3A_193 : i32 to vector<256x4096xi32>
      %shift_right_logical3A_195 = arith.shrui %add3A_188, %shift_right_logical3A_194 : vector<256x4096xi32>
      %or3A_196 = arith.ori %shift_left3A_192, %shift_right_logical3A_195 : vector<256x4096xi32>
      %xor3A_197 = arith.xori %or3A_196, %add3A_189 : vector<256x4096xi32>
      %add3A_198 = arith.addi %add3A_189, %xor3A_197 : vector<256x4096xi32>
      %shift_left3A_199 = arith.constant 15 : i32
      %shift_left3A_200 = vector.broadcast %shift_left3A_199 : i32 to vector<256x4096xi32>
      %shift_left3A_201 = arith.shli %xor3A_197, %shift_left3A_200 : vector<256x4096xi32>
      %shift_right_logical3A_202 = arith.constant 17 : i32
      %shift_right_logical3A_203 = vector.broadcast %shift_right_logical3A_202 : i32 to vector<256x4096xi32>
      %shift_right_logical3A_204 = arith.shrui %xor3A_197, %shift_right_logical3A_203 : vector<256x4096xi32>
      %or3A_205 = arith.ori %shift_left3A_201, %shift_right_logical3A_204 : vector<256x4096xi32>
      %xor3A_206 = arith.xori %or3A_205, %add3A_198 : vector<256x4096xi32>
      %add3A_207 = arith.addi %add3A_198, %xor3A_206 : vector<256x4096xi32>
      %shift_left3A_208 = arith.constant 26 : i32
      %shift_left3A_209 = vector.broadcast %shift_left3A_208 : i32 to vector<256x4096xi32>
      %shift_left3A_210 = arith.shli %xor3A_206, %shift_left3A_209 : vector<256x4096xi32>
      %shift_right_logical3A_211 = arith.constant 6 : i32
      %shift_right_logical3A_212 = vector.broadcast %shift_right_logical3A_211 : i32 to vector<256x4096xi32>
      %shift_right_logical3A_213 = arith.shrui %xor3A_206, %shift_right_logical3A_212 : vector<256x4096xi32>
      %or3A_214 = arith.ori %shift_left3A_210, %shift_right_logical3A_213 : vector<256x4096xi32>
      %xor3A_215 = arith.xori %or3A_214, %add3A_207 : vector<256x4096xi32>
      %add3A_216 = arith.addi %add3A_207, %xor3A_215 : vector<256x4096xi32>
      %shift_left3A_217 = arith.constant 6 : i32
      %shift_left3A_218 = vector.broadcast %shift_left3A_217 : i32 to vector<256x4096xi32>
      %shift_left3A_219 = arith.shli %xor3A_215, %shift_left3A_218 : vector<256x4096xi32>
      %shift_right_logical3A_220 = arith.constant 26 : i32
      %shift_right_logical3A_221 = vector.broadcast %shift_right_logical3A_220 : i32 to vector<256x4096xi32>
      %shift_right_logical3A_222 = arith.shrui %xor3A_215, %shift_right_logical3A_221 : vector<256x4096xi32>
      %or3A_223 = arith.ori %shift_left3A_219, %shift_right_logical3A_222 : vector<256x4096xi32>
      %xor3A_224 = arith.xori %or3A_223, %add3A_216 : vector<256x4096xi32>
      %add3A_225 = arith.constant 466689008 : i32
      %add3A_226 = vector.broadcast %add3A_225 : i32 to vector<256x4096xi32>
      %add3A_227 = arith.addi %add3A_216, %add3A_226 : vector<256x4096xi32>
      %add3A_228 = arith.constant 5 : i32
      %add3A_229 = vector.broadcast %add3A_228 : i32 to vector<256x4096xi32>
      %add3A_230 = arith.addi %xor3A_224, %add3A_229 : vector<256x4096xi32>
      %xor3A_231 = arith.xori %add3A_227, %add3A_230 : vector<256x4096xi32>
      %shift_right_logical3A_232 = arith.constant 9 : i32
      %shift_right_logical3A_233 = vector.broadcast %shift_right_logical3A_232 : i32 to vector<256x4096xi32>
      %shift_right_logical3A_234 = arith.shrui %xor3A_231, %shift_right_logical3A_233 : vector<256x4096xi32>
      %or3A_235 = arith.constant 1065353216 : i32
      %or3A_236 = vector.broadcast %or3A_235 : i32 to vector<256x4096xi32>
      %or3A_237 = arith.ori %shift_right_logical3A_234, %or3A_236 : vector<256x4096xi32>
      %bitcast_convert_type3A = tpu.bitcast %or3A_237 : vector<256x4096xi32> -> vector<256x4096xf32>
      %sub3A = arith.constant 1.000000e+00 : f32
      %sub3A_238 = vector.broadcast %sub3A : f32 to vector<256x4096xf32>
      %sub3A_239 = arith.subf %bitcast_convert_type3A, %sub3A_238 : vector<256x4096xf32>
      %max3A = arith.constant 1.17549435E-38 : f32
      %max3A_240 = vector.broadcast %max3A : f32 to vector<256x4096xf32>
      %max3A_241 = arith.maximumf %sub3A_239, %max3A_240 : vector<256x4096xf32>
      %log3A = math.log %max3A_241 : vector<256x4096xf32>
      %neg3A = arith.constant 0.000000e+00 : f32
      %neg3A_242 = vector.broadcast %neg3A : f32 to vector<256x4096xf32>
      %neg3A_243 = arith.subf %neg3A_242, %log3A : vector<256x4096xf32>
      %log3A_244 = math.log %neg3A_243 : vector<256x4096xf32>
      %neg3A_245 = arith.constant 0.000000e+00 : f32
      %neg3A_246 = vector.broadcast %neg3A_245 : f32 to vector<256x4096xf32>
      %neg3A_247 = arith.subf %neg3A_246, %log3A_244 : vector<256x4096xf32>
      %add3A_248 = arith.addf %neg3A_247, %get3A_17 : vector<256x4096xf32>
      %swap3A_249 = arith.constant 0 : index
      %swap3A_250 = arith.constant 0 : index
      %swap3A_251 = vector.load %arg4[%swap3A_249, %swap3A_250] : memref<256x4096xf32, #tpu.memory_space<vmem>>, vector<256x4096xf32>
      tpu.vector_store %arg4[%swap3A_249, %swap3A_250], %add3A_248 {strides = array<i32>} : memref<256x4096xf32, #tpu.memory_space<vmem>>, vector<256x4096xf32>,
      %broadcast_in_dim3A_252 = arith.constant 0 : i32
      %broadcast_in_dim3A_253 = vector.broadcast %broadcast_in_dim3A_252 : i32 to vector<256x4096xi32>
      %swap3A_254 = arith.constant 0 : index
      %swap3A_255 = arith.constant 0 : index
      %swap3A_256 = vector.load %arg5[%swap3A_254, %swap3A_255] : memref<256x4096xi32, #tpu.memory_space<vmem>>, vector<256x4096xi32>
      tpu.vector_store %arg5[%swap3A_254, %swap3A_255], %broadcast_in_dim3A_253 {strides = array<i32>} : memref<256x4096xi32, #tpu.memory_space<vmem>>, vector<256x4096xi32>,
    } else {
    }
    %gt3A = arith.constant 0 : i32
    %gt3A_2 = arith.cmpi sgt, %arg0, %gt3A : i32
    %convert_element_type3A_3 = arith.extui %gt3A_2 : i1 to i32
    %cond3A_4 = arith.constant 0 : i32
    %cond3A_5 = arith.cmpi ne, %convert_element_type3A_3, %cond3A_4 : i32
    scf.if %cond3A_5 {
      %get3A = arith.constant 0 : index
      %get3A_11 = arith.constant 0 : index
      %get3A_12 = vector.load %arg6[%get3A, %get3A_11] : memref<256x4096xi32, #tpu.memory_space<vmem>>, vector<256x4096xi32>
      %mul3A = arith.constant 4096 : i32
      %mul3A_13 = arith.muli %arg0, %mul3A : i32
      %add3A = vector.broadcast %mul3A_13 : i32 to vector<256x4096xi32>
      %add3A_14 = arith.addi %get3A_12, %add3A : vector<256x4096xi32>
      %get3A_15 = arith.constant 0 : index
      %get3A_16 = arith.constant 0 : index
      %get3A_17 = vector.load %arg1[%get3A_15, %get3A_16] : memref<256x4096xf32, #tpu.memory_space<vmem>>, vector<256x4096xf32>
      %broadcast_in_dim3A = arith.constant 0 : i32
      %broadcast_in_dim3A_18 = vector.broadcast %broadcast_in_dim3A : i32 to vector<256x4096xi32>
      %add3A_19 = arith.constant 0 : i32
      %add3A_20 = vector.broadcast %add3A_19 : i32 to vector<256x4096xi32>
      %add3A_21 = arith.addi %broadcast_in_dim3A_18, %add3A_20 : vector<256x4096xi32>
      %add3A_22 = arith.constant 42 : i32
      %add3A_23 = vector.broadcast %add3A_22 : i32 to vector<256x4096xi32>
      %add3A_24 = arith.addi %add3A_14, %add3A_23 : vector<256x4096xi32>
      %add3A_25 = arith.addi %add3A_21, %add3A_24 : vector<256x4096xi32>
      %shift_left3A = arith.constant 13 : i32
      %shift_left3A_26 = vector.broadcast %shift_left3A : i32 to vector<256x4096xi32>
      %shift_left3A_27 = arith.shli %add3A_24, %shift_left3A_26 : vector<256x4096xi32>
      %shift_right_logical3A = arith.constant 19 : i32
      %shift_right_logical3A_28 = vector.broadcast %shift_right_logical3A : i32 to vector<256x4096xi32>
      %shift_right_logical3A_29 = arith.shrui %add3A_24, %shift_right_logical3A_28 : vector<256x4096xi32>
      %or3A = arith.ori %shift_left3A_27, %shift_right_logical3A_29 : vector<256x4096xi32>
      %xor3A = arith.xori %or3A, %add3A_25 : vector<256x4096xi32>
      %add3A_30 = arith.addi %add3A_25, %xor3A : vector<256x4096xi32>
      %shift_left3A_31 = arith.constant 15 : i32
      %shift_left3A_32 = vector.broadcast %shift_left3A_31 : i32 to vector<256x4096xi32>
      %shift_left3A_33 = arith.shli %xor3A, %shift_left3A_32 : vector<256x4096xi32>
      %shift_right_logical3A_34 = arith.constant 17 : i32
      %shift_right_logical3A_35 = vector.broadcast %shift_right_logical3A_34 : i32 to vector<256x4096xi32>
      %shift_right_logical3A_36 = arith.shrui %xor3A, %shift_right_logical3A_35 : vector<256x4096xi32>
      %or3A_37 = arith.ori %shift_left3A_33, %shift_right_logical3A_36 : vector<256x4096xi32>
      %xor3A_38 = arith.xori %or3A_37, %add3A_30 : vector<256x4096xi32>
      %add3A_39 = arith.addi %add3A_30, %xor3A_38 : vector<256x4096xi32>
      %shift_left3A_40 = arith.constant 26 : i32
      %shift_left3A_41 = vector.broadcast %shift_left3A_40 : i32 to vector<256x4096xi32>
      %shift_left3A_42 = arith.shli %xor3A_38, %shift_left3A_41 : vector<256x4096xi32>
      %shift_right_logical3A_43 = arith.constant 6 : i32
      %shift_right_logical3A_44 = vector.broadcast %shift_right_logical3A_43 : i32 to vector<256x4096xi32>
      %shift_right_logical3A_45 = arith.shrui %xor3A_38, %shift_right_logical3A_44 : vector<256x4096xi32>
      %or3A_46 = arith.ori %shift_left3A_42, %shift_right_logical3A_45 : vector<256x4096xi32>
      %xor3A_47 = arith.xori %or3A_46, %add3A_39 : vector<256x4096xi32>
      %add3A_48 = arith.addi %add3A_39, %xor3A_47 : vector<256x4096xi32>
      %shift_left3A_49 = arith.constant 6 : i32
      %shift_left3A_50 = vector.broadcast %shift_left3A_49 : i32 to vector<256x4096xi32>
      %shift_left3A_51 = arith.shli %xor3A_47, %shift_left3A_50 : vector<256x4096xi32>
      %shift_right_logical3A_52 = arith.constant 26 : i32
      %shift_right_logical3A_53 = vector.broadcast %shift_right_logical3A_52 : i32 to vector<256x4096xi32>
      %shift_right_logical3A_54 = arith.shrui %xor3A_47, %shift_right_logical3A_53 : vector<256x4096xi32>
      %or3A_55 = arith.ori %shift_left3A_51, %shift_right_logical3A_54 : vector<256x4096xi32>
      %xor3A_56 = arith.xori %or3A_55, %add3A_48 : vector<256x4096xi32>
      %add3A_57 = arith.constant 42 : i32
      %add3A_58 = vector.broadcast %add3A_57 : i32 to vector<256x4096xi32>
      %add3A_59 = arith.addi %add3A_48, %add3A_58 : vector<256x4096xi32>
      %add3A_60 = arith.constant 466689009 : i32
      %add3A_61 = vector.broadcast %add3A_60 : i32 to vector<256x4096xi32>
      %add3A_62 = arith.addi %xor3A_56, %add3A_61 : vector<256x4096xi32>
      %add3A_63 = arith.addi %add3A_59, %add3A_62 : vector<256x4096xi32>
      %shift_left3A_64 = arith.constant 17 : i32
      %shift_left3A_65 = vector.broadcast %shift_left3A_64 : i32 to vector<256x4096xi32>
      %shift_left3A_66 = arith.shli %add3A_62, %shift_left3A_65 : vector<256x4096xi32>
      %shift_right_logical3A_67 = arith.constant 15 : i32
      %shift_right_logical3A_68 = vector.broadcast %shift_right_logical3A_67 : i32 to vector<256x4096xi32>
      %shift_right_logical3A_69 = arith.shrui %add3A_62, %shift_right_logical3A_68 : vector<256x4096xi32>
      %or3A_70 = arith.ori %shift_left3A_66, %shift_right_logical3A_69 : vector<256x4096xi32>
      %xor3A_71 = arith.xori %or3A_70, %add3A_63 : vector<256x4096xi32>
      %add3A_72 = arith.addi %add3A_63, %xor3A_71 : vector<256x4096xi32>
      %shift_left3A_73 = arith.constant 29 : i32
      %shift_left3A_74 = vector.broadcast %shift_left3A_73 : i32 to vector<256x4096xi32>
      %shift_left3A_75 = arith.shli %xor3A_71, %shift_left3A_74 : vector<256x4096xi32>
      %shift_right_logical3A_76 = arith.constant 3 : i32
      %shift_right_logical3A_77 = vector.broadcast %shift_right_logical3A_76 : i32 to vector<256x4096xi32>
      %shift_right_logical3A_78 = arith.shrui %xor3A_71, %shift_right_logical3A_77 : vector<256x4096xi32>
      %or3A_79 = arith.ori %shift_left3A_75, %shift_right_logical3A_78 : vector<256x4096xi32>
      %xor3A_80 = arith.xori %or3A_79, %add3A_72 : vector<256x4096xi32>
      %add3A_81 = arith.addi %add3A_72, %xor3A_80 : vector<256x4096xi32>
      %shift_left3A_82 = arith.constant 16 : i32
      %shift_left3A_83 = vector.broadcast %shift_left3A_82 : i32 to vector<256x4096xi32>
      %shift_left3A_84 = arith.shli %xor3A_80, %shift_left3A_83 : vector<256x4096xi32>
      %shift_right_logical3A_85 = arith.constant 16 : i32
      %shift_right_logical3A_86 = vector.broadcast %shift_right_logical3A_85 : i32 to vector<256x4096xi32>
      %shift_right_logical3A_87 = arith.shrui %xor3A_80, %shift_right_logical3A_86 : vector<256x4096xi32>
      %or3A_88 = arith.ori %shift_left3A_84, %shift_right_logical3A_87 : vector<256x4096xi32>
      %xor3A_89 = arith.xori %or3A_88, %add3A_81 : vector<256x4096xi32>
      %add3A_90 = arith.addi %add3A_81, %xor3A_89 : vector<256x4096xi32>
      %shift_left3A_91 = arith.constant 24 : i32
      %shift_left3A_92 = vector.broadcast %shift_left3A_91 : i32 to vector<256x4096xi32>
      %shift_left3A_93 = arith.shli %xor3A_89, %shift_left3A_92 : vector<256x4096xi32>
      %shift_right_logical3A_94 = arith.constant 8 : i32
      %shift_right_logical3A_95 = vector.broadcast %shift_right_logical3A_94 : i32 to vector<256x4096xi32>
      %shift_right_logical3A_96 = arith.shrui %xor3A_89, %shift_right_logical3A_95 : vector<256x4096xi32>
      %or3A_97 = arith.ori %shift_left3A_93, %shift_right_logical3A_96 : vector<256x4096xi32>
      %xor3A_98 = arith.xori %or3A_97, %add3A_90 : vector<256x4096xi32>
      %add3A_99 = arith.constant 466689008 : i32
      %add3A_100 = vector.broadcast %add3A_99 : i32 to vector<256x4096xi32>
      %add3A_101 = arith.addi %add3A_90, %add3A_100 : vector<256x4096xi32>
      %add3A_102 = arith.constant 2 : i32
      %add3A_103 = vector.broadcast %add3A_102 : i32 to vector<256x4096xi32>
      %add3A_104 = arith.addi %xor3A_98, %add3A_103 : vector<256x4096xi32>
      %add3A_105 = arith.addi %add3A_101, %add3A_104 : vector<256x4096xi32>
      %shift_left3A_106 = arith.constant 13 : i32
      %shift_left3A_107 = vector.broadcast %shift_left3A_106 : i32 to vector<256x4096xi32>
      %shift_left3A_108 = arith.shli %add3A_104, %shift_left3A_107 : vector<256x4096xi32>
      %shift_right_logical3A_109 = arith.constant 19 : i32
      %shift_right_logical3A_110 = vector.broadcast %shift_right_logical3A_109 : i32 to vector<256x4096xi32>
      %shift_right_logical3A_111 = arith.shrui %add3A_104, %shift_right_logical3A_110 : vector<256x4096xi32>
      %or3A_112 = arith.ori %shift_left3A_108, %shift_right_logical3A_111 : vector<256x4096xi32>
      %xor3A_113 = arith.xori %or3A_112, %add3A_105 : vector<256x4096xi32>
      %add3A_114 = arith.addi %add3A_105, %xor3A_113 : vector<256x4096xi32>
      %shift_left3A_115 = arith.constant 15 : i32
      %shift_left3A_116 = vector.broadcast %shift_left3A_115 : i32 to vector<256x4096xi32>
      %shift_left3A_117 = arith.shli %xor3A_113, %shift_left3A_116 : vector<256x4096xi32>
      %shift_right_logical3A_118 = arith.constant 17 : i32
      %shift_right_logical3A_119 = vector.broadcast %shift_right_logical3A_118 : i32 to vector<256x4096xi32>
      %shift_right_logical3A_120 = arith.shrui %xor3A_113, %shift_right_logical3A_119 : vector<256x4096xi32>
      %or3A_121 = arith.ori %shift_left3A_117, %shift_right_logical3A_120 : vector<256x4096xi32>
      %xor3A_122 = arith.xori %or3A_121, %add3A_114 : vector<256x4096xi32>
      %add3A_123 = arith.addi %add3A_114, %xor3A_122 : vector<256x4096xi32>
      %shift_left3A_124 = arith.constant 26 : i32
      %shift_left3A_125 = vector.broadcast %shift_left3A_124 : i32 to vector<256x4096xi32>
      %shift_left3A_126 = arith.shli %xor3A_122, %shift_left3A_125 : vector<256x4096xi32>
      %shift_right_logical3A_127 = arith.constant 6 : i32
      %shift_right_logical3A_128 = vector.broadcast %shift_right_logical3A_127 : i32 to vector<256x4096xi32>
      %shift_right_logical3A_129 = arith.shrui %xor3A_122, %shift_right_logical3A_128 : vector<256x4096xi32>
      %or3A_130 = arith.ori %shift_left3A_126, %shift_right_logical3A_129 : vector<256x4096xi32>
      %xor3A_131 = arith.xori %or3A_130, %add3A_123 : vector<256x4096xi32>
      %add3A_132 = arith.addi %add3A_123, %xor3A_131 : vector<256x4096xi32>
      %shift_left3A_133 = arith.constant 6 : i32
      %shift_left3A_134 = vector.broadcast %shift_left3A_133 : i32 to vector<256x4096xi32>
      %shift_left3A_135 = arith.shli %xor3A_131, %shift_left3A_134 : vector<256x4096xi32>
      %shift_right_logical3A_136 = arith.constant 26 : i32
      %shift_right_logical3A_137 = vector.broadcast %shift_right_logical3A_136 : i32 to vector<256x4096xi32>
      %shift_right_logical3A_138 = arith.shrui %xor3A_131, %shift_right_logical3A_137 : vector<256x4096xi32>
      %or3A_139 = arith.ori %shift_left3A_135, %shift_right_logical3A_138 : vector<256x4096xi32>
      %xor3A_140 = arith.xori %or3A_139, %add3A_132 : vector<256x4096xi32>
      %add3A_141 = arith.constant 0 : i32
      %add3A_142 = vector.broadcast %add3A_141 : i32 to vector<256x4096xi32>
      %add3A_143 = arith.addi %add3A_132, %add3A_142 : vector<256x4096xi32>
      %add3A_144 = arith.constant 45 : i32
      %add3A_145 = vector.broadcast %add3A_144 : i32 to vector<256x4096xi32>
      %add3A_146 = arith.addi %xor3A_140, %add3A_145 : vector<256x4096xi32>
      %add3A_147 = arith.addi %add3A_143, %add3A_146 : vector<256x4096xi32>
      %shift_left3A_148 = arith.constant 17 : i32
      %shift_left3A_149 = vector.broadcast %shift_left3A_148 : i32 to vector<256x4096xi32>
      %shift_left3A_150 = arith.shli %add3A_146, %shift_left3A_149 : vector<256x4096xi32>
      %shift_right_logical3A_151 = arith.constant 15 : i32
      %shift_right_logical3A_152 = vector.broadcast %shift_right_logical3A_151 : i32 to vector<256x4096xi32>
      %shift_right_logical3A_153 = arith.shrui %add3A_146, %shift_right_logical3A_152 : vector<256x4096xi32>
      %or3A_154 = arith.ori %shift_left3A_150, %shift_right_logical3A_153 : vector<256x4096xi32>
      %xor3A_155 = arith.xori %or3A_154, %add3A_147 : vector<256x4096xi32>
      %add3A_156 = arith.addi %add3A_147, %xor3A_155 : vector<256x4096xi32>
      %shift_left3A_157 = arith.constant 29 : i32
      %shift_left3A_158 = vector.broadcast %shift_left3A_157 : i32 to vector<256x4096xi32>
      %shift_left3A_159 = arith.shli %xor3A_155, %shift_left3A_158 : vector<256x4096xi32>
      %shift_right_logical3A_160 = arith.constant 3 : i32
      %shift_right_logical3A_161 = vector.broadcast %shift_right_logical3A_160 : i32 to vector<256x4096xi32>
      %shift_right_logical3A_162 = arith.shrui %xor3A_155, %shift_right_logical3A_161 : vector<256x4096xi32>
      %or3A_163 = arith.ori %shift_left3A_159, %shift_right_logical3A_162 : vector<256x4096xi32>
      %xor3A_164 = arith.xori %or3A_163, %add3A_156 : vector<256x4096xi32>
      %add3A_165 = arith.addi %add3A_156, %xor3A_164 : vector<256x4096xi32>
      %shift_left3A_166 = arith.constant 16 : i32
      %shift_left3A_167 = vector.broadcast %shift_left3A_166 : i32 to vector<256x4096xi32>
      %shift_left3A_168 = arith.shli %xor3A_164, %shift_left3A_167 : vector<256x4096xi32>
      %shift_right_logical3A_169 = arith.constant 16 : i32
      %shift_right_logical3A_170 = vector.broadcast %shift_right_logical3A_169 : i32 to vector<256x4096xi32>
      %shift_right_logical3A_171 = arith.shrui %xor3A_164, %shift_right_logical3A_170 : vector<256x4096xi32>
      %or3A_172 = arith.ori %shift_left3A_168, %shift_right_logical3A_171 : vector<256x4096xi32>
      %xor3A_173 = arith.xori %or3A_172, %add3A_165 : vector<256x4096xi32>
      %add3A_174 = arith.addi %add3A_165, %xor3A_173 : vector<256x4096xi32>
      %shift_left3A_175 = arith.constant 24 : i32
      %shift_left3A_176 = vector.broadcast %shift_left3A_175 : i32 to vector<256x4096xi32>
      %shift_left3A_177 = arith.shli %xor3A_173, %shift_left3A_176 : vector<256x4096xi32>
      %shift_right_logical3A_178 = arith.constant 8 : i32
      %shift_right_logical3A_179 = vector.broadcast %shift_right_logical3A_178 : i32 to vector<256x4096xi32>
      %shift_right_logical3A_180 = arith.shrui %xor3A_173, %shift_right_logical3A_179 : vector<256x4096xi32>
      %or3A_181 = arith.ori %shift_left3A_177, %shift_right_logical3A_180 : vector<256x4096xi32>
      %xor3A_182 = arith.xori %or3A_181, %add3A_174 : vector<256x4096xi32>
      %add3A_183 = arith.constant 42 : i32
      %add3A_184 = vector.broadcast %add3A_183 : i32 to vector<256x4096xi32>
      %add3A_185 = arith.addi %add3A_174, %add3A_184 : vector<256x4096xi32>
      %add3A_186 = arith.constant 466689012 : i32
      %add3A_187 = vector.broadcast %add3A_186 : i32 to vector<256x4096xi32>
      %add3A_188 = arith.addi %xor3A_182, %add3A_187 : vector<256x4096xi32>
      %add3A_189 = arith.addi %add3A_185, %add3A_188 : vector<256x4096xi32>
      %shift_left3A_190 = arith.constant 13 : i32
      %shift_left3A_191 = vector.broadcast %shift_left3A_190 : i32 to vector<256x4096xi32>
      %shift_left3A_192 = arith.shli %add3A_188, %shift_left3A_191 : vector<256x4096xi32>
      %shift_right_logical3A_193 = arith.constant 19 : i32
      %shift_right_logical3A_194 = vector.broadcast %shift_right_logical3A_193 : i32 to vector<256x4096xi32>
      %shift_right_logical3A_195 = arith.shrui %add3A_188, %shift_right_logical3A_194 : vector<256x4096xi32>
      %or3A_196 = arith.ori %shift_left3A_192, %shift_right_logical3A_195 : vector<256x4096xi32>
      %xor3A_197 = arith.xori %or3A_196, %add3A_189 : vector<256x4096xi32>
      %add3A_198 = arith.addi %add3A_189, %xor3A_197 : vector<256x4096xi32>
      %shift_left3A_199 = arith.constant 15 : i32
      %shift_left3A_200 = vector.broadcast %shift_left3A_199 : i32 to vector<256x4096xi32>
      %shift_left3A_201 = arith.shli %xor3A_197, %shift_left3A_200 : vector<256x4096xi32>
      %shift_right_logical3A_202 = arith.constant 17 : i32
      %shift_right_logical3A_203 = vector.broadcast %shift_right_logical3A_202 : i32 to vector<256x4096xi32>
      %shift_right_logical3A_204 = arith.shrui %xor3A_197, %shift_right_logical3A_203 : vector<256x4096xi32>
      %or3A_205 = arith.ori %shift_left3A_201, %shift_right_logical3A_204 : vector<256x4096xi32>
      %xor3A_206 = arith.xori %or3A_205, %add3A_198 : vector<256x4096xi32>
      %add3A_207 = arith.addi %add3A_198, %xor3A_206 : vector<256x4096xi32>
      %shift_left3A_208 = arith.constant 26 : i32
      %shift_left3A_209 = vector.broadcast %shift_left3A_208 : i32 to vector<256x4096xi32>
      %shift_left3A_210 = arith.shli %xor3A_206, %shift_left3A_209 : vector<256x4096xi32>
      %shift_right_logical3A_211 = arith.constant 6 : i32
      %shift_right_logical3A_212 = vector.broadcast %shift_right_logical3A_211 : i32 to vector<256x4096xi32>
      %shift_right_logical3A_213 = arith.shrui %xor3A_206, %shift_right_logical3A_212 : vector<256x4096xi32>
      %or3A_214 = arith.ori %shift_left3A_210, %shift_right_logical3A_213 : vector<256x4096xi32>
      %xor3A_215 = arith.xori %or3A_214, %add3A_207 : vector<256x4096xi32>
      %add3A_216 = arith.addi %add3A_207, %xor3A_215 : vector<256x4096xi32>
      %shift_left3A_217 = arith.constant 6 : i32
      %shift_left3A_218 = vector.broadcast %shift_left3A_217 : i32 to vector<256x4096xi32>
      %shift_left3A_219 = arith.shli %xor3A_215, %shift_left3A_218 : vector<256x4096xi32>
      %shift_right_logical3A_220 = arith.constant 26 : i32
      %shift_right_logical3A_221 = vector.broadcast %shift_right_logical3A_220 : i32 to vector<256x4096xi32>
      %shift_right_logical3A_222 = arith.shrui %xor3A_215, %shift_right_logical3A_221 : vector<256x4096xi32>
      %or3A_223 = arith.ori %shift_left3A_219, %shift_right_logical3A_222 : vector<256x4096xi32>
      %xor3A_224 = arith.xori %or3A_223, %add3A_216 : vector<256x4096xi32>
      %add3A_225 = arith.constant 466689008 : i32
      %add3A_226 = vector.broadcast %add3A_225 : i32 to vector<256x4096xi32>
      %add3A_227 = arith.addi %add3A_216, %add3A_226 : vector<256x4096xi32>
      %add3A_228 = arith.constant 5 : i32
      %add3A_229 = vector.broadcast %add3A_228 : i32 to vector<256x4096xi32>
      %add3A_230 = arith.addi %xor3A_224, %add3A_229 : vector<256x4096xi32>
      %xor3A_231 = arith.xori %add3A_227, %add3A_230 : vector<256x4096xi32>
      %shift_right_logical3A_232 = arith.constant 9 : i32
      %shift_right_logical3A_233 = vector.broadcast %shift_right_logical3A_232 : i32 to vector<256x4096xi32>
      %shift_right_logical3A_234 = arith.shrui %xor3A_231, %shift_right_logical3A_233 : vector<256x4096xi32>
      %or3A_235 = arith.constant 1065353216 : i32
      %or3A_236 = vector.broadcast %or3A_235 : i32 to vector<256x4096xi32>
      %or3A_237 = arith.ori %shift_right_logical3A_234, %or3A_236 : vector<256x4096xi32>
      %bitcast_convert_type3A = tpu.bitcast %or3A_237 : vector<256x4096xi32> -> vector<256x4096xf32>
      %sub3A = arith.constant 1.000000e+00 : f32
      %sub3A_238 = vector.broadcast %sub3A : f32 to vector<256x4096xf32>
      %sub3A_239 = arith.subf %bitcast_convert_type3A, %sub3A_238 : vector<256x4096xf32>
      %max3A = arith.constant 1.17549435E-38 : f32
      %max3A_240 = vector.broadcast %max3A : f32 to vector<256x4096xf32>
      %max3A_241 = arith.maximumf %sub3A_239, %max3A_240 : vector<256x4096xf32>
      %log3A = math.log %max3A_241 : vector<256x4096xf32>
      %neg3A = arith.constant 0.000000e+00 : f32
      %neg3A_242 = vector.broadcast %neg3A : f32 to vector<256x4096xf32>
      %neg3A_243 = arith.subf %neg3A_242, %log3A : vector<256x4096xf32>
      %log3A_244 = math.log %neg3A_243 : vector<256x4096xf32>
      %neg3A_245 = arith.constant 0.000000e+00 : f32
      %neg3A_246 = vector.broadcast %neg3A_245 : f32 to vector<256x4096xf32>
      %neg3A_247 = arith.subf %neg3A_246, %log3A_244 : vector<256x4096xf32>
      %add3A_248 = arith.addf %neg3A_247, %get3A_17 : vector<256x4096xf32>
      %get3A_249 = arith.constant 0 : index
      %get3A_250 = arith.constant 0 : index
      %get3A_251 = vector.load %arg4[%get3A_249, %get3A_250] : memref<256x4096xf32, #tpu.memory_space<vmem>>, vector<256x4096xf32>
      %gt3A_252 = arith.cmpf ogt, %add3A_248, %get3A_251 : vector<256x4096xf32>
      %select_n3A = arith.select %gt3A_252, %add3A_248, %get3A_251 : vector<256x4096xi1>, vector<256x4096xf32>
      %swap3A = arith.constant 0 : index
      %swap3A_253 = arith.constant 0 : index
      %swap3A_254 = vector.load %arg4[%swap3A, %swap3A_253] : memref<256x4096xf32, #tpu.memory_space<vmem>>, vector<256x4096xf32>
      tpu.vector_store %arg4[%swap3A, %swap3A_253], %select_n3A {strides = array<i32>} : memref<256x4096xf32, #tpu.memory_space<vmem>>, vector<256x4096xf32>,
      %get3A_255 = arith.constant 0 : index
      %get3A_256 = arith.constant 0 : index
      %get3A_257 = vector.load %arg5[%get3A_255, %get3A_256] : memref<256x4096xi32, #tpu.memory_space<vmem>>, vector<256x4096xi32>
      %broadcast_in_dim3A_258 = vector.broadcast %arg0 : i32 to vector<256x4096xi32>
      %select_n3A_259 = arith.select %gt3A_252, %broadcast_in_dim3A_258, %get3A_257 : vector<256x4096xi1>, vector<256x4096xi32>
      %swap3A_260 = arith.constant 0 : index
      %swap3A_261 = arith.constant 0 : index
      %swap3A_262 = vector.load %arg5[%swap3A_260, %swap3A_261] : memref<256x4096xi32, #tpu.memory_space<vmem>>, vector<256x4096xi32>
      tpu.vector_store %arg5[%swap3A_260, %swap3A_261], %select_n3A_259 {strides = array<i32>} : memref<256x4096xi32, #tpu.memory_space<vmem>>, vector<256x4096xi32>,
    } else {
    }
    %eq3A_6 = arith.constant 21 : i32
    %eq3A_7 = arith.cmpi eq, %arg0, %eq3A_6 : i32
    %convert_element_type3A_8 = arith.extui %eq3A_7 : i1 to i32
    %cond3A_9 = arith.constant 0 : i32
    %cond3A_10 = arith.cmpi ne, %convert_element_type3A_8, %cond3A_9 : i32
    scf.if %cond3A_10 {
      %get3A = arith.constant 0 : index
      %get3A_11 = arith.constant 0 : index
      %get3A_12 = vector.load %arg4[%get3A, %get3A_11] : memref<256x4096xf32, #tpu.memory_space<vmem>>, vector<256x4096xf32>
      %swap3A = arith.constant 0 : index
      %swap3A_13 = arith.constant 0 : index
      %swap3A_14 = vector.load %arg2[%swap3A, %swap3A_13] : memref<256x4096xf32, #tpu.memory_space<vmem>>, vector<256x4096xf32>
      tpu.vector_store %arg2[%swap3A, %swap3A_13], %get3A_12 {strides = array<i32>} : memref<256x4096xf32, #tpu.memory_space<vmem>>, vector<256x4096xf32>,
      %get3A_15 = arith.constant 0 : index
      %get3A_16 = arith.constant 0 : index
      %get3A_17 = vector.load %arg5[%get3A_15, %get3A_16] : memref<256x4096xi32, #tpu.memory_space<vmem>>, vector<256x4096xi32>
      %swap3A_18 = arith.constant 0 : index
      %swap3A_19 = arith.constant 0 : index
      %swap3A_20 = vector.load %arg3[%swap3A_18, %swap3A_19] : memref<256x4096xi32, #tpu.memory_space<vmem>>, vector<256x4096xi32>
      tpu.vector_store %arg3[%swap3A_18, %swap3A_19], %get3A_17 {strides = array<i32>} : memref<256x4096xi32, #tpu.memory_space<vmem>>, vector<256x4096xi32>,
    } else {
    }
    return
  }
  func.func @transform_0(%arg0: i32) -> (i32, i32) {
    %c0_i32 = arith.constant 0 : i32
    %c0_i32_0 = arith.constant 0 : i32
    return %c0_i32, %arg0 : i32, i32
  }
  func.func @transform_1(%arg0: i32) -> (i32, i32) {
    %c0_i32 = arith.constant 0 : i32
    %c0_i32_0 = arith.constant 0 : i32
    %c0_i32_1 = arith.constant 0 : i32
    return %c0_i32, %c0_i32_0 : i32, i32
  }
  func.func @transform_2(%arg0: i32) -> (i32, i32) {
    %c0_i32 = arith.constant 0 : i32
    %c0_i32_0 = arith.constant 0 : i32
    %c0_i32_1 = arith.constant 0 : i32
    return %c0_i32, %c0_i32_0 : i32, i32
  }
}

</mosaic_0001>

<sc_bundles>
// kernel: kernel.5.cloned.1.call-start
scs
__scs_entry_jumppad:
0x0: {  	(pc) =	sbr.rel $0x88, $3  }
0x1: {  	(tag) =	ssettag $0x0;
	lr =	simm.s32 $0x1  }
0x2: {  	[smem:$0x3FA0] =	sst lr;
	_ =	strace $0xD0000000  }
0x3: {  	_ = 	snop  }
0x4: {  	_ = 	snop  }
0x5: {  	_ = 	snop  }
0x6: {  	_ = 	snop  }
0x7: {  	_ = 	snop  }
__scs_overlays_trampoline_lowered:
0x8: {  	[smem:$0x3FAF] =	sst s0  }
0x9: {  	[smem:$0x3FB0] =	sst s1  }
0xa: {  	[smem:$0x3FB1] =	sst s2  }
0xb: {  	[smem:$0x3FB2] =	sst s3  }
0xc: {  	[smem:$0x3FB3] =	sst s4  }
0xd: {  	[smem:$0x3FB4] =	sst s5  }
0xe: {  	[smem:$0x3FB5] =	sst s6  }
0xf: {  	[smem:$0x3FB6] =	sst s7  }
0x10: {  	[smem:$0x3FB7] =	sst s8  }
0x11: {  	[smem:$0x3FB8] =	sst s9;
	s0 =	simm.s32 @!p0 $0x0  }
0x12: {  	s1 =	sld [smem:$0x3F9E];
	s0 =	simm.s32 @p0 $0x1  }
0x13: {  	[smem:$0x3FB9] =	sst s0;
	s0 =	simm.s32 @!p1 $0x0  }
0x14: {  	s2 =	sld [smem:$0x3F9D];
	s0 =	simm.s32 @p1 $0x1  }
0x15: {  	[smem:$0x3FBA] =	sst s0;
	s0 =	simm.s32 @!p2 $0x0  }
0x16: {  	s3 =	sld [smem:$0x3FDB];
	s0 =	simm.s32 @p2 $0x1  }
0x17: {  	s4 =	simm.s32 $0x1BF5;
	[smem:$0x3FBC] =	sst s0  }
0x18: {  	s0 =	sld [smem:$0x3F9F];
	_ =	swait.ge [sflag:s4], $0x0  }
0x19: {  	s7 =	sld [smem:$0x3FA0]  }
0x1a: {  	s8 =	sadd.s32 $0xFFFFE003, lr  }
0x1b: {  	s9 =	sadd.s32 $0xFFFFFEF7, lr;
	s5 =	simm.s32 $0xFFFFFFFF;
	p2 =	slt.u32 s8, $0xFFFFF086  }
0x1c: {  	p1 =	slt.u32 s9, $0xF7A;
	s5 =	simm.s32 @!p2 $0x0  }
0x1d: {  	s5 =	simm.s32 @p1 $0x1;
	p0 =	seq.s32 s7, s2  }
0x1e: {  	s7 =	smul.u32 @!p0 $0xF7A, s2;
	p2 =	seq.s32 @!p0 s5, $0x0  }
0x1f: {  	s9 =	smul.u32 $0xF7A, s1;
	s8 =	simm.s32 @!p0 $0x1BF5;
	p2 =	por !p2, p0  }
0x20: {  	[sflag:s8] =	ssyncset.s32 @!p0 $0xFFFFF086;
	s6 =	sadd.s32 @!p0 s3, s7;
	s7 =	simm.s32 @!p0 $0x108  }
0x21: {  	s3 =	sadd.s32 s3, s9;
	s6 =	sadd.s32 @!p0 $0x88, s6;
	s7 =	simm.s32 @p2 $0x1082  }
0x22: {  	[simem:s7], [sflag:s8] =	dma.local @!p0 [hbm:s6], $0xF7A  }
0x23: {  	s9 =	sor.u32 $0xD0000000, s2;
	s6 =	simm.s32 $0x108;
	_ =	swait.ge @!p0 [sflag:s8], $0x0  }
0x24: {  	s3 =	sadd.s32 $0x88, s3;
	s6 =	simm.s32 @!p1 $0x1082;
	[sflag:s4] =	ssyncset.s32 $0xFFFFF086  }
0x25: {  	[simem:s6], [sflag:s4] =	dma.local [hbm:s3], $0xF7A  }
0x26: {  	[smem:$0x3FA0] =	sst s1;
	(tag) =	ssettag s2;
	_ =	strace s9  }
0x27: {  	s1 =	sld [smem:$0x3FB0]  }
0x28: {  	s2 =	sld [smem:$0x3FB1]  }
0x29: {  	s4 =	sld [smem:$0x3FB3]  }
0x2a: {  	p0 =	seq.s32 s5, $0x0;
	s5 =	sld [smem:$0x3FB4]  }
0x2b: {  	s6 =	sld [smem:$0x3FB5]  }
0x2c: {  	s7 =	sld [smem:$0x3FB6]  }
0x2d: {  	s3 =	simm.s32 $0x108;
	s8 =	sld [smem:$0x3FB7]  }
0x2e: {  	s3 =	simm.s32 @!p0 $0x1082;
	s9 =	sld [smem:$0x3FB8]  }
0x2f: {  	lr =	sadd.s32 s0, s3;
	s0 =	sld [smem:$0x3FAF]  }
0x30: {  	s3 =	sld [smem:$0x3FB2]  }
0x31: {  	[smem:$0x3FBB] =	sst s10  }
0x32: {  	s10 =	sld [smem:$0x3FB9];
	_ =	sdelay $0x3  }
0x33: {  	p0 =	seq.s32 s10, $0x1;
	s10 =	sld [smem:$0x3FBB];
	_ =	sdelay $0x3  }
0x34: {  	[smem:$0x3FBB] =	sst s10  }
0x35: {  	s10 =	sld [smem:$0x3FBA];
	_ =	sdelay $0x3  }
0x36: {  	p1 =	seq.s32 s10, $0x1;
	s10 =	sld [smem:$0x3FBB];
	_ =	sdelay $0x3  }
0x37: {  	[smem:$0x3FBB] =	sst s10  }
0x38: {  	s10 =	sld [smem:$0x3FBC]  }
0x39: {  	_ = 	snop;
	(pc) =	sbr.ind lr, $3  }
0x3a: {  	_ = 	snop  }
0x3b: {  	_ = 	snop  }
0x3c: {  	p2 =	seq.s32 s10, $0x1;
	s10 =	sld [smem:$0x3FBB]  }
0x3d: {  	_ =	shalt  }
0x3e: {  	_ =	shalt  }
0x3f: {  	_ =	shalt  }
0x40: {  	_ =	shalt  }
0x41: {  	_ =	shalt  }
0x42: {  	_ =	shalt  }
0x43: {  	_ =	shalt  }
0x44: {  	_ =	shalt  }
0x45: {  	_ =	shalt  }
0x46: {  	_ =	shalt  }
0x47: {  	_ =	shalt  }
0x48: {  	_ =	shalt  }
0x49: {  	_ =	shalt  }
0x4a: {  	_ =	shalt  }
0x4b: {  	_ =	shalt  }
0x4c: {  	_ =	shalt  }
0x4d: {  	_ =	shalt  }
0x4e: {  	_ =	shalt  }
0x4f: {  	_ =	shalt  }
0x50: {  	_ =	shalt  }
0x51: {  	_ =	shalt  }
0x52: {  	_ =	shalt  }
0x53: {  	_ =	shalt  }
0x54: {  	_ =	shalt  }
0x55: {  	_ =	shalt  }
0x56: {  	_ =	shalt  }
0x57: {  	_ =	shalt  }
0x58: {  	_ =	shalt  }
0x59: {  	_ =	shalt  }
0x5a: {  	_ =	shalt  }
0x5b: {  	_ =	shalt  }
0x5c: {  	_ =	shalt  }
0x5d: {  	_ =	shalt  }
0x5e: {  	_ =	shalt  }
0x5f: {  	_ =	shalt  }
0x60: {  	_ =	shalt  }
0x61: {  	_ =	shalt  }
0x62: {  	_ =	shalt  }
0x63: {  	_ =	shalt  }
0x64: {  	_ =	shalt  }
0x65: {  	_ =	shalt  }
0x66: {  	_ =	shalt  }
0x67: {  	_ =	shalt  }
0x68: {  	_ =	shalt  }
0x69: {  	_ =	shalt  }
0x6a: {  	_ =	shalt  }
0x6b: {  	_ =	shalt  }
0x6c: {  	_ =	shalt  }
0x6d: {  	_ =	shalt  }
0x6e: {  	_ =	shalt  }
0x6f: {  	_ =	shalt  }
0x70: {  	_ =	shalt  }
0x71: {  	_ =	shalt  }
0x72: {  	_ =	shalt  }
0x73: {  	_ =	shalt  }
0x74: {  	_ =	shalt  }
0x75: {  	_ =	shalt  }
0x76: {  	_ =	shalt  }
0x77: {  	_ =	shalt  }
0x78: {  	_ =	shalt  }
0x79: {  	_ =	shalt  }
0x7a: {  	_ =	shalt  }
0x7b: {  	_ =	shalt  }
0x7c: {  	_ =	shalt  }
0x7d: {  	_ =	shalt  }
0x7e: {  	_ =	shalt  }
0x7f: {  	_ =	shalt  }
0x80: {  	_ =	shalt  }
0x81: {  	_ =	shalt  }
0x82: {  	_ =	shalt  }
0x83: {  	_ =	shalt  }
0x84: {  	_ =	shalt  }
0x85: {  	_ =	shalt  }
0x86: {  	_ =	shalt  }
0x87: {  	_ =	shalt  }
.Lfunc_end0:
.L_simem_size_0:
called_computation_lowered:
.L_overlay_start_0:
0x88: {  	s2 =	sld [smem:$0x3FD9]  }
0x89: {  	s3 =	sld [smem:$0x3FFE];
	_ =	sdelay $0x1  }
0x8a: {  	s1 =	srdreg.scid  }
0x8b: {  	s0 =	sand.u32 $0x1, s1  }
0x8c: {  	s16 =	sshll.u32 s0, $0xA;
	s2 =	sadd.s32 s3, s2  }
0x8d: {  	s2 =	sadd.s32 s2, s16  }
0x8e: {  	[smem:$0x3FC7] =	sst s2  }
0x8f: {  	_ = 	snop  }
0x90: {  	(tm) =	ssettm $0x1  }
0x91: {  	s17 =	sld [smem:$0x3FFB];
	_ =	sdelay $0x3  }
0x92: {  	_ =	strace s17  }
0x93: {  	s2 =	sld [smem:$0x3FFC];
	_ =	sdelay $0x3  }
0x94: {  	_ =	strace s2  }
0x95: {  	s2 =	sld [smem:$0x3FFD];
	_ =	sdelay $0x3  }
0x96: {  	_ =	strace s2  }
0x97: {  	_ =	strace $0x8FFFFFFF  }
0x98: {  	s18 =	sld [smem:$0x3FDB];
	_ =	sdelay $0x1  }
0x99: {  	s19 =	simm.s32 $_scs_section_size  }
0x9a: {  	s4 =	simm.s32 $_size__tile_overlayer_lowered;
	s5 =	simm.s32 $_tile_overlayer_lowered  }
0x9b: {  	s22 =	simm.s32 $0x1BFF;
	s21 =	sshll.u32 s5, $0x1;
	s2 =	sadd.s32 s19, s18  }
0x9c: {  	s6 =	simm.s32 $0x0;
	s20 =	sshll.u32 s4, $0x1;
	s4 =	sadd.s32 s21, s2  }
0x9d: {  	[timem:s6], [sflag:s22] =	dma.local [hbm:s4], s20  }
0x9e: {  	_ =	swait.ge [sflag:s22], s20  }
0x9f: {  	s3 =	ssub.s32 $0x0, s20;
	[sflag:s22] =	ssyncset.done $0x0  }
0xa0: {  	[sflag:s22] =	ssyncadd.s32 s3;
	_ =	sdelay $0x1  }
0xa1: {  	s23 =	simm.s32 $0x1B8B  }
0xa2: {  	_ =	swait.ge [sflag:s23], $0x1  }
0xa3: {  	[sflag:s23] =	ssyncset.done $0x0  }
0xa4: {  	s25 =	simm.s32 $0x1B8E;
	s24 =	sld [smem:$0x3FFE];
	[sflag:s23] =	ssyncadd.s32 $0xFFFFFFFF  }
0xa5: {  	s26 =	simm.s32 $execute0_lowered;
	[smem:$0x3FD2] =	sst s25  }
0xa6: {  	s4 =	sshll.u32 s26, $0x1;
	_ =	strace $0x80000046;
	[dreg:$0x1] =	wrdreg $0xFFFFFFFF  }
0xa7: {  	s28 =	simm.s32 $_size_execute0_lowered;
	s2 =	sadd.s32 s2, s4;
	[dreg:$0x0] =	wrdreg $0x0  }
0xa8: {  	s4 =	sshll.u32 s28, $0x1;
	[dreg:$0x2] =	wrdreg s2  }
0xa9: {  	[dreg:$0x3] =	wrdreg s4  }
0xaa: {  	[dreg:$0x4] =	wrdreg $0xC0  }
0xab: {  	_ =	task [dreg:s6], $0x5FFFF  }
0xac: {  	[dreg:$0x1] =	wrdreg $0xFFFFFFFF  }
0xad: {  	[dreg:$0x0] =	wrdreg $0x60  }
0xae: {  	[dreg:$0x2] =	wrdreg s24  }
0xaf: {  	[dreg:$0x3] =	wrdreg $0x9  }
0xb0: {  	_ =	task.clear_ibuf [dreg:s6], $0x4FFFF;
	_ =	strace $0x90000046  }
0xb1: {  	s29 =	simm.s32 $0x9;
	_ =	strace $0x80000048  }
0xb2: {  	_ =	swait.ge [sflag:s29], $0x1  }
0xb3: {  	[sflag:s29] =	ssyncadd.s32 $0xFFFFFFFF  }
0xb4: {  	_ =	strace $0x90000048  }
0xb5: {  	_ =	sfence  }
0xb6: {  	s30 =	sld [smem:$0x0];
	_ =	sdelay $0x2  }
0xb7: {  	s31 =	sshll.u32 s1, $0xD;
	s1 =	sshrl.u32 s1, $0x2  }
0xb8: {  	s3 =	sand.u32 $0x4000, s31;
	s1 =	sadd.s32 s1, s30  }
0xb9: {  	s0 =	sor.u32 s3, s0;
	s1 =	sshll.u32 s1, $0x11  }
0xba: {  	s0 =	sor.u32 s1, s0  }
0xbb: {  	s0 =	sadd.s32 $0x8F2B, s0  }
0xbc: {  	[sflag:s0] =	ssyncadd.remote.s32 $0x1  }
0xbd: {  	_ =	sfence.sel $0xFFFF  }
0xbe: {  	[dreg:$0x0] =	wrdreg $0xFFFFFFFF;
	(pc) =	sbr.abs _section_cstart, $3  }
0xbf: {  	[dreg:$0x1] =	wrdreg $0xFFFFFFFF  }
0xc0: {  	_ =	task.clear_ibuf [dreg:s6], $0x2FFFF;
	_ =	strace $0x9FFFFFFF  }
0xc1: {  	(tm) =	ssettm $0x7FFFFFFF  }
tec
execute0_lowered:
.L_overlay_start_1:
0x0: {  	(tag) =	ssettag $0x1  }
0x1: {  	s3 =	rddreg [dreg:$0x0]  }
0x2: {  	s0 =	rddreg [dreg:$0x1];
	s4 =	srdreg.scid  }
0x3: {  	s2 =	simm.s32 $0x0;
	s1 =	stileid.u32;
	s4 =	sand.u32 $0x1, s4  }
0x4: {  	[smem:$0x7FF] =	sst s2;
	s5 =	sshll.u32 s1, $0xD;
	s7 =	smul.u32 $0x186A00, s1  }
0x5: {  	s6 =	sshll.u32 s4, $0xC;
	s29 =	ssub.s32 $0x2, s4;
	s8 =	smul.u32 $0xC3500, s4  }
0x6: {  	_ =	strace $0x80000047;
	s5 =	sor.u32 s6, s5;
	s30 =	sshrl.u32 s29, $0x1  }
0x7: {  	v0 =	vlaneseq.u32;
	s6 =	simm.s32 $0x0;
	s3 =	sadd.s32 s5, s3;
	s31 =	ssub.s32 s29, s30  }
0x8: {  	v0 =	vadd.s32 $0x2A, v0;
	s5 =	sadd.s32 s8, s7;
	s3 =	sadd.s32 $0x400, s3;
	s4 =	smax.u32 s31, $0x1  }
.LBB2_1:
0x9: {  	p0 =	por $0x1, $0x1;
	s7 =	simm.s32 $0x0  }
.LBB2_2:
0xa: {  	s8 =	sshll.u32 s7, $0xC  }
0xb: {  	s8 =	sadd.s32 s8, s5  }
0xc: {  	s9 =	sadd.s32 $0x0, s8  }
0xd: {  	s10 =	sadd.s32 $0x16000, s9  }
0xe: {  	s11 =	sadd.s32 $0x2E6A0, s9;
	s12 =	sadd.s32 $0x46D40, s9;
	s15 =	sadd.s32 $0x5F3E0, s9;
	v1 =	vadd.s32 s10, v0  }
0xf: {  	s16 =	sadd.s32 $0x77A80, s9;
	s17 =	sadd.s32 $0x90120, s9;
	s18 =	sadd.s32 $0xA87C0, s9;
	v2 =	vadd.s32 s11, v0;
	v3 =	vadd.s32 s12, v0;
	v4 =	vadd.s32 s15, v0  }
0x10: {  	s9 =	sadd.s32 $0xC0E60, s9;
	v5 =	vadd.s32 s16, v0;
	v6 =	vadd.s32 s17, v0;
	v8 =	vadd.s32 s18, v0  }
0x11: {  	v9 =	vadd.s32 s9, v0;
	v7 =	vshrl.u32 v1, $0x13;
	v10 =	vshll.u32 v1, $0xD  }
0x12: {  	v11 =	vshrl.u32 v2, $0x13;
	v12 =	vshll.u32 v2, $0xD;
	v13 =	vshrl.u32 v3, $0x13  }
0x13: {  	v14 =	vshll.u32 v3, $0xD;
	v15 =	vshrl.u32 v4, $0x13;
	v16 =	vshll.u32 v4, $0xD  }
0x14: {  	v17 =	vshrl.u32 v5, $0x13;
	v18 =	vshll.u32 v5, $0xD;
	v19 =	vshrl.u32 v6, $0x13  }
0x15: {  	v20 =	vshll.u32 v6, $0xD;
	v21 =	vshrl.u32 v8, $0x13;
	v22 =	vshll.u32 v8, $0xD  }
0x16: {  	v23 =	vshrl.u32 v9, $0x13;
	v24 =	vshll.u32 v9, $0xD;
	v7 =	vor.u32 v7, v10  }
0x17: {  	v10 =	vor.u32 v11, v12;
	v11 =	vor.u32 v13, v14;
	v12 =	vor.u32 v15, v16  }
0x18: {  	v13 =	vor.u32 v17, v18;
	v14 =	vor.u32 v19, v20;
	v15 =	vor.u32 v21, v22  }
0x19: {  	v16 =	vor.u32 v23, v24;
	v7 =	vxor.u32 v1, v7;
	v10 =	vxor.u32 v2, v10  }
0x1a: {  	v11 =	vxor.u32 v3, v11;
	v12 =	vxor.u32 v4, v12;
	v13 =	vxor.u32 v5, v13  }
0x1b: {  	v14 =	vxor.u32 v6, v14;
	v15 =	vxor.u32 v8, v15;
	v16 =	vxor.u32 v9, v16  }
0x1c: {  	v1 =	vadd.s32 v1, v7;
	v2 =	vadd.s32 v2, v10;
	v3 =	vadd.s32 v3, v11  }
0x1d: {  	v4 =	vadd.s32 v4, v12;
	v5 =	vadd.s32 v5, v13;
	v6 =	vadd.s32 v6, v14  }
0x1e: {  	v8 =	vadd.s32 v8, v15;
	v9 =	vadd.s32 v9, v16;
	v17 =	vshrl.u32 v7, $0x11  }
0x1f: {  	v7 =	vshll.u32 v7, $0xF;
	v18 =	vshrl.u32 v10, $0x11;
	v10 =	vshll.u32 v10, $0xF  }
0x20: {  	v19 =	vshrl.u32 v11, $0x11;
	v11 =	vshll.u32 v11, $0xF;
	v35 =	vshrl.u32 v12, $0x11  }
0x21: {  	v12 =	vshll.u32 v12, $0xF;
	v36 =	vshrl.u32 v13, $0x11;
	v13 =	vshll.u32 v13, $0xF  }
0x22: {  	v37 =	vshrl.u32 v14, $0x11;
	v14 =	vshll.u32 v14, $0xF;
	v38 =	vshrl.u32 v15, $0x11  }
0x23: {  	v15 =	vshll.u32 v15, $0xF;
	v39 =	vshrl.u32 v16, $0x11;
	v16 =	vshll.u32 v16, $0xF  }
0x24: {  	v7 =	vor.u32 v17, v7;
	v10 =	vor.u32 v18, v10;
	v11 =	vor.u32 v19, v11  }
0x25: {  	v12 =	vor.u32 v35, v12;
	v13 =	vor.u32 v36, v13;
	v14 =	vor.u32 v37, v14  }
0x26: {  	v15 =	vor.u32 v38, v15;
	v16 =	vor.u32 v39, v16;
	v7 =	vxor.u32 v1, v7  }
0x27: {  	v10 =	vxor.u32 v2, v10;
	v11 =	vxor.u32 v3, v11;
	v12 =	vxor.u32 v4, v12  }
0x28: {  	v13 =	vxor.u32 v5, v13;
	v14 =	vxor.u32 v6, v14;
	v15 =	vxor.u32 v8, v15  }
0x29: {  	v16 =	vxor.u32 v9, v16;
	v1 =	vadd.s32 v1, v7;
	v2 =	vadd.s32 v2, v10  }
0x2a: {  	v3 =	vadd.s32 v3, v11;
	v4 =	vadd.s32 v4, v12;
	v5 =	vadd.s32 v5, v13  }
0x2b: {  	v6 =	vadd.s32 v6, v14;
	v8 =	vadd.s32 v8, v15;
	v17 =	vshrl.u32 v7, $0x6  }
0x2c: {  	v7 =	vshll.u32 v7, $0x1A;
	v9 =	vadd.s32 v9, v16;
	v18 =	vshrl.u32 v10, $0x6  }
0x2d: {  	v10 =	vshll.u32 v10, $0x1A;
	v19 =	vshrl.u32 v11, $0x6;
	v11 =	vshll.u32 v11, $0x1A  }
0x2e: {  	v40 =	vshrl.u32 v12, $0x6;
	v12 =	vshll.u32 v12, $0x1A;
	v41 =	vshrl.u32 v13, $0x6  }
0x2f: {  	v13 =	vshll.u32 v13, $0x1A;
	v42 =	vshrl.u32 v14, $0x6;
	v14 =	vshll.u32 v14, $0x1A  }
0x30: {  	v43 =	vshrl.u32 v15, $0x6;
	v15 =	vshll.u32 v15, $0x1A;
	v7 =	vor.u32 v17, v7  }
0x31: {  	v17 =	vshrl.u32 v16, $0x6;
	v16 =	vshll.u32 v16, $0x1A;
	v10 =	vor.u32 v18, v10  }
0x32: {  	v11 =	vor.u32 v19, v11;
	v12 =	vor.u32 v40, v12;
	v13 =	vor.u32 v41, v13  }
0x33: {  	v14 =	vor.u32 v42, v14;
	v15 =	vor.u32 v43, v15;
	v7 =	vxor.u32 v1, v7  }
0x34: {  	v10 =	vxor.u32 v2, v10;
	v16 =	vor.u32 v17, v16;
	v11 =	vxor.u32 v3, v11  }
0x35: {  	v12 =	vxor.u32 v4, v12;
	v13 =	vxor.u32 v5, v13;
	v14 =	vxor.u32 v6, v14  }
0x36: {  	v15 =	vxor.u32 v8, v15;
	v16 =	vxor.u32 v9, v16;
	v1 =	vadd.s32 v1, v7  }
0x37: {  	v2 =	vadd.s32 v2, v10;
	v3 =	vadd.s32 v3, v11;
	v4 =	vadd.s32 v4, v12  }
0x38: {  	v5 =	vadd.s32 v5, v13;
	v6 =	vadd.s32 v6, v14;
	v17 =	vshrl.u32 v7, $0x1A  }
0x39: {  	v8 =	vadd.s32 v8, v15;
	v7 =	vshll.u32 v7, $0x6;
	v18 =	vshrl.u32 v10, $0x1A  }
0x3a: {  	v10 =	vshll.u32 v10, $0x6;
	v19 =	vshrl.u32 v11, $0x1A;
	v11 =	vshll.u32 v11, $0x6  }
0x3b: {  	v44 =	vshrl.u32 v12, $0x1A;
	v12 =	vshll.u32 v12, $0x6;
	v45 =	vshrl.u32 v13, $0x1A  }
0x3c: {  	v13 =	vshll.u32 v13, $0x6;
	v46 =	vshrl.u32 v14, $0x1A;
	v14 =	vshll.u32 v14, $0x6  }
0x3d: {  	v47 =	vshrl.u32 v15, $0x1A;
	v15 =	vshll.u32 v15, $0x6;
	v9 =	vadd.s32 v9, v16  }
0x3e: {  	v48 =	vshrl.u32 v16, $0x1A;
	v16 =	vshll.u32 v16, $0x6;
	v7 =	vor.u32 v17, v7  }
0x3f: {  	v10 =	vor.u32 v18, v10;
	v11 =	vor.u32 v19, v11;
	v12 =	vor.u32 v44, v12  }
0x40: {  	v13 =	vor.u32 v45, v13;
	v14 =	vor.u32 v46, v14;
	v15 =	vor.u32 v47, v15  }
0x41: {  	v7 =	vxor.u32 v1, v7;
	v16 =	vor.u32 v48, v16;
	v10 =	vxor.u32 v2, v10  }
0x42: {  	v11 =	vxor.u32 v3, v11;
	v12 =	vxor.u32 v4, v12;
	v13 =	vxor.u32 v5, v13  }
0x43: {  	v14 =	vxor.u32 v6, v14;
	v15 =	vxor.u32 v8, v15;
	v7 =	vadd.s32 $0x1BD11BF1, v7  }
0x44: {  	v10 =	vadd.s32 $0x1BD11BF1, v10;
	v16 =	vxor.u32 v9, v16;
	v11 =	vadd.s32 $0x1BD11BF1, v11  }
0x45: {  	v12 =	vadd.s32 $0x1BD11BF1, v12;
	v13 =	vadd.s32 $0x1BD11BF1, v13;
	v14 =	vadd.s32 $0x1BD11BF1, v14  }
0x46: {  	v15 =	vadd.s32 $0x1BD11BF1, v15;
	v16 =	vadd.s32 $0x1BD11BF1, v16;
	v1 =	vadd.s32 v7, v1  }
0x47: {  	v17 =	vshrl.u32 v7, $0xF;
	v7 =	vshll.u32 v7, $0x11;
	v2 =	vadd.s32 v10, v2  }
0x48: {  	v18 =	vshrl.u32 v10, $0xF;
	v10 =	vshll.u32 v10, $0x11;
	v3 =	vadd.s32 v11, v3  }
0x49: {  	v19 =	vshrl.u32 v11, $0xF;
	v11 =	vshll.u32 v11, $0x11;
	v4 =	vadd.s32 v12, v4  }
0x4a: {  	v49 =	vshrl.u32 v12, $0xF;
	v12 =	vshll.u32 v12, $0x11;
	v5 =	vadd.s32 v13, v5  }
0x4b: {  	v50 =	vshrl.u32 v13, $0xF;
	v13 =	vshll.u32 v13, $0x11;
	v6 =	vadd.s32 v14, v6  }
0x4c: {  	v51 =	vshrl.u32 v14, $0xF;
	v14 =	vshll.u32 v14, $0x11;
	v8 =	vadd.s32 v15, v8  }
0x4d: {  	v52 =	vshrl.u32 v15, $0xF;
	v15 =	vshll.u32 v15, $0x11;
	v9 =	vadd.s32 v16, v9  }
0x4e: {  	v53 =	vshrl.u32 v16, $0xF;
	v16 =	vshll.u32 v16, $0x11;
	v1 =	vadd.s32 $0x2A, v1  }
0x4f: {  	v7 =	vor.u32 v17, v7;
	v2 =	vadd.s32 $0x2A, v2;
	v10 =	vor.u32 v18, v10  }
0x50: {  	v3 =	vadd.s32 $0x2A, v3;
	v11 =	vor.u32 v19, v11;
	v4 =	vadd.s32 $0x2A, v4  }
0x51: {  	v12 =	vor.u32 v49, v12;
	v5 =	vadd.s32 $0x2A, v5;
	v13 =	vor.u32 v50, v13  }
0x52: {  	v6 =	vadd.s32 $0x2A, v6;
	v14 =	vor.u32 v51, v14;
	v8 =	vadd.s32 $0x2A, v8  }
0x53: {  	v15 =	vor.u32 v52, v15;
	v9 =	vadd.s32 $0x2A, v9;
	v7 =	vxor.u32 v1, v7  }
0x54: {  	v10 =	vxor.u32 v2, v10;
	v16 =	vor.u32 v53, v16;
	v11 =	vxor.u32 v3, v11  }
0x55: {  	v12 =	vxor.u32 v4, v12;
	v13 =	vxor.u32 v5, v13;
	v14 =	vxor.u32 v6, v14  }
0x56: {  	v15 =	vxor.u32 v8, v15;
	v16 =	vxor.u32 v9, v16;
	v1 =	vadd.s32 v1, v7  }
0x57: {  	v2 =	vadd.s32 v2, v10;
	v3 =	vadd.s32 v3, v11;
	v4 =	vadd.s32 v4, v12  }
0x58: {  	v5 =	vadd.s32 v5, v13;
	v6 =	vadd.s32 v6, v14;
	v17 =	vshrl.u32 v7, $0x3  }
0x59: {  	v8 =	vadd.s32 v8, v15;
	v7 =	vshll.u32 v7, $0x1D;
	v18 =	vshrl.u32 v10, $0x3  }
0x5a: {  	v10 =	vshll.u32 v10, $0x1D;
	v19 =	vshrl.u32 v11, $0x3;
	v11 =	vshll.u32 v11, $0x1D  }
0x5b: {  	v54 =	vshrl.u32 v12, $0x3;
	v12 =	vshll.u32 v12, $0x1D;
	v55 =	vshrl.u32 v13, $0x3  }
0x5c: {  	v13 =	vshll.u32 v13, $0x1D;
	v56 =	vshrl.u32 v14, $0x3;
	v14 =	vshll.u32 v14, $0x1D  }
0x5d: {  	v57 =	vshrl.u32 v15, $0x3;
	v15 =	vshll.u32 v15, $0x1D;
	v9 =	vadd.s32 v9, v16  }
0x5e: {  	v58 =	vshrl.u32 v16, $0x3;
	v16 =	vshll.u32 v16, $0x1D;
	v7 =	vor.u32 v17, v7  }
0x5f: {  	v10 =	vor.u32 v18, v10;
	v11 =	vor.u32 v19, v11;
	v12 =	vor.u32 v54, v12  }
0x60: {  	v13 =	vor.u32 v55, v13;
	v14 =	vor.u32 v56, v14;
	v15 =	vor.u32 v57, v15  }
0x61: {  	v7 =	vxor.u32 v1, v7;
	v16 =	vor.u32 v58, v16;
	v10 =	vxor.u32 v2, v10  }
0x62: {  	v11 =	vxor.u32 v3, v11;
	v12 =	vxor.u32 v4, v12;
	v13 =	vxor.u32 v5, v13  }
0x63: {  	v14 =	vxor.u32 v6, v14;
	v15 =	vxor.u32 v8, v15;
	v1 =	vadd.s32 v1, v7  }
0x64: {  	v2 =	vadd.s32 v2, v10;
	v16 =	vxor.u32 v9, v16;
	v3 =	vadd.s32 v3, v11  }
0x65: {  	v4 =	vadd.s32 v4, v12;
	v5 =	vadd.s32 v5, v13;
	v6 =	vadd.s32 v6, v14  }
0x66: {  	v8 =	vadd.s32 v8, v15;
	v17 =	vshrl.u32 v7, $0x10;
	v7 =	vshll.u32 v7, $0x10  }
0x67: {  	v18 =	vshrl.u32 v10, $0x10;
	v10 =	vshll.u32 v10, $0x10;
	v19 =	vshrl.u32 v11, $0x10  }
0x68: {  	v11 =	vshll.u32 v11, $0x10;
	v59 =	vshrl.u32 v12, $0x10;
	v12 =	vshll.u32 v12, $0x10  }
0x69: {  	v60 =	vshrl.u32 v13, $0x10;
	v13 =	vshll.u32 v13, $0x10;
	v61 =	vshrl.u32 v14, $0x10  }
0x6a: {  	v14 =	vshll.u32 v14, $0x10;
	v62 =	vshrl.u32 v15, $0x10;
	v15 =	vshll.u32 v15, $0x10  }
0x6b: {  	v9 =	vadd.s32 v9, v16;
	v63 =	vshrl.u32 v16, $0x10;
	v7 =	vor.u32 v17, v7  }
0x6c: {  	v10 =	vor.u32 v18, v10;
	v16 =	vshll.u32 v16, $0x10;
	v11 =	vor.u32 v19, v11  }
0x6d: {  	v12 =	vor.u32 v59, v12;
	v13 =	vor.u32 v60, v13;
	v14 =	vor.u32 v61, v14  }
0x6e: {  	v15 =	vor.u32 v62, v15;
	v16 =	vor.u32 v63, v16;
	v7 =	vxor.u32 v1, v7  }
0x6f: {  	v10 =	vxor.u32 v2, v10;
	v11 =	vxor.u32 v3, v11;
	v12 =	vxor.u32 v4, v12  }
0x70: {  	v13 =	vxor.u32 v5, v13;
	v14 =	vxor.u32 v6, v14;
	v15 =	vxor.u32 v8, v15  }
0x71: {  	v1 =	vadd.s32 v1, v7;
	v16 =	vxor.u32 v9, v16;
	v2 =	vadd.s32 v2, v10  }
0x72: {  	v3 =	vadd.s32 v3, v11;
	v4 =	vadd.s32 v4, v12;
	v5 =	vadd.s32 v5, v13  }
0x73: {  	v6 =	vadd.s32 v6, v14;
	v8 =	vadd.s32 v8, v15;
	v17 =	vshrl.u32 v7, $0x8  }
0x74: {  	v7 =	vshll.u32 v7, $0x18;
	v18 =	vshrl.u32 v10, $0x8;
	v10 =	vshll.u32 v10, $0x18  }
0x75: {  	v19 =	vshrl.u32 v11, $0x8;
	v11 =	vshll.u32 v11, $0x18;
	v25 =	vshrl.u32 v12, $0x8  }
0x76: {  	v12 =	vshll.u32 v12, $0x18;
	v26 =	vshrl.u32 v13, $0x8;
	v13 =	vshll.u32 v13, $0x18  }
0x77: {  	v27 =	vshrl.u32 v14, $0x8;
	v14 =	vshll.u32 v14, $0x18;
	v28 =	vshrl.u32 v15, $0x8  }
0x78: {  	v15 =	vshll.u32 v15, $0x18;
	v9 =	vadd.s32 v9, v16;
	v7 =	vor.u32 v17, v7  }
0x79: {  	v17 =	vshrl.u32 v16, $0x8;
	v16 =	vshll.u32 v16, $0x18;
	v10 =	vor.u32 v18, v10  }
0x7a: {  	v11 =	vor.u32 v19, v11;
	v12 =	vor.u32 v25, v12;
	v13 =	vor.u32 v26, v13  }
0x7b: {  	v14 =	vor.u32 v27, v14;
	v15 =	vor.u32 v28, v15;
	v7 =	vxor.u32 v1, v7  }
0x7c: {  	v10 =	vxor.u32 v2, v10;
	v16 =	vor.u32 v17, v16;
	v11 =	vxor.u32 v3, v11  }
0x7d: {  	v12 =	vxor.u32 v4, v12;
	v13 =	vxor.u32 v5, v13;
	v14 =	vxor.u32 v6, v14  }
0x7e: {  	v15 =	vxor.u32 v8, v15;
	v16 =	vxor.u32 v9, v16;
	v7 =	vadd.s32 $0x2, v7  }
0x7f: {  	v10 =	vadd.s32 $0x2, v10;
	v11 =	vadd.s32 $0x2, v11;
	v12 =	vadd.s32 $0x2, v12  }
0x80: {  	v13 =	vadd.s32 $0x2, v13;
	v14 =	vadd.s32 $0x2, v14;
	v15 =	vadd.s32 $0x2, v15  }
0x81: {  	v1 =	vadd.s32 v7, v1;
	v16 =	vadd.s32 $0x2, v16;
	v17 =	vshrl.u32 v7, $0x13  }
0x82: {  	v7 =	vshll.u32 v7, $0xD;
	v2 =	vadd.s32 v10, v2;
	v18 =	vshrl.u32 v10, $0x13  }
0x83: {  	v10 =	vshll.u32 v10, $0xD;
	v3 =	vadd.s32 v11, v3;
	v19 =	vshrl.u32 v11, $0x13  }
0x84: {  	v11 =	vshll.u32 v11, $0xD;
	v4 =	vadd.s32 v12, v4;
	v29 =	vshrl.u32 v12, $0x13  }
0x85: {  	v12 =	vshll.u32 v12, $0xD;
	v5 =	vadd.s32 v13, v5;
	v30 =	vshrl.u32 v13, $0x13  }
0x86: {  	v13 =	vshll.u32 v13, $0xD;
	v6 =	vadd.s32 v14, v6;
	v31 =	vshrl.u32 v14, $0x13  }
0x87: {  	v14 =	vshll.u32 v14, $0xD;
	v8 =	vadd.s32 v15, v8;
	v32 =	vshrl.u32 v15, $0x13  }
0x88: {  	v15 =	vshll.u32 v15, $0xD;
	v9 =	vadd.s32 v16, v9;
	v1 =	vadd.s32 $0x1BD11BF0, v1  }
0x89: {  	v33 =	vshrl.u32 v16, $0x13;
	v16 =	vshll.u32 v16, $0xD;
	v7 =	vor.u32 v17, v7  }
0x8a: {  	v2 =	vadd.s32 $0x1BD11BF0, v2;
	v10 =	vor.u32 v18, v10;
	v3 =	vadd.s32 $0x1BD11BF0, v3  }
0x8b: {  	v11 =	vor.u32 v19, v11;
	v4 =	vadd.s32 $0x1BD11BF0, v4;
	v12 =	vor.u32 v29, v12  }
0x8c: {  	v5 =	vadd.s32 $0x1BD11BF0, v5;
	v13 =	vor.u32 v30, v13;
	v6 =	vadd.s32 $0x1BD11BF0, v6  }
0x8d: {  	v14 =	vor.u32 v31, v14;
	v8 =	vadd.s32 $0x1BD11BF0, v8;
	v15 =	vor.u32 v32, v15  }
0x8e: {  	v9 =	vadd.s32 $0x1BD11BF0, v9;
	v16 =	vor.u32 v33, v16;
	v7 =	vxor.u32 v1, v7  }
0x8f: {  	v10 =	vxor.u32 v2, v10;
	v11 =	vxor.u32 v3, v11;
	v12 =	vxor.u32 v4, v12  }
0x90: {  	v13 =	vxor.u32 v5, v13;
	v14 =	vxor.u32 v6, v14;
	v15 =	vxor.u32 v8, v15  }
0x91: {  	v1 =	vadd.s32 v1, v7;
	v16 =	vxor.u32 v9, v16;
	v2 =	vadd.s32 v2, v10  }
0x92: {  	v3 =	vadd.s32 v3, v11;
	v4 =	vadd.s32 v4, v12;
	v5 =	vadd.s32 v5, v13  }
0x93: {  	v6 =	vadd.s32 v6, v14;
	v8 =	vadd.s32 v8, v15;
	v17 =	vshrl.u32 v7, $0x11  }
0x94: {  	v7 =	vshll.u32 v7, $0xF;
	v18 =	vshrl.u32 v10, $0x11;
	v10 =	vshll.u32 v10, $0xF  }
0x95: {  	v19 =	vshrl.u32 v11, $0x11;
	v11 =	vshll.u32 v11, $0xF;
	v34 =	vshrl.u32 v12, $0x11  }
0x96: {  	v12 =	vshll.u32 v12, $0xF;
	v35 =	vshrl.u32 v13, $0x11;
	v13 =	vshll.u32 v13, $0xF  }
0x97: {  	v36 =	vshrl.u32 v14, $0x11;
	v14 =	vshll.u32 v14, $0xF;
	v37 =	vshrl.u32 v15, $0x11  }
0x98: {  	v15 =	vshll.u32 v15, $0xF;
	v9 =	vadd.s32 v9, v16;
	v7 =	vor.u32 v17, v7  }
0x99: {  	v17 =	vshrl.u32 v16, $0x11;
	v16 =	vshll.u32 v16, $0xF;
	v10 =	vor.u32 v18, v10  }
0x9a: {  	v11 =	vor.u32 v19, v11;
	v12 =	vor.u32 v34, v12;
	v13 =	vor.u32 v35, v13  }
0x9b: {  	v14 =	vor.u32 v36, v14;
	v15 =	vor.u32 v37, v15;
	v7 =	vxor.u32 v1, v7  }
0x9c: {  	v10 =	vxor.u32 v2, v10;
	v16 =	vor.u32 v17, v16;
	v11 =	vxor.u32 v3, v11  }
0x9d: {  	v12 =	vxor.u32 v4, v12;
	v13 =	vxor.u32 v5, v13;
	v14 =	vxor.u32 v6, v14  }
0x9e: {  	v15 =	vxor.u32 v8, v15;
	v16 =	vxor.u32 v9, v16;
	v1 =	vadd.s32 v1, v7  }
0x9f: {  	v2 =	vadd.s32 v2, v10;
	v3 =	vadd.s32 v3, v11;
	v4 =	vadd.s32 v4, v12  }
0xa0: {  	v5 =	vadd.s32 v5, v13;
	v6 =	vadd.s32 v6, v14;
	v17 =	vshrl.u32 v7, $0x6  }
0xa1: {  	v8 =	vadd.s32 v8, v15;
	v7 =	vshll.u32 v7, $0x1A;
	v18 =	vshrl.u32 v10, $0x6  }
0xa2: {  	v10 =	vshll.u32 v10, $0x1A;
	v19 =	vshrl.u32 v11, $0x6;
	v11 =	vshll.u32 v11, $0x1A  }
0xa3: {  	v38 =	vshrl.u32 v12, $0x6;
	v12 =	vshll.u32 v12, $0x1A;
	v39 =	vshrl.u32 v13, $0x6  }
0xa4: {  	v13 =	vshll.u32 v13, $0x1A;
	v40 =	vshrl.u32 v14, $0x6;
	v14 =	vshll.u32 v14, $0x1A  }
0xa5: {  	v41 =	vshrl.u32 v15, $0x6;
	v15 =	vshll.u32 v15, $0x1A;
	v9 =	vadd.s32 v9, v16  }
0xa6: {  	v42 =	vshrl.u32 v16, $0x6;
	v16 =	vshll.u32 v16, $0x1A;
	v7 =	vor.u32 v17, v7  }
0xa7: {  	v10 =	vor.u32 v18, v10;
	v11 =	vor.u32 v19, v11;
	v12 =	vor.u32 v38, v12  }
0xa8: {  	v13 =	vor.u32 v39, v13;
	v14 =	vor.u32 v40, v14;
	v15 =	vor.u32 v41, v15  }
0xa9: {  	v7 =	vxor.u32 v1, v7;
	v16 =	vor.u32 v42, v16;
	v10 =	vxor.u32 v2, v10  }
0xaa: {  	v11 =	vxor.u32 v3, v11;
	v12 =	vxor.u32 v4, v12;
	v13 =	vxor.u32 v5, v13  }
0xab: {  	v14 =	vxor.u32 v6, v14;
	v15 =	vxor.u32 v8, v15;
	v1 =	vadd.s32 v1, v7  }
0xac: {  	v2 =	vadd.s32 v2, v10;
	v16 =	vxor.u32 v9, v16;
	v3 =	vadd.s32 v3, v11  }
0xad: {  	v4 =	vadd.s32 v4, v12;
	v5 =	vadd.s32 v5, v13;
	v6 =	vadd.s32 v6, v14  }
0xae: {  	v8 =	vadd.s32 v8, v15;
	v17 =	vshrl.u32 v7, $0x1A;
	v7 =	vshll.u32 v7, $0x6  }
0xaf: {  	v18 =	vshrl.u32 v10, $0x1A;
	v10 =	vshll.u32 v10, $0x6;
	v19 =	vshrl.u32 v11, $0x1A  }
0xb0: {  	v11 =	vshll.u32 v11, $0x6;
	v43 =	vshrl.u32 v12, $0x1A;
	v12 =	vshll.u32 v12, $0x6  }
0xb1: {  	v44 =	vshrl.u32 v13, $0x1A;
	v13 =	vshll.u32 v13, $0x6;
	v45 =	vshrl.u32 v14, $0x1A  }
0xb2: {  	v14 =	vshll.u32 v14, $0x6;
	v46 =	vshrl.u32 v15, $0x1A;
	v15 =	vshll.u32 v15, $0x6  }
0xb3: {  	v9 =	vadd.s32 v9, v16;
	v47 =	vshrl.u32 v16, $0x1A;
	v7 =	vor.u32 v17, v7  }
0xb4: {  	v10 =	vor.u32 v18, v10;
	v16 =	vshll.u32 v16, $0x6;
	v11 =	vor.u32 v19, v11  }
0xb5: {  	v12 =	vor.u32 v43, v12;
	v13 =	vor.u32 v44, v13;
	v14 =	vor.u32 v45, v14  }
0xb6: {  	v15 =	vor.u32 v46, v15;
	v16 =	vor.u32 v47, v16;
	v7 =	vxor.u32 v1, v7  }
0xb7: {  	v10 =	vxor.u32 v2, v10;
	v11 =	vxor.u32 v3, v11;
	v12 =	vxor.u32 v4, v12  }
0xb8: {  	v13 =	vxor.u32 v5, v13;
	v14 =	vxor.u32 v6, v14;
	v15 =	vxor.u32 v8, v15  }
0xb9: {  	v7 =	vadd.s32 $0x2D, v7;
	v16 =	vxor.u32 v9, v16;
	v10 =	vadd.s32 $0x2D, v10  }
0xba: {  	v11 =	vadd.s32 $0x2D, v11;
	v12 =	vadd.s32 $0x2D, v12;
	v13 =	vadd.s32 $0x2D, v13  }
0xbb: {  	v14 =	vadd.s32 $0x2D, v14;
	v15 =	vadd.s32 $0x2D, v15;
	v1 =	vadd.s32 v1, v7  }
0xbc: {  	v2 =	vadd.s32 v2, v10;
	v16 =	vadd.s32 $0x2D, v16;
	v3 =	vadd.s32 v3, v11  }
0xbd: {  	v4 =	vadd.s32 v4, v12;
	v5 =	vadd.s32 v5, v13;
	v6 =	vadd.s32 v6, v14  }
0xbe: {  	v8 =	vadd.s32 v8, v15;
	v17 =	vshrl.u32 v7, $0xF;
	v7 =	vshll.u32 v7, $0x11  }
0xbf: {  	v18 =	vshrl.u32 v10, $0xF;
	v10 =	vshll.u32 v10, $0x11;
	v19 =	vshrl.u32 v11, $0xF  }
0xc0: {  	v11 =	vshll.u32 v11, $0x11;
	v48 =	vshrl.u32 v12, $0xF;
	v12 =	vshll.u32 v12, $0x11  }
0xc1: {  	v49 =	vshrl.u32 v13, $0xF;
	v13 =	vshll.u32 v13, $0x11;
	v50 =	vshrl.u32 v14, $0xF  }
0xc2: {  	v14 =	vshll.u32 v14, $0x11;
	v51 =	vshrl.u32 v15, $0xF;
	v15 =	vshll.u32 v15, $0x11  }
0xc3: {  	v9 =	vadd.s32 v9, v16;
	v52 =	vshrl.u32 v16, $0xF;
	v7 =	vor.u32 v17, v7  }
0xc4: {  	v10 =	vor.u32 v18, v10;
	v16 =	vshll.u32 v16, $0x11;
	v11 =	vor.u32 v19, v11  }
0xc5: {  	v12 =	vor.u32 v48, v12;
	v13 =	vor.u32 v49, v13;
	v14 =	vor.u32 v50, v14  }
0xc6: {  	v15 =	vor.u32 v51, v15;
	v16 =	vor.u32 v52, v16;
	v7 =	vxor.u32 v1, v7  }
0xc7: {  	v10 =	vxor.u32 v2, v10;
	v11 =	vxor.u32 v3, v11;
	v12 =	vxor.u32 v4, v12  }
0xc8: {  	v13 =	vxor.u32 v5, v13;
	v14 =	vxor.u32 v6, v14;
	v15 =	vxor.u32 v8, v15  }
0xc9: {  	v1 =	vadd.s32 v1, v7;
	v16 =	vxor.u32 v9, v16;
	v2 =	vadd.s32 v2, v10  }
0xca: {  	v3 =	vadd.s32 v3, v11;
	v4 =	vadd.s32 v4, v12;
	v5 =	vadd.s32 v5, v13  }
0xcb: {  	v6 =	vadd.s32 v6, v14;
	v8 =	vadd.s32 v8, v15;
	v17 =	vshrl.u32 v7, $0x3  }
0xcc: {  	v7 =	vshll.u32 v7, $0x1D;
	v18 =	vshrl.u32 v10, $0x3;
	v10 =	vshll.u32 v10, $0x1D  }
0xcd: {  	v19 =	vshrl.u32 v11, $0x3;
	v11 =	vshll.u32 v11, $0x1D;
	v53 =	vshrl.u32 v12, $0x3  }
0xce: {  	v12 =	vshll.u32 v12, $0x1D;
	v54 =	vshrl.u32 v13, $0x3;
	v13 =	vshll.u32 v13, $0x1D  }
0xcf: {  	v55 =	vshrl.u32 v14, $0x3;
	v14 =	vshll.u32 v14, $0x1D;
	v56 =	vshrl.u32 v15, $0x3  }
0xd0: {  	v15 =	vshll.u32 v15, $0x1D;
	v9 =	vadd.s32 v9, v16;
	v7 =	vor.u32 v17, v7  }
0xd1: {  	v17 =	vshrl.u32 v16, $0x3;
	v16 =	vshll.u32 v16, $0x1D;
	v10 =	vor.u32 v18, v10  }
0xd2: {  	v11 =	vor.u32 v19, v11;
	v12 =	vor.u32 v53, v12;
	v13 =	vor.u32 v54, v13  }
0xd3: {  	v14 =	vor.u32 v55, v14;
	v15 =	vor.u32 v56, v15;
	v7 =	vxor.u32 v1, v7  }
0xd4: {  	v10 =	vxor.u32 v2, v10;
	v16 =	vor.u32 v17, v16;
	v11 =	vxor.u32 v3, v11  }
0xd5: {  	v12 =	vxor.u32 v4, v12;
	v13 =	vxor.u32 v5, v13;
	v14 =	vxor.u32 v6, v14  }
0xd6: {  	v15 =	vxor.u32 v8, v15;
	v16 =	vxor.u32 v9, v16;
	v1 =	vadd.s32 v1, v7  }
0xd7: {  	v2 =	vadd.s32 v2, v10;
	v3 =	vadd.s32 v3, v11;
	v4 =	vadd.s32 v4, v12  }
0xd8: {  	v5 =	vadd.s32 v5, v13;
	v6 =	vadd.s32 v6, v14;
	v17 =	vshrl.u32 v7, $0x10  }
0xd9: {  	v8 =	vadd.s32 v8, v15;
	v7 =	vshll.u32 v7, $0x10;
	v18 =	vshrl.u32 v10, $0x10  }
0xda: {  	v10 =	vshll.u32 v10, $0x10;
	v19 =	vshrl.u32 v11, $0x10;
	v11 =	vshll.u32 v11, $0x10  }
0xdb: {  	v57 =	vshrl.u32 v12, $0x10;
	v12 =	vshll.u32 v12, $0x10;
	v58 =	vshrl.u32 v13, $0x10  }
0xdc: {  	v13 =	vshll.u32 v13, $0x10;
	v59 =	vshrl.u32 v14, $0x10;
	v14 =	vshll.u32 v14, $0x10  }
0xdd: {  	v60 =	vshrl.u32 v15, $0x10;
	v15 =	vshll.u32 v15, $0x10;
	v9 =	vadd.s32 v9, v16  }
0xde: {  	v61 =	vshrl.u32 v16, $0x10;
	v16 =	vshll.u32 v16, $0x10;
	v7 =	vor.u32 v17, v7  }
0xdf: {  	v10 =	vor.u32 v18, v10;
	v11 =	vor.u32 v19, v11;
	v12 =	vor.u32 v57, v12  }
0xe0: {  	v13 =	vor.u32 v58, v13;
	v14 =	vor.u32 v59, v14;
	v15 =	vor.u32 v60, v15  }
0xe1: {  	v7 =	vxor.u32 v1, v7;
	v16 =	vor.u32 v61, v16;
	v10 =	vxor.u32 v2, v10  }
0xe2: {  	v11 =	vxor.u32 v3, v11;
	v12 =	vxor.u32 v4, v12;
	v13 =	vxor.u32 v5, v13  }
0xe3: {  	v14 =	vxor.u32 v6, v14;
	v15 =	vxor.u32 v8, v15;
	v1 =	vadd.s32 v1, v7  }
0xe4: {  	v2 =	vadd.s32 v2, v10;
	v16 =	vxor.u32 v9, v16;
	v3 =	vadd.s32 v3, v11  }
0xe5: {  	v4 =	vadd.s32 v4, v12;
	v5 =	vadd.s32 v5, v13;
	v6 =	vadd.s32 v6, v14  }
0xe6: {  	v8 =	vadd.s32 v8, v15;
	v17 =	vshrl.u32 v7, $0x8;
	v7 =	vshll.u32 v7, $0x18  }
0xe7: {  	v18 =	vshrl.u32 v10, $0x8;
	v10 =	vshll.u32 v10, $0x18;
	v19 =	vshrl.u32 v11, $0x8  }
0xe8: {  	v11 =	vshll.u32 v11, $0x18;
	v62 =	vshrl.u32 v12, $0x8;
	v12 =	vshll.u32 v12, $0x18  }
0xe9: {  	v63 =	vshrl.u32 v13, $0x8;
	v13 =	vshll.u32 v13, $0x18;
	v28 =	vshrl.u32 v14, $0x8  }
0xea: {  	v14 =	vshll.u32 v14, $0x18;
	v29 =	vshrl.u32 v15, $0x8;
	v15 =	vshll.u32 v15, $0x18  }
0xeb: {  	v9 =	vadd.s32 v9, v16;
	v30 =	vshrl.u32 v16, $0x8;
	v7 =	vor.u32 v17, v7  }
0xec: {  	v10 =	vor.u32 v18, v10;
	v16 =	vshll.u32 v16, $0x18;
	v11 =	vor.u32 v19, v11  }
0xed: {  	v12 =	vor.u32 v62, v12;
	v13 =	vor.u32 v63, v13;
	v14 =	vor.u32 v28, v14  }
0xee: {  	v15 =	vor.u32 v29, v15;
	v16 =	vor.u32 v30, v16;
	v7 =	vxor.u32 v1, v7  }
0xef: {  	v10 =	vxor.u32 v2, v10;
	v11 =	vxor.u32 v3, v11;
	v12 =	vxor.u32 v4, v12  }
0xf0: {  	v13 =	vxor.u32 v5, v13;
	v14 =	vxor.u32 v6, v14;
	v15 =	vxor.u32 v8, v15  }
0xf1: {  	v7 =	vadd.s32 $0x1BD11BF4, v7;
	v16 =	vxor.u32 v9, v16;
	v10 =	vadd.s32 $0x1BD11BF4, v10  }
0xf2: {  	v11 =	vadd.s32 $0x1BD11BF4, v11;
	v12 =	vadd.s32 $0x1BD11BF4, v12;
	v13 =	vadd.s32 $0x1BD11BF4, v13  }
0xf3: {  	v14 =	vadd.s32 $0x1BD11BF4, v14;
	v15 =	vadd.s32 $0x1BD11BF4, v15;
	v1 =	vadd.s32 v7, v1  }
0xf4: {  	v17 =	vshrl.u32 v7, $0x13;
	v16 =	vadd.s32 $0x1BD11BF4, v16;
	v7 =	vshll.u32 v7, $0xD  }
0xf5: {  	v2 =	vadd.s32 v10, v2;
	v18 =	vshrl.u32 v10, $0x13;
	v10 =	vshll.u32 v10, $0xD  }
0xf6: {  	v3 =	vadd.s32 v11, v3;
	v19 =	vshrl.u32 v11, $0x13;
	v11 =	vshll.u32 v11, $0xD  }
0xf7: {  	v4 =	vadd.s32 v12, v4;
	v31 =	vshrl.u32 v12, $0x13;
	v12 =	vshll.u32 v12, $0xD  }
0xf8: {  	v5 =	vadd.s32 v13, v5;
	v32 =	vshrl.u32 v13, $0x13;
	v13 =	vshll.u32 v13, $0xD  }
0xf9: {  	v6 =	vadd.s32 v14, v6;
	v33 =	vshrl.u32 v14, $0x13;
	v14 =	vshll.u32 v14, $0xD  }
0xfa: {  	v8 =	vadd.s32 v15, v8;
	v34 =	vshrl.u32 v15, $0x13;
	v15 =	vshll.u32 v15, $0xD  }
0xfb: {  	v9 =	vadd.s32 v16, v9;
	v35 =	vshrl.u32 v16, $0x13;
	v1 =	vadd.s32 $0x2A, v1  }
0xfc: {  	v7 =	vor.u32 v17, v7;
	v16 =	vshll.u32 v16, $0xD;
	v2 =	vadd.s32 $0x2A, v2  }
0xfd: {  	v10 =	vor.u32 v18, v10;
	v3 =	vadd.s32 $0x2A, v3;
	v11 =	vor.u32 v19, v11  }
0xfe: {  	v4 =	vadd.s32 $0x2A, v4;
	v12 =	vor.u32 v31, v12;
	v5 =	vadd.s32 $0x2A, v5  }
0xff: {  	v13 =	vor.u32 v32, v13;
	v6 =	vadd.s32 $0x2A, v6;
	v14 =	vor.u32 v33, v14  }
0x100: {  	v8 =	vadd.s32 $0x2A, v8;
	v15 =	vor.u32 v34, v15;
	v7 =	vxor.u32 v1, v7  }
0x101: {  	v9 =	vadd.s32 $0x2A, v9;
	v16 =	vor.u32 v35, v16;
	v10 =	vxor.u32 v2, v10  }
0x102: {  	v11 =	vxor.u32 v3, v11;
	v12 =	vxor.u32 v4, v12;
	v13 =	vxor.u32 v5, v13  }
0x103: {  	v14 =	vxor.u32 v6, v14;
	v15 =	vxor.u32 v8, v15;
	v1 =	vadd.s32 v1, v7  }
0x104: {  	v2 =	vadd.s32 v2, v10;
	v16 =	vxor.u32 v9, v16;
	v3 =	vadd.s32 v3, v11  }
0x105: {  	v4 =	vadd.s32 v4, v12;
	v5 =	vadd.s32 v5, v13;
	v6 =	vadd.s32 v6, v14  }
0x106: {  	v8 =	vadd.s32 v8, v15;
	v17 =	vshrl.u32 v7, $0x11;
	v7 =	vshll.u32 v7, $0xF  }
0x107: {  	v18 =	vshrl.u32 v10, $0x11;
	v10 =	vshll.u32 v10, $0xF;
	v19 =	vshrl.u32 v11, $0x11  }
0x108: {  	v11 =	vshll.u32 v11, $0xF;
	v36 =	vshrl.u32 v12, $0x11;
	v12 =	vshll.u32 v12, $0xF  }
0x109: {  	v37 =	vshrl.u32 v13, $0x11;
	v13 =	vshll.u32 v13, $0xF;
	v38 =	vshrl.u32 v14, $0x11  }
0x10a: {  	v14 =	vshll.u32 v14, $0xF;
	v39 =	vshrl.u32 v15, $0x11;
	v15 =	vshll.u32 v15, $0xF  }
0x10b: {  	v9 =	vadd.s32 v9, v16;
	v40 =	vshrl.u32 v16, $0x11;
	v7 =	vor.u32 v17, v7  }
0x10c: {  	v10 =	vor.u32 v18, v10;
	v16 =	vshll.u32 v16, $0xF;
	v11 =	vor.u32 v19, v11  }
0x10d: {  	v12 =	vor.u32 v36, v12;
	v13 =	vor.u32 v37, v13;
	v14 =	vor.u32 v38, v14  }
0x10e: {  	v15 =	vor.u32 v39, v15;
	v16 =	vor.u32 v40, v16;
	v7 =	vxor.u32 v1, v7  }
0x10f: {  	v10 =	vxor.u32 v2, v10;
	v11 =	vxor.u32 v3, v11;
	v12 =	vxor.u32 v4, v12  }
0x110: {  	v13 =	vxor.u32 v5, v13;
	v14 =	vxor.u32 v6, v14;
	v15 =	vxor.u32 v8, v15  }
0x111: {  	v1 =	vadd.s32 v1, v7;
	v16 =	vxor.u32 v9, v16;
	v2 =	vadd.s32 v2, v10  }
0x112: {  	v3 =	vadd.s32 v3, v11;
	v4 =	vadd.s32 v4, v12;
	v5 =	vadd.s32 v5, v13  }
0x113: {  	v6 =	vadd.s32 v6, v14;
	v8 =	vadd.s32 v8, v15;
	v17 =	vshrl.u32 v7, $0x6  }
0x114: {  	v7 =	vshll.u32 v7, $0x1A;
	v18 =	vshrl.u32 v10, $0x6;
	v10 =	vshll.u32 v10, $0x1A  }
0x115: {  	v19 =	vshrl.u32 v11, $0x6;
	v11 =	vshll.u32 v11, $0x1A;
	v41 =	vshrl.u32 v12, $0x6  }
0x116: {  	v12 =	vshll.u32 v12, $0x1A;
	v42 =	vshrl.u32 v13, $0x6;
	v13 =	vshll.u32 v13, $0x1A  }
0x117: {  	v43 =	vshrl.u32 v14, $0x6;
	v14 =	vshll.u32 v14, $0x1A;
	v44 =	vshrl.u32 v15, $0x6  }
0x118: {  	v15 =	vshll.u32 v15, $0x1A;
	v9 =	vadd.s32 v9, v16;
	v7 =	vor.u32 v17, v7  }
0x119: {  	v17 =	vshrl.u32 v16, $0x6;
	v16 =	vshll.u32 v16, $0x1A;
	v10 =	vor.u32 v18, v10  }
0x11a: {  	v11 =	vor.u32 v19, v11;
	v12 =	vor.u32 v41, v12;
	v13 =	vor.u32 v42, v13  }
0x11b: {  	v14 =	vor.u32 v43, v14;
	v15 =	vor.u32 v44, v15;
	v7 =	vxor.u32 v1, v7  }
0x11c: {  	v10 =	vxor.u32 v2, v10;
	v16 =	vor.u32 v17, v16;
	v11 =	vxor.u32 v3, v11  }
0x11d: {  	v12 =	vxor.u32 v4, v12;
	v13 =	vxor.u32 v5, v13;
	v14 =	vxor.u32 v6, v14  }
0x11e: {  	v15 =	vxor.u32 v8, v15;
	v16 =	vxor.u32 v9, v16;
	v1 =	vadd.s32 v1, v7  }
0x11f: {  	v2 =	vadd.s32 v2, v10;
	v3 =	vadd.s32 v3, v11;
	v4 =	vadd.s32 v4, v12  }
0x120: {  	v5 =	vadd.s32 v5, v13;
	v17 =	vadd.s32 v6, v14;
	v6 =	vshrl.u32 v7, $0x1A  }
0x121: {  	v18 =	vadd.s32 v8, v15;
	v7 =	vshll.u32 v7, $0x6;
	v8 =	vshrl.u32 v10, $0x1A  }
0x122: {  	v10 =	vshll.u32 v10, $0x6;
	v19 =	vshrl.u32 v11, $0x1A;
	v11 =	vshll.u32 v11, $0x6  }
0x123: {  	v45 =	vshrl.u32 v12, $0x1A;
	v12 =	vshll.u32 v12, $0x6;
	v46 =	vshrl.u32 v13, $0x1A  }
0x124: {  	v13 =	vshll.u32 v13, $0x6;
	v47 =	vshrl.u32 v14, $0x1A;
	v14 =	vshll.u32 v14, $0x6  }
0x125: {  	v48 =	vshrl.u32 v15, $0x1A;
	v15 =	vshll.u32 v15, $0x6;
	v9 =	vadd.s32 v9, v16  }
0x126: {  	v49 =	vshrl.u32 v16, $0x1A;
	v16 =	vshll.u32 v16, $0x6;
	v25 =	vadd.s32 $0x1BD11BF0, v1  }
0x127: {  	v26 =	vadd.s32 $0x1BD11BF0, v2;
	v27 =	vadd.s32 $0x1BD11BF0, v3;
	v28 =	vadd.s32 $0x1BD11BF0, v4  }
0x128: {  	v29 =	vadd.s32 $0x1BD11BF0, v5;
	v30 =	vadd.s32 $0x1BD11BF0, v17;
	v31 =	vor.u32 v6, v7  }
0x129: {  	v6 =	vor.u32 v8, v10;
	v10 =	vadd.s32 $0x1BD11BF0, v18;
	v7 =	vor.u32 v19, v11  }
0x12a: {  	s19 =	sadd.s32 $0x10, s8;
	v8 =	vor.u32 v45, v12;
	v11 =	vor.u32 v46, v13;
	v12 =	vor.u32 v47, v14  }
0x12b: {  	s26 =	sadd.s32 $0xA87C0, s19;
	v13 =	vor.u32 v48, v15;
	v2 =	vxor.u32 v2, v6;
	v3 =	vxor.u32 v3, v7  }
0x12c: {  	v14 =	vor.u32 v49, v16;
	v1 =	vxor.u32 v1, v31;
	v16 =	vadd.s32 s26, v0  }
0x12d: {  	v2 =	vadd.s32 $0x5, v2;
	v1 =	vadd.s32 $0x5, v1;
	v59 =	vshrl.u32 v16, $0x13  }
0x12e: {  	v60 =	vshll.u32 v16, $0xD;
	v7 =	vxor.u32 v26, v2;
	v2 =	vadd.s32 $0x5, v3  }
0x12f: {  	s25 =	sadd.s32 $0x90120, s19;
	v3 =	vxor.u32 v4, v8;
	v4 =	vxor.u32 v5, v11;
	v5 =	vxor.u32 v9, v14  }
0x130: {  	v9 =	vadd.s32 $0x1BD11BF0, v9;
	v14 =	vadd.s32 s25, v0;
	v8 =	vxor.u32 v27, v2  }
0x131: {  	v2 =	vadd.s32 $0x5, v3;
	v3 =	vadd.s32 $0x5, v4;
	v11 =	vadd.s32 $0x5, v5  }
0x132: {  	v57 =	vshrl.u32 v14, $0x13;
	v58 =	vshll.u32 v14, $0xD;
	v6 =	vxor.u32 v28, v2  }
0x133: {  	s23 =	sadd.s32 $0x5F3E0, s19;
	s24 =	sadd.s32 $0x77A80, s19;
	s9 =	sadd.s32 $0xC0E60, s19;
	v2 =	vxor.u32 v17, v12;
	v4 =	vxor.u32 v29, v3;
	v3 =	vxor.u32 v18, v13  }
0x134: {  	v12 =	vadd.s32 s23, v0;
	v13 =	vadd.s32 s24, v0;
	v17 =	vadd.s32 s9, v0  }
0x135: {  	v28 =	vor.u32 v57, v58;
	v2 =	vadd.s32 $0x5, v2;
	v3 =	vadd.s32 $0x5, v3  }
0x136: {  	v53 =	vshrl.u32 v12, $0x13;
	v54 =	vshll.u32 v12, $0xD;
	v55 =	vshrl.u32 v13, $0x13  }
0x137: {  	v56 =	vshll.u32 v13, $0xD;
	v61 =	vshll.u32 v17, $0xD;
	v34 =	vxor.u32 v14, v28  }
0x138: {  	s20 =	sadd.s32 $0x16000, s19;
	s21 =	sadd.s32 $0x2E6A0, s19;
	v2 =	vxor.u32 v30, v2;
	v5 =	vxor.u32 v10, v3;
	v3 =	vxor.u32 v25, v1  }
0x139: {  	s22 =	sadd.s32 $0x46D40, s19;
	v1 =	vxor.u32 v9, v11;
	v9 =	vadd.s32 s20, v0;
	v10 =	vadd.s32 s21, v0  }
0x13a: {  	v11 =	vadd.s32 s22, v0;
	v62 =	vor.u32 v53, v54;
	v63 =	vor.u32 v55, v56  }
0x13b: {  	v30 =	vor.u32 v59, v60;
	v14 =	vadd.s32 v14, v34;
	v41 =	vshrl.u32 v34, $0x11  }
0x13c: {  	v23 =	vshll.u32 v34, $0xF;
	v15 =	vshrl.u32 v9, $0x13;
	v18 =	vshll.u32 v9, $0xD  }
0x13d: {  	v19 =	vshrl.u32 v10, $0x13;
	v50 =	vshll.u32 v10, $0xD;
	v51 =	vshrl.u32 v11, $0x13  }
0x13e: {  	v52 =	vshll.u32 v11, $0xD;
	v32 =	vxor.u32 v12, v62;
	v33 =	vxor.u32 v13, v63  }
0x13f: {  	v35 =	vxor.u32 v16, v30;
	v23 =	vor.u32 v41, v23;
	v15 =	vor.u32 v15, v18  }
0x140: {  	v18 =	vshrl.u32 v17, $0x13;
	v19 =	vor.u32 v19, v50;
	v21 =	vor.u32 v51, v52  }
0x141: {  	v12 =	vadd.s32 v12, v32;
	v13 =	vadd.s32 v13, v33;
	v16 =	vadd.s32 v16, v35  }
0x142: {  	v39 =	vshrl.u32 v32, $0x11;
	v40 =	vshrl.u32 v33, $0x11;
	v22 =	vshll.u32 v33, $0xF  }
0x143: {  	v42 =	vshrl.u32 v35, $0x11;
	v24 =	vshll.u32 v35, $0xF;
	v23 =	vxor.u32 v14, v23  }
0x144: {  	v15 =	vxor.u32 v9, v15;
	v18 =	vor.u32 v18, v61;
	v19 =	vxor.u32 v10, v19  }
0x145: {  	v31 =	vxor.u32 v11, v21;
	v21 =	vshll.u32 v32, $0xF;
	v22 =	vor.u32 v40, v22  }
0x146: {  	v24 =	vor.u32 v42, v24;
	v14 =	vadd.s32 v14, v23;
	v49 =	vshrl.u32 v23, $0x6  }
0x147: {  	v23 =	vshll.u32 v23, $0x1A;
	v9 =	vadd.s32 v9, v15;
	v10 =	vadd.s32 v10, v19  }
0x148: {  	v18 =	vxor.u32 v17, v18;
	v11 =	vadd.s32 v11, v31;
	v36 =	vshrl.u32 v15, $0x11  }
0x149: {  	v15 =	vshll.u32 v15, $0xF;
	v37 =	vshrl.u32 v19, $0x11;
	v19 =	vshll.u32 v19, $0xF  }
0x14a: {  	v38 =	vshrl.u32 v31, $0x11;
	v20 =	vshll.u32 v31, $0xF;
	v21 =	vor.u32 v39, v21  }
0x14b: {  	v22 =	vxor.u32 v13, v22;
	v24 =	vxor.u32 v16, v24;
	v23 =	vor.u32 v49, v23  }
0x14c: {  	v17 =	vadd.s32 v17, v18;
	v15 =	vor.u32 v36, v15;
	v19 =	vor.u32 v37, v19  }
0x14d: {  	v43 =	vshrl.u32 v18, $0x11;
	v18 =	vshll.u32 v18, $0xF;
	v20 =	vor.u32 v38, v20  }
0x14e: {  	v21 =	vxor.u32 v12, v21;
	v13 =	vadd.s32 v13, v22;
	v16 =	vadd.s32 v16, v24  }
0x14f: {  	v48 =	vshrl.u32 v22, $0x6;
	v22 =	vshll.u32 v22, $0x1A;
	v50 =	vshrl.u32 v24, $0x6  }
0x150: {  	v24 =	vshll.u32 v24, $0x1A;
	v23 =	vxor.u32 v14, v23;
	v18 =	vor.u32 v43, v18  }
0x151: {  	v15 =	vxor.u32 v9, v15;
	v19 =	vxor.u32 v10, v19;
	v20 =	vxor.u32 v11, v20  }
0x152: {  	v12 =	vadd.s32 v12, v21;
	v47 =	vshrl.u32 v21, $0x6;
	v21 =	vshll.u32 v21, $0x1A  }
0x153: {  	v22 =	vor.u32 v48, v22;
	v24 =	vor.u32 v50, v24;
	v14 =	vadd.s32 v14, v23  }
0x154: {  	v57 =	vshrl.u32 v23, $0x1A;
	v23 =	vshll.u32 v23, $0x6;
	v9 =	vadd.s32 v9, v15  }
0x155: {  	v18 =	vxor.u32 v17, v18;
	v10 =	vadd.s32 v10, v19;
	v11 =	vadd.s32 v11, v20  }
0x156: {  	v44 =	vshrl.u32 v15, $0x6;
	v15 =	vshll.u32 v15, $0x1A;
	v45 =	vshrl.u32 v19, $0x6  }
0x157: {  	v19 =	vshll.u32 v19, $0x1A;
	v46 =	vshrl.u32 v20, $0x6;
	v20 =	vshll.u32 v20, $0x1A  }
0x158: {  	v21 =	vor.u32 v47, v21;
	v22 =	vxor.u32 v13, v22;
	v24 =	vxor.u32 v16, v24  }
0x159: {  	v23 =	vor.u32 v57, v23;
	v17 =	vadd.s32 v17, v18;
	v15 =	vor.u32 v44, v15  }
0x15a: {  	v19 =	vor.u32 v45, v19;
	v51 =	vshrl.u32 v18, $0x6;
	v18 =	vshll.u32 v18, $0x1A  }
0x15b: {  	v20 =	vor.u32 v46, v20;
	v21 =	vxor.u32 v12, v21;
	v13 =	vadd.s32 v13, v22  }
0x15c: {  	v16 =	vadd.s32 v16, v24;
	v56 =	vshrl.u32 v22, $0x1A;
	v22 =	vshll.u32 v22, $0x6  }
0x15d: {  	v58 =	vshrl.u32 v24, $0x1A;
	v24 =	vshll.u32 v24, $0x6;
	v23 =	vxor.u32 v14, v23  }
0x15e: {  	v15 =	vxor.u32 v9, v15;
	v19 =	vxor.u32 v10, v19;
	v18 =	vor.u32 v51, v18  }
0x15f: {  	v20 =	vxor.u32 v11, v20;
	v12 =	vadd.s32 v12, v21;
	v55 =	vshrl.u32 v21, $0x1A  }
0x160: {  	v21 =	vshll.u32 v21, $0x6;
	v22 =	vor.u32 v56, v22;
	v24 =	vor.u32 v58, v24  }
0x161: {  	v23 =	vadd.s32 $0x1BD11BF1, v23;
	v18 =	vxor.u32 v17, v18;
	v9 =	vadd.s32 v9, v15  }
0x162: {  	v10 =	vadd.s32 v10, v19;
	v11 =	vadd.s32 v11, v20;
	v52 =	vshrl.u32 v15, $0x1A  }
0x163: {  	v15 =	vshll.u32 v15, $0x6;
	v53 =	vshrl.u32 v19, $0x1A;
	v19 =	vshll.u32 v19, $0x6  }
0x164: {  	v54 =	vshrl.u32 v20, $0x1A;
	v20 =	vshll.u32 v20, $0x6;
	v21 =	vor.u32 v55, v21  }
0x165: {  	v22 =	vxor.u32 v13, v22;
	v24 =	vxor.u32 v16, v24;
	v14 =	vadd.s32 v23, v14  }
0x166: {  	v34 =	vshrl.u32 v23, $0xF;
	v23 =	vshll.u32 v23, $0x11;
	v17 =	vadd.s32 v17, v18  }
0x167: {  	v15 =	vor.u32 v52, v15;
	v19 =	vor.u32 v53, v19;
	v59 =	vshrl.u32 v18, $0x1A  }
0x168: {  	v18 =	vshll.u32 v18, $0x6;
	v20 =	vor.u32 v54, v20;
	v21 =	vxor.u32 v12, v21  }
0x169: {  	v22 =	vadd.s32 $0x1BD11BF1, v22;
	v24 =	vadd.s32 $0x1BD11BF1, v24;
	v14 =	vadd.s32 $0x2A, v14  }
0x16a: {  	v23 =	vor.u32 v34, v23;
	v15 =	vxor.u32 v9, v15;
	v18 =	vor.u32 v59, v18  }
0x16b: {  	v19 =	vxor.u32 v10, v19;
	v20 =	vxor.u32 v11, v20;
	v21 =	vadd.s32 $0x1BD11BF1, v21  }
0x16c: {  	v13 =	vadd.s32 v22, v13;
	v33 =	vshrl.u32 v22, $0xF;
	v22 =	vshll.u32 v22, $0x11  }
0x16d: {  	v16 =	vadd.s32 v24, v16;
	v35 =	vshrl.u32 v24, $0xF;
	v24 =	vshll.u32 v24, $0x11  }
0x16e: {  	v23 =	vxor.u32 v14, v23;
	v15 =	vadd.s32 $0x1BD11BF1, v15;
	v19 =	vadd.s32 $0x1BD11BF1, v19  }
0x16f: {  	v18 =	vxor.u32 v17, v18;
	v20 =	vadd.s32 $0x1BD11BF1, v20;
	v12 =	vadd.s32 v21, v12  }
0x170: {  	v63 =	vshrl.u32 v21, $0xF;
	v21 =	vshll.u32 v21, $0x11;
	v13 =	vadd.s32 $0x2A, v13  }
0x171: {  	v22 =	vor.u32 v33, v22;
	v16 =	vadd.s32 $0x2A, v16;
	v24 =	vor.u32 v35, v24  }
0x172: {  	v14 =	vadd.s32 v14, v23;
	v42 =	vshrl.u32 v23, $0x3;
	v23 =	vshll.u32 v23, $0x1D  }
0x173: {  	v18 =	vadd.s32 $0x1BD11BF1, v18;
	v9 =	vadd.s32 v15, v9;
	v60 =	vshrl.u32 v15, $0xF  }
0x174: {  	v15 =	vshll.u32 v15, $0x11;
	v10 =	vadd.s32 v19, v10;
	v61 =	vshrl.u32 v19, $0xF  }
0x175: {  	v19 =	vshll.u32 v19, $0x11;
	v11 =	vadd.s32 v20, v11;
	v62 =	vshrl.u32 v20, $0xF  }
0x176: {  	v20 =	vshll.u32 v20, $0x11;
	v12 =	vadd.s32 $0x2A, v12;
	v21 =	vor.u32 v63, v21  }
0x177: {  	v22 =	vxor.u32 v13, v22;
	v24 =	vxor.u32 v16, v24;
	v23 =	vor.u32 v42, v23  }
0x178: {  	v15 =	vor.u32 v60, v15;
	v17 =	vadd.s32 v18, v17;
	v19 =	vor.u32 v61, v19  }
0x179: {  	v36 =	vshrl.u32 v18, $0xF;
	v18 =	vshll.u32 v18, $0x11;
	v9 =	vadd.s32 $0x2A, v9  }
0x17a: {  	v10 =	vadd.s32 $0x2A, v10;
	v11 =	vadd.s32 $0x2A, v11;
	v20 =	vor.u32 v62, v20  }
0x17b: {  	v21 =	vxor.u32 v12, v21;
	v13 =	vadd.s32 v13, v22;
	v16 =	vadd.s32 v16, v24  }
0x17c: {  	v41 =	vshrl.u32 v22, $0x3;
	v22 =	vshll.u32 v22, $0x1D;
	v43 =	vshrl.u32 v24, $0x3  }
0x17d: {  	v24 =	vshll.u32 v24, $0x1D;
	v23 =	vxor.u32 v14, v23;
	v17 =	vadd.s32 $0x2A, v17  }
0x17e: {  	v15 =	vxor.u32 v9, v15;
	v19 =	vxor.u32 v10, v19;
	v18 =	vor.u32 v36, v18  }
0x17f: {  	v20 =	vxor.u32 v11, v20;
	v12 =	vadd.s32 v12, v21;
	v40 =	vshrl.u32 v21, $0x3  }
0x180: {  	v21 =	vshll.u32 v21, $0x1D;
	v22 =	vor.u32 v41, v22;
	v24 =	vor.u32 v43, v24  }
0x181: {  	v14 =	vadd.s32 v14, v23;
	v50 =	vshrl.u32 v23, $0x10;
	v23 =	vshll.u32 v23, $0x10  }
0x182: {  	v18 =	vxor.u32 v17, v18;
	v9 =	vadd.s32 v9, v15;
	v10 =	vadd.s32 v10, v19  }
0x183: {  	v11 =	vadd.s32 v11, v20;
	v37 =	vshrl.u32 v15, $0x3;
	v15 =	vshll.u32 v15, $0x1D  }
0x184: {  	v38 =	vshrl.u32 v19, $0x3;
	v19 =	vshll.u32 v19, $0x1D;
	v39 =	vshrl.u32 v20, $0x3  }
0x185: {  	v20 =	vshll.u32 v20, $0x1D;
	v21 =	vor.u32 v40, v21;
	v22 =	vxor.u32 v13, v22  }
0x186: {  	v24 =	vxor.u32 v16, v24;
	v23 =	vor.u32 v50, v23;
	v17 =	vadd.s32 v17, v18  }
0x187: {  	v15 =	vor.u32 v37, v15;
	v19 =	vor.u32 v38, v19;
	v44 =	vshrl.u32 v18, $0x3  }
0x188: {  	v18 =	vshll.u32 v18, $0x1D;
	v20 =	vor.u32 v39, v20;
	v21 =	vxor.u32 v12, v21  }
0x189: {  	v13 =	vadd.s32 v13, v22;
	v16 =	vadd.s32 v16, v24;
	v49 =	vshrl.u32 v22, $0x10  }
0x18a: {  	v22 =	vshll.u32 v22, $0x10;
	v51 =	vshrl.u32 v24, $0x10;
	v24 =	vshll.u32 v24, $0x10  }
0x18b: {  	v23 =	vxor.u32 v14, v23;
	v15 =	vxor.u32 v9, v15;
	v18 =	vor.u32 v44, v18  }
0x18c: {  	v19 =	vxor.u32 v10, v19;
	v20 =	vxor.u32 v11, v20;
	v12 =	vadd.s32 v12, v21  }
0x18d: {  	v48 =	vshrl.u32 v21, $0x10;
	v21 =	vshll.u32 v21, $0x10;
	v22 =	vor.u32 v49, v22  }
0x18e: {  	v24 =	vor.u32 v51, v24;
	v14 =	vadd.s32 v14, v23;
	v58 =	vshrl.u32 v23, $0x8  }
0x18f: {  	v23 =	vshll.u32 v23, $0x18;
	v9 =	vadd.s32 v9, v15;
	v10 =	vadd.s32 v10, v19  }
0x190: {  	v18 =	vxor.u32 v17, v18;
	v11 =	vadd.s32 v11, v20;
	v45 =	vshrl.u32 v15, $0x10  }
0x191: {  	v15 =	vshll.u32 v15, $0x10;
	v46 =	vshrl.u32 v19, $0x10;
	v19 =	vshll.u32 v19, $0x10  }
0x192: {  	v47 =	vshrl.u32 v20, $0x10;
	v20 =	vshll.u32 v20, $0x10;
	v21 =	vor.u32 v48, v21  }
0x193: {  	v22 =	vxor.u32 v13, v22;
	v24 =	vxor.u32 v16, v24;
	v23 =	vor.u32 v58, v23  }
0x194: {  	v17 =	vadd.s32 v17, v18;
	v15 =	vor.u32 v45, v15;
	v19 =	vor.u32 v46, v19  }
0x195: {  	v52 =	vshrl.u32 v18, $0x10;
	v18 =	vshll.u32 v18, $0x10;
	v20 =	vor.u32 v47, v20  }
0x196: {  	v21 =	vxor.u32 v12, v21;
	v13 =	vadd.s32 v13, v22;
	v16 =	vadd.s32 v16, v24  }
0x197: {  	v57 =	vshrl.u32 v22, $0x8;
	v22 =	vshll.u32 v22, $0x18;
	v59 =	vshrl.u32 v24, $0x8  }
0x198: {  	v24 =	vshll.u32 v24, $0x18;
	v23 =	vxor.u32 v14, v23;
	v18 =	vor.u32 v52, v18  }
0x199: {  	v15 =	vxor.u32 v9, v15;
	v19 =	vxor.u32 v10, v19;
	v20 =	vxor.u32 v11, v20  }
0x19a: {  	v12 =	vadd.s32 v12, v21;
	v56 =	vshrl.u32 v21, $0x8;
	v21 =	vshll.u32 v21, $0x18  }
0x19b: {  	v22 =	vor.u32 v57, v22;
	v24 =	vor.u32 v59, v24;
	v23 =	vadd.s32 $0x2, v23  }
0x19c: {  	v9 =	vadd.s32 v9, v15;
	v18 =	vxor.u32 v17, v18;
	v10 =	vadd.s32 v10, v19  }
0x19d: {  	v11 =	vadd.s32 v11, v20;
	v53 =	vshrl.u32 v15, $0x8;
	v15 =	vshll.u32 v15, $0x18  }
0x19e: {  	v54 =	vshrl.u32 v19, $0x8;
	v19 =	vshll.u32 v19, $0x18;
	v55 =	vshrl.u32 v20, $0x8  }
0x19f: {  	v20 =	vshll.u32 v20, $0x18;
	v21 =	vor.u32 v56, v21;
	v22 =	vxor.u32 v13, v22  }
0x1a0: {  	v24 =	vxor.u32 v16, v24;
	v14 =	vadd.s32 v23, v14;
	v35 =	vshrl.u32 v23, $0x13  }
0x1a1: {  	v23 =	vshll.u32 v23, $0xD;
	v17 =	vadd.s32 v17, v18;
	v15 =	vor.u32 v53, v15  }
0x1a2: {  	v19 =	vor.u32 v54, v19;
	v60 =	vshrl.u32 v18, $0x8;
	v18 =	vshll.u32 v18, $0x18  }
0x1a3: {  	v20 =	vor.u32 v55, v20;
	v21 =	vxor.u32 v12, v21;
	v22 =	vadd.s32 $0x2, v22  }
0x1a4: {  	v24 =	vadd.s32 $0x2, v24;
	v14 =	vadd.s32 $0x1BD11BF0, v14;
	v23 =	vor.u32 v35, v23  }
0x1a5: {  	v15 =	vxor.u32 v9, v15;
	v19 =	vxor.u32 v10, v19;
	v18 =	vor.u32 v60, v18  }
0x1a6: {  	v20 =	vxor.u32 v11, v20;
	v21 =	vadd.s32 $0x2, v21;
	v13 =	vadd.s32 v22, v13  }
0x1a7: {  	v34 =	vshrl.u32 v22, $0x13;
	v22 =	vshll.u32 v22, $0xD;
	v16 =	vadd.s32 v24, v16  }
0x1a8: {  	v36 =	vshrl.u32 v24, $0x13;
	v24 =	vshll.u32 v24, $0xD;
	v23 =	vxor.u32 v14, v23  }
0x1a9: {  	v18 =	vxor.u32 v17, v18;
	v15 =	vadd.s32 $0x2, v15;
	v19 =	vadd.s32 $0x2, v19  }
0x1aa: {  	v20 =	vadd.s32 $0x2, v20;
	v12 =	vadd.s32 v21, v12;
	v33 =	vshrl.u32 v21, $0x13  }
0x1ab: {  	v21 =	vshll.u32 v21, $0xD;
	v13 =	vadd.s32 $0x1BD11BF0, v13;
	v22 =	vor.u32 v34, v22  }
0x1ac: {  	v16 =	vadd.s32 $0x1BD11BF0, v16;
	v24 =	vor.u32 v36, v24;
	v14 =	vadd.s32 v14, v23  }
0x1ad: {  	v43 =	vshrl.u32 v23, $0x11;
	v23 =	vshll.u32 v23, $0xF;
	v9 =	vadd.s32 v15, v9  }
0x1ae: {  	v18 =	vadd.s32 $0x2, v18;
	v61 =	vshrl.u32 v15, $0x13;
	v15 =	vshll.u32 v15, $0xD  }
0x1af: {  	v10 =	vadd.s32 v19, v10;
	v62 =	vshrl.u32 v19, $0x13;
	v19 =	vshll.u32 v19, $0xD  }
0x1b0: {  	v11 =	vadd.s32 v20, v11;
	v63 =	vshrl.u32 v20, $0x13;
	v20 =	vshll.u32 v20, $0xD  }
0x1b1: {  	v12 =	vadd.s32 $0x1BD11BF0, v12;
	v21 =	vor.u32 v33, v21;
	v22 =	vxor.u32 v13, v22  }
0x1b2: {  	v24 =	vxor.u32 v16, v24;
	v23 =	vor.u32 v43, v23;
	v15 =	vor.u32 v61, v15  }
0x1b3: {  	v17 =	vadd.s32 v18, v17;
	v9 =	vadd.s32 $0x1BD11BF0, v9;
	v19 =	vor.u32 v62, v19  }
0x1b4: {  	v37 =	vshrl.u32 v18, $0x13;
	v18 =	vshll.u32 v18, $0xD;
	v10 =	vadd.s32 $0x1BD11BF0, v10  }
0x1b5: {  	v11 =	vadd.s32 $0x1BD11BF0, v11;
	v20 =	vor.u32 v63, v20;
	v21 =	vxor.u32 v12, v21  }
0x1b6: {  	v13 =	vadd.s32 v13, v22;
	v16 =	vadd.s32 v16, v24;
	v42 =	vshrl.u32 v22, $0x11  }
0x1b7: {  	v22 =	vshll.u32 v22, $0xF;
	v44 =	vshrl.u32 v24, $0x11;
	v24 =	vshll.u32 v24, $0xF  }
0x1b8: {  	v23 =	vxor.u32 v14, v23;
	v17 =	vadd.s32 $0x1BD11BF0, v17;
	v18 =	vor.u32 v37, v18  }
0x1b9: {  	v15 =	vxor.u32 v9, v15;
	v19 =	vxor.u32 v10, v19;
	v20 =	vxor.u32 v11, v20  }
0x1ba: {  	v12 =	vadd.s32 v12, v21;
	v41 =	vshrl.u32 v21, $0x11;
	v21 =	vshll.u32 v21, $0xF  }
0x1bb: {  	v22 =	vor.u32 v42, v22;
	v24 =	vor.u32 v44, v24;
	v14 =	vadd.s32 v14, v23  }
0x1bc: {  	v51 =	vshrl.u32 v23, $0x6;
	v23 =	vshll.u32 v23, $0x1A;
	v9 =	vadd.s32 v9, v15  }
0x1bd: {  	v18 =	vxor.u32 v17, v18;
	v10 =	vadd.s32 v10, v19;
	v11 =	vadd.s32 v11, v20  }
0x1be: {  	v38 =	vshrl.u32 v15, $0x11;
	v15 =	vshll.u32 v15, $0xF;
	v39 =	vshrl.u32 v19, $0x11  }
0x1bf: {  	v19 =	vshll.u32 v19, $0xF;
	v40 =	vshrl.u32 v20, $0x11;
	v20 =	vshll.u32 v20, $0xF  }
0x1c0: {  	v21 =	vor.u32 v41, v21;
	v22 =	vxor.u32 v13, v22;
	v24 =	vxor.u32 v16, v24  }
0x1c1: {  	v23 =	vor.u32 v51, v23;
	v17 =	vadd.s32 v17, v18;
	v15 =	vor.u32 v38, v15  }
0x1c2: {  	v19 =	vor.u32 v39, v19;
	v45 =	vshrl.u32 v18, $0x11;
	v18 =	vshll.u32 v18, $0xF  }
0x1c3: {  	v20 =	vor.u32 v40, v20;
	v21 =	vxor.u32 v12, v21;
	v13 =	vadd.s32 v13, v22  }
0x1c4: {  	v16 =	vadd.s32 v16, v24;
	v50 =	vshrl.u32 v22, $0x6;
	v22 =	vshll.u32 v22, $0x1A  }
0x1c5: {  	v52 =	vshrl.u32 v24, $0x6;
	v24 =	vshll.u32 v24, $0x1A;
	v23 =	vxor.u32 v14, v23  }
0x1c6: {  	v15 =	vxor.u32 v9, v15;
	v19 =	vxor.u32 v10, v19;
	v18 =	vor.u32 v45, v18  }
0x1c7: {  	v20 =	vxor.u32 v11, v20;
	v12 =	vadd.s32 v12, v21;
	v49 =	vshrl.u32 v21, $0x6  }
0x1c8: {  	v21 =	vshll.u32 v21, $0x1A;
	v22 =	vor.u32 v50, v22;
	v24 =	vor.u32 v52, v24  }
0x1c9: {  	v14 =	vadd.s32 v14, v23;
	v59 =	vshrl.u32 v23, $0x1A;
	v23 =	vshll.u32 v23, $0x6  }
0x1ca: {  	v18 =	vxor.u32 v17, v18;
	v9 =	vadd.s32 v9, v15;
	v10 =	vadd.s32 v10, v19  }
0x1cb: {  	v11 =	vadd.s32 v11, v20;
	v46 =	vshrl.u32 v15, $0x6;
	v15 =	vshll.u32 v15, $0x1A  }
0x1cc: {  	v47 =	vshrl.u32 v19, $0x6;
	v19 =	vshll.u32 v19, $0x1A;
	v48 =	vshrl.u32 v20, $0x6  }
0x1cd: {  	v20 =	vshll.u32 v20, $0x1A;
	v21 =	vor.u32 v49, v21;
	v22 =	vxor.u32 v13, v22  }
0x1ce: {  	v24 =	vxor.u32 v16, v24;
	v23 =	vor.u32 v59, v23;
	v17 =	vadd.s32 v17, v18  }
0x1cf: {  	v15 =	vor.u32 v46, v15;
	v19 =	vor.u32 v47, v19;
	v53 =	vshrl.u32 v18, $0x6  }
0x1d0: {  	v18 =	vshll.u32 v18, $0x1A;
	v20 =	vor.u32 v48, v20;
	v21 =	vxor.u32 v12, v21  }
0x1d1: {  	v13 =	vadd.s32 v13, v22;
	v16 =	vadd.s32 v16, v24;
	v58 =	vshrl.u32 v22, $0x1A  }
0x1d2: {  	v22 =	vshll.u32 v22, $0x6;
	v60 =	vshrl.u32 v24, $0x1A;
	v24 =	vshll.u32 v24, $0x6  }
0x1d3: {  	v23 =	vxor.u32 v14, v23;
	v15 =	vxor.u32 v9, v15;
	v18 =	vor.u32 v53, v18  }
0x1d4: {  	v19 =	vxor.u32 v10, v19;
	v20 =	vxor.u32 v11, v20;
	v12 =	vadd.s32 v12, v21  }
0x1d5: {  	v57 =	vshrl.u32 v21, $0x1A;
	v21 =	vshll.u32 v21, $0x6;
	v22 =	vor.u32 v58, v22  }
0x1d6: {  	v24 =	vor.u32 v60, v24;
	v23 =	vadd.s32 $0x2D, v23;
	v9 =	vadd.s32 v9, v15  }
0x1d7: {  	v10 =	vadd.s32 v10, v19;
	v18 =	vxor.u32 v17, v18;
	v11 =	vadd.s32 v11, v20  }
0x1d8: {  	v54 =	vshrl.u32 v15, $0x1A;
	v15 =	vshll.u32 v15, $0x6;
	v55 =	vshrl.u32 v19, $0x1A  }
0x1d9: {  	v19 =	vshll.u32 v19, $0x6;
	v56 =	vshrl.u32 v20, $0x1A;
	v20 =	vshll.u32 v20, $0x6  }
0x1da: {  	v21 =	vor.u32 v57, v21;
	v22 =	vxor.u32 v13, v22;
	v24 =	vxor.u32 v16, v24  }
0x1db: {  	v14 =	vadd.s32 v14, v23;
	v36 =	vshrl.u32 v23, $0xF;
	v23 =	vshll.u32 v23, $0x11  }
0x1dc: {  	v17 =	vadd.s32 v17, v18;
	v15 =	vor.u32 v54, v15;
	v19 =	vor.u32 v55, v19  }
0x1dd: {  	v61 =	vshrl.u32 v18, $0x1A;
	v18 =	vshll.u32 v18, $0x6;
	v20 =	vor.u32 v56, v20  }
0x1de: {  	v21 =	vxor.u32 v12, v21;
	v22 =	vadd.s32 $0x2D, v22;
	v24 =	vadd.s32 $0x2D, v24  }
0x1df: {  	v23 =	vor.u32 v36, v23;
	v18 =	vor.u32 v61, v18;
	v15 =	vxor.u32 v9, v15  }
0x1e0: {  	v19 =	vxor.u32 v10, v19;
	v20 =	vxor.u32 v11, v20;
	v21 =	vadd.s32 $0x2D, v21  }
0x1e1: {  	v13 =	vadd.s32 v13, v22;
	v16 =	vadd.s32 v16, v24;
	v35 =	vshrl.u32 v22, $0xF  }
0x1e2: {  	v22 =	vshll.u32 v22, $0x11;
	v37 =	vshrl.u32 v24, $0xF;
	v24 =	vshll.u32 v24, $0x11  }
0x1e3: {  	v23 =	vxor.u32 v14, v23;
	v15 =	vadd.s32 $0x2D, v15;
	v18 =	vxor.u32 v17, v18  }
0x1e4: {  	v19 =	vadd.s32 $0x2D, v19;
	v20 =	vadd.s32 $0x2D, v20;
	v12 =	vadd.s32 v12, v21  }
0x1e5: {  	v34 =	vshrl.u32 v21, $0xF;
	v21 =	vshll.u32 v21, $0x11;
	v22 =	vor.u32 v35, v22  }
0x1e6: {  	v24 =	vor.u32 v37, v24;
	v14 =	vadd.s32 v14, v23;
	v44 =	vshrl.u32 v23, $0x3  }
0x1e7: {  	v23 =	vshll.u32 v23, $0x1D;
	v9 =	vadd.s32 v9, v15;
	v10 =	vadd.s32 v10, v19  }
0x1e8: {  	v18 =	vadd.s32 $0x2D, v18;
	v11 =	vadd.s32 v11, v20;
	v62 =	vshrl.u32 v15, $0xF  }
0x1e9: {  	v15 =	vshll.u32 v15, $0x11;
	v63 =	vshrl.u32 v19, $0xF;
	v19 =	vshll.u32 v19, $0x11  }
0x1ea: {  	v33 =	vshrl.u32 v20, $0xF;
	v20 =	vshll.u32 v20, $0x11;
	v21 =	vor.u32 v34, v21  }
0x1eb: {  	v22 =	vxor.u32 v13, v22;
	v24 =	vxor.u32 v16, v24;
	v23 =	vor.u32 v44, v23  }
0x1ec: {  	v17 =	vadd.s32 v17, v18;
	v15 =	vor.u32 v62, v15;
	v19 =	vor.u32 v63, v19  }
0x1ed: {  	v38 =	vshrl.u32 v18, $0xF;
	v18 =	vshll.u32 v18, $0x11;
	v20 =	vor.u32 v33, v20  }
0x1ee: {  	v21 =	vxor.u32 v12, v21;
	v13 =	vadd.s32 v13, v22;
	v16 =	vadd.s32 v16, v24  }
0x1ef: {  	v43 =	vshrl.u32 v22, $0x3;
	v22 =	vshll.u32 v22, $0x1D;
	v45 =	vshrl.u32 v24, $0x3  }
0x1f0: {  	v24 =	vshll.u32 v24, $0x1D;
	v23 =	vxor.u32 v14, v23;
	v18 =	vor.u32 v38, v18  }
0x1f1: {  	v15 =	vxor.u32 v9, v15;
	v19 =	vxor.u32 v10, v19;
	v20 =	vxor.u32 v11, v20  }
0x1f2: {  	v12 =	vadd.s32 v12, v21;
	v42 =	vshrl.u32 v21, $0x3;
	v21 =	vshll.u32 v21, $0x1D  }
0x1f3: {  	v22 =	vor.u32 v43, v22;
	v24 =	vor.u32 v45, v24;
	v48 =	vadd.s32 v14, v23  }
0x1f4: {  	v52 =	vshrl.u32 v23, $0x10;
	v23 =	vshll.u32 v23, $0x10;
	v9 =	vadd.s32 v9, v15  }
0x1f5: {  	v18 =	vxor.u32 v17, v18;
	v10 =	vadd.s32 v10, v19;
	v11 =	vadd.s32 v11, v20  }
0x1f6: {  	v39 =	vshrl.u32 v15, $0x3;
	v15 =	vshll.u32 v15, $0x1D;
	v40 =	vshrl.u32 v19, $0x3  }
0x1f7: {  	v19 =	vshll.u32 v19, $0x1D;
	v41 =	vshrl.u32 v20, $0x3;
	v20 =	vshll.u32 v20, $0x1D  }
0x1f8: {  	v21 =	vor.u32 v42, v21;
	v22 =	vxor.u32 v13, v22;
	v24 =	vxor.u32 v16, v24  }
0x1f9: {  	v55 =	vor.u32 v52, v23;
	v17 =	vadd.s32 v17, v18;
	v15 =	vor.u32 v39, v15  }
0x1fa: {  	v19 =	vor.u32 v40, v19;
	v46 =	vshrl.u32 v18, $0x3;
	v18 =	vshll.u32 v18, $0x1D  }
0x1fb: {  	v20 =	vor.u32 v41, v20;
	v21 =	vxor.u32 v12, v21;
	v47 =	vadd.s32 v13, v22  }
0x1fc: {  	v49 =	vadd.s32 v16, v24;
	v51 =	vshrl.u32 v22, $0x10;
	v22 =	vshll.u32 v22, $0x10  }
0x1fd: {  	v15 =	vxor.u32 v9, v15;
	v19 =	vxor.u32 v10, v19;
	v18 =	vor.u32 v46, v18  }
0x1fe: {  	v20 =	vxor.u32 v11, v20;
	v12 =	vadd.s32 v12, v21;
	v50 =	vshrl.u32 v21, $0x10  }
0x1ff: {  	v21 =	vshll.u32 v21, $0x10;
	v54 =	vor.u32 v51, v22;
	v22 =	vxor.u32 v48, v55  }
0x200: {  	v18 =	vxor.u32 v17, v18;
	v9 =	vadd.s32 v9, v15;
	v10 =	vadd.s32 v10, v19  }
0x201: {  	v11 =	vadd.s32 v11, v20;
	v13 =	vshrl.u32 v15, $0x10;
	v14 =	vshll.u32 v15, $0x10  }
0x202: {  	v15 =	vshrl.u32 v19, $0x10;
	v16 =	vshll.u32 v19, $0x10;
	v19 =	vshrl.u32 v20, $0x10  }
0x203: {  	v20 =	vshll.u32 v20, $0x10;
	v53 =	vor.u32 v50, v21;
	v21 =	vxor.u32 v47, v54  }
0x204: {  	s9 =	simm.s32 $0x0;
	v61 =	vshrl.u32 v22, $0x8;
	v17 =	vadd.s32 v17, v18;
	v13 =	vor.u32 v13, v14  }
0x205: {  	s28 =	sand.u32 $0x70, s9;
	s29 =	sand.u32 $0x7C00, s9;
	v14 =	vshrl.u32 v24, $0x10;
	v24 =	vshll.u32 v24, $0x10;
	v15 =	vor.u32 v15, v16  }
0x206: {  	s10 =	sor.u32 s28, s29;
	v16 =	vshrl.u32 v18, $0x10;
	v18 =	vshll.u32 v18, $0x10;
	v19 =	vor.u32 v19, v20  }
0x207: {  	[tilespmem:s10+$0x100] =	vst v8;
	v20 =	vxor.u32 v12, v53;
	v60 =	vshrl.u32 v21, $0x8;
	v8 =	vshll.u32 v21, $0x18  }
0x208: {  	v56 =	vxor.u32 v9, v13;
	v13 =	vor.u32 v14, v24;
	v14 =	vor.u32 v16, v18  }
0x209: {  	[tilespmem:s10+$0x80] =	vst v7;
	v18 =	vxor.u32 v10, v15;
	v19 =	vxor.u32 v11, v19;
	v7 =	vshrl.u32 v20, $0x8  }
0x20a: {  	v63 =	vor.u32 v60, v8;
	v24 =	vxor.u32 v49, v13;
	v16 =	vadd.s32 v9, v56  }
0x20b: {  	v15 =	vadd.s32 v10, v18;
	v57 =	vxor.u32 v17, v14;
	v14 =	vadd.s32 v11, v19  }
0x20c: {  	v13 =	vadd.s32 v12, v20;
	v12 =	vadd.s32 v47, v21;
	v11 =	vadd.s32 v48, v22  }
0x20d: {  	v23 =	vshll.u32 v56, $0x18;
	v58 =	vshrl.u32 v18, $0x8;
	v18 =	vshll.u32 v18, $0x18  }
0x20e: {  	[tilespmem:s10+$0x180] =	vst v6;
	v59 =	vshrl.u32 v19, $0x8;
	v19 =	vshll.u32 v19, $0x18;
	v20 =	vshll.u32 v20, $0x18  }
0x20f: {  	s30 =	sand.u32 $0x7, s9;
	[tilespmem:s10+$0x200] =	vst v4;
	v22 =	vshll.u32 v22, $0x18;
	v10 =	vadd.s32 v49, v24;
	v9 =	vadd.s32 v17, v57  }
0x210: {  	s11 =	sshll.u32 s30, $0x4;
	[tilespmem:s10+$0x280] =	vst v2;
	v17 =	vshrl.u32 v56, $0x8;
	v6 =	vshrl.u32 v24, $0x8;
	v24 =	vshll.u32 v24, $0x18  }
0x211: {  	s11 =	sadd.s32 $0x0, s11;
	[tilespmem:s10+$0x300] =	vst v5;
	v62 =	vshrl.u32 v57, $0x8;
	v18 =	vor.u32 v58, v18;
	v4 =	vshll.u32 v57, $0x18  }
0x212: {  	[tilespmem:s10+$0x0] =	vst v3;
	s31 =	sor.u32 $0x380, s11;
	v19 =	vor.u32 v59, v19;
	v7 =	vor.u32 v7, v20;
	v21 =	vor.u32 v61, v22  }
0x213: {  	[tilespmem:s31+$0x0] =	vst v1;
	v1 =	vxor.u32 v12, v63;
	v17 =	vor.u32 v17, v23;
	v2 =	vor.u32 v6, v24  }
0x214: {  	p1 =	por p0, p0;
	v4 =	vor.u32 v62, v4;
	v3 =	vxor.u32 v15, v18;
	v5 =	vxor.u32 v14, v19  }
0x215: {  	s12 =	simm.s32 $0x20;
	s10 =	simm.s32 $0x0;
	s11 =	simm.s32 $0x10;
	v7 =	vxor.u32 v13, v7;
	v6 =	vxor.u32 v11, v21;
	v8 =	vxor.u32 v16, v17  }
.LBB2_3:
0x216: {  	p0 =	sne.s32 s12, $0xFF0;
	v8 =	vadd.s32 $0x1BD11BF4, v8;
	v2 =	vxor.u32 v10, v2;
	v4 =	vxor.u32 v9, v4  }
0x217: {  	v3 =	vadd.s32 $0x1BD11BF4, v3;
	v5 =	vadd.s32 $0x1BD11BF4, v5;
	v7 =	vadd.s32 $0x1BD11BF4, v7  }
0x218: {  	v1 =	vadd.s32 $0x1BD11BF4, v1;
	v6 =	vadd.s32 $0x1BD11BF4, v6;
	v2 =	vadd.s32 $0x1BD11BF4, v2  }
0x219: {  	v16 =	vadd.s32 v8, v16;
	v17 =	vshrl.u32 v8, $0x13;
	v4 =	vadd.s32 $0x1BD11BF4, v4  }
0x21a: {  	v8 =	vshll.u32 v8, $0xD;
	v15 =	vadd.s32 v3, v15;
	v18 =	vshrl.u32 v3, $0x13  }
0x21b: {  	v3 =	vshll.u32 v3, $0xD;
	v14 =	vadd.s32 v5, v14;
	v19 =	vshrl.u32 v5, $0x13  }
0x21c: {  	v5 =	vshll.u32 v5, $0xD;
	v13 =	vadd.s32 v7, v13;
	v20 =	vshrl.u32 v7, $0x13  }
0x21d: {  	v7 =	vshll.u32 v7, $0xD;
	v12 =	vadd.s32 v1, v12;
	v21 =	vshrl.u32 v1, $0x13  }
0x21e: {  	v1 =	vshll.u32 v1, $0xD;
	v11 =	vadd.s32 v6, v11;
	v22 =	vshrl.u32 v6, $0x13  }
0x21f: {  	v6 =	vshll.u32 v6, $0xD;
	v10 =	vadd.s32 v2, v10;
	v23 =	vshrl.u32 v2, $0x13  }
0x220: {  	v2 =	vshll.u32 v2, $0xD;
	v9 =	vadd.s32 v4, v9;
	v24 =	vshrl.u32 v4, $0x13  }
0x221: {  	v16 =	vadd.s32 $0x2A, v16;
	v8 =	vor.u32 v17, v8;
	v4 =	vshll.u32 v4, $0xD  }
0x222: {  	v15 =	vadd.s32 $0x2A, v15;
	v3 =	vor.u32 v18, v3;
	v14 =	vadd.s32 $0x2A, v14  }
0x223: {  	v5 =	vor.u32 v19, v5;
	v13 =	vadd.s32 $0x2A, v13;
	v7 =	vor.u32 v20, v7  }
0x224: {  	v12 =	vadd.s32 $0x2A, v12;
	v1 =	vor.u32 v21, v1;
	v11 =	vadd.s32 $0x2A, v11  }
0x225: {  	v6 =	vor.u32 v22, v6;
	v10 =	vadd.s32 $0x2A, v10;
	v2 =	vor.u32 v23, v2  }
0x226: {  	v8 =	vxor.u32 v16, v8;
	v9 =	vadd.s32 $0x2A, v9;
	v4 =	vor.u32 v24, v4  }
0x227: {  	v3 =	vxor.u32 v15, v3;
	v5 =	vxor.u32 v14, v5;
	v7 =	vxor.u32 v13, v7  }
0x228: {  	v1 =	vxor.u32 v12, v1;
	v6 =	vxor.u32 v11, v6;
	v2 =	vxor.u32 v10, v2  }
0x229: {  	v16 =	vadd.s32 v16, v8;
	v15 =	vadd.s32 v15, v3;
	v4 =	vxor.u32 v9, v4  }
0x22a: {  	v14 =	vadd.s32 v14, v5;
	v13 =	vadd.s32 v13, v7;
	v12 =	vadd.s32 v12, v1  }
0x22b: {  	v11 =	vadd.s32 v11, v6;
	v10 =	vadd.s32 v10, v2;
	v9 =	vadd.s32 v9, v4  }
0x22c: {  	v17 =	vshrl.u32 v8, $0x11;
	v8 =	vshll.u32 v8, $0xF;
	v18 =	vshrl.u32 v3, $0x11  }
0x22d: {  	v3 =	vshll.u32 v3, $0xF;
	v19 =	vshrl.u32 v5, $0x11;
	v5 =	vshll.u32 v5, $0xF  }
0x22e: {  	v20 =	vshrl.u32 v7, $0x11;
	v7 =	vshll.u32 v7, $0xF;
	v21 =	vshrl.u32 v1, $0x11  }
0x22f: {  	v1 =	vshll.u32 v1, $0xF;
	v22 =	vshrl.u32 v6, $0x11;
	v6 =	vshll.u32 v6, $0xF  }
0x230: {  	v23 =	vshrl.u32 v2, $0x11;
	v2 =	vshll.u32 v2, $0xF;
	v24 =	vshrl.u32 v4, $0x11  }
0x231: {  	v8 =	vor.u32 v17, v8;
	v3 =	vor.u32 v18, v3;
	v4 =	vshll.u32 v4, $0xF  }
0x232: {  	v5 =	vor.u32 v19, v5;
	v7 =	vor.u32 v20, v7;
	v1 =	vor.u32 v21, v1  }
0x233: {  	v6 =	vor.u32 v22, v6;
	v2 =	vor.u32 v23, v2;
	v4 =	vor.u32 v24, v4  }
0x234: {  	v8 =	vxor.u32 v16, v8;
	v3 =	vxor.u32 v15, v3;
	v5 =	vxor.u32 v14, v5  }
0x235: {  	v7 =	vxor.u32 v13, v7;
	v1 =	vxor.u32 v12, v1;
	v6 =	vxor.u32 v11, v6  }
0x236: {  	v16 =	vadd.s32 v16, v8;
	v2 =	vxor.u32 v10, v2;
	v4 =	vxor.u32 v9, v4  }
0x237: {  	v15 =	vadd.s32 v15, v3;
	v14 =	vadd.s32 v14, v5;
	v13 =	vadd.s32 v13, v7  }
0x238: {  	v12 =	vadd.s32 v12, v1;
	v11 =	vadd.s32 v11, v6;
	v10 =	vadd.s32 v10, v2  }
0x239: {  	v17 =	vshrl.u32 v8, $0x6;
	v8 =	vshll.u32 v8, $0x1A;
	v9 =	vadd.s32 v9, v4  }
0x23a: {  	v18 =	vshrl.u32 v3, $0x6;
	v3 =	vshll.u32 v3, $0x1A;
	v19 =	vshrl.u32 v5, $0x6  }
0x23b: {  	v5 =	vshll.u32 v5, $0x1A;
	v20 =	vshrl.u32 v7, $0x6;
	v7 =	vshll.u32 v7, $0x1A  }
0x23c: {  	v21 =	vshrl.u32 v1, $0x6;
	v1 =	vshll.u32 v1, $0x1A;
	v22 =	vshrl.u32 v6, $0x6  }
0x23d: {  	v6 =	vshll.u32 v6, $0x1A;
	v23 =	vshrl.u32 v2, $0x6;
	v2 =	vshll.u32 v2, $0x1A  }
0x23e: {  	v8 =	vor.u32 v17, v8;
	v17 =	vshrl.u32 v4, $0x6;
	v4 =	vshll.u32 v4, $0x1A  }
0x23f: {  	v3 =	vor.u32 v18, v3;
	v5 =	vor.u32 v19, v5;
	v7 =	vor.u32 v20, v7  }
0x240: {  	v1 =	vor.u32 v21, v1;
	v6 =	vor.u32 v22, v6;
	v2 =	vor.u32 v23, v2  }
0x241: {  	v8 =	vxor.u32 v16, v8;
	v3 =	vxor.u32 v15, v3;
	v4 =	vor.u32 v17, v4  }
0x242: {  	v5 =	vxor.u32 v14, v5;
	v7 =	vxor.u32 v13, v7;
	v1 =	vxor.u32 v12, v1  }
0x243: {  	v6 =	vxor.u32 v11, v6;
	v2 =	vxor.u32 v10, v2;
	v4 =	vxor.u32 v9, v4  }
0x244: {  	v16 =	vadd.s32 v16, v8;
	v15 =	vadd.s32 v15, v3;
	v14 =	vadd.s32 v14, v5  }
0x245: {  	v13 =	vadd.s32 v13, v7;
	v12 =	vadd.s32 v12, v1;
	v11 =	vadd.s32 v11, v6  }
0x246: {  	v17 =	vshrl.u32 v8, $0x1A;
	v10 =	vadd.s32 v10, v2;
	v9 =	vadd.s32 v9, v4  }
0x247: {  	v8 =	vshll.u32 v8, $0x6;
	v18 =	vshrl.u32 v3, $0x1A;
	v3 =	vshll.u32 v3, $0x6  }
0x248: {  	v19 =	vshrl.u32 v5, $0x1A;
	v5 =	vshll.u32 v5, $0x6;
	v20 =	vshrl.u32 v7, $0x1A  }
0x249: {  	v7 =	vshll.u32 v7, $0x6;
	v21 =	vshrl.u32 v1, $0x1A;
	v1 =	vshll.u32 v1, $0x6  }
0x24a: {  	v22 =	vshrl.u32 v6, $0x1A;
	v6 =	vshll.u32 v6, $0x6;
	v23 =	vshrl.u32 v2, $0x1A  }
0x24b: {  	v2 =	vshll.u32 v2, $0x6;
	v24 =	vshrl.u32 v4, $0x1A;
	v4 =	vshll.u32 v4, $0x6  }
0x24c: {  	v25 =	vadd.s32 $0x1BD11BF0, v16;
	v26 =	vadd.s32 $0x1BD11BF0, v15;
	v27 =	vadd.s32 $0x1BD11BF0, v14  }
0x24d: {  	v28 =	vadd.s32 $0x1BD11BF0, v13;
	v29 =	vadd.s32 $0x1BD11BF0, v12;
	v30 =	vadd.s32 $0x1BD11BF0, v11  }
0x24e: {  	v8 =	vor.u32 v17, v8;
	v3 =	vor.u32 v18, v3;
	v17 =	vadd.s32 $0x1BD11BF0, v10  }
0x24f: {  	v5 =	vor.u32 v19, v5;
	v7 =	vor.u32 v20, v7;
	v1 =	vor.u32 v21, v1  }
0x250: {  	s9 =	sadd.s32 $0x80, s9;
	v6 =	vor.u32 v22, v6;
	v3 =	vxor.u32 v15, v3;
	v2 =	vor.u32 v23, v2  }
0x251: {  	s13 =	sand.u32 $0x70, s11;
	s11 =	smov.u32 s12;
	s14 =	sand.u32 $0x7C00, s9;
	v5 =	vxor.u32 v14, v5;
	v4 =	vor.u32 v24, v4;
	v3 =	vadd.s32 $0x5, v3  }
0x252: {  	s13 =	sor.u32 s13, s14;
	v7 =	vxor.u32 v13, v7;
	v5 =	vadd.s32 $0x5, v5;
	v3 =	vxor.u32 v26, v3  }
0x253: {  	v1 =	vxor.u32 v12, v1;
	[tilespmem:s13+$0x80] =	vst v3;
	v3 =	vxor.u32 v27, v5;
	v5 =	vadd.s32 $0x5, v7  }
0x254: {  	v1 =	vadd.s32 $0x5, v1;
	[tilespmem:s13+$0x100] =	vst v3;
	v3 =	vxor.u32 v28, v5;
	v5 =	vxor.u32 v11, v6  }
0x255: {  	s10 =	sadd.s32 $0x1, s10;
	v2 =	vxor.u32 v10, v2;
	v1 =	vxor.u32 v29, v1;
	[tilespmem:s13+$0x180] =	vst v3;
	v3 =	vadd.s32 $0x5, v5  }
0x256: {  	s14 =	sand.u32 $0x7, s10;
	v2 =	vadd.s32 $0x5, v2;
	v5 =	vxor.u32 v16, v8;
	[tilespmem:s13+$0x200] =	vst v1;
	v1 =	vxor.u32 v30, v3  }
0x257: {  	s15 =	sadd.s32 s12, s8;
	s14 =	sshll.u32 s14, $0x4;
	v3 =	vadd.s32 $0x5, v5;
	[tilespmem:s13+$0x280] =	vst v1;
	v1 =	vxor.u32 v17, v2;
	v2 =	vxor.u32 v9, v4  }
0x258: {  	s16 =	sadd.s32 $0x16000, s15;
	s14 =	sadd.s32 s14, s9;
	v3 =	vxor.u32 v25, v3;
	[tilespmem:s13+$0x300] =	vst v1;
	v1 =	vadd.s32 $0x1BD11BF0, v9;
	v2 =	vadd.s32 $0x5, v2  }
0x259: {  	s17 =	sadd.s32 $0x2E6A0, s15;
	s18 =	sadd.s32 $0x46D40, s15;
	[tilespmem:s13+$0x0] =	vst v3;
	v1 =	vxor.u32 v1, v2;
	s13 =	sor.u32 $0x380, s14  }
0x25a: {  	v4 =	vadd.s32 s18, v0;
	v2 =	vadd.s32 s16, v0;
	v3 =	vadd.s32 s17, v0;
	s14 =	sadd.s32 $0x5F3E0, s15;
	s16 =	sadd.s32 $0x77A80, s15;
	s17 =	sadd.s32 $0x90120, s15;
	[tilespmem:s13+$0x0] =	vst v1  }
0x25b: {  	v1 =	vadd.s32 s14, v0;
	v5 =	vadd.s32 s16, v0;
	v6 =	vadd.s32 s17, v0;
	s13 =	sadd.s32 $0xA87C0, s15;
	s14 =	sadd.s32 $0xC0E60, s15  }
0x25c: {  	v7 =	vshrl.u32 v2, $0x13;
	v8 =	vadd.s32 s13, v0;
	v9 =	vadd.s32 s14, v0  }
0x25d: {  	v10 =	vshll.u32 v2, $0xD;
	v11 =	vshrl.u32 v3, $0x13;
	v12 =	vshll.u32 v3, $0xD  }
0x25e: {  	v13 =	vshrl.u32 v4, $0x13;
	v14 =	vshll.u32 v4, $0xD;
	v15 =	vshrl.u32 v1, $0x13  }
0x25f: {  	v16 =	vshll.u32 v1, $0xD;
	v17 =	vshrl.u32 v5, $0x13;
	v18 =	vshll.u32 v5, $0xD  }
0x260: {  	v19 =	vshrl.u32 v6, $0x13;
	v20 =	vshll.u32 v6, $0xD;
	v21 =	vshrl.u32 v8, $0x13  }
0x261: {  	v22 =	vshll.u32 v8, $0xD;
	v23 =	vshrl.u32 v9, $0x13;
	v24 =	vshll.u32 v9, $0xD  }
0x262: {  	v7 =	vor.u32 v7, v10;
	v10 =	vor.u32 v11, v12;
	v11 =	vor.u32 v13, v14  }
0x263: {  	v12 =	vor.u32 v15, v16;
	v13 =	vor.u32 v17, v18;
	v14 =	vor.u32 v19, v20  }
0x264: {  	v7 =	vxor.u32 v2, v7;
	v15 =	vor.u32 v21, v22;
	v16 =	vor.u32 v23, v24  }
0x265: {  	v10 =	vxor.u32 v3, v10;
	v11 =	vxor.u32 v4, v11;
	v12 =	vxor.u32 v1, v12  }
0x266: {  	v13 =	vxor.u32 v5, v13;
	v14 =	vxor.u32 v6, v14;
	v15 =	vxor.u32 v8, v15  }
0x267: {  	v2 =	vadd.s32 v2, v7;
	v3 =	vadd.s32 v3, v10;
	v16 =	vxor.u32 v9, v16  }
0x268: {  	v4 =	vadd.s32 v4, v11;
	v1 =	vadd.s32 v1, v12;
	v5 =	vadd.s32 v5, v13  }
0x269: {  	v6 =	vadd.s32 v6, v14;
	v8 =	vadd.s32 v8, v15;
	v9 =	vadd.s32 v9, v16  }
0x26a: {  	v17 =	vshrl.u32 v7, $0x11;
	v7 =	vshll.u32 v7, $0xF;
	v18 =	vshrl.u32 v10, $0x11  }
0x26b: {  	v10 =	vshll.u32 v10, $0xF;
	v19 =	vshrl.u32 v11, $0x11;
	v11 =	vshll.u32 v11, $0xF  }
0x26c: {  	v20 =	vshrl.u32 v12, $0x11;
	v12 =	vshll.u32 v12, $0xF;
	v21 =	vshrl.u32 v13, $0x11  }
0x26d: {  	v13 =	vshll.u32 v13, $0xF;
	v22 =	vshrl.u32 v14, $0x11;
	v14 =	vshll.u32 v14, $0xF  }
0x26e: {  	v23 =	vshrl.u32 v15, $0x11;
	v15 =	vshll.u32 v15, $0xF;
	v24 =	vshrl.u32 v16, $0x11  }
0x26f: {  	v7 =	vor.u32 v17, v7;
	v10 =	vor.u32 v18, v10;
	v16 =	vshll.u32 v16, $0xF  }
0x270: {  	v11 =	vor.u32 v19, v11;
	v12 =	vor.u32 v20, v12;
	v13 =	vor.u32 v21, v13  }
0x271: {  	v14 =	vor.u32 v22, v14;
	v15 =	vor.u32 v23, v15;
	v16 =	vor.u32 v24, v16  }
0x272: {  	v7 =	vxor.u32 v2, v7;
	v10 =	vxor.u32 v3, v10;
	v11 =	vxor.u32 v4, v11  }
0x273: {  	v12 =	vxor.u32 v1, v12;
	v13 =	vxor.u32 v5, v13;
	v14 =	vxor.u32 v6, v14  }
0x274: {  	v2 =	vadd.s32 v2, v7;
	v15 =	vxor.u32 v8, v15;
	v16 =	vxor.u32 v9, v16  }
0x275: {  	v3 =	vadd.s32 v3, v10;
	v4 =	vadd.s32 v4, v11;
	v1 =	vadd.s32 v1, v12  }
0x276: {  	v5 =	vadd.s32 v5, v13;
	v6 =	vadd.s32 v6, v14;
	v8 =	vadd.s32 v8, v15  }
0x277: {  	v17 =	vshrl.u32 v7, $0x6;
	v7 =	vshll.u32 v7, $0x1A;
	v9 =	vadd.s32 v9, v16  }
0x278: {  	v18 =	vshrl.u32 v10, $0x6;
	v10 =	vshll.u32 v10, $0x1A;
	v19 =	vshrl.u32 v11, $0x6  }
0x279: {  	v11 =	vshll.u32 v11, $0x1A;
	v20 =	vshrl.u32 v12, $0x6;
	v12 =	vshll.u32 v12, $0x1A  }
0x27a: {  	v21 =	vshrl.u32 v13, $0x6;
	v13 =	vshll.u32 v13, $0x1A;
	v22 =	vshrl.u32 v14, $0x6  }
0x27b: {  	v14 =	vshll.u32 v14, $0x1A;
	v23 =	vshrl.u32 v15, $0x6;
	v15 =	vshll.u32 v15, $0x1A  }
0x27c: {  	v7 =	vor.u32 v17, v7;
	v17 =	vshrl.u32 v16, $0x6;
	v16 =	vshll.u32 v16, $0x1A  }
0x27d: {  	v10 =	vor.u32 v18, v10;
	v11 =	vor.u32 v19, v11;
	v12 =	vor.u32 v20, v12  }
0x27e: {  	v13 =	vor.u32 v21, v13;
	v14 =	vor.u32 v22, v14;
	v15 =	vor.u32 v23, v15  }
0x27f: {  	v7 =	vxor.u32 v2, v7;
	v10 =	vxor.u32 v3, v10;
	v16 =	vor.u32 v17, v16  }
0x280: {  	v11 =	vxor.u32 v4, v11;
	v12 =	vxor.u32 v1, v12;
	v13 =	vxor.u32 v5, v13  }
0x281: {  	v14 =	vxor.u32 v6, v14;
	v15 =	vxor.u32 v8, v15;
	v16 =	vxor.u32 v9, v16  }
0x282: {  	v2 =	vadd.s32 v2, v7;
	v3 =	vadd.s32 v3, v10;
	v4 =	vadd.s32 v4, v11  }
0x283: {  	v1 =	vadd.s32 v1, v12;
	v5 =	vadd.s32 v5, v13;
	v6 =	vadd.s32 v6, v14  }
0x284: {  	v17 =	vshrl.u32 v7, $0x1A;
	v8 =	vadd.s32 v8, v15;
	v9 =	vadd.s32 v9, v16  }
0x285: {  	v7 =	vshll.u32 v7, $0x6;
	v18 =	vshrl.u32 v10, $0x1A;
	v10 =	vshll.u32 v10, $0x6  }
0x286: {  	v19 =	vshrl.u32 v11, $0x1A;
	v11 =	vshll.u32 v11, $0x6;
	v20 =	vshrl.u32 v12, $0x1A  }
0x287: {  	v12 =	vshll.u32 v12, $0x6;
	v21 =	vshrl.u32 v13, $0x1A;
	v13 =	vshll.u32 v13, $0x6  }
0x288: {  	v22 =	vshrl.u32 v14, $0x1A;
	v14 =	vshll.u32 v14, $0x6;
	v23 =	vshrl.u32 v15, $0x1A  }
0x289: {  	v15 =	vshll.u32 v15, $0x6;
	v24 =	vshrl.u32 v16, $0x1A;
	v16 =	vshll.u32 v16, $0x6  }
0x28a: {  	v7 =	vor.u32 v17, v7;
	v10 =	vor.u32 v18, v10;
	v11 =	vor.u32 v19, v11  }
0x28b: {  	v12 =	vor.u32 v20, v12;
	v13 =	vor.u32 v21, v13;
	v14 =	vor.u32 v22, v14  }
0x28c: {  	v7 =	vxor.u32 v2, v7;
	v15 =	vor.u32 v23, v15;
	v16 =	vor.u32 v24, v16  }
0x28d: {  	v10 =	vxor.u32 v3, v10;
	v11 =	vxor.u32 v4, v11;
	v12 =	vxor.u32 v1, v12  }
0x28e: {  	v13 =	vxor.u32 v5, v13;
	v14 =	vxor.u32 v6, v14;
	v15 =	vxor.u32 v8, v15  }
0x28f: {  	v7 =	vadd.s32 $0x1BD11BF1, v7;
	v10 =	vadd.s32 $0x1BD11BF1, v10;
	v16 =	vxor.u32 v9, v16  }
0x290: {  	v11 =	vadd.s32 $0x1BD11BF1, v11;
	v12 =	vadd.s32 $0x1BD11BF1, v12;
	v13 =	vadd.s32 $0x1BD11BF1, v13  }
0x291: {  	v14 =	vadd.s32 $0x1BD11BF1, v14;
	v15 =	vadd.s32 $0x1BD11BF1, v15;
	v16 =	vadd.s32 $0x1BD11BF1, v16  }
0x292: {  	v2 =	vadd.s32 v7, v2;
	v17 =	vshrl.u32 v7, $0xF;
	v7 =	vshll.u32 v7, $0x11  }
0x293: {  	v3 =	vadd.s32 v10, v3;
	v18 =	vshrl.u32 v10, $0xF;
	v10 =	vshll.u32 v10, $0x11  }
0x294: {  	v4 =	vadd.s32 v11, v4;
	v19 =	vshrl.u32 v11, $0xF;
	v11 =	vshll.u32 v11, $0x11  }
0x295: {  	v1 =	vadd.s32 v12, v1;
	v20 =	vshrl.u32 v12, $0xF;
	v12 =	vshll.u32 v12, $0x11  }
0x296: {  	v5 =	vadd.s32 v13, v5;
	v21 =	vshrl.u32 v13, $0xF;
	v13 =	vshll.u32 v13, $0x11  }
0x297: {  	v6 =	vadd.s32 v14, v6;
	v22 =	vshrl.u32 v14, $0xF;
	v14 =	vshll.u32 v14, $0x11  }
0x298: {  	v8 =	vadd.s32 v15, v8;
	v23 =	vshrl.u32 v15, $0xF;
	v15 =	vshll.u32 v15, $0x11  }
0x299: {  	v9 =	vadd.s32 v16, v9;
	v24 =	vshrl.u32 v16, $0xF;
	v16 =	vshll.u32 v16, $0x11  }
0x29a: {  	v2 =	vadd.s32 $0x2A, v2;
	v7 =	vor.u32 v17, v7;
	v3 =	vadd.s32 $0x2A, v3  }
0x29b: {  	v10 =	vor.u32 v18, v10;
	v4 =	vadd.s32 $0x2A, v4;
	v11 =	vor.u32 v19, v11  }
0x29c: {  	v1 =	vadd.s32 $0x2A, v1;
	v12 =	vor.u32 v20, v12;
	v5 =	vadd.s32 $0x2A, v5  }
0x29d: {  	v13 =	vor.u32 v21, v13;
	v6 =	vadd.s32 $0x2A, v6;
	v14 =	vor.u32 v22, v14  }
0x29e: {  	v8 =	vadd.s32 $0x2A, v8;
	v15 =	vor.u32 v23, v15;
	v9 =	vadd.s32 $0x2A, v9  }
0x29f: {  	v7 =	vxor.u32 v2, v7;
	v10 =	vxor.u32 v3, v10;
	v16 =	vor.u32 v24, v16  }
0x2a0: {  	v11 =	vxor.u32 v4, v11;
	v12 =	vxor.u32 v1, v12;
	v13 =	vxor.u32 v5, v13  }
0x2a1: {  	v14 =	vxor.u32 v6, v14;
	v15 =	vxor.u32 v8, v15;
	v16 =	vxor.u32 v9, v16  }
0x2a2: {  	v2 =	vadd.s32 v2, v7;
	v3 =	vadd.s32 v3, v10;
	v4 =	vadd.s32 v4, v11  }
0x2a3: {  	v1 =	vadd.s32 v1, v12;
	v5 =	vadd.s32 v5, v13;
	v6 =	vadd.s32 v6, v14  }
0x2a4: {  	v17 =	vshrl.u32 v7, $0x3;
	v8 =	vadd.s32 v8, v15;
	v9 =	vadd.s32 v9, v16  }
0x2a5: {  	v7 =	vshll.u32 v7, $0x1D;
	v18 =	vshrl.u32 v10, $0x3;
	v10 =	vshll.u32 v10, $0x1D  }
0x2a6: {  	v19 =	vshrl.u32 v11, $0x3;
	v11 =	vshll.u32 v11, $0x1D;
	v20 =	vshrl.u32 v12, $0x3  }
0x2a7: {  	v12 =	vshll.u32 v12, $0x1D;
	v21 =	vshrl.u32 v13, $0x3;
	v13 =	vshll.u32 v13, $0x1D  }
0x2a8: {  	v22 =	vshrl.u32 v14, $0x3;
	v14 =	vshll.u32 v14, $0x1D;
	v23 =	vshrl.u32 v15, $0x3  }
0x2a9: {  	v15 =	vshll.u32 v15, $0x1D;
	v24 =	vshrl.u32 v16, $0x3;
	v16 =	vshll.u32 v16, $0x1D  }
0x2aa: {  	v7 =	vor.u32 v17, v7;
	v10 =	vor.u32 v18, v10;
	v11 =	vor.u32 v19, v11  }
0x2ab: {  	v12 =	vor.u32 v20, v12;
	v13 =	vor.u32 v21, v13;
	v14 =	vor.u32 v22, v14  }
0x2ac: {  	v7 =	vxor.u32 v2, v7;
	v15 =	vor.u32 v23, v15;
	v16 =	vor.u32 v24, v16  }
0x2ad: {  	v10 =	vxor.u32 v3, v10;
	v11 =	vxor.u32 v4, v11;
	v12 =	vxor.u32 v1, v12  }
0x2ae: {  	v13 =	vxor.u32 v5, v13;
	v14 =	vxor.u32 v6, v14;
	v15 =	vxor.u32 v8, v15  }
0x2af: {  	v2 =	vadd.s32 v2, v7;
	v3 =	vadd.s32 v3, v10;
	v16 =	vxor.u32 v9, v16  }
0x2b0: {  	v4 =	vadd.s32 v4, v11;
	v1 =	vadd.s32 v1, v12;
	v5 =	vadd.s32 v5, v13  }
0x2b1: {  	v6 =	vadd.s32 v6, v14;
	v8 =	vadd.s32 v8, v15;
	v9 =	vadd.s32 v9, v16  }
0x2b2: {  	v17 =	vshrl.u32 v7, $0x10;
	v7 =	vshll.u32 v7, $0x10;
	v18 =	vshrl.u32 v10, $0x10  }
0x2b3: {  	v10 =	vshll.u32 v10, $0x10;
	v19 =	vshrl.u32 v11, $0x10;
	v11 =	vshll.u32 v11, $0x10  }
0x2b4: {  	v20 =	vshrl.u32 v12, $0x10;
	v12 =	vshll.u32 v12, $0x10;
	v21 =	vshrl.u32 v13, $0x10  }
0x2b5: {  	v13 =	vshll.u32 v13, $0x10;
	v22 =	vshrl.u32 v14, $0x10;
	v14 =	vshll.u32 v14, $0x10  }
0x2b6: {  	v23 =	vshrl.u32 v15, $0x10;
	v15 =	vshll.u32 v15, $0x10;
	v24 =	vshrl.u32 v16, $0x10  }
0x2b7: {  	v7 =	vor.u32 v17, v7;
	v10 =	vor.u32 v18, v10;
	v16 =	vshll.u32 v16, $0x10  }
0x2b8: {  	v11 =	vor.u32 v19, v11;
	v12 =	vor.u32 v20, v12;
	v13 =	vor.u32 v21, v13  }
0x2b9: {  	v14 =	vor.u32 v22, v14;
	v15 =	vor.u32 v23, v15;
	v16 =	vor.u32 v24, v16  }
0x2ba: {  	v7 =	vxor.u32 v2, v7;
	v10 =	vxor.u32 v3, v10;
	v11 =	vxor.u32 v4, v11  }
0x2bb: {  	v12 =	vxor.u32 v1, v12;
	v13 =	vxor.u32 v5, v13;
	v14 =	vxor.u32 v6, v14  }
0x2bc: {  	v2 =	vadd.s32 v2, v7;
	v15 =	vxor.u32 v8, v15;
	v16 =	vxor.u32 v9, v16  }
0x2bd: {  	v3 =	vadd.s32 v3, v10;
	v4 =	vadd.s32 v4, v11;
	v1 =	vadd.s32 v1, v12  }
0x2be: {  	v5 =	vadd.s32 v5, v13;
	v6 =	vadd.s32 v6, v14;
	v8 =	vadd.s32 v8, v15  }
0x2bf: {  	v17 =	vshrl.u32 v7, $0x8;
	v7 =	vshll.u32 v7, $0x18;
	v9 =	vadd.s32 v9, v16  }
0x2c0: {  	v18 =	vshrl.u32 v10, $0x8;
	v10 =	vshll.u32 v10, $0x18;
	v19 =	vshrl.u32 v11, $0x8  }
0x2c1: {  	v11 =	vshll.u32 v11, $0x18;
	v20 =	vshrl.u32 v12, $0x8;
	v12 =	vshll.u32 v12, $0x18  }
0x2c2: {  	v21 =	vshrl.u32 v13, $0x8;
	v13 =	vshll.u32 v13, $0x18;
	v22 =	vshrl.u32 v14, $0x8  }
0x2c3: {  	v14 =	vshll.u32 v14, $0x18;
	v23 =	vshrl.u32 v15, $0x8;
	v15 =	vshll.u32 v15, $0x18  }
0x2c4: {  	v7 =	vor.u32 v17, v7;
	v17 =	vshrl.u32 v16, $0x8;
	v16 =	vshll.u32 v16, $0x18  }
0x2c5: {  	v10 =	vor.u32 v18, v10;
	v11 =	vor.u32 v19, v11;
	v12 =	vor.u32 v20, v12  }
0x2c6: {  	v13 =	vor.u32 v21, v13;
	v14 =	vor.u32 v22, v14;
	v15 =	vor.u32 v23, v15  }
0x2c7: {  	v7 =	vxor.u32 v2, v7;
	v10 =	vxor.u32 v3, v10;
	v16 =	vor.u32 v17, v16  }
0x2c8: {  	v11 =	vxor.u32 v4, v11;
	v12 =	vxor.u32 v1, v12;
	v13 =	vxor.u32 v5, v13  }
0x2c9: {  	v14 =	vxor.u32 v6, v14;
	v15 =	vxor.u32 v8, v15;
	v16 =	vxor.u32 v9, v16  }
0x2ca: {  	v7 =	vadd.s32 $0x2, v7;
	v10 =	vadd.s32 $0x2, v10;
	v11 =	vadd.s32 $0x2, v11  }
0x2cb: {  	v12 =	vadd.s32 $0x2, v12;
	v13 =	vadd.s32 $0x2, v13;
	v14 =	vadd.s32 $0x2, v14  }
0x2cc: {  	v2 =	vadd.s32 v7, v2;
	v15 =	vadd.s32 $0x2, v15;
	v16 =	vadd.s32 $0x2, v16  }
0x2cd: {  	v17 =	vshrl.u32 v7, $0x13;
	v7 =	vshll.u32 v7, $0xD;
	v3 =	vadd.s32 v10, v3  }
0x2ce: {  	v18 =	vshrl.u32 v10, $0x13;
	v10 =	vshll.u32 v10, $0xD;
	v4 =	vadd.s32 v11, v4  }
0x2cf: {  	v19 =	vshrl.u32 v11, $0x13;
	v11 =	vshll.u32 v11, $0xD;
	v1 =	vadd.s32 v12, v1  }
0x2d0: {  	v20 =	vshrl.u32 v12, $0x13;
	v12 =	vshll.u32 v12, $0xD;
	v5 =	vadd.s32 v13, v5  }
0x2d1: {  	v21 =	vshrl.u32 v13, $0x13;
	v13 =	vshll.u32 v13, $0xD;
	v6 =	vadd.s32 v14, v6  }
0x2d2: {  	v22 =	vshrl.u32 v14, $0x13;
	v14 =	vshll.u32 v14, $0xD;
	v8 =	vadd.s32 v15, v8  }
0x2d3: {  	v23 =	vshrl.u32 v15, $0x13;
	v15 =	vshll.u32 v15, $0xD;
	v9 =	vadd.s32 v16, v9  }
0x2d4: {  	v2 =	vadd.s32 $0x1BD11BF0, v2;
	v24 =	vshrl.u32 v16, $0x13;
	v16 =	vshll.u32 v16, $0xD  }
0x2d5: {  	v7 =	vor.u32 v17, v7;
	v3 =	vadd.s32 $0x1BD11BF0, v3;
	v10 =	vor.u32 v18, v10  }
0x2d6: {  	v4 =	vadd.s32 $0x1BD11BF0, v4;
	v11 =	vor.u32 v19, v11;
	v1 =	vadd.s32 $0x1BD11BF0, v1  }
0x2d7: {  	v12 =	vor.u32 v20, v12;
	v5 =	vadd.s32 $0x1BD11BF0, v5;
	v13 =	vor.u32 v21, v13  }
0x2d8: {  	v6 =	vadd.s32 $0x1BD11BF0, v6;
	v14 =	vor.u32 v22, v14;
	v8 =	vadd.s32 $0x1BD11BF0, v8  }
0x2d9: {  	v15 =	vor.u32 v23, v15;
	v9 =	vadd.s32 $0x1BD11BF0, v9;
	v16 =	vor.u32 v24, v16  }
0x2da: {  	v7 =	vxor.u32 v2, v7;
	v10 =	vxor.u32 v3, v10;
	v11 =	vxor.u32 v4, v11  }
0x2db: {  	v12 =	vxor.u32 v1, v12;
	v13 =	vxor.u32 v5, v13;
	v14 =	vxor.u32 v6, v14  }
0x2dc: {  	v2 =	vadd.s32 v2, v7;
	v15 =	vxor.u32 v8, v15;
	v16 =	vxor.u32 v9, v16  }
0x2dd: {  	v3 =	vadd.s32 v3, v10;
	v4 =	vadd.s32 v4, v11;
	v1 =	vadd.s32 v1, v12  }
0x2de: {  	v5 =	vadd.s32 v5, v13;
	v6 =	vadd.s32 v6, v14;
	v8 =	vadd.s32 v8, v15  }
0x2df: {  	v17 =	vshrl.u32 v7, $0x11;
	v7 =	vshll.u32 v7, $0xF;
	v9 =	vadd.s32 v9, v16  }
0x2e0: {  	v18 =	vshrl.u32 v10, $0x11;
	v10 =	vshll.u32 v10, $0xF;
	v19 =	vshrl.u32 v11, $0x11  }
0x2e1: {  	v11 =	vshll.u32 v11, $0xF;
	v20 =	vshrl.u32 v12, $0x11;
	v12 =	vshll.u32 v12, $0xF  }
0x2e2: {  	v21 =	vshrl.u32 v13, $0x11;
	v13 =	vshll.u32 v13, $0xF;
	v22 =	vshrl.u32 v14, $0x11  }
0x2e3: {  	v14 =	vshll.u32 v14, $0xF;
	v23 =	vshrl.u32 v15, $0x11;
	v15 =	vshll.u32 v15, $0xF  }
0x2e4: {  	v7 =	vor.u32 v17, v7;
	v17 =	vshrl.u32 v16, $0x11;
	v16 =	vshll.u32 v16, $0xF  }
0x2e5: {  	v10 =	vor.u32 v18, v10;
	v11 =	vor.u32 v19, v11;
	v12 =	vor.u32 v20, v12  }
0x2e6: {  	v13 =	vor.u32 v21, v13;
	v14 =	vor.u32 v22, v14;
	v15 =	vor.u32 v23, v15  }
0x2e7: {  	v7 =	vxor.u32 v2, v7;
	v10 =	vxor.u32 v3, v10;
	v16 =	vor.u32 v17, v16  }
0x2e8: {  	v11 =	vxor.u32 v4, v11;
	v12 =	vxor.u32 v1, v12;
	v13 =	vxor.u32 v5, v13  }
0x2e9: {  	v14 =	vxor.u32 v6, v14;
	v15 =	vxor.u32 v8, v15;
	v16 =	vxor.u32 v9, v16  }
0x2ea: {  	v2 =	vadd.s32 v2, v7;
	v3 =	vadd.s32 v3, v10;
	v4 =	vadd.s32 v4, v11  }
0x2eb: {  	v1 =	vadd.s32 v1, v12;
	v5 =	vadd.s32 v5, v13;
	v6 =	vadd.s32 v6, v14  }
0x2ec: {  	v17 =	vshrl.u32 v7, $0x6;
	v8 =	vadd.s32 v8, v15;
	v9 =	vadd.s32 v9, v16  }
0x2ed: {  	v7 =	vshll.u32 v7, $0x1A;
	v18 =	vshrl.u32 v10, $0x6;
	v10 =	vshll.u32 v10, $0x1A  }
0x2ee: {  	v19 =	vshrl.u32 v11, $0x6;
	v11 =	vshll.u32 v11, $0x1A;
	v20 =	vshrl.u32 v12, $0x6  }
0x2ef: {  	v12 =	vshll.u32 v12, $0x1A;
	v21 =	vshrl.u32 v13, $0x6;
	v13 =	vshll.u32 v13, $0x1A  }
0x2f0: {  	v22 =	vshrl.u32 v14, $0x6;
	v14 =	vshll.u32 v14, $0x1A;
	v23 =	vshrl.u32 v15, $0x6  }
0x2f1: {  	v15 =	vshll.u32 v15, $0x1A;
	v24 =	vshrl.u32 v16, $0x6;
	v16 =	vshll.u32 v16, $0x1A  }
0x2f2: {  	v7 =	vor.u32 v17, v7;
	v10 =	vor.u32 v18, v10;
	v11 =	vor.u32 v19, v11  }
0x2f3: {  	v12 =	vor.u32 v20, v12;
	v13 =	vor.u32 v21, v13;
	v14 =	vor.u32 v22, v14  }
0x2f4: {  	v7 =	vxor.u32 v2, v7;
	v15 =	vor.u32 v23, v15;
	v16 =	vor.u32 v24, v16  }
0x2f5: {  	v10 =	vxor.u32 v3, v10;
	v11 =	vxor.u32 v4, v11;
	v12 =	vxor.u32 v1, v12  }
0x2f6: {  	v13 =	vxor.u32 v5, v13;
	v14 =	vxor.u32 v6, v14;
	v15 =	vxor.u32 v8, v15  }
0x2f7: {  	v2 =	vadd.s32 v2, v7;
	v3 =	vadd.s32 v3, v10;
	v16 =	vxor.u32 v9, v16  }
0x2f8: {  	v4 =	vadd.s32 v4, v11;
	v1 =	vadd.s32 v1, v12;
	v5 =	vadd.s32 v5, v13  }
0x2f9: {  	v6 =	vadd.s32 v6, v14;
	v8 =	vadd.s32 v8, v15;
	v9 =	vadd.s32 v9, v16  }
0x2fa: {  	v17 =	vshrl.u32 v7, $0x1A;
	v7 =	vshll.u32 v7, $0x6;
	v18 =	vshrl.u32 v10, $0x1A  }
0x2fb: {  	v10 =	vshll.u32 v10, $0x6;
	v19 =	vshrl.u32 v11, $0x1A;
	v11 =	vshll.u32 v11, $0x6  }
0x2fc: {  	v20 =	vshrl.u32 v12, $0x1A;
	v12 =	vshll.u32 v12, $0x6;
	v21 =	vshrl.u32 v13, $0x1A  }
0x2fd: {  	v13 =	vshll.u32 v13, $0x6;
	v22 =	vshrl.u32 v14, $0x1A;
	v14 =	vshll.u32 v14, $0x6  }
0x2fe: {  	v23 =	vshrl.u32 v15, $0x1A;
	v15 =	vshll.u32 v15, $0x6;
	v24 =	vshrl.u32 v16, $0x1A  }
0x2ff: {  	v7 =	vor.u32 v17, v7;
	v10 =	vor.u32 v18, v10;
	v16 =	vshll.u32 v16, $0x6  }
0x300: {  	v11 =	vor.u32 v19, v11;
	v12 =	vor.u32 v20, v12;
	v13 =	vor.u32 v21, v13  }
0x301: {  	v14 =	vor.u32 v22, v14;
	v15 =	vor.u32 v23, v15;
	v16 =	vor.u32 v24, v16  }
0x302: {  	v7 =	vxor.u32 v2, v7;
	v10 =	vxor.u32 v3, v10;
	v11 =	vxor.u32 v4, v11  }
0x303: {  	v12 =	vxor.u32 v1, v12;
	v13 =	vxor.u32 v5, v13;
	v14 =	vxor.u32 v6, v14  }
0x304: {  	v7 =	vadd.s32 $0x2D, v7;
	v15 =	vxor.u32 v8, v15;
	v16 =	vxor.u32 v9, v16  }
0x305: {  	v10 =	vadd.s32 $0x2D, v10;
	v11 =	vadd.s32 $0x2D, v11;
	v12 =	vadd.s32 $0x2D, v12  }
0x306: {  	v13 =	vadd.s32 $0x2D, v13;
	v14 =	vadd.s32 $0x2D, v14;
	v15 =	vadd.s32 $0x2D, v15  }
0x307: {  	v2 =	vadd.s32 v2, v7;
	v3 =	vadd.s32 v3, v10;
	v16 =	vadd.s32 $0x2D, v16  }
0x308: {  	v4 =	vadd.s32 v4, v11;
	v1 =	vadd.s32 v1, v12;
	v5 =	vadd.s32 v5, v13  }
0x309: {  	v6 =	vadd.s32 v6, v14;
	v8 =	vadd.s32 v8, v15;
	v9 =	vadd.s32 v9, v16  }
0x30a: {  	v17 =	vshrl.u32 v7, $0xF;
	v7 =	vshll.u32 v7, $0x11;
	v18 =	vshrl.u32 v10, $0xF  }
0x30b: {  	v10 =	vshll.u32 v10, $0x11;
	v19 =	vshrl.u32 v11, $0xF;
	v11 =	vshll.u32 v11, $0x11  }
0x30c: {  	v20 =	vshrl.u32 v12, $0xF;
	v12 =	vshll.u32 v12, $0x11;
	v21 =	vshrl.u32 v13, $0xF  }
0x30d: {  	v13 =	vshll.u32 v13, $0x11;
	v22 =	vshrl.u32 v14, $0xF;
	v14 =	vshll.u32 v14, $0x11  }
0x30e: {  	v23 =	vshrl.u32 v15, $0xF;
	v15 =	vshll.u32 v15, $0x11;
	v24 =	vshrl.u32 v16, $0xF  }
0x30f: {  	v7 =	vor.u32 v17, v7;
	v10 =	vor.u32 v18, v10;
	v16 =	vshll.u32 v16, $0x11  }
0x310: {  	v11 =	vor.u32 v19, v11;
	v12 =	vor.u32 v20, v12;
	v13 =	vor.u32 v21, v13  }
0x311: {  	v14 =	vor.u32 v22, v14;
	v15 =	vor.u32 v23, v15;
	v16 =	vor.u32 v24, v16  }
0x312: {  	v7 =	vxor.u32 v2, v7;
	v10 =	vxor.u32 v3, v10;
	v11 =	vxor.u32 v4, v11  }
0x313: {  	v12 =	vxor.u32 v1, v12;
	v13 =	vxor.u32 v5, v13;
	v14 =	vxor.u32 v6, v14  }
0x314: {  	v2 =	vadd.s32 v2, v7;
	v15 =	vxor.u32 v8, v15;
	v16 =	vxor.u32 v9, v16  }
0x315: {  	v3 =	vadd.s32 v3, v10;
	v4 =	vadd.s32 v4, v11;
	v1 =	vadd.s32 v1, v12  }
0x316: {  	v5 =	vadd.s32 v5, v13;
	v6 =	vadd.s32 v6, v14;
	v8 =	vadd.s32 v8, v15  }
0x317: {  	v17 =	vshrl.u32 v7, $0x3;
	v7 =	vshll.u32 v7, $0x1D;
	v9 =	vadd.s32 v9, v16  }
0x318: {  	v18 =	vshrl.u32 v10, $0x3;
	v10 =	vshll.u32 v10, $0x1D;
	v19 =	vshrl.u32 v11, $0x3  }
0x319: {  	v11 =	vshll.u32 v11, $0x1D;
	v20 =	vshrl.u32 v12, $0x3;
	v12 =	vshll.u32 v12, $0x1D  }
0x31a: {  	v21 =	vshrl.u32 v13, $0x3;
	v13 =	vshll.u32 v13, $0x1D;
	v22 =	vshrl.u32 v14, $0x3  }
0x31b: {  	v14 =	vshll.u32 v14, $0x1D;
	v23 =	vshrl.u32 v15, $0x3;
	v15 =	vshll.u32 v15, $0x1D  }
0x31c: {  	v7 =	vor.u32 v17, v7;
	v17 =	vshrl.u32 v16, $0x3;
	v16 =	vshll.u32 v16, $0x1D  }
0x31d: {  	v10 =	vor.u32 v18, v10;
	v11 =	vor.u32 v19, v11;
	v12 =	vor.u32 v20, v12  }
0x31e: {  	v13 =	vor.u32 v21, v13;
	v14 =	vor.u32 v22, v14;
	v15 =	vor.u32 v23, v15  }
0x31f: {  	v7 =	vxor.u32 v2, v7;
	v10 =	vxor.u32 v3, v10;
	v16 =	vor.u32 v17, v16  }
0x320: {  	v11 =	vxor.u32 v4, v11;
	v12 =	vxor.u32 v1, v12;
	v13 =	vxor.u32 v5, v13  }
0x321: {  	v14 =	vxor.u32 v6, v14;
	v15 =	vxor.u32 v8, v15;
	v16 =	vxor.u32 v9, v16  }
0x322: {  	v2 =	vadd.s32 v2, v7;
	v3 =	vadd.s32 v3, v10;
	v4 =	vadd.s32 v4, v11  }
0x323: {  	v1 =	vadd.s32 v1, v12;
	v5 =	vadd.s32 v5, v13;
	v6 =	vadd.s32 v6, v14  }
0x324: {  	v17 =	vshrl.u32 v7, $0x10;
	v8 =	vadd.s32 v8, v15;
	v9 =	vadd.s32 v9, v16  }
0x325: {  	v7 =	vshll.u32 v7, $0x10;
	v18 =	vshrl.u32 v10, $0x10;
	v10 =	vshll.u32 v10, $0x10  }
0x326: {  	v19 =	vshrl.u32 v11, $0x10;
	v11 =	vshll.u32 v11, $0x10;
	v20 =	vshrl.u32 v12, $0x10  }
0x327: {  	v12 =	vshll.u32 v12, $0x10;
	v21 =	vshrl.u32 v13, $0x10;
	v13 =	vshll.u32 v13, $0x10  }
0x328: {  	v22 =	vshrl.u32 v14, $0x10;
	v14 =	vshll.u32 v14, $0x10;
	v23 =	vshrl.u32 v15, $0x10  }
0x329: {  	v15 =	vshll.u32 v15, $0x10;
	v24 =	vshrl.u32 v16, $0x10;
	v16 =	vshll.u32 v16, $0x10  }
0x32a: {  	v7 =	vor.u32 v17, v7;
	v10 =	vor.u32 v18, v10;
	v11 =	vor.u32 v19, v11  }
0x32b: {  	v12 =	vor.u32 v20, v12;
	v13 =	vor.u32 v21, v13;
	v14 =	vor.u32 v22, v14  }
0x32c: {  	v7 =	vxor.u32 v2, v7;
	v15 =	vor.u32 v23, v15;
	v17 =	vor.u32 v24, v16  }
0x32d: {  	v18 =	vxor.u32 v3, v10;
	v19 =	vxor.u32 v4, v11;
	v20 =	vxor.u32 v1, v12  }
0x32e: {  	v21 =	vxor.u32 v5, v13;
	v22 =	vxor.u32 v6, v14;
	v23 =	vxor.u32 v8, v15  }
0x32f: {  	v16 =	vadd.s32 v2, v7;
	v15 =	vadd.s32 v3, v18;
	v2 =	vxor.u32 v9, v17  }
0x330: {  	v14 =	vadd.s32 v4, v19;
	v13 =	vadd.s32 v1, v20;
	v12 =	vadd.s32 v5, v21  }
0x331: {  	v11 =	vadd.s32 v6, v22;
	v10 =	vadd.s32 v8, v23;
	v9 =	vadd.s32 v9, v2  }
0x332: {  	v4 =	vshrl.u32 v18, $0x8;
	v1 =	vshrl.u32 v7, $0x8;
	v3 =	vshll.u32 v7, $0x18  }
0x333: {  	v5 =	vshll.u32 v18, $0x18;
	v6 =	vshrl.u32 v19, $0x8;
	v7 =	vshll.u32 v19, $0x18  }
0x334: {  	v17 =	vshll.u32 v20, $0x18;
	v18 =	vshrl.u32 v21, $0x8;
	v8 =	vshrl.u32 v20, $0x8  }
0x335: {  	v19 =	vshll.u32 v21, $0x18;
	v21 =	vshll.u32 v22, $0x18;
	v20 =	vshrl.u32 v22, $0x8  }
0x336: {  	v22 =	vshrl.u32 v23, $0x8;
	v23 =	vshll.u32 v23, $0x18;
	v24 =	vshrl.u32 v2, $0x8  }
.Ltmp0:
0x337: {  	v1 =	vor.u32 v1, v3;
	v3 =	vor.u32 v4, v5;
	v4 =	vshll.u32 v2, $0x18;
	(pc) =	sbr.rel @p0 .LBB2_3-.Ltmp0, $4  }
0x338: {  	v5 =	vor.u32 v6, v7;
	v6 =	vor.u32 v8, v17;
	v17 =	vor.u32 v18, v19  }
0x339: {  	v18 =	vor.u32 v20, v21;
	v2 =	vor.u32 v22, v23;
	v4 =	vor.u32 v24, v4  }
0x33a: {  	v8 =	vxor.u32 v16, v1;
	v3 =	vxor.u32 v15, v3;
	v5 =	vxor.u32 v14, v5  }
0x33b: {  	s12 =	sadd.s32 $0x10, s12;
	v7 =	vxor.u32 v13, v6;
	v1 =	vxor.u32 v12, v17;
	v6 =	vxor.u32 v11, v18  }
0x33c: {  	v8 =	vadd.s32 $0x1BD11BF4, v8;
	v2 =	vxor.u32 v10, v2;
	v4 =	vxor.u32 v9, v4  }
0x33d: {  	v3 =	vadd.s32 $0x1BD11BF4, v3;
	v5 =	vadd.s32 $0x1BD11BF4, v5;
	v7 =	vadd.s32 $0x1BD11BF4, v7  }
0x33e: {  	v1 =	vadd.s32 $0x1BD11BF4, v1;
	v6 =	vadd.s32 $0x1BD11BF4, v6;
	v2 =	vadd.s32 $0x1BD11BF4, v2  }
0x33f: {  	v16 =	vadd.s32 v8, v16;
	v17 =	vshrl.u32 v8, $0x13;
	v4 =	vadd.s32 $0x1BD11BF4, v4  }
0x340: {  	v8 =	vshll.u32 v8, $0xD;
	v15 =	vadd.s32 v3, v15;
	v18 =	vshrl.u32 v3, $0x13  }
0x341: {  	v3 =	vshll.u32 v3, $0xD;
	v14 =	vadd.s32 v5, v14;
	v19 =	vshrl.u32 v5, $0x13  }
0x342: {  	v5 =	vshll.u32 v5, $0xD;
	v13 =	vadd.s32 v7, v13;
	v20 =	vshrl.u32 v7, $0x13  }
0x343: {  	v7 =	vshll.u32 v7, $0xD;
	v12 =	vadd.s32 v1, v12;
	v21 =	vshrl.u32 v1, $0x13  }
0x344: {  	v1 =	vshll.u32 v1, $0xD;
	v11 =	vadd.s32 v6, v11;
	v22 =	vshrl.u32 v6, $0x13  }
0x345: {  	v6 =	vshll.u32 v6, $0xD;
	v34 =	vadd.s32 v2, v10;
	v23 =	vshrl.u32 v2, $0x13  }
0x346: {  	v2 =	vshll.u32 v2, $0xD;
	v35 =	vadd.s32 v4, v9;
	v24 =	vshrl.u32 v4, $0x13  }
0x347: {  	v16 =	vadd.s32 $0x2A, v16;
	v8 =	vor.u32 v17, v8;
	v4 =	vshll.u32 v4, $0xD  }
0x348: {  	v15 =	vadd.s32 $0x2A, v15;
	v3 =	vor.u32 v18, v3;
	v14 =	vadd.s32 $0x2A, v14  }
0x349: {  	v5 =	vor.u32 v19, v5;
	v13 =	vadd.s32 $0x2A, v13;
	v7 =	vor.u32 v20, v7  }
0x34a: {  	v12 =	vadd.s32 $0x2A, v12;
	v1 =	vor.u32 v21, v1;
	v11 =	vadd.s32 $0x2A, v11  }
0x34b: {  	v6 =	vor.u32 v22, v6;
	v10 =	vadd.s32 $0x2A, v34;
	v2 =	vor.u32 v23, v2  }
0x34c: {  	v8 =	vxor.u32 v16, v8;
	v9 =	vadd.s32 $0x2A, v35;
	v4 =	vor.u32 v24, v4  }
0x34d: {  	v3 =	vxor.u32 v15, v3;
	v5 =	vxor.u32 v14, v5;
	v7 =	vxor.u32 v13, v7  }
0x34e: {  	v1 =	vxor.u32 v12, v1;
	v6 =	vxor.u32 v11, v6;
	v2 =	vxor.u32 v10, v2  }
0x34f: {  	v16 =	vadd.s32 v16, v8;
	v15 =	vadd.s32 v15, v3;
	v4 =	vxor.u32 v9, v4  }
0x350: {  	v14 =	vadd.s32 v14, v5;
	v13 =	vadd.s32 v13, v7;
	v12 =	vadd.s32 v12, v1  }
0x351: {  	v11 =	vadd.s32 v11, v6;
	v36 =	vshrl.u32 v8, $0x11;
	v8 =	vshll.u32 v8, $0xF  }
0x352: {  	v37 =	vshrl.u32 v3, $0x11;
	v3 =	vshll.u32 v3, $0xF;
	v38 =	vshrl.u32 v5, $0x11  }
0x353: {  	v5 =	vshll.u32 v5, $0xF;
	v39 =	vshrl.u32 v7, $0x11;
	v7 =	vshll.u32 v7, $0xF  }
0x354: {  	v40 =	vshrl.u32 v1, $0x11;
	v1 =	vshll.u32 v1, $0xF;
	v41 =	vshrl.u32 v6, $0x11  }
0x355: {  	v6 =	vshll.u32 v6, $0xF;
	v10 =	vadd.s32 v10, v2;
	v9 =	vadd.s32 v9, v4  }
0x356: {  	v42 =	vshrl.u32 v2, $0x11;
	v2 =	vshll.u32 v2, $0xF;
	v43 =	vshrl.u32 v4, $0x11  }
0x357: {  	v8 =	vor.u32 v36, v8;
	v3 =	vor.u32 v37, v3;
	v4 =	vshll.u32 v4, $0xF  }
0x358: {  	v5 =	vor.u32 v38, v5;
	v7 =	vor.u32 v39, v7;
	v1 =	vor.u32 v40, v1  }
0x359: {  	v6 =	vor.u32 v41, v6;
	v2 =	vor.u32 v42, v2;
	v4 =	vor.u32 v43, v4  }
0x35a: {  	v8 =	vxor.u32 v16, v8;
	v3 =	vxor.u32 v15, v3;
	v5 =	vxor.u32 v14, v5  }
0x35b: {  	v7 =	vxor.u32 v13, v7;
	v1 =	vxor.u32 v12, v1;
	v6 =	vxor.u32 v11, v6  }
0x35c: {  	v16 =	vadd.s32 v16, v8;
	v2 =	vxor.u32 v10, v2;
	v4 =	vxor.u32 v9, v4  }
0x35d: {  	v15 =	vadd.s32 v15, v3;
	v14 =	vadd.s32 v14, v5;
	v13 =	vadd.s32 v13, v7  }
0x35e: {  	v12 =	vadd.s32 v12, v1;
	v11 =	vadd.s32 v11, v6;
	v44 =	vshrl.u32 v8, $0x6  }
0x35f: {  	v8 =	vshll.u32 v8, $0x1A;
	v45 =	vshrl.u32 v3, $0x6;
	v3 =	vshll.u32 v3, $0x1A  }
0x360: {  	v46 =	vshrl.u32 v5, $0x6;
	v5 =	vshll.u32 v5, $0x1A;
	v47 =	vshrl.u32 v7, $0x6  }
0x361: {  	v7 =	vshll.u32 v7, $0x1A;
	v48 =	vshrl.u32 v1, $0x6;
	v1 =	vshll.u32 v1, $0x1A  }
0x362: {  	v49 =	vshrl.u32 v6, $0x6;
	v6 =	vshll.u32 v6, $0x1A;
	v10 =	vadd.s32 v10, v2  }
0x363: {  	v9 =	vadd.s32 v9, v4;
	v50 =	vshrl.u32 v2, $0x6;
	v2 =	vshll.u32 v2, $0x1A  }
0x364: {  	v8 =	vor.u32 v44, v8;
	v51 =	vshrl.u32 v4, $0x6;
	v4 =	vshll.u32 v4, $0x1A  }
0x365: {  	v3 =	vor.u32 v45, v3;
	v5 =	vor.u32 v46, v5;
	v7 =	vor.u32 v47, v7  }
0x366: {  	v1 =	vor.u32 v48, v1;
	v6 =	vor.u32 v49, v6;
	v2 =	vor.u32 v50, v2  }
0x367: {  	v8 =	vxor.u32 v16, v8;
	v3 =	vxor.u32 v15, v3;
	v4 =	vor.u32 v51, v4  }
0x368: {  	v5 =	vxor.u32 v14, v5;
	v7 =	vxor.u32 v13, v7;
	v1 =	vxor.u32 v12, v1  }
0x369: {  	v6 =	vxor.u32 v11, v6;
	v2 =	vxor.u32 v10, v2;
	v4 =	vxor.u32 v9, v4  }
0x36a: {  	v16 =	vadd.s32 v16, v8;
	v15 =	vadd.s32 v15, v3;
	v14 =	vadd.s32 v14, v5  }
0x36b: {  	v13 =	vadd.s32 v13, v7;
	v12 =	vadd.s32 v12, v1;
	v11 =	vadd.s32 v11, v6  }
0x36c: {  	v52 =	vshrl.u32 v8, $0x1A;
	v8 =	vshll.u32 v8, $0x6;
	v53 =	vshrl.u32 v3, $0x1A  }
0x36d: {  	v3 =	vshll.u32 v3, $0x6;
	v54 =	vshrl.u32 v5, $0x1A;
	v5 =	vshll.u32 v5, $0x6  }
0x36e: {  	v55 =	vshrl.u32 v7, $0x1A;
	v7 =	vshll.u32 v7, $0x6;
	v56 =	vshrl.u32 v1, $0x1A  }
0x36f: {  	v1 =	vshll.u32 v1, $0x6;
	v57 =	vshrl.u32 v6, $0x1A;
	v6 =	vshll.u32 v6, $0x6  }
0x370: {  	v10 =	vadd.s32 v10, v2;
	v9 =	vadd.s32 v9, v4;
	v58 =	vshrl.u32 v2, $0x1A  }
0x371: {  	v2 =	vshll.u32 v2, $0x6;
	v59 =	vshrl.u32 v4, $0x1A;
	v4 =	vshll.u32 v4, $0x6  }
0x372: {  	v25 =	vadd.s32 $0x1BD11BF0, v16;
	v26 =	vadd.s32 $0x1BD11BF0, v15;
	v27 =	vadd.s32 $0x1BD11BF0, v14  }
0x373: {  	v28 =	vadd.s32 $0x1BD11BF0, v13;
	v29 =	vadd.s32 $0x1BD11BF0, v12;
	v30 =	vadd.s32 $0x1BD11BF0, v11  }
0x374: {  	v8 =	vor.u32 v52, v8;
	v3 =	vor.u32 v53, v3;
	v5 =	vor.u32 v54, v5  }
0x375: {  	v7 =	vor.u32 v55, v7;
	v1 =	vor.u32 v56, v1;
	v6 =	vor.u32 v57, v6  }
0x376: {  	s8 =	sadd.s32 $0x80, s9;
	v60 =	vadd.s32 $0x1BD11BF0, v10;
	v3 =	vxor.u32 v15, v3;
	v2 =	vor.u32 v58, v2  }
0x377: {  	s30 =	sand.u32 $0x70, s11;
	s31 =	sand.u32 $0x7C00, s8;
	v5 =	vxor.u32 v14, v5;
	v4 =	vor.u32 v59, v4;
	v3 =	vadd.s32 $0x5, v3  }
0x378: {  	s9 =	sor.u32 s30, s31;
	v7 =	vxor.u32 v13, v7;
	v5 =	vadd.s32 $0x5, v5;
	v3 =	vxor.u32 v26, v3  }
0x379: {  	v1 =	vxor.u32 v12, v1;
	v61 =	vadd.s32 $0x5, v7;
	[tilespmem:s9+$0x80] =	vst v3;
	v3 =	vxor.u32 v27, v5  }
0x37a: {  	v62 =	vxor.u32 v11, v6;
	v1 =	vadd.s32 $0x5, v1;
	[tilespmem:s9+$0x100] =	vst v3;
	v3 =	vxor.u32 v28, v61  }
0x37b: {  	s10 =	sadd.s32 $0x1, s10;
	v2 =	vxor.u32 v10, v2;
	v1 =	vxor.u32 v29, v1;
	[tilespmem:s9+$0x180] =	vst v3;
	v3 =	vadd.s32 $0x5, v62  }
0x37c: {  	s10 =	sand.u32 $0x7, s10;
	v63 =	vxor.u32 v16, v8;
	v2 =	vadd.s32 $0x5, v2;
	[tilespmem:s9+$0x200] =	vst v1;
	v1 =	vxor.u32 v30, v3  }
0x37d: {  	s10 =	sshll.u32 s10, $0x4;
	v3 =	vadd.s32 $0x5, v63;
	[tilespmem:s9+$0x280] =	vst v1;
	v1 =	vxor.u32 v60, v2;
	v2 =	vxor.u32 v9, v4  }
0x37e: {  	s8 =	sadd.s32 s10, s8;
	v3 =	vxor.u32 v25, v3;
	[tilespmem:s9+$0x300] =	vst v1;
	v1 =	vadd.s32 $0x1BD11BF0, v9;
	v2 =	vadd.s32 $0x5, v2  }
0x37f: {  	s7 =	sshll.u32 s7, $0x11;
	s8 =	sor.u32 $0x380, s8;
	[tilespmem:s9+$0x0] =	vst v3;
	v1 =	vxor.u32 v1, v2  }
0x380: {  	s7 =	sadd.s32 s7, s3;
	[tilespmem:s8+$0x0] =	vst v1  }
0x381: {  	[hbm4b:s7+s2] =	stream.linear.scatter [tilespmem:s2], [sflag:$0x1], $0x8000, $0x38;
	[tilespmem:$0x8000] =	vst v63  }
.Ltmp1:
0x382: {  	_ = 	snop;
	(pc) =	sbr.rel @p1 .LBB2_2-.Ltmp1, $4  }
0x383: {  	s7 =	simm.s32 $0x1  }
0x384: {  	_ =	swait.ge [sflag:s7], $0x8000  }
0x385: {  	[sflag:s7] =	ssyncset.done $0x0  }
0x386: {  	p0 =	por $0x0, $0x0;
	[sflag:s7] =	ssyncadd.s32 $0xFFFF8000  }
0x387: {  	s6 =	sadd.s32 $0x1, s6  }
0x388: {  	p0 =	sne.s32 s6, s4  }
.Ltmp2:
0x389: {  	_ = 	snop;
	(pc) =	sbr.rel @p0 .LBB2_1-.Ltmp2, $1  }
0x38a: {  	_ =	sdelay $0x3  }
0x38b: {  	_ =	sfence.sel $0x180000  }
0x38c: {  	[bflag:$0x0] =	sbarrier.arrive $0xFFFF  }
0x38d: {  	p0 =	sne.s32 s1, $0x0;
	_ =	strace $0x90000047  }
0x38e: {  	s0 =	sadd.s32 @!p0 $0x100000, s0;
	[bflag:$0x2] =	sbarrier.arrive $0xFFFF  }
0x38f: {  	[sflag:s0] =	ssyncadd.tile.s32 @!p0 $0x1;
	_ =	shalt  }
.Lfunc_end2:
_tile_overlayer_lowered:
.L_overlay_start_2:
0x390: {  	(tag) =	ssettag $0x2  }
0x391: {  	s0 =	rddreg [dreg:$0x0];
	s2 =	stileid.u32  }
0x392: {  	s1 =	rddreg [dreg:$0x1];
	p0 =	sne.s32 s2, $0x0  }
0x393: {  	s3 =	rddreg [dreg:$0x2];
	[bflag:$0x3] =	sbarrier.arrive $0xFFFF;
	s2 =	simm.s32 @!p0 $0x1C01  }
0x394: {  	[timem:s3], [sflag:s2] =	dma.local @!p0 [hbm:s0], s1  }
0x395: {  	s0 =	simm.s32 @!p0 $0x1  }
0x396: {  	_ =	swait.ge @!p0 [sflag:s0], s1  }
0x397: {  	s1 =	ssub.s32 @!p0 $0x0, s1;
	[sflag:s0] =	ssyncset.done @!p0 $0x0  }
0x398: {  	[sflag:s0] =	ssyncadd.s32 @!p0 s1  }
0x399: {  	[bflag:$0x3] =	sbarrier.arrive $0xFFFF  }
0x39a: {  	_ =	shalt  }

</sc_bundles>
